<compile_context>
chip_gen: v7x
topology: tpu7x:2x2x1
jax: 0.10.2.dev20260603
libtpu: 0.0.44.dev20260713+nightly
codegen_flags: <defaults>
</compile_context>

<pallas_src>
import functools

import jax
import jax.numpy as jnp
from jax import lax
from jax.experimental import pallas as pl
from jax.experimental.pallas import tpu as pltpu
from jax.experimental.pallas import tpu_sc as plsc

KNN = 20
EPSILON = 1e-5
ROW_TILE = 1024
PT_TILE = 256
NEG_BIG = -1e30
NUM_WORKERS = 32


def _topk_y_and_outputs(n_pts, base, xr, xa, wa_ref, b_ref,
                        idx_ref, y_ref, x2_ref, c_pad):
    xrb = xr.astype(jnp.bfloat16)
    xab = xa.astype(jnp.bfloat16)
    dot = lax.dot_general(xrb, xab, (((1,), (1,)), ((), ())),
                          preferred_element_type=jnp.float32)
    sq_r = jnp.sum(xr * xr, axis=1, keepdims=True)
    sq_a = jnp.sum(xa * xa, axis=1)[None, :]
    d = 2.0 * dot - sq_r - sq_a
    n_iota = lax.broadcasted_iota(jnp.int32, d.shape, 1)
    cols = []
    for _ in range(KNN):
        m = jnp.max(d, axis=1, keepdims=True)
        eq = d == m
        cand = jnp.where(eq, n_iota, n_pts)
        jmin = jnp.min(cand, axis=1)
        cols.append(jmin[None, :] + base)
        d = jnp.where(eq, NEG_BIG, d)
    idx_ref[0] = jnp.concatenate(cols, axis=0)
    y_ref[0] = lax.dot_general(
        xrb, wa_ref[...].astype(jnp.bfloat16), (((1,), (0,)), ((), ())),
        preferred_element_type=jnp.float32) + b_ref[...]
    pad = c_pad - xr.shape[1]
    if pad:
        x2_ref[0] = jnp.concatenate(
            [xr, jnp.zeros((xr.shape[0], pad), jnp.float32)], axis=1)
    else:
        x2_ref[0] = xr


def _stage_a1_body(n_pts, c_pad, xr_ref, xa_ref, wa_ref, b_ref,
                   idx_ref, y_ref, x2_ref):
    base = pl.program_id(0) * n_pts
    _topk_y_and_outputs(n_pts, base, xr_ref[0], xa_ref[0], wa_ref, b_ref,
                        idx_ref, y_ref, x2_ref, c_pad)


def _stage_a1(xt, wa, bias, c_pad):
    bsz, n_pts, c_in = xt.shape
    g_out = wa.shape[1]
    r = ROW_TILE
    return pl.pallas_call(
        functools.partial(_stage_a1_body, n_pts, c_pad),
        grid=(bsz, n_pts // r),
        in_specs=[
            pl.BlockSpec((1, r, c_in), lambda b, t: (b, t, 0)),
            pl.BlockSpec((1, n_pts, c_in), lambda b, t: (b, 0, 0)),
            pl.BlockSpec((c_in, g_out), lambda b, t: (0, 0)),
            pl.BlockSpec((1, g_out), lambda b, t: (0, 0)),
        ],
        out_specs=[
            pl.BlockSpec((1, KNN, r), lambda b, t: (b, 0, t)),
            pl.BlockSpec((1, r, g_out), lambda b, t: (b, t, 0)),
            pl.BlockSpec((1, r, c_pad), lambda b, t: (b, t, 0)),
        ],
        out_shape=[
            jax.ShapeDtypeStruct((bsz, KNN, n_pts), jnp.int32),
            jax.ShapeDtypeStruct((bsz, n_pts, g_out), jnp.float32),
            jax.ShapeDtypeStruct((bsz, n_pts, c_pad), jnp.float32),
        ],
    )(xt, xt, wa, bias)


def _bn_finish(q, p1_ref, p2_ref, g_ref, be_ref, n_total):
    cnt = float(KNN) * n_total
    mean = jnp.sum(p1_ref[...], axis=0) / cnt
    e2 = jnp.sum(p2_ref[...], axis=0) / cnt
    var = e2 - mean * mean
    scale = lax.rsqrt(var + EPSILON) * g_ref[...]
    return jnp.maximum((q - mean) * scale + be_ref[...], 0.0)


def _stage_a23_body(n_pts, n_total, c_prev, c_pad, xp_r_ref, xp_a_ref,
                    q_r_ref, q_a_ref, p1_ref, p2_ref, g_ref, be_ref,
                    wa_ref, b_ref, idx_ref, y_ref, x2_ref):
    base = pl.program_id(0) * n_pts
    f_a = _bn_finish(q_a_ref[0], p1_ref, p2_ref, g_ref, be_ref, n_total)
    f_r = _bn_finish(q_r_ref[0], p1_ref, p2_ref, g_ref, be_ref, n_total)
    xa = jnp.concatenate([f_a, xp_a_ref[0][:, :c_prev]], axis=1)
    xr = jnp.concatenate([f_r, xp_r_ref[0][:, :c_prev]], axis=1)
    _topk_y_and_outputs(n_pts, base, xr, xa, wa_ref, b_ref,
                        idx_ref, y_ref, x2_ref, c_pad)


def _stage_a23(x2_prev, q, p1, p2, gamma, beta, wa, bias, c_prev, c_pad):
    bsz, n_pts, cp_prev = x2_prev.shape
    g_out = q.shape[-1]
    n_total = bsz * n_pts
    r = ROW_TILE
    n_tiles = p1.shape[0]
    return pl.pallas_call(
        functools.partial(_stage_a23_body, n_pts, n_total, c_prev, c_pad),
        grid=(bsz, n_pts // r),
        in_specs=[
            pl.BlockSpec((1, r, cp_prev), lambda b, t: (b, t, 0)),
            pl.BlockSpec((1, n_pts, cp_prev), lambda b, t: (b, 0, 0)),
            pl.BlockSpec((1, r, g_out), lambda b, t: (b, t, 0)),
            pl.BlockSpec((1, n_pts, g_out), lambda b, t: (b, 0, 0)),
            pl.BlockSpec((n_tiles, 1, g_out), lambda b, t: (0, 0, 0)),
            pl.BlockSpec((n_tiles, 1, g_out), lambda b, t: (0, 0, 0)),
            pl.BlockSpec((1, g_out), lambda b, t: (0, 0)),
            pl.BlockSpec((1, g_out), lambda b, t: (0, 0)),
            pl.BlockSpec((c_prev + g_out, g_out), lambda b, t: (0, 0)),
            pl.BlockSpec((1, g_out), lambda b, t: (0, 0)),
        ],
        out_specs=[
            pl.BlockSpec((1, KNN, r), lambda b, t: (b, 0, t)),
            pl.BlockSpec((1, r, g_out), lambda b, t: (b, t, 0)),
            pl.BlockSpec((1, r, c_pad), lambda b, t: (b, t, 0)),
        ],
        out_shape=[
            jax.ShapeDtypeStruct((bsz, KNN, n_pts), jnp.int32),
            jax.ShapeDtypeStruct((bsz, n_pts, g_out), jnp.float32),
            jax.ShapeDtypeStruct((bsz, n_pts, c_pad), jnp.float32),
        ],
    )(x2_prev, x2_prev, q, q, p1, p2, gamma, beta, wa, bias)


def _make_stage_b(n_total, c_pad):
    rows = (n_total * KNN) // NUM_WORKERS
    nch = rows // 128
    mesh = plsc.VectorSubcoreMesh(core_axis_name="c", subcore_axis_name="s")

    @functools.partial(
        pl.kernel,
        out_type=jax.ShapeDtypeStruct((n_total * KNN, c_pad), jnp.float32),
        mesh=mesh,
        compiler_params=pltpu.CompilerParams(needs_layout_passes=False),
        scratch_types=[
            pltpu.VMEM((rows,), jnp.int32),
            pltpu.VMEM((128, c_pad), jnp.float32),
            pltpu.VMEM((128, c_pad), jnp.float32),
            pltpu.VMEM((128, c_pad), jnp.float32),
            pltpu.SemaphoreType.DMA,
            pltpu.SemaphoreType.DMA,
            pltpu.SemaphoreType.DMA,
            pltpu.SemaphoreType.DMA,
            pltpu.SemaphoreType.DMA,
            pltpu.SemaphoreType.DMA,
        ],
    )
    def stage_b(x_hbm, idx_hbm, xj_hbm, idx_v, buf0, buf1, buf2,
                g0, g1, g2, o0, o1, o2):
        wid = lax.axis_index("s") * 2 + lax.axis_index("c")
        base = wid * rows
        pltpu.sync_copy(idx_hbm.at[wid], idx_v)
        bufs = (buf0, buf1, buf2)
        gsems = (g0, g1, g2)
        osems = (o0, o1, o2)
        pend_out = [None, None, None]
        prev = None
        for ch in range(nch):
            s = ch % 3
            if pend_out[s] is not None:
                pend_out[s].wait()
                pend_out[s] = None
            g = pltpu.async_copy(
                x_hbm.at[idx_v.at[pl.ds(ch * 128, 128)]], bufs[s], gsems[s])
            if prev is not None:
                ps, pg, pch = prev
                pg.wait()
                pend_out[ps] = pltpu.async_copy(
                    bufs[ps], xj_hbm.at[pl.ds(base + pch * 128, 128)],
                    osems[ps])
            prev = (s, g, ch)
        ps, pg, pch = prev
        pg.wait()
        pend_out[ps] = pltpu.async_copy(
            bufs[ps], xj_hbm.at[pl.ds(base + pch * 128, 128)], osems[ps])
        for s in range(3):
            if pend_out[s] is not None:
                pend_out[s].wait()

    return stage_b


def _stage_c_body(xj_ref, xi_ref, y_ref, wb_ref, q_ref, p1_ref, p2_ref):
    pt = xi_ref.shape[0]
    c_pad = xi_ref.shape[1]
    xj = xj_ref[...].reshape(pt, KNN, c_pad)
    diff = (xj - xi_ref[...][:, None, :]).astype(jnp.bfloat16)
    wb = wb_ref[...].astype(jnp.bfloat16)
    gm = lax.dot_general(diff.reshape(pt * KNN, c_pad), wb,
                         (((1,), (0,)), ((), ())),
                         preferred_element_type=jnp.float32)
    gm = gm.reshape(pt, KNN, wb.shape[1])
    y = y_ref[...]
    s1 = jnp.sum(gm, axis=1)
    s2 = jnp.sum(gm * gm, axis=1)
    k = float(KNN)
    q_ref[...] = y + jnp.max(gm, axis=1)
    p1_ref[0] = jnp.sum(k * y + s1, axis=0, keepdims=True)
    p2_ref[0] = jnp.sum(k * y * y + 2.0 * y * s1 + s2, axis=0,
                        keepdims=True)


def _stage_c(xj, x2f, yf, wb_pad):
    n_total, c_pad = x2f.shape
    g_out = yf.shape[1]
    pt = PT_TILE
    n_tiles = n_total // pt
    return pl.pallas_call(
        _stage_c_body,
        grid=(n_tiles,),
        in_specs=[
            pl.BlockSpec((pt * KNN, c_pad), lambda t: (t, 0)),
            pl.BlockSpec((pt, c_pad), lambda t: (t, 0)),
            pl.BlockSpec((pt, g_out), lambda t: (t, 0)),
            pl.BlockSpec((c_pad, g_out), lambda t: (0, 0)),
        ],
        out_specs=[
            pl.BlockSpec((pt, g_out), lambda t: (t, 0)),
            pl.BlockSpec((1, 1, g_out), lambda t: (t, 0, 0)),
            pl.BlockSpec((1, 1, g_out), lambda t: (t, 0, 0)),
        ],
        out_shape=[
            jax.ShapeDtypeStruct((n_total, g_out), jnp.float32),
            jax.ShapeDtypeStruct((n_tiles, 1, g_out), jnp.float32),
            jax.ShapeDtypeStruct((n_tiles, 1, g_out), jnp.float32),
        ],
    )(xj, x2f, yf, wb_pad)


def _stage_f_body(n_total, q_ref, p1_ref, p2_ref, g_ref, be_ref, f_ref):
    f_ref[...] = _bn_finish(q_ref[...], p1_ref, p2_ref, g_ref, be_ref,
                            n_total)


def _stage_f(q, p1, p2, gamma, beta):
    n_total, g_out = q.shape
    return pl.pallas_call(
        functools.partial(_stage_f_body, n_total),
        out_shape=jax.ShapeDtypeStruct((n_total, g_out), jnp.float32),
    )(q, p1, p2, gamma, beta)


def _wab(w, c_in):
    wa = jnp.transpose(w[:, :c_in], (1, 0))
    wb = jnp.transpose(w[:, c_in:], (1, 0))
    return wa, wb


def _gather_and_edges(idx, x2, wb, y):
    bsz, n_pts, c_pad = x2.shape
    g_out = wb.shape[1]
    c_in = wb.shape[0]
    n_total = bsz * n_pts
    wb_pad = jnp.concatenate(
        [wb, jnp.zeros((c_pad - c_in, g_out), jnp.float32)], axis=0)
    idx_w = jnp.transpose(idx, (0, 2, 1)).reshape(
        NUM_WORKERS, (n_total * KNN) // NUM_WORKERS)
    x2f = x2.reshape(n_total, c_pad)
    xj = _make_stage_b(n_total, c_pad)(x2f, idx_w)
    return _stage_c(xj, x2f, y.reshape(n_total, g_out), wb_pad)


def kernel(inputs, W0, b0, g0, be0, W1, b1, g1, be1, W2, b2, g2, be2):
    xt0 = jnp.transpose(inputs[..., 0], (0, 2, 1))
    bsz, n_pts, c0 = xt0.shape
    n_total = bsz * n_pts

    wa0, wb0 = _wab(W0, c0)
    cp1 = 128
    idx0, y0, x2_0 = _stage_a1(xt0, wa0, b0[None, :], cp1)
    q0, p10, p20 = _gather_and_edges(idx0, x2_0, wb0, y0)

    c1 = c0 + 64
    wa1, wb1 = _wab(W1, c1)
    idx1, y1, x2_1 = _stage_a23(x2_0, q0.reshape(bsz, n_pts, -1), p10, p20,
                                g0[None, :], be0[None, :], wa1, b1[None, :],
                                c0, 128)
    q1, p11, p21 = _gather_and_edges(idx1, x2_1, wb1, y1)

    c2 = c1 + 64
    wa2, wb2 = _wab(W2, c2)
    idx2, y2, x2_2 = _stage_a23(x2_1, q1.reshape(bsz, n_pts, -1), p11, p21,
                                g1[None, :], be1[None, :], wa2, b2[None, :],
                                c1, 256)
    q2, p12, p22 = _gather_and_edges(idx2, x2_2, wb2, y2)

    f2 = _stage_f(q2, p12, p22, g2[None, :], be2[None, :])
    out = jnp.concatenate(
        [f2.reshape(bsz, n_pts, 64), x2_2[:, :, :c2]], axis=-1)
    return jnp.transpose(out, (0, 2, 1))[..., None]

# --- scband reference (transcript-rebuilt; emitter-appended) ---
"""Pipeline reference for scband-dense-gcn1-57458072486027 (READ-ONLY COPY).

The authoritative reference and input builder live on the scoring server;
editing this copy changes nothing except your own understanding.
"""

import jax, jax.numpy as jnp
import numpy as np

K = 20
EPS = 1e-5

def pairwise_distance(x):
    # x: (B, C, N) -> (B, N, N) of -||xi-xj||^2
    x_inner = -2.0 * jnp.matmul(jnp.transpose(x, (0, 2, 1)), x)
    x_square = jnp.sum(x ** 2, axis=1, keepdims=True)
    return -x_square - x_inner - jnp.transpose(x_square, (0, 2, 1))

def knn_idx(x, k):
    d = pairwise_distance(x)
    _, idx = jax.lax.top_k(d, k)  # nearest k (largest -dist)
    return idx

def dense_dyn_block(x, W, b, gamma, beta, k):
    # DenseDynBlock2d with EdgeConv: dynamic kNN graph + max-aggregated MLP(x_i, x_j - x_i)
    xs = x[..., 0]                        # (B, C, N)
    idx = knn_idx(xs, k)                  # (B, N, k)
    xt = jnp.transpose(xs, (0, 2, 1))     # (B, N, C)
    x_j = jax.vmap(lambda f, i: f[i])(xt, idx)            # (B, N, k, C)
    x_i = jnp.broadcast_to(xt[:, :, None, :], x_j.shape)  # (B, N, k, C)
    feat = jnp.concatenate([x_i, x_j - x_i], axis=-1)     # (B, N, k, 2C)
    h = jnp.einsum('bnkc,oc->bnko', feat, W) + b           # 1x1 conv
    mean = jnp.mean(h, axis=(0, 1, 2), keepdims=True)      # BatchNorm2d (batch stats)
    var = jnp.var(h, axis=(0, 1, 2), keepdims=True)
    h = (h - mean) / jnp.sqrt(var + EPS) * gamma + beta
    h = jax.nn.relu(h)
    h = jnp.max(h, axis=2)               # max over k neighbors -> (B, N, Cout)
    return jnp.transpose(h, (0, 2, 1))[..., None]          # (B, Cout, N, 1)

def setup_inputs(seed: int = 0):
    key = jax.random.key(seed)
    ks = jax.random.split(key, 8)
    B, C, N, G = 2, 64, 1024, 64
    inputs = jax.random.normal(ks[0], (B, C, N, 1), dtype=jnp.float32)
    W0 = jax.random.normal(ks[1], (G, 2 * C), dtype=jnp.float32) * 0.05
    W1 = jax.random.normal(ks[2], (G, 2 * (C + G)), dtype=jnp.float32) * 0.05
    W2 = jax.random.normal(ks[3], (G, 2 * (C + 2 * G)), dtype=jnp.float32) * 0.05
    b0 = jnp.zeros((G,), jnp.float32)
    b1 = jnp.zeros((G,), jnp.float32)
    b2 = jnp.zeros((G,), jnp.float32)
    g0 = jnp.ones((G,), jnp.float32)
    g1 = jnp.ones((G,), jnp.float32)
    g2 = jnp.ones((G,), jnp.float32)
    be0 = jnp.zeros((G,), jnp.float32)
    be1 = jnp.zeros((G,), jnp.float32)
    be2 = jnp.zeros((G,), jnp.float32)
    return {"inputs": inputs, "W0": W0, "b0": b0, "g0": g0, "be0": be0,
            "W1": W1, "b1": b1, "g1": g1, "be1": be1,
            "W2": W2, "b2": b2, "g2": g2, "be2": be2}

def reference(inputs, W0, b0, g0, be0, W1, b1, g1, be1, W2, b2, g2, be2):
    f0 = dense_dyn_block(inputs, W0, b0, g0, be0, K)
    c1 = jnp.concatenate([f0, inputs], axis=1)
    f1 = dense_dyn_block(c1, W1, b1, g1, be1, K)
    c2 = jnp.concatenate([f1, c1], axis=1)
    f2 = dense_dyn_block(c2, W2, b2, g2, be2, K)
    return jnp.concatenate([f2, c2], axis=1)

if __name__ == "__main__":
    import jax
    _d = setup_inputs()
    print(jax.jit(kernel)(*tuple(_d.values())))

</pallas_src>

<mosaic_0001>
#map = affine_map<(d0, d1) -> (0, 0)>
module attributes {stable_mosaic.version = 14 : i64} {
  func.func @stage_b(%arg0: i32, %arg1: i32, %arg2: memref<2048x256xf32, #tpu.memory_space<hbm>>, %arg3: memref<32x1280xi32, #tpu.memory_space<hbm>>, %arg4: memref<40960x256xf32, #tpu.memory_space<hbm>>, %arg5: memref<1280xi32, #tpu.memory_space<vmem>>, %arg6: memref<128x256xf32, #tpu.memory_space<vmem>>, %arg7: memref<128x256xf32, #tpu.memory_space<vmem>>, %arg8: memref<128x256xf32, #tpu.memory_space<vmem>>, %arg9: memref<!tpu.dma_semaphore, #tpu.memory_space<semaphore_mem>>, %arg10: memref<!tpu.dma_semaphore, #tpu.memory_space<semaphore_mem>>, %arg11: memref<!tpu.dma_semaphore, #tpu.memory_space<semaphore_mem>>, %arg12: memref<!tpu.dma_semaphore, #tpu.memory_space<semaphore_mem>>, %arg13: memref<!tpu.dma_semaphore, #tpu.memory_space<semaphore_mem>>, %arg14: memref<!tpu.dma_semaphore, #tpu.memory_space<semaphore_mem>>) attributes {dimension_semantics = [#tpu.dimension_semantics<core_parallel>, #tpu.dimension_semantics<subcore_parallel>], iteration_bounds = array<i64: 2, 16>, scalar_prefetch = 0 : i64, scratch_operands = 10 : i64, tpu.core_type = #tpu.core_type<sc_vector_subcore>, window_params = [{transform_indices = #map}, {transform_indices = #map}, {transform_indices = #map}]} {
    %mul3A = arith.constant 2 : i32
    %mul3A_0 = arith.muli %arg1, %mul3A : i32
    %add3A = arith.addi %mul3A_0, %arg0 : i32
    %mul3A_1 = arith.constant 1280 : i32
    %mul3A_2 = arith.muli %add3A, %mul3A_1 : i32
    "tpu.region"() ({
      %run_scoped3A = tpu.sem_alloc : memref<!tpu.dma_semaphore, #tpu.memory_space<semaphore_mem>>
      %dma_start3A_201 = arith.constant 0 : i32
      %dma_start3A_202 = tpu.memref_slice %arg3[%add3A, %dma_start3A_201] : memref<32x1280xi32, #tpu.memory_space<hbm>> -> memref<1x1280xi32, #tpu.memory_space<hbm>>
      %dma_start3A_203 = tpu.memref_squeeze %dma_start3A_202 : memref<1x1280xi32, #tpu.memory_space<hbm>> -> memref<1280xi32, #tpu.memory_space<hbm>>
      %dma_start3A_204 = arith.constant 0 : i32
      %dma_start3A_205 = tpu.memref_slice %arg3[%add3A, %dma_start3A_204] : memref<32x1280xi32, #tpu.memory_space<hbm>> -> memref<1x1280xi32, #tpu.memory_space<hbm>>
      %dma_start3A_206 = tpu.memref_squeeze %dma_start3A_205 : memref<1x1280xi32, #tpu.memory_space<hbm>> -> memref<1280xi32, #tpu.memory_space<hbm>>
      tpu.enqueue_dma source(%dma_start3A_206 : memref<1280xi32, #tpu.memory_space<hbm>>) target(%arg5 : memref<1280xi32, #tpu.memory_space<vmem>>) target_semaphore(%run_scoped3A : memref<!tpu.dma_semaphore, #tpu.memory_space<semaphore_mem>>)
      %dma_wait3A_207 = arith.constant 0 : i32
      %dma_wait3A_208 = tpu.memref_slice %arg3[%add3A, %dma_wait3A_207] : memref<32x1280xi32, #tpu.memory_space<hbm>> -> memref<1x1280xi32, #tpu.memory_space<hbm>>
      %dma_wait3A_209 = tpu.memref_squeeze %dma_wait3A_208 : memref<1x1280xi32, #tpu.memory_space<hbm>> -> memref<1280xi32, #tpu.memory_space<hbm>>
      %dma_wait3A_210 = arith.constant 0 : i32
      %dma_wait3A_211 = tpu.memref_slice %arg3[%add3A, %dma_wait3A_210] : memref<32x1280xi32, #tpu.memory_space<hbm>> -> memref<1x1280xi32, #tpu.memory_space<hbm>>
      %dma_wait3A_212 = tpu.memref_squeeze %dma_wait3A_211 : memref<1x1280xi32, #tpu.memory_space<hbm>> -> memref<1280xi32, #tpu.memory_space<hbm>>
      tpu.wait_dma2 semaphore(%run_scoped3A : memref<!tpu.dma_semaphore, #tpu.memory_space<semaphore_mem>>) src(%dma_wait3A_212 : memref<1280xi32, #tpu.memory_space<hbm>>) dst(%arg5 : memref<1280xi32, #tpu.memory_space<vmem>>)
      tpu.yield
    }) : () -> ()
    %dma_start3A = arith.constant 0 : i32
    %dma_start3A_3 = tpu.memref_slice %arg5[%dma_start3A] : memref<1280xi32, #tpu.memory_space<vmem>> -> memref<128xi32, #tpu.memory_space<vmem>>
    %dma_start3A_4 = arith.constant 0 : i32
    %dma_start3A_5 = arith.constant 0 : i32
    %dma_start3A_6 = tpu.memref_slice %arg2[%dma_start3A_4, %dma_start3A_5] : memref<2048x256xf32, #tpu.memory_space<hbm>> -> memref<2048x256xf32, #tpu.memory_space<hbm>>
    tpu.enqueue_indirect_dma source(%dma_start3A_6 : memref<2048x256xf32, #tpu.memory_space<hbm>>) target(%arg6 : memref<128x256xf32, #tpu.memory_space<vmem>>) offsets(%dma_start3A_3 : memref<128xi32, #tpu.memory_space<vmem>>) semaphore(%arg9 : memref<!tpu.dma_semaphore, #tpu.memory_space<semaphore_mem>>)
    %dma_start3A_7 = arith.constant 128 : i32
    %dma_start3A_8 = tpu.memref_slice %arg5[%dma_start3A_7] : memref<1280xi32, #tpu.memory_space<vmem>> -> memref<128xi32, #tpu.memory_space<vmem>>
    %dma_start3A_9 = arith.constant 0 : i32
    %dma_start3A_10 = arith.constant 0 : i32
    %dma_start3A_11 = tpu.memref_slice %arg2[%dma_start3A_9, %dma_start3A_10] : memref<2048x256xf32, #tpu.memory_space<hbm>> -> memref<2048x256xf32, #tpu.memory_space<hbm>>
    tpu.enqueue_indirect_dma source(%dma_start3A_11 : memref<2048x256xf32, #tpu.memory_space<hbm>>) target(%arg7 : memref<128x256xf32, #tpu.memory_space<vmem>>) offsets(%dma_start3A_8 : memref<128xi32, #tpu.memory_space<vmem>>) semaphore(%arg10 : memref<!tpu.dma_semaphore, #tpu.memory_space<semaphore_mem>>)
    %dma_wait3A = arith.constant 0 : i32
    %dma_wait3A_12 = tpu.memref_slice %arg5[%dma_wait3A] : memref<1280xi32, #tpu.memory_space<vmem>> -> memref<128xi32, #tpu.memory_space<vmem>>
    %dma_wait3A_13 = arith.constant 0 : i32
    %dma_wait3A_14 = arith.constant 0 : i32
    %dma_wait3A_15 = tpu.memref_slice %arg2[%dma_wait3A_13, %dma_wait3A_14] : memref<2048x256xf32, #tpu.memory_space<hbm>> -> memref<2048x256xf32, #tpu.memory_space<hbm>>
    tpu.wait_indirect_dma semaphore(%arg9 : memref<!tpu.dma_semaphore, #tpu.memory_space<semaphore_mem>>) src(%dma_wait3A_15 : memref<2048x256xf32, #tpu.memory_space<hbm>>) dst(%arg6 : memref<128x256xf32, #tpu.memory_space<vmem>>)
    %add3A_16 = arith.constant 0 : i32
    %add3A_17 = arith.addi %mul3A_2, %add3A_16 : i32
    %dma_start3A_18 = arith.constant 0 : i32
    %dma_start3A_19 = tpu.memref_slice %arg4[%add3A_17, %dma_start3A_18] : memref<40960x256xf32, #tpu.memory_space<hbm>> -> memref<128x256xf32, #tpu.memory_space<hbm>>
    %dma_start3A_20 = arith.constant 0 : i32
    %dma_start3A_21 = tpu.memref_slice %arg4[%add3A_17, %dma_start3A_20] : memref<40960x256xf32, #tpu.memory_space<hbm>> -> memref<128x256xf32, #tpu.memory_space<hbm>>
    tpu.enqueue_dma source(%arg6 : memref<128x256xf32, #tpu.memory_space<vmem>>) target(%dma_start3A_21 : memref<128x256xf32, #tpu.memory_space<hbm>>) target_semaphore(%arg12 : memref<!tpu.dma_semaphore, #tpu.memory_space<semaphore_mem>>)
    %dma_start3A_22 = arith.constant 256 : i32
    %dma_start3A_23 = tpu.memref_slice %arg5[%dma_start3A_22] : memref<1280xi32, #tpu.memory_space<vmem>> -> memref<128xi32, #tpu.memory_space<vmem>>
    %dma_start3A_24 = arith.constant 0 : i32
    %dma_start3A_25 = arith.constant 0 : i32
    %dma_start3A_26 = tpu.memref_slice %arg2[%dma_start3A_24, %dma_start3A_25] : memref<2048x256xf32, #tpu.memory_space<hbm>> -> memref<2048x256xf32, #tpu.memory_space<hbm>>
    tpu.enqueue_indirect_dma source(%dma_start3A_26 : memref<2048x256xf32, #tpu.memory_space<hbm>>) target(%arg8 : memref<128x256xf32, #tpu.memory_space<vmem>>) offsets(%dma_start3A_23 : memref<128xi32, #tpu.memory_space<vmem>>) semaphore(%arg11 : memref<!tpu.dma_semaphore, #tpu.memory_space<semaphore_mem>>)
    %dma_wait3A_27 = arith.constant 128 : i32
    %dma_wait3A_28 = tpu.memref_slice %arg5[%dma_wait3A_27] : memref<1280xi32, #tpu.memory_space<vmem>> -> memref<128xi32, #tpu.memory_space<vmem>>
    %dma_wait3A_29 = arith.constant 0 : i32
    %dma_wait3A_30 = arith.constant 0 : i32
    %dma_wait3A_31 = tpu.memref_slice %arg2[%dma_wait3A_29, %dma_wait3A_30] : memref<2048x256xf32, #tpu.memory_space<hbm>> -> memref<2048x256xf32, #tpu.memory_space<hbm>>
    tpu.wait_indirect_dma semaphore(%arg10 : memref<!tpu.dma_semaphore, #tpu.memory_space<semaphore_mem>>) src(%dma_wait3A_31 : memref<2048x256xf32, #tpu.memory_space<hbm>>) dst(%arg7 : memref<128x256xf32, #tpu.memory_space<vmem>>)
    %add3A_32 = arith.constant 128 : i32
    %add3A_33 = arith.addi %mul3A_2, %add3A_32 : i32
    %dma_start3A_34 = arith.constant 0 : i32
    %dma_start3A_35 = tpu.memref_slice %arg4[%add3A_33, %dma_start3A_34] : memref<40960x256xf32, #tpu.memory_space<hbm>> -> memref<128x256xf32, #tpu.memory_space<hbm>>
    %dma_start3A_36 = arith.constant 0 : i32
    %dma_start3A_37 = tpu.memref_slice %arg4[%add3A_33, %dma_start3A_36] : memref<40960x256xf32, #tpu.memory_space<hbm>> -> memref<128x256xf32, #tpu.memory_space<hbm>>
    tpu.enqueue_dma source(%arg7 : memref<128x256xf32, #tpu.memory_space<vmem>>) target(%dma_start3A_37 : memref<128x256xf32, #tpu.memory_space<hbm>>) target_semaphore(%arg13 : memref<!tpu.dma_semaphore, #tpu.memory_space<semaphore_mem>>)
    %dma_wait3A_38 = arith.constant 0 : i32
    %dma_wait3A_39 = tpu.memref_slice %arg4[%add3A_17, %dma_wait3A_38] : memref<40960x256xf32, #tpu.memory_space<hbm>> -> memref<128x256xf32, #tpu.memory_space<hbm>>
    %dma_wait3A_40 = arith.constant 0 : i32
    %dma_wait3A_41 = tpu.memref_slice %arg4[%add3A_17, %dma_wait3A_40] : memref<40960x256xf32, #tpu.memory_space<hbm>> -> memref<128x256xf32, #tpu.memory_space<hbm>>
    tpu.wait_dma2 semaphore(%arg12 : memref<!tpu.dma_semaphore, #tpu.memory_space<semaphore_mem>>) src(%arg6 : memref<128x256xf32, #tpu.memory_space<vmem>>) dst(%dma_wait3A_41 : memref<128x256xf32, #tpu.memory_space<hbm>>)
    %dma_start3A_42 = arith.constant 384 : i32
    %dma_start3A_43 = tpu.memref_slice %arg5[%dma_start3A_42] : memref<1280xi32, #tpu.memory_space<vmem>> -> memref<128xi32, #tpu.memory_space<vmem>>
    %dma_start3A_44 = arith.constant 0 : i32
    %dma_start3A_45 = arith.constant 0 : i32
    %dma_start3A_46 = tpu.memref_slice %arg2[%dma_start3A_44, %dma_start3A_45] : memref<2048x256xf32, #tpu.memory_space<hbm>> -> memref<2048x256xf32, #tpu.memory_space<hbm>>
    tpu.enqueue_indirect_dma source(%dma_start3A_46 : memref<2048x256xf32, #tpu.memory_space<hbm>>) target(%arg6 : memref<128x256xf32, #tpu.memory_space<vmem>>) offsets(%dma_start3A_43 : memref<128xi32, #tpu.memory_space<vmem>>) semaphore(%arg9 : memref<!tpu.dma_semaphore, #tpu.memory_space<semaphore_mem>>)
    %dma_wait3A_47 = arith.constant 256 : i32
    %dma_wait3A_48 = tpu.memref_slice %arg5[%dma_wait3A_47] : memref<1280xi32, #tpu.memory_space<vmem>> -> memref<128xi32, #tpu.memory_space<vmem>>
    %dma_wait3A_49 = arith.constant 0 : i32
    %dma_wait3A_50 = arith.constant 0 : i32
    %dma_wait3A_51 = tpu.memref_slice %arg2[%dma_wait3A_49, %dma_wait3A_50] : memref<2048x256xf32, #tpu.memory_space<hbm>> -> memref<2048x256xf32, #tpu.memory_space<hbm>>
    tpu.wait_indirect_dma semaphore(%arg11 : memref<!tpu.dma_semaphore, #tpu.memory_space<semaphore_mem>>) src(%dma_wait3A_51 : memref<2048x256xf32, #tpu.memory_space<hbm>>) dst(%arg8 : memref<128x256xf32, #tpu.memory_space<vmem>>)
    %add3A_52 = arith.constant 256 : i32
    %add3A_53 = arith.addi %mul3A_2, %add3A_52 : i32
    %dma_start3A_54 = arith.constant 0 : i32
    %dma_start3A_55 = tpu.memref_slice %arg4[%add3A_53, %dma_start3A_54] : memref<40960x256xf32, #tpu.memory_space<hbm>> -> memref<128x256xf32, #tpu.memory_space<hbm>>
    %dma_start3A_56 = arith.constant 0 : i32
    %dma_start3A_57 = tpu.memref_slice %arg4[%add3A_53, %dma_start3A_56] : memref<40960x256xf32, #tpu.memory_space<hbm>> -> memref<128x256xf32, #tpu.memory_space<hbm>>
    tpu.enqueue_dma source(%arg8 : memref<128x256xf32, #tpu.memory_space<vmem>>) target(%dma_start3A_57 : memref<128x256xf32, #tpu.memory_space<hbm>>) target_semaphore(%arg14 : memref<!tpu.dma_semaphore, #tpu.memory_space<semaphore_mem>>)
    %dma_wait3A_58 = arith.constant 0 : i32
    %dma_wait3A_59 = tpu.memref_slice %arg4[%add3A_33, %dma_wait3A_58] : memref<40960x256xf32, #tpu.memory_space<hbm>> -> memref<128x256xf32, #tpu.memory_space<hbm>>
    %dma_wait3A_60 = arith.constant 0 : i32
    %dma_wait3A_61 = tpu.memref_slice %arg4[%add3A_33, %dma_wait3A_60] : memref<40960x256xf32, #tpu.memory_space<hbm>> -> memref<128x256xf32, #tpu.memory_space<hbm>>
    tpu.wait_dma2 semaphore(%arg13 : memref<!tpu.dma_semaphore, #tpu.memory_space<semaphore_mem>>) src(%arg7 : memref<128x256xf32, #tpu.memory_space<vmem>>) dst(%dma_wait3A_61 : memref<128x256xf32, #tpu.memory_space<hbm>>)
    %dma_start3A_62 = arith.constant 512 : i32
    %dma_start3A_63 = tpu.memref_slice %arg5[%dma_start3A_62] : memref<1280xi32, #tpu.memory_space<vmem>> -> memref<128xi32, #tpu.memory_space<vmem>>
    %dma_start3A_64 = arith.constant 0 : i32
    %dma_start3A_65 = arith.constant 0 : i32
    %dma_start3A_66 = tpu.memref_slice %arg2[%dma_start3A_64, %dma_start3A_65] : memref<2048x256xf32, #tpu.memory_space<hbm>> -> memref<2048x256xf32, #tpu.memory_space<hbm>>
    tpu.enqueue_indirect_dma source(%dma_start3A_66 : memref<2048x256xf32, #tpu.memory_space<hbm>>) target(%arg7 : memref<128x256xf32, #tpu.memory_space<vmem>>) offsets(%dma_start3A_63 : memref<128xi32, #tpu.memory_space<vmem>>) semaphore(%arg10 : memref<!tpu.dma_semaphore, #tpu.memory_space<semaphore_mem>>)
    %dma_wait3A_67 = arith.constant 384 : i32
    %dma_wait3A_68 = tpu.memref_slice %arg5[%dma_wait3A_67] : memref<1280xi32, #tpu.memory_space<vmem>> -> memref<128xi32, #tpu.memory_space<vmem>>
    %dma_wait3A_69 = arith.constant 0 : i32
    %dma_wait3A_70 = arith.constant 0 : i32
    %dma_wait3A_71 = tpu.memref_slice %arg2[%dma_wait3A_69, %dma_wait3A_70] : memref<2048x256xf32, #tpu.memory_space<hbm>> -> memref<2048x256xf32, #tpu.memory_space<hbm>>
    tpu.wait_indirect_dma semaphore(%arg9 : memref<!tpu.dma_semaphore, #tpu.memory_space<semaphore_mem>>) src(%dma_wait3A_71 : memref<2048x256xf32, #tpu.memory_space<hbm>>) dst(%arg6 : memref<128x256xf32, #tpu.memory_space<vmem>>)
    %add3A_72 = arith.constant 384 : i32
    %add3A_73 = arith.addi %mul3A_2, %add3A_72 : i32
    %dma_start3A_74 = arith.constant 0 : i32
    %dma_start3A_75 = tpu.memref_slice %arg4[%add3A_73, %dma_start3A_74] : memref<40960x256xf32, #tpu.memory_space<hbm>> -> memref<128x256xf32, #tpu.memory_space<hbm>>
    %dma_start3A_76 = arith.constant 0 : i32
    %dma_start3A_77 = tpu.memref_slice %arg4[%add3A_73, %dma_start3A_76] : memref<40960x256xf32, #tpu.memory_space<hbm>> -> memref<128x256xf32, #tpu.memory_space<hbm>>
    tpu.enqueue_dma source(%arg6 : memref<128x256xf32, #tpu.memory_space<vmem>>) target(%dma_start3A_77 : memref<128x256xf32, #tpu.memory_space<hbm>>) target_semaphore(%arg12 : memref<!tpu.dma_semaphore, #tpu.memory_space<semaphore_mem>>)
    %dma_wait3A_78 = arith.constant 0 : i32
    %dma_wait3A_79 = tpu.memref_slice %arg4[%add3A_53, %dma_wait3A_78] : memref<40960x256xf32, #tpu.memory_space<hbm>> -> memref<128x256xf32, #tpu.memory_space<hbm>>
    %dma_wait3A_80 = arith.constant 0 : i32
    %dma_wait3A_81 = tpu.memref_slice %arg4[%add3A_53, %dma_wait3A_80] : memref<40960x256xf32, #tpu.memory_space<hbm>> -> memref<128x256xf32, #tpu.memory_space<hbm>>
    tpu.wait_dma2 semaphore(%arg14 : memref<!tpu.dma_semaphore, #tpu.memory_space<semaphore_mem>>) src(%arg8 : memref<128x256xf32, #tpu.memory_space<vmem>>) dst(%dma_wait3A_81 : memref<128x256xf32, #tpu.memory_space<hbm>>)
    %dma_start3A_82 = arith.constant 640 : i32
    %dma_start3A_83 = tpu.memref_slice %arg5[%dma_start3A_82] : memref<1280xi32, #tpu.memory_space<vmem>> -> memref<128xi32, #tpu.memory_space<vmem>>
    %dma_start3A_84 = arith.constant 0 : i32
    %dma_start3A_85 = arith.constant 0 : i32
    %dma_start3A_86 = tpu.memref_slice %arg2[%dma_start3A_84, %dma_start3A_85] : memref<2048x256xf32, #tpu.memory_space<hbm>> -> memref<2048x256xf32, #tpu.memory_space<hbm>>
    tpu.enqueue_indirect_dma source(%dma_start3A_86 : memref<2048x256xf32, #tpu.memory_space<hbm>>) target(%arg8 : memref<128x256xf32, #tpu.memory_space<vmem>>) offsets(%dma_start3A_83 : memref<128xi32, #tpu.memory_space<vmem>>) semaphore(%arg11 : memref<!tpu.dma_semaphore, #tpu.memory_space<semaphore_mem>>)
    %dma_wait3A_87 = arith.constant 512 : i32
    %dma_wait3A_88 = tpu.memref_slice %arg5[%dma_wait3A_87] : memref<1280xi32, #tpu.memory_space<vmem>> -> memref<128xi32, #tpu.memory_space<vmem>>
    %dma_wait3A_89 = arith.constant 0 : i32
    %dma_wait3A_90 = arith.constant 0 : i32
    %dma_wait3A_91 = tpu.memref_slice %arg2[%dma_wait3A_89, %dma_wait3A_90] : memref<2048x256xf32, #tpu.memory_space<hbm>> -> memref<2048x256xf32, #tpu.memory_space<hbm>>
    tpu.wait_indirect_dma semaphore(%arg10 : memref<!tpu.dma_semaphore, #tpu.memory_space<semaphore_mem>>) src(%dma_wait3A_91 : memref<2048x256xf32, #tpu.memory_space<hbm>>) dst(%arg7 : memref<128x256xf32, #tpu.memory_space<vmem>>)
    %add3A_92 = arith.constant 512 : i32
    %add3A_93 = arith.addi %mul3A_2, %add3A_92 : i32
    %dma_start3A_94 = arith.constant 0 : i32
    %dma_start3A_95 = tpu.memref_slice %arg4[%add3A_93, %dma_start3A_94] : memref<40960x256xf32, #tpu.memory_space<hbm>> -> memref<128x256xf32, #tpu.memory_space<hbm>>
    %dma_start3A_96 = arith.constant 0 : i32
    %dma_start3A_97 = tpu.memref_slice %arg4[%add3A_93, %dma_start3A_96] : memref<40960x256xf32, #tpu.memory_space<hbm>> -> memref<128x256xf32, #tpu.memory_space<hbm>>
    tpu.enqueue_dma source(%arg7 : memref<128x256xf32, #tpu.memory_space<vmem>>) target(%dma_start3A_97 : memref<128x256xf32, #tpu.memory_space<hbm>>) target_semaphore(%arg13 : memref<!tpu.dma_semaphore, #tpu.memory_space<semaphore_mem>>)
    %dma_wait3A_98 = arith.constant 0 : i32
    %dma_wait3A_99 = tpu.memref_slice %arg4[%add3A_73, %dma_wait3A_98] : memref<40960x256xf32, #tpu.memory_space<hbm>> -> memref<128x256xf32, #tpu.memory_space<hbm>>
    %dma_wait3A_100 = arith.constant 0 : i32
    %dma_wait3A_101 = tpu.memref_slice %arg4[%add3A_73, %dma_wait3A_100] : memref<40960x256xf32, #tpu.memory_space<hbm>> -> memref<128x256xf32, #tpu.memory_space<hbm>>
    tpu.wait_dma2 semaphore(%arg12 : memref<!tpu.dma_semaphore, #tpu.memory_space<semaphore_mem>>) src(%arg6 : memref<128x256xf32, #tpu.memory_space<vmem>>) dst(%dma_wait3A_101 : memref<128x256xf32, #tpu.memory_space<hbm>>)
    %dma_start3A_102 = arith.constant 768 : i32
    %dma_start3A_103 = tpu.memref_slice %arg5[%dma_start3A_102] : memref<1280xi32, #tpu.memory_space<vmem>> -> memref<128xi32, #tpu.memory_space<vmem>>
    %dma_start3A_104 = arith.constant 0 : i32
    %dma_start3A_105 = arith.constant 0 : i32
    %dma_start3A_106 = tpu.memref_slice %arg2[%dma_start3A_104, %dma_start3A_105] : memref<2048x256xf32, #tpu.memory_space<hbm>> -> memref<2048x256xf32, #tpu.memory_space<hbm>>
    tpu.enqueue_indirect_dma source(%dma_start3A_106 : memref<2048x256xf32, #tpu.memory_space<hbm>>) target(%arg6 : memref<128x256xf32, #tpu.memory_space<vmem>>) offsets(%dma_start3A_103 : memref<128xi32, #tpu.memory_space<vmem>>) semaphore(%arg9 : memref<!tpu.dma_semaphore, #tpu.memory_space<semaphore_mem>>)
    %dma_wait3A_107 = arith.constant 640 : i32
    %dma_wait3A_108 = tpu.memref_slice %arg5[%dma_wait3A_107] : memref<1280xi32, #tpu.memory_space<vmem>> -> memref<128xi32, #tpu.memory_space<vmem>>
    %dma_wait3A_109 = arith.constant 0 : i32
    %dma_wait3A_110 = arith.constant 0 : i32
    %dma_wait3A_111 = tpu.memref_slice %arg2[%dma_wait3A_109, %dma_wait3A_110] : memref<2048x256xf32, #tpu.memory_space<hbm>> -> memref<2048x256xf32, #tpu.memory_space<hbm>>
    tpu.wait_indirect_dma semaphore(%arg11 : memref<!tpu.dma_semaphore, #tpu.memory_space<semaphore_mem>>) src(%dma_wait3A_111 : memref<2048x256xf32, #tpu.memory_space<hbm>>) dst(%arg8 : memref<128x256xf32, #tpu.memory_space<vmem>>)
    %add3A_112 = arith.constant 640 : i32
    %add3A_113 = arith.addi %mul3A_2, %add3A_112 : i32
    %dma_start3A_114 = arith.constant 0 : i32
    %dma_start3A_115 = tpu.memref_slice %arg4[%add3A_113, %dma_start3A_114] : memref<40960x256xf32, #tpu.memory_space<hbm>> -> memref<128x256xf32, #tpu.memory_space<hbm>>
    %dma_start3A_116 = arith.constant 0 : i32
    %dma_start3A_117 = tpu.memref_slice %arg4[%add3A_113, %dma_start3A_116] : memref<40960x256xf32, #tpu.memory_space<hbm>> -> memref<128x256xf32, #tpu.memory_space<hbm>>
    tpu.enqueue_dma source(%arg8 : memref<128x256xf32, #tpu.memory_space<vmem>>) target(%dma_start3A_117 : memref<128x256xf32, #tpu.memory_space<hbm>>) target_semaphore(%arg14 : memref<!tpu.dma_semaphore, #tpu.memory_space<semaphore_mem>>)
    %dma_wait3A_118 = arith.constant 0 : i32
    %dma_wait3A_119 = tpu.memref_slice %arg4[%add3A_93, %dma_wait3A_118] : memref<40960x256xf32, #tpu.memory_space<hbm>> -> memref<128x256xf32, #tpu.memory_space<hbm>>
    %dma_wait3A_120 = arith.constant 0 : i32
    %dma_wait3A_121 = tpu.memref_slice %arg4[%add3A_93, %dma_wait3A_120] : memref<40960x256xf32, #tpu.memory_space<hbm>> -> memref<128x256xf32, #tpu.memory_space<hbm>>
    tpu.wait_dma2 semaphore(%arg13 : memref<!tpu.dma_semaphore, #tpu.memory_space<semaphore_mem>>) src(%arg7 : memref<128x256xf32, #tpu.memory_space<vmem>>) dst(%dma_wait3A_121 : memref<128x256xf32, #tpu.memory_space<hbm>>)
    %dma_start3A_122 = arith.constant 896 : i32
    %dma_start3A_123 = tpu.memref_slice %arg5[%dma_start3A_122] : memref<1280xi32, #tpu.memory_space<vmem>> -> memref<128xi32, #tpu.memory_space<vmem>>
    %dma_start3A_124 = arith.constant 0 : i32
    %dma_start3A_125 = arith.constant 0 : i32
    %dma_start3A_126 = tpu.memref_slice %arg2[%dma_start3A_124, %dma_start3A_125] : memref<2048x256xf32, #tpu.memory_space<hbm>> -> memref<2048x256xf32, #tpu.memory_space<hbm>>
    tpu.enqueue_indirect_dma source(%dma_start3A_126 : memref<2048x256xf32, #tpu.memory_space<hbm>>) target(%arg7 : memref<128x256xf32, #tpu.memory_space<vmem>>) offsets(%dma_start3A_123 : memref<128xi32, #tpu.memory_space<vmem>>) semaphore(%arg10 : memref<!tpu.dma_semaphore, #tpu.memory_space<semaphore_mem>>)
    %dma_wait3A_127 = arith.constant 768 : i32
    %dma_wait3A_128 = tpu.memref_slice %arg5[%dma_wait3A_127] : memref<1280xi32, #tpu.memory_space<vmem>> -> memref<128xi32, #tpu.memory_space<vmem>>
    %dma_wait3A_129 = arith.constant 0 : i32
    %dma_wait3A_130 = arith.constant 0 : i32
    %dma_wait3A_131 = tpu.memref_slice %arg2[%dma_wait3A_129, %dma_wait3A_130] : memref<2048x256xf32, #tpu.memory_space<hbm>> -> memref<2048x256xf32, #tpu.memory_space<hbm>>
    tpu.wait_indirect_dma semaphore(%arg9 : memref<!tpu.dma_semaphore, #tpu.memory_space<semaphore_mem>>) src(%dma_wait3A_131 : memref<2048x256xf32, #tpu.memory_space<hbm>>) dst(%arg6 : memref<128x256xf32, #tpu.memory_space<vmem>>)
    %add3A_132 = arith.constant 768 : i32
    %add3A_133 = arith.addi %mul3A_2, %add3A_132 : i32
    %dma_start3A_134 = arith.constant 0 : i32
    %dma_start3A_135 = tpu.memref_slice %arg4[%add3A_133, %dma_start3A_134] : memref<40960x256xf32, #tpu.memory_space<hbm>> -> memref<128x256xf32, #tpu.memory_space<hbm>>
    %dma_start3A_136 = arith.constant 0 : i32
    %dma_start3A_137 = tpu.memref_slice %arg4[%add3A_133, %dma_start3A_136] : memref<40960x256xf32, #tpu.memory_space<hbm>> -> memref<128x256xf32, #tpu.memory_space<hbm>>
    tpu.enqueue_dma source(%arg6 : memref<128x256xf32, #tpu.memory_space<vmem>>) target(%dma_start3A_137 : memref<128x256xf32, #tpu.memory_space<hbm>>) target_semaphore(%arg12 : memref<!tpu.dma_semaphore, #tpu.memory_space<semaphore_mem>>)
    %dma_wait3A_138 = arith.constant 0 : i32
    %dma_wait3A_139 = tpu.memref_slice %arg4[%add3A_113, %dma_wait3A_138] : memref<40960x256xf32, #tpu.memory_space<hbm>> -> memref<128x256xf32, #tpu.memory_space<hbm>>
    %dma_wait3A_140 = arith.constant 0 : i32
    %dma_wait3A_141 = tpu.memref_slice %arg4[%add3A_113, %dma_wait3A_140] : memref<40960x256xf32, #tpu.memory_space<hbm>> -> memref<128x256xf32, #tpu.memory_space<hbm>>
    tpu.wait_dma2 semaphore(%arg14 : memref<!tpu.dma_semaphore, #tpu.memory_space<semaphore_mem>>) src(%arg8 : memref<128x256xf32, #tpu.memory_space<vmem>>) dst(%dma_wait3A_141 : memref<128x256xf32, #tpu.memory_space<hbm>>)
    %dma_start3A_142 = arith.constant 1024 : i32
    %dma_start3A_143 = tpu.memref_slice %arg5[%dma_start3A_142] : memref<1280xi32, #tpu.memory_space<vmem>> -> memref<128xi32, #tpu.memory_space<vmem>>
    %dma_start3A_144 = arith.constant 0 : i32
    %dma_start3A_145 = arith.constant 0 : i32
    %dma_start3A_146 = tpu.memref_slice %arg2[%dma_start3A_144, %dma_start3A_145] : memref<2048x256xf32, #tpu.memory_space<hbm>> -> memref<2048x256xf32, #tpu.memory_space<hbm>>
    tpu.enqueue_indirect_dma source(%dma_start3A_146 : memref<2048x256xf32, #tpu.memory_space<hbm>>) target(%arg8 : memref<128x256xf32, #tpu.memory_space<vmem>>) offsets(%dma_start3A_143 : memref<128xi32, #tpu.memory_space<vmem>>) semaphore(%arg11 : memref<!tpu.dma_semaphore, #tpu.memory_space<semaphore_mem>>)
    %dma_wait3A_147 = arith.constant 896 : i32
    %dma_wait3A_148 = tpu.memref_slice %arg5[%dma_wait3A_147] : memref<1280xi32, #tpu.memory_space<vmem>> -> memref<128xi32, #tpu.memory_space<vmem>>
    %dma_wait3A_149 = arith.constant 0 : i32
    %dma_wait3A_150 = arith.constant 0 : i32
    %dma_wait3A_151 = tpu.memref_slice %arg2[%dma_wait3A_149, %dma_wait3A_150] : memref<2048x256xf32, #tpu.memory_space<hbm>> -> memref<2048x256xf32, #tpu.memory_space<hbm>>
    tpu.wait_indirect_dma semaphore(%arg10 : memref<!tpu.dma_semaphore, #tpu.memory_space<semaphore_mem>>) src(%dma_wait3A_151 : memref<2048x256xf32, #tpu.memory_space<hbm>>) dst(%arg7 : memref<128x256xf32, #tpu.memory_space<vmem>>)
    %add3A_152 = arith.constant 896 : i32
    %add3A_153 = arith.addi %mul3A_2, %add3A_152 : i32
    %dma_start3A_154 = arith.constant 0 : i32
    %dma_start3A_155 = tpu.memref_slice %arg4[%add3A_153, %dma_start3A_154] : memref<40960x256xf32, #tpu.memory_space<hbm>> -> memref<128x256xf32, #tpu.memory_space<hbm>>
    %dma_start3A_156 = arith.constant 0 : i32
    %dma_start3A_157 = tpu.memref_slice %arg4[%add3A_153, %dma_start3A_156] : memref<40960x256xf32, #tpu.memory_space<hbm>> -> memref<128x256xf32, #tpu.memory_space<hbm>>
    tpu.enqueue_dma source(%arg7 : memref<128x256xf32, #tpu.memory_space<vmem>>) target(%dma_start3A_157 : memref<128x256xf32, #tpu.memory_space<hbm>>) target_semaphore(%arg13 : memref<!tpu.dma_semaphore, #tpu.memory_space<semaphore_mem>>)
    %dma_wait3A_158 = arith.constant 0 : i32
    %dma_wait3A_159 = tpu.memref_slice %arg4[%add3A_133, %dma_wait3A_158] : memref<40960x256xf32, #tpu.memory_space<hbm>> -> memref<128x256xf32, #tpu.memory_space<hbm>>
    %dma_wait3A_160 = arith.constant 0 : i32
    %dma_wait3A_161 = tpu.memref_slice %arg4[%add3A_133, %dma_wait3A_160] : memref<40960x256xf32, #tpu.memory_space<hbm>> -> memref<128x256xf32, #tpu.memory_space<hbm>>
    tpu.wait_dma2 semaphore(%arg12 : memref<!tpu.dma_semaphore, #tpu.memory_space<semaphore_mem>>) src(%arg6 : memref<128x256xf32, #tpu.memory_space<vmem>>) dst(%dma_wait3A_161 : memref<128x256xf32, #tpu.memory_space<hbm>>)
    %dma_start3A_162 = arith.constant 1152 : i32
    %dma_start3A_163 = tpu.memref_slice %arg5[%dma_start3A_162] : memref<1280xi32, #tpu.memory_space<vmem>> -> memref<128xi32, #tpu.memory_space<vmem>>
    %dma_start3A_164 = arith.constant 0 : i32
    %dma_start3A_165 = arith.constant 0 : i32
    %dma_start3A_166 = tpu.memref_slice %arg2[%dma_start3A_164, %dma_start3A_165] : memref<2048x256xf32, #tpu.memory_space<hbm>> -> memref<2048x256xf32, #tpu.memory_space<hbm>>
    tpu.enqueue_indirect_dma source(%dma_start3A_166 : memref<2048x256xf32, #tpu.memory_space<hbm>>) target(%arg6 : memref<128x256xf32, #tpu.memory_space<vmem>>) offsets(%dma_start3A_163 : memref<128xi32, #tpu.memory_space<vmem>>) semaphore(%arg9 : memref<!tpu.dma_semaphore, #tpu.memory_space<semaphore_mem>>)
    %dma_wait3A_167 = arith.constant 1024 : i32
    %dma_wait3A_168 = tpu.memref_slice %arg5[%dma_wait3A_167] : memref<1280xi32, #tpu.memory_space<vmem>> -> memref<128xi32, #tpu.memory_space<vmem>>
    %dma_wait3A_169 = arith.constant 0 : i32
    %dma_wait3A_170 = arith.constant 0 : i32
    %dma_wait3A_171 = tpu.memref_slice %arg2[%dma_wait3A_169, %dma_wait3A_170] : memref<2048x256xf32, #tpu.memory_space<hbm>> -> memref<2048x256xf32, #tpu.memory_space<hbm>>
    tpu.wait_indirect_dma semaphore(%arg11 : memref<!tpu.dma_semaphore, #tpu.memory_space<semaphore_mem>>) src(%dma_wait3A_171 : memref<2048x256xf32, #tpu.memory_space<hbm>>) dst(%arg8 : memref<128x256xf32, #tpu.memory_space<vmem>>)
    %add3A_172 = arith.constant 1024 : i32
    %add3A_173 = arith.addi %mul3A_2, %add3A_172 : i32
    %dma_start3A_174 = arith.constant 0 : i32
    %dma_start3A_175 = tpu.memref_slice %arg4[%add3A_173, %dma_start3A_174] : memref<40960x256xf32, #tpu.memory_space<hbm>> -> memref<128x256xf32, #tpu.memory_space<hbm>>
    %dma_start3A_176 = arith.constant 0 : i32
    %dma_start3A_177 = tpu.memref_slice %arg4[%add3A_173, %dma_start3A_176] : memref<40960x256xf32, #tpu.memory_space<hbm>> -> memref<128x256xf32, #tpu.memory_space<hbm>>
    tpu.enqueue_dma source(%arg8 : memref<128x256xf32, #tpu.memory_space<vmem>>) target(%dma_start3A_177 : memref<128x256xf32, #tpu.memory_space<hbm>>) target_semaphore(%arg14 : memref<!tpu.dma_semaphore, #tpu.memory_space<semaphore_mem>>)
    %dma_wait3A_178 = arith.constant 1152 : i32
    %dma_wait3A_179 = tpu.memref_slice %arg5[%dma_wait3A_178] : memref<1280xi32, #tpu.memory_space<vmem>> -> memref<128xi32, #tpu.memory_space<vmem>>
    %dma_wait3A_180 = arith.constant 0 : i32
    %dma_wait3A_181 = arith.constant 0 : i32
    %dma_wait3A_182 = tpu.memref_slice %arg2[%dma_wait3A_180, %dma_wait3A_181] : memref<2048x256xf32, #tpu.memory_space<hbm>> -> memref<2048x256xf32, #tpu.memory_space<hbm>>
    tpu.wait_indirect_dma semaphore(%arg9 : memref<!tpu.dma_semaphore, #tpu.memory_space<semaphore_mem>>) src(%dma_wait3A_182 : memref<2048x256xf32, #tpu.memory_space<hbm>>) dst(%arg6 : memref<128x256xf32, #tpu.memory_space<vmem>>)
    %add3A_183 = arith.constant 1152 : i32
    %add3A_184 = arith.addi %mul3A_2, %add3A_183 : i32
    %dma_start3A_185 = arith.constant 0 : i32
    %dma_start3A_186 = tpu.memref_slice %arg4[%add3A_184, %dma_start3A_185] : memref<40960x256xf32, #tpu.memory_space<hbm>> -> memref<128x256xf32, #tpu.memory_space<hbm>>
    %dma_start3A_187 = arith.constant 0 : i32
    %dma_start3A_188 = tpu.memref_slice %arg4[%add3A_184, %dma_start3A_187] : memref<40960x256xf32, #tpu.memory_space<hbm>> -> memref<128x256xf32, #tpu.memory_space<hbm>>
    tpu.enqueue_dma source(%arg6 : memref<128x256xf32, #tpu.memory_space<vmem>>) target(%dma_start3A_188 : memref<128x256xf32, #tpu.memory_space<hbm>>) target_semaphore(%arg12 : memref<!tpu.dma_semaphore, #tpu.memory_space<semaphore_mem>>)
    %dma_wait3A_189 = arith.constant 0 : i32
    %dma_wait3A_190 = tpu.memref_slice %arg4[%add3A_184, %dma_wait3A_189] : memref<40960x256xf32, #tpu.memory_space<hbm>> -> memref<128x256xf32, #tpu.memory_space<hbm>>
    %dma_wait3A_191 = arith.constant 0 : i32
    %dma_wait3A_192 = tpu.memref_slice %arg4[%add3A_184, %dma_wait3A_191] : memref<40960x256xf32, #tpu.memory_space<hbm>> -> memref<128x256xf32, #tpu.memory_space<hbm>>
    tpu.wait_dma2 semaphore(%arg12 : memref<!tpu.dma_semaphore, #tpu.memory_space<semaphore_mem>>) src(%arg6 : memref<128x256xf32, #tpu.memory_space<vmem>>) dst(%dma_wait3A_192 : memref<128x256xf32, #tpu.memory_space<hbm>>)
    %dma_wait3A_193 = arith.constant 0 : i32
    %dma_wait3A_194 = tpu.memref_slice %arg4[%add3A_153, %dma_wait3A_193] : memref<40960x256xf32, #tpu.memory_space<hbm>> -> memref<128x256xf32, #tpu.memory_space<hbm>>
    %dma_wait3A_195 = arith.constant 0 : i32
    %dma_wait3A_196 = tpu.memref_slice %arg4[%add3A_153, %dma_wait3A_195] : memref<40960x256xf32, #tpu.memory_space<hbm>> -> memref<128x256xf32, #tpu.memory_space<hbm>>
    tpu.wait_dma2 semaphore(%arg13 : memref<!tpu.dma_semaphore, #tpu.memory_space<semaphore_mem>>) src(%arg7 : memref<128x256xf32, #tpu.memory_space<vmem>>) dst(%dma_wait3A_196 : memref<128x256xf32, #tpu.memory_space<hbm>>)
    %dma_wait3A_197 = arith.constant 0 : i32
    %dma_wait3A_198 = tpu.memref_slice %arg4[%add3A_173, %dma_wait3A_197] : memref<40960x256xf32, #tpu.memory_space<hbm>> -> memref<128x256xf32, #tpu.memory_space<hbm>>
    %dma_wait3A_199 = arith.constant 0 : i32
    %dma_wait3A_200 = tpu.memref_slice %arg4[%add3A_173, %dma_wait3A_199] : memref<40960x256xf32, #tpu.memory_space<hbm>> -> memref<128x256xf32, #tpu.memory_space<hbm>>
    tpu.wait_dma2 semaphore(%arg14 : memref<!tpu.dma_semaphore, #tpu.memory_space<semaphore_mem>>) src(%arg8 : memref<128x256xf32, #tpu.memory_space<vmem>>) dst(%dma_wait3A_200 : memref<128x256xf32, #tpu.memory_space<hbm>>)
    return
  }
}

#map = affine_map<(d0, d1) -> (0, 0)>
module attributes {stable_mosaic.version = 14 : i64} {
  func.func @stage_b(%arg0: i32, %arg1: i32, %arg2: memref<2048x128xf32, #tpu.memory_space<hbm>>, %arg3: memref<32x1280xi32, #tpu.memory_space<hbm>>, %arg4: memref<40960x128xf32, #tpu.memory_space<hbm>>, %arg5: memref<1280xi32, #tpu.memory_space<vmem>>, %arg6: memref<128x128xf32, #tpu.memory_space<vmem>>, %arg7: memref<128x128xf32, #tpu.memory_space<vmem>>, %arg8: memref<128x128xf32, #tpu.memory_space<vmem>>, %arg9: memref<!tpu.dma_semaphore, #tpu.memory_space<semaphore_mem>>, %arg10: memref<!tpu.dma_semaphore, #tpu.memory_space<semaphore_mem>>, %arg11: memref<!tpu.dma_semaphore, #tpu.memory_space<semaphore_mem>>, %arg12: memref<!tpu.dma_semaphore, #tpu.memory_space<semaphore_mem>>, %arg13: memref<!tpu.dma_semaphore, #tpu.memory_space<semaphore_mem>>, %arg14: memref<!tpu.dma_semaphore, #tpu.memory_space<semaphore_mem>>) attributes {dimension_semantics = [#tpu.dimension_semantics<core_parallel>, #tpu.dimension_semantics<subcore_parallel>], iteration_bounds = array<i64: 2, 16>, scalar_prefetch = 0 : i64, scratch_operands = 10 : i64, tpu.core_type = #tpu.core_type<sc_vector_subcore>, window_params = [{transform_indices = #map}, {transform_indices = #map}, {transform_indices = #map}]} {
    %mul3A = arith.constant 2 : i32
    %mul3A_0 = arith.muli %arg1, %mul3A : i32
    %add3A = arith.addi %mul3A_0, %arg0 : i32
    %mul3A_1 = arith.constant 1280 : i32
    %mul3A_2 = arith.muli %add3A, %mul3A_1 : i32
    "tpu.region"() ({
      %run_scoped3A = tpu.sem_alloc : memref<!tpu.dma_semaphore, #tpu.memory_space<semaphore_mem>>
      %dma_start3A_201 = arith.constant 0 : i32
      %dma_start3A_202 = tpu.memref_slice %arg3[%add3A, %dma_start3A_201] : memref<32x1280xi32, #tpu.memory_space<hbm>> -> memref<1x1280xi32, #tpu.memory_space<hbm>>
      %dma_start3A_203 = tpu.memref_squeeze %dma_start3A_202 : memref<1x1280xi32, #tpu.memory_space<hbm>> -> memref<1280xi32, #tpu.memory_space<hbm>>
      %dma_start3A_204 = arith.constant 0 : i32
      %dma_start3A_205 = tpu.memref_slice %arg3[%add3A, %dma_start3A_204] : memref<32x1280xi32, #tpu.memory_space<hbm>> -> memref<1x1280xi32, #tpu.memory_space<hbm>>
      %dma_start3A_206 = tpu.memref_squeeze %dma_start3A_205 : memref<1x1280xi32, #tpu.memory_space<hbm>> -> memref<1280xi32, #tpu.memory_space<hbm>>
      tpu.enqueue_dma source(%dma_start3A_206 : memref<1280xi32, #tpu.memory_space<hbm>>) target(%arg5 : memref<1280xi32, #tpu.memory_space<vmem>>) target_semaphore(%run_scoped3A : memref<!tpu.dma_semaphore, #tpu.memory_space<semaphore_mem>>)
      %dma_wait3A_207 = arith.constant 0 : i32
      %dma_wait3A_208 = tpu.memref_slice %arg3[%add3A, %dma_wait3A_207] : memref<32x1280xi32, #tpu.memory_space<hbm>> -> memref<1x1280xi32, #tpu.memory_space<hbm>>
      %dma_wait3A_209 = tpu.memref_squeeze %dma_wait3A_208 : memref<1x1280xi32, #tpu.memory_space<hbm>> -> memref<1280xi32, #tpu.memory_space<hbm>>
      %dma_wait3A_210 = arith.constant 0 : i32
      %dma_wait3A_211 = tpu.memref_slice %arg3[%add3A, %dma_wait3A_210] : memref<32x1280xi32, #tpu.memory_space<hbm>> -> memref<1x1280xi32, #tpu.memory_space<hbm>>
      %dma_wait3A_212 = tpu.memref_squeeze %dma_wait3A_211 : memref<1x1280xi32, #tpu.memory_space<hbm>> -> memref<1280xi32, #tpu.memory_space<hbm>>
      tpu.wait_dma2 semaphore(%run_scoped3A : memref<!tpu.dma_semaphore, #tpu.memory_space<semaphore_mem>>) src(%dma_wait3A_212 : memref<1280xi32, #tpu.memory_space<hbm>>) dst(%arg5 : memref<1280xi32, #tpu.memory_space<vmem>>)
      tpu.yield
    }) : () -> ()
    %dma_start3A = arith.constant 0 : i32
    %dma_start3A_3 = tpu.memref_slice %arg5[%dma_start3A] : memref<1280xi32, #tpu.memory_space<vmem>> -> memref<128xi32, #tpu.memory_space<vmem>>
    %dma_start3A_4 = arith.constant 0 : i32
    %dma_start3A_5 = arith.constant 0 : i32
    %dma_start3A_6 = tpu.memref_slice %arg2[%dma_start3A_4, %dma_start3A_5] : memref<2048x128xf32, #tpu.memory_space<hbm>> -> memref<2048x128xf32, #tpu.memory_space<hbm>>
    tpu.enqueue_indirect_dma source(%dma_start3A_6 : memref<2048x128xf32, #tpu.memory_space<hbm>>) target(%arg6 : memref<128x128xf32, #tpu.memory_space<vmem>>) offsets(%dma_start3A_3 : memref<128xi32, #tpu.memory_space<vmem>>) semaphore(%arg9 : memref<!tpu.dma_semaphore, #tpu.memory_space<semaphore_mem>>)
    %dma_start3A_7 = arith.constant 128 : i32
    %dma_start3A_8 = tpu.memref_slice %arg5[%dma_start3A_7] : memref<1280xi32, #tpu.memory_space<vmem>> -> memref<128xi32, #tpu.memory_space<vmem>>
    %dma_start3A_9 = arith.constant 0 : i32
    %dma_start3A_10 = arith.constant 0 : i32
    %dma_start3A_11 = tpu.memref_slice %arg2[%dma_start3A_9, %dma_start3A_10] : memref<2048x128xf32, #tpu.memory_space<hbm>> -> memref<2048x128xf32, #tpu.memory_space<hbm>>
    tpu.enqueue_indirect_dma source(%dma_start3A_11 : memref<2048x128xf32, #tpu.memory_space<hbm>>) target(%arg7 : memref<128x128xf32, #tpu.memory_space<vmem>>) offsets(%dma_start3A_8 : memref<128xi32, #tpu.memory_space<vmem>>) semaphore(%arg10 : memref<!tpu.dma_semaphore, #tpu.memory_space<semaphore_mem>>)
    %dma_wait3A = arith.constant 0 : i32
    %dma_wait3A_12 = tpu.memref_slice %arg5[%dma_wait3A] : memref<1280xi32, #tpu.memory_space<vmem>> -> memref<128xi32, #tpu.memory_space<vmem>>
    %dma_wait3A_13 = arith.constant 0 : i32
    %dma_wait3A_14 = arith.constant 0 : i32
    %dma_wait3A_15 = tpu.memref_slice %arg2[%dma_wait3A_13, %dma_wait3A_14] : memref<2048x128xf32, #tpu.memory_space<hbm>> -> memref<2048x128xf32, #tpu.memory_space<hbm>>
    tpu.wait_indirect_dma semaphore(%arg9 : memref<!tpu.dma_semaphore, #tpu.memory_space<semaphore_mem>>) src(%dma_wait3A_15 : memref<2048x128xf32, #tpu.memory_space<hbm>>) dst(%arg6 : memref<128x128xf32, #tpu.memory_space<vmem>>)
    %add3A_16 = arith.constant 0 : i32
    %add3A_17 = arith.addi %mul3A_2, %add3A_16 : i32
    %dma_start3A_18 = arith.constant 0 : i32
    %dma_start3A_19 = tpu.memref_slice %arg4[%add3A_17, %dma_start3A_18] : memref<40960x128xf32, #tpu.memory_space<hbm>> -> memref<128x128xf32, #tpu.memory_space<hbm>>
    %dma_start3A_20 = arith.constant 0 : i32
    %dma_start3A_21 = tpu.memref_slice %arg4[%add3A_17, %dma_start3A_20] : memref<40960x128xf32, #tpu.memory_space<hbm>> -> memref<128x128xf32, #tpu.memory_space<hbm>>
    tpu.enqueue_dma source(%arg6 : memref<128x128xf32, #tpu.memory_space<vmem>>) target(%dma_start3A_21 : memref<128x128xf32, #tpu.memory_space<hbm>>) target_semaphore(%arg12 : memref<!tpu.dma_semaphore, #tpu.memory_space<semaphore_mem>>)
    %dma_start3A_22 = arith.constant 256 : i32
    %dma_start3A_23 = tpu.memref_slice %arg5[%dma_start3A_22] : memref<1280xi32, #tpu.memory_space<vmem>> -> memref<128xi32, #tpu.memory_space<vmem>>
    %dma_start3A_24 = arith.constant 0 : i32
    %dma_start3A_25 = arith.constant 0 : i32
    %dma_start3A_26 = tpu.memref_slice %arg2[%dma_start3A_24, %dma_start3A_25] : memref<2048x128xf32, #tpu.memory_space<hbm>> -> memref<2048x128xf32, #tpu.memory_space<hbm>>
    tpu.enqueue_indirect_dma source(%dma_start3A_26 : memref<2048x128xf32, #tpu.memory_space<hbm>>) target(%arg8 : memref<128x128xf32, #tpu.memory_space<vmem>>) offsets(%dma_start3A_23 : memref<128xi32, #tpu.memory_space<vmem>>) semaphore(%arg11 : memref<!tpu.dma_semaphore, #tpu.memory_space<semaphore_mem>>)
    %dma_wait3A_27 = arith.constant 128 : i32
    %dma_wait3A_28 = tpu.memref_slice %arg5[%dma_wait3A_27] : memref<1280xi32, #tpu.memory_space<vmem>> -> memref<128xi32, #tpu.memory_space<vmem>>
    %dma_wait3A_29 = arith.constant 0 : i32
    %dma_wait3A_30 = arith.constant 0 : i32
    %dma_wait3A_31 = tpu.memref_slice %arg2[%dma_wait3A_29, %dma_wait3A_30] : memref<2048x128xf32, #tpu.memory_space<hbm>> -> memref<2048x128xf32, #tpu.memory_space<hbm>>
    tpu.wait_indirect_dma semaphore(%arg10 : memref<!tpu.dma_semaphore, #tpu.memory_space<semaphore_mem>>) src(%dma_wait3A_31 : memref<2048x128xf32, #tpu.memory_space<hbm>>) dst(%arg7 : memref<128x128xf32, #tpu.memory_space<vmem>>)
    %add3A_32 = arith.constant 128 : i32
    %add3A_33 = arith.addi %mul3A_2, %add3A_32 : i32
    %dma_start3A_34 = arith.constant 0 : i32
    %dma_start3A_35 = tpu.memref_slice %arg4[%add3A_33, %dma_start3A_34] : memref<40960x128xf32, #tpu.memory_space<hbm>> -> memref<128x128xf32, #tpu.memory_space<hbm>>
    %dma_start3A_36 = arith.constant 0 : i32
    %dma_start3A_37 = tpu.memref_slice %arg4[%add3A_33, %dma_start3A_36] : memref<40960x128xf32, #tpu.memory_space<hbm>> -> memref<128x128xf32, #tpu.memory_space<hbm>>
    tpu.enqueue_dma source(%arg7 : memref<128x128xf32, #tpu.memory_space<vmem>>) target(%dma_start3A_37 : memref<128x128xf32, #tpu.memory_space<hbm>>) target_semaphore(%arg13 : memref<!tpu.dma_semaphore, #tpu.memory_space<semaphore_mem>>)
    %dma_wait3A_38 = arith.constant 0 : i32
    %dma_wait3A_39 = tpu.memref_slice %arg4[%add3A_17, %dma_wait3A_38] : memref<40960x128xf32, #tpu.memory_space<hbm>> -> memref<128x128xf32, #tpu.memory_space<hbm>>
    %dma_wait3A_40 = arith.constant 0 : i32
    %dma_wait3A_41 = tpu.memref_slice %arg4[%add3A_17, %dma_wait3A_40] : memref<40960x128xf32, #tpu.memory_space<hbm>> -> memref<128x128xf32, #tpu.memory_space<hbm>>
    tpu.wait_dma2 semaphore(%arg12 : memref<!tpu.dma_semaphore, #tpu.memory_space<semaphore_mem>>) src(%arg6 : memref<128x128xf32, #tpu.memory_space<vmem>>) dst(%dma_wait3A_41 : memref<128x128xf32, #tpu.memory_space<hbm>>)
    %dma_start3A_42 = arith.constant 384 : i32
    %dma_start3A_43 = tpu.memref_slice %arg5[%dma_start3A_42] : memref<1280xi32, #tpu.memory_space<vmem>> -> memref<128xi32, #tpu.memory_space<vmem>>
    %dma_start3A_44 = arith.constant 0 : i32
    %dma_start3A_45 = arith.constant 0 : i32
    %dma_start3A_46 = tpu.memref_slice %arg2[%dma_start3A_44, %dma_start3A_45] : memref<2048x128xf32, #tpu.memory_space<hbm>> -> memref<2048x128xf32, #tpu.memory_space<hbm>>
    tpu.enqueue_indirect_dma source(%dma_start3A_46 : memref<2048x128xf32, #tpu.memory_space<hbm>>) target(%arg6 : memref<128x128xf32, #tpu.memory_space<vmem>>) offsets(%dma_start3A_43 : memref<128xi32, #tpu.memory_space<vmem>>) semaphore(%arg9 : memref<!tpu.dma_semaphore, #tpu.memory_space<semaphore_mem>>)
    %dma_wait3A_47 = arith.constant 256 : i32
    %dma_wait3A_48 = tpu.memref_slice %arg5[%dma_wait3A_47] : memref<1280xi32, #tpu.memory_space<vmem>> -> memref<128xi32, #tpu.memory_space<vmem>>
    %dma_wait3A_49 = arith.constant 0 : i32
    %dma_wait3A_50 = arith.constant 0 : i32
    %dma_wait3A_51 = tpu.memref_slice %arg2[%dma_wait3A_49, %dma_wait3A_50] : memref<2048x128xf32, #tpu.memory_space<hbm>> -> memref<2048x128xf32, #tpu.memory_space<hbm>>
    tpu.wait_indirect_dma semaphore(%arg11 : memref<!tpu.dma_semaphore, #tpu.memory_space<semaphore_mem>>) src(%dma_wait3A_51 : memref<2048x128xf32, #tpu.memory_space<hbm>>) dst(%arg8 : memref<128x128xf32, #tpu.memory_space<vmem>>)
    %add3A_52 = arith.constant 256 : i32
    %add3A_53 = arith.addi %mul3A_2, %add3A_52 : i32
    %dma_start3A_54 = arith.constant 0 : i32
    %dma_start3A_55 = tpu.memref_slice %arg4[%add3A_53, %dma_start3A_54] : memref<40960x128xf32, #tpu.memory_space<hbm>> -> memref<128x128xf32, #tpu.memory_space<hbm>>
    %dma_start3A_56 = arith.constant 0 : i32
    %dma_start3A_57 = tpu.memref_slice %arg4[%add3A_53, %dma_start3A_56] : memref<40960x128xf32, #tpu.memory_space<hbm>> -> memref<128x128xf32, #tpu.memory_space<hbm>>
    tpu.enqueue_dma source(%arg8 : memref<128x128xf32, #tpu.memory_space<vmem>>) target(%dma_start3A_57 : memref<128x128xf32, #tpu.memory_space<hbm>>) target_semaphore(%arg14 : memref<!tpu.dma_semaphore, #tpu.memory_space<semaphore_mem>>)
    %dma_wait3A_58 = arith.constant 0 : i32
    %dma_wait3A_59 = tpu.memref_slice %arg4[%add3A_33, %dma_wait3A_58] : memref<40960x128xf32, #tpu.memory_space<hbm>> -> memref<128x128xf32, #tpu.memory_space<hbm>>
    %dma_wait3A_60 = arith.constant 0 : i32
    %dma_wait3A_61 = tpu.memref_slice %arg4[%add3A_33, %dma_wait3A_60] : memref<40960x128xf32, #tpu.memory_space<hbm>> -> memref<128x128xf32, #tpu.memory_space<hbm>>
    tpu.wait_dma2 semaphore(%arg13 : memref<!tpu.dma_semaphore, #tpu.memory_space<semaphore_mem>>) src(%arg7 : memref<128x128xf32, #tpu.memory_space<vmem>>) dst(%dma_wait3A_61 : memref<128x128xf32, #tpu.memory_space<hbm>>)
    %dma_start3A_62 = arith.constant 512 : i32
    %dma_start3A_63 = tpu.memref_slice %arg5[%dma_start3A_62] : memref<1280xi32, #tpu.memory_space<vmem>> -> memref<128xi32, #tpu.memory_space<vmem>>
    %dma_start3A_64 = arith.constant 0 : i32
    %dma_start3A_65 = arith.constant 0 : i32
    %dma_start3A_66 = tpu.memref_slice %arg2[%dma_start3A_64, %dma_start3A_65] : memref<2048x128xf32, #tpu.memory_space<hbm>> -> memref<2048x128xf32, #tpu.memory_space<hbm>>
    tpu.enqueue_indirect_dma source(%dma_start3A_66 : memref<2048x128xf32, #tpu.memory_space<hbm>>) target(%arg7 : memref<128x128xf32, #tpu.memory_space<vmem>>) offsets(%dma_start3A_63 : memref<128xi32, #tpu.memory_space<vmem>>) semaphore(%arg10 : memref<!tpu.dma_semaphore, #tpu.memory_space<semaphore_mem>>)
    %dma_wait3A_67 = arith.constant 384 : i32
    %dma_wait3A_68 = tpu.memref_slice %arg5[%dma_wait3A_67] : memref<1280xi32, #tpu.memory_space<vmem>> -> memref<128xi32, #tpu.memory_space<vmem>>
    %dma_wait3A_69 = arith.constant 0 : i32
    %dma_wait3A_70 = arith.constant 0 : i32
    %dma_wait3A_71 = tpu.memref_slice %arg2[%dma_wait3A_69, %dma_wait3A_70] : memref<2048x128xf32, #tpu.memory_space<hbm>> -> memref<2048x128xf32, #tpu.memory_space<hbm>>
    tpu.wait_indirect_dma semaphore(%arg9 : memref<!tpu.dma_semaphore, #tpu.memory_space<semaphore_mem>>) src(%dma_wait3A_71 : memref<2048x128xf32, #tpu.memory_space<hbm>>) dst(%arg6 : memref<128x128xf32, #tpu.memory_space<vmem>>)
    %add3A_72 = arith.constant 384 : i32
    %add3A_73 = arith.addi %mul3A_2, %add3A_72 : i32
    %dma_start3A_74 = arith.constant 0 : i32
    %dma_start3A_75 = tpu.memref_slice %arg4[%add3A_73, %dma_start3A_74] : memref<40960x128xf32, #tpu.memory_space<hbm>> -> memref<128x128xf32, #tpu.memory_space<hbm>>
    %dma_start3A_76 = arith.constant 0 : i32
    %dma_start3A_77 = tpu.memref_slice %arg4[%add3A_73, %dma_start3A_76] : memref<40960x128xf32, #tpu.memory_space<hbm>> -> memref<128x128xf32, #tpu.memory_space<hbm>>
    tpu.enqueue_dma source(%arg6 : memref<128x128xf32, #tpu.memory_space<vmem>>) target(%dma_start3A_77 : memref<128x128xf32, #tpu.memory_space<hbm>>) target_semaphore(%arg12 : memref<!tpu.dma_semaphore, #tpu.memory_space<semaphore_mem>>)
    %dma_wait3A_78 = arith.constant 0 : i32
    %dma_wait3A_79 = tpu.memref_slice %arg4[%add3A_53, %dma_wait3A_78] : memref<40960x128xf32, #tpu.memory_space<hbm>> -> memref<128x128xf32, #tpu.memory_space<hbm>>
    %dma_wait3A_80 = arith.constant 0 : i32
    %dma_wait3A_81 = tpu.memref_slice %arg4[%add3A_53, %dma_wait3A_80] : memref<40960x128xf32, #tpu.memory_space<hbm>> -> memref<128x128xf32, #tpu.memory_space<hbm>>
    tpu.wait_dma2 semaphore(%arg14 : memref<!tpu.dma_semaphore, #tpu.memory_space<semaphore_mem>>) src(%arg8 : memref<128x128xf32, #tpu.memory_space<vmem>>) dst(%dma_wait3A_81 : memref<128x128xf32, #tpu.memory_space<hbm>>)
    %dma_start3A_82 = arith.constant 640 : i32
    %dma_start3A_83 = tpu.memref_slice %arg5[%dma_start3A_82] : memref<1280xi32, #tpu.memory_space<vmem>> -> memref<128xi32, #tpu.memory_space<vmem>>
    %dma_start3A_84 = arith.constant 0 : i32
    %dma_start3A_85 = arith.constant 0 : i32
    %dma_start3A_86 = tpu.memref_slice %arg2[%dma_start3A_84, %dma_start3A_85] : memref<2048x128xf32, #tpu.memory_space<hbm>> -> memref<2048x128xf32, #tpu.memory_space<hbm>>
    tpu.enqueue_indirect_dma source(%dma_start3A_86 : memref<2048x128xf32, #tpu.memory_space<hbm>>) target(%arg8 : memref<128x128xf32, #tpu.memory_space<vmem>>) offsets(%dma_start3A_83 : memref<128xi32, #tpu.memory_space<vmem>>) semaphore(%arg11 : memref<!tpu.dma_semaphore, #tpu.memory_space<semaphore_mem>>)
    %dma_wait3A_87 = arith.constant 512 : i32
    %dma_wait3A_88 = tpu.memref_slice %arg5[%dma_wait3A_87] : memref<1280xi32, #tpu.memory_space<vmem>> -> memref<128xi32, #tpu.memory_space<vmem>>
    %dma_wait3A_89 = arith.constant 0 : i32
    %dma_wait3A_90 = arith.constant 0 : i32
    %dma_wait3A_91 = tpu.memref_slice %arg2[%dma_wait3A_89, %dma_wait3A_90] : memref<2048x128xf32, #tpu.memory_space<hbm>> -> memref<2048x128xf32, #tpu.memory_space<hbm>>
    tpu.wait_indirect_dma semaphore(%arg10 : memref<!tpu.dma_semaphore, #tpu.memory_space<semaphore_mem>>) src(%dma_wait3A_91 : memref<2048x128xf32, #tpu.memory_space<hbm>>) dst(%arg7 : memref<128x128xf32, #tpu.memory_space<vmem>>)
    %add3A_92 = arith.constant 512 : i32
    %add3A_93 = arith.addi %mul3A_2, %add3A_92 : i32
    %dma_start3A_94 = arith.constant 0 : i32
    %dma_start3A_95 = tpu.memref_slice %arg4[%add3A_93, %dma_start3A_94] : memref<40960x128xf32, #tpu.memory_space<hbm>> -> memref<128x128xf32, #tpu.memory_space<hbm>>
    %dma_start3A_96 = arith.constant 0 : i32
    %dma_start3A_97 = tpu.memref_slice %arg4[%add3A_93, %dma_start3A_96] : memref<40960x128xf32, #tpu.memory_space<hbm>> -> memref<128x128xf32, #tpu.memory_space<hbm>>
    tpu.enqueue_dma source(%arg7 : memref<128x128xf32, #tpu.memory_space<vmem>>) target(%dma_start3A_97 : memref<128x128xf32, #tpu.memory_space<hbm>>) target_semaphore(%arg13 : memref<!tpu.dma_semaphore, #tpu.memory_space<semaphore_mem>>)
    %dma_wait3A_98 = arith.constant 0 : i32
    %dma_wait3A_99 = tpu.memref_slice %arg4[%add3A_73, %dma_wait3A_98] : memref<40960x128xf32, #tpu.memory_space<hbm>> -> memref<128x128xf32, #tpu.memory_space<hbm>>
    %dma_wait3A_100 = arith.constant 0 : i32
    %dma_wait3A_101 = tpu.memref_slice %arg4[%add3A_73, %dma_wait3A_100] : memref<40960x128xf32, #tpu.memory_space<hbm>> -> memref<128x128xf32, #tpu.memory_space<hbm>>
    tpu.wait_dma2 semaphore(%arg12 : memref<!tpu.dma_semaphore, #tpu.memory_space<semaphore_mem>>) src(%arg6 : memref<128x128xf32, #tpu.memory_space<vmem>>) dst(%dma_wait3A_101 : memref<128x128xf32, #tpu.memory_space<hbm>>)
    %dma_start3A_102 = arith.constant 768 : i32
    %dma_start3A_103 = tpu.memref_slice %arg5[%dma_start3A_102] : memref<1280xi32, #tpu.memory_space<vmem>> -> memref<128xi32, #tpu.memory_space<vmem>>
    %dma_start3A_104 = arith.constant 0 : i32
    %dma_start3A_105 = arith.constant 0 : i32
    %dma_start3A_106 = tpu.memref_slice %arg2[%dma_start3A_104, %dma_start3A_105] : memref<2048x128xf32, #tpu.memory_space<hbm>> -> memref<2048x128xf32, #tpu.memory_space<hbm>>
    tpu.enqueue_indirect_dma source(%dma_start3A_106 : memref<2048x128xf32, #tpu.memory_space<hbm>>) target(%arg6 : memref<128x128xf32, #tpu.memory_space<vmem>>) offsets(%dma_start3A_103 : memref<128xi32, #tpu.memory_space<vmem>>) semaphore(%arg9 : memref<!tpu.dma_semaphore, #tpu.memory_space<semaphore_mem>>)
    %dma_wait3A_107 = arith.constant 640 : i32
    %dma_wait3A_108 = tpu.memref_slice %arg5[%dma_wait3A_107] : memref<1280xi32, #tpu.memory_space<vmem>> -> memref<128xi32, #tpu.memory_space<vmem>>
    %dma_wait3A_109 = arith.constant 0 : i32
    %dma_wait3A_110 = arith.constant 0 : i32
    %dma_wait3A_111 = tpu.memref_slice %arg2[%dma_wait3A_109, %dma_wait3A_110] : memref<2048x128xf32, #tpu.memory_space<hbm>> -> memref<2048x128xf32, #tpu.memory_space<hbm>>
    tpu.wait_indirect_dma semaphore(%arg11 : memref<!tpu.dma_semaphore, #tpu.memory_space<semaphore_mem>>) src(%dma_wait3A_111 : memref<2048x128xf32, #tpu.memory_space<hbm>>) dst(%arg8 : memref<128x128xf32, #tpu.memory_space<vmem>>)
    %add3A_112 = arith.constant 640 : i32
    %add3A_113 = arith.addi %mul3A_2, %add3A_112 : i32
    %dma_start3A_114 = arith.constant 0 : i32
    %dma_start3A_115 = tpu.memref_slice %arg4[%add3A_113, %dma_start3A_114] : memref<40960x128xf32, #tpu.memory_space<hbm>> -> memref<128x128xf32, #tpu.memory_space<hbm>>
    %dma_start3A_116 = arith.constant 0 : i32
    %dma_start3A_117 = tpu.memref_slice %arg4[%add3A_113, %dma_start3A_116] : memref<40960x128xf32, #tpu.memory_space<hbm>> -> memref<128x128xf32, #tpu.memory_space<hbm>>
    tpu.enqueue_dma source(%arg8 : memref<128x128xf32, #tpu.memory_space<vmem>>) target(%dma_start3A_117 : memref<128x128xf32, #tpu.memory_space<hbm>>) target_semaphore(%arg14 : memref<!tpu.dma_semaphore, #tpu.memory_space<semaphore_mem>>)
    %dma_wait3A_118 = arith.constant 0 : i32
    %dma_wait3A_119 = tpu.memref_slice %arg4[%add3A_93, %dma_wait3A_118] : memref<40960x128xf32, #tpu.memory_space<hbm>> -> memref<128x128xf32, #tpu.memory_space<hbm>>
    %dma_wait3A_120 = arith.constant 0 : i32
    %dma_wait3A_121 = tpu.memref_slice %arg4[%add3A_93, %dma_wait3A_120] : memref<40960x128xf32, #tpu.memory_space<hbm>> -> memref<128x128xf32, #tpu.memory_space<hbm>>
    tpu.wait_dma2 semaphore(%arg13 : memref<!tpu.dma_semaphore, #tpu.memory_space<semaphore_mem>>) src(%arg7 : memref<128x128xf32, #tpu.memory_space<vmem>>) dst(%dma_wait3A_121 : memref<128x128xf32, #tpu.memory_space<hbm>>)
    %dma_start3A_122 = arith.constant 896 : i32
    %dma_start3A_123 = tpu.memref_slice %arg5[%dma_start3A_122] : memref<1280xi32, #tpu.memory_space<vmem>> -> memref<128xi32, #tpu.memory_space<vmem>>
    %dma_start3A_124 = arith.constant 0 : i32
    %dma_start3A_125 = arith.constant 0 : i32
    %dma_start3A_126 = tpu.memref_slice %arg2[%dma_start3A_124, %dma_start3A_125] : memref<2048x128xf32, #tpu.memory_space<hbm>> -> memref<2048x128xf32, #tpu.memory_space<hbm>>
    tpu.enqueue_indirect_dma source(%dma_start3A_126 : memref<2048x128xf32, #tpu.memory_space<hbm>>) target(%arg7 : memref<128x128xf32, #tpu.memory_space<vmem>>) offsets(%dma_start3A_123 : memref<128xi32, #tpu.memory_space<vmem>>) semaphore(%arg10 : memref<!tpu.dma_semaphore, #tpu.memory_space<semaphore_mem>>)
    %dma_wait3A_127 = arith.constant 768 : i32
    %dma_wait3A_128 = tpu.memref_slice %arg5[%dma_wait3A_127] : memref<1280xi32, #tpu.memory_space<vmem>> -> memref<128xi32, #tpu.memory_space<vmem>>
    %dma_wait3A_129 = arith.constant 0 : i32
    %dma_wait3A_130 = arith.constant 0 : i32
    %dma_wait3A_131 = tpu.memref_slice %arg2[%dma_wait3A_129, %dma_wait3A_130] : memref<2048x128xf32, #tpu.memory_space<hbm>> -> memref<2048x128xf32, #tpu.memory_space<hbm>>
    tpu.wait_indirect_dma semaphore(%arg9 : memref<!tpu.dma_semaphore, #tpu.memory_space<semaphore_mem>>) src(%dma_wait3A_131 : memref<2048x128xf32, #tpu.memory_space<hbm>>) dst(%arg6 : memref<128x128xf32, #tpu.memory_space<vmem>>)
    %add3A_132 = arith.constant 768 : i32
    %add3A_133 = arith.addi %mul3A_2, %add3A_132 : i32
    %dma_start3A_134 = arith.constant 0 : i32
    %dma_start3A_135 = tpu.memref_slice %arg4[%add3A_133, %dma_start3A_134] : memref<40960x128xf32, #tpu.memory_space<hbm>> -> memref<128x128xf32, #tpu.memory_space<hbm>>
    %dma_start3A_136 = arith.constant 0 : i32
    %dma_start3A_137 = tpu.memref_slice %arg4[%add3A_133, %dma_start3A_136] : memref<40960x128xf32, #tpu.memory_space<hbm>> -> memref<128x128xf32, #tpu.memory_space<hbm>>
    tpu.enqueue_dma source(%arg6 : memref<128x128xf32, #tpu.memory_space<vmem>>) target(%dma_start3A_137 : memref<128x128xf32, #tpu.memory_space<hbm>>) target_semaphore(%arg12 : memref<!tpu.dma_semaphore, #tpu.memory_space<semaphore_mem>>)
    %dma_wait3A_138 = arith.constant 0 : i32
    %dma_wait3A_139 = tpu.memref_slice %arg4[%add3A_113, %dma_wait3A_138] : memref<40960x128xf32, #tpu.memory_space<hbm>> -> memref<128x128xf32, #tpu.memory_space<hbm>>
    %dma_wait3A_140 = arith.constant 0 : i32
    %dma_wait3A_141 = tpu.memref_slice %arg4[%add3A_113, %dma_wait3A_140] : memref<40960x128xf32, #tpu.memory_space<hbm>> -> memref<128x128xf32, #tpu.memory_space<hbm>>
    tpu.wait_dma2 semaphore(%arg14 : memref<!tpu.dma_semaphore, #tpu.memory_space<semaphore_mem>>) src(%arg8 : memref<128x128xf32, #tpu.memory_space<vmem>>) dst(%dma_wait3A_141 : memref<128x128xf32, #tpu.memory_space<hbm>>)
    %dma_start3A_142 = arith.constant 1024 : i32
    %dma_start3A_143 = tpu.memref_slice %arg5[%dma_start3A_142] : memref<1280xi32, #tpu.memory_space<vmem>> -> memref<128xi32, #tpu.memory_space<vmem>>
    %dma_start3A_144 = arith.constant 0 : i32
    %dma_start3A_145 = arith.constant 0 : i32
    %dma_start3A_146 = tpu.memref_slice %arg2[%dma_start3A_144, %dma_start3A_145] : memref<2048x128xf32, #tpu.memory_space<hbm>> -> memref<2048x128xf32, #tpu.memory_space<hbm>>
    tpu.enqueue_indirect_dma source(%dma_start3A_146 : memref<2048x128xf32, #tpu.memory_space<hbm>>) target(%arg8 : memref<128x128xf32, #tpu.memory_space<vmem>>) offsets(%dma_start3A_143 : memref<128xi32, #tpu.memory_space<vmem>>) semaphore(%arg11 : memref<!tpu.dma_semaphore, #tpu.memory_space<semaphore_mem>>)
    %dma_wait3A_147 = arith.constant 896 : i32
    %dma_wait3A_148 = tpu.memref_slice %arg5[%dma_wait3A_147] : memref<1280xi32, #tpu.memory_space<vmem>> -> memref<128xi32, #tpu.memory_space<vmem>>
    %dma_wait3A_149 = arith.constant 0 : i32
    %dma_wait3A_150 = arith.constant 0 : i32
    %dma_wait3A_151 = tpu.memref_slice %arg2[%dma_wait3A_149, %dma_wait3A_150] : memref<2048x128xf32, #tpu.memory_space<hbm>> -> memref<2048x128xf32, #tpu.memory_space<hbm>>
    tpu.wait_indirect_dma semaphore(%arg10 : memref<!tpu.dma_semaphore, #tpu.memory_space<semaphore_mem>>) src(%dma_wait3A_151 : memref<2048x128xf32, #tpu.memory_space<hbm>>) dst(%arg7 : memref<128x128xf32, #tpu.memory_space<vmem>>)
    %add3A_152 = arith.constant 896 : i32
    %add3A_153 = arith.addi %mul3A_2, %add3A_152 : i32
    %dma_start3A_154 = arith.constant 0 : i32
    %dma_start3A_155 = tpu.memref_slice %arg4[%add3A_153, %dma_start3A_154] : memref<40960x128xf32, #tpu.memory_space<hbm>> -> memref<128x128xf32, #tpu.memory_space<hbm>>
    %dma_start3A_156 = arith.constant 0 : i32
    %dma_start3A_157 = tpu.memref_slice %arg4[%add3A_153, %dma_start3A_156] : memref<40960x128xf32, #tpu.memory_space<hbm>> -> memref<128x128xf32, #tpu.memory_space<hbm>>
    tpu.enqueue_dma source(%arg7 : memref<128x128xf32, #tpu.memory_space<vmem>>) target(%dma_start3A_157 : memref<128x128xf32, #tpu.memory_space<hbm>>) target_semaphore(%arg13 : memref<!tpu.dma_semaphore, #tpu.memory_space<semaphore_mem>>)
    %dma_wait3A_158 = arith.constant 0 : i32
    %dma_wait3A_159 = tpu.memref_slice %arg4[%add3A_133, %dma_wait3A_158] : memref<40960x128xf32, #tpu.memory_space<hbm>> -> memref<128x128xf32, #tpu.memory_space<hbm>>
    %dma_wait3A_160 = arith.constant 0 : i32
    %dma_wait3A_161 = tpu.memref_slice %arg4[%add3A_133, %dma_wait3A_160] : memref<40960x128xf32, #tpu.memory_space<hbm>> -> memref<128x128xf32, #tpu.memory_space<hbm>>
    tpu.wait_dma2 semaphore(%arg12 : memref<!tpu.dma_semaphore, #tpu.memory_space<semaphore_mem>>) src(%arg6 : memref<128x128xf32, #tpu.memory_space<vmem>>) dst(%dma_wait3A_161 : memref<128x128xf32, #tpu.memory_space<hbm>>)
    %dma_start3A_162 = arith.constant 1152 : i32
    %dma_start3A_163 = tpu.memref_slice %arg5[%dma_start3A_162] : memref<1280xi32, #tpu.memory_space<vmem>> -> memref<128xi32, #tpu.memory_space<vmem>>
    %dma_start3A_164 = arith.constant 0 : i32
    %dma_start3A_165 = arith.constant 0 : i32
    %dma_start3A_166 = tpu.memref_slice %arg2[%dma_start3A_164, %dma_start3A_165] : memref<2048x128xf32, #tpu.memory_space<hbm>> -> memref<2048x128xf32, #tpu.memory_space<hbm>>
    tpu.enqueue_indirect_dma source(%dma_start3A_166 : memref<2048x128xf32, #tpu.memory_space<hbm>>) target(%arg6 : memref<128x128xf32, #tpu.memory_space<vmem>>) offsets(%dma_start3A_163 : memref<128xi32, #tpu.memory_space<vmem>>) semaphore(%arg9 : memref<!tpu.dma_semaphore, #tpu.memory_space<semaphore_mem>>)
    %dma_wait3A_167 = arith.constant 1024 : i32
    %dma_wait3A_168 = tpu.memref_slice %arg5[%dma_wait3A_167] : memref<1280xi32, #tpu.memory_space<vmem>> -> memref<128xi32, #tpu.memory_space<vmem>>
    %dma_wait3A_169 = arith.constant 0 : i32
    %dma_wait3A_170 = arith.constant 0 : i32
    %dma_wait3A_171 = tpu.memref_slice %arg2[%dma_wait3A_169, %dma_wait3A_170] : memref<2048x128xf32, #tpu.memory_space<hbm>> -> memref<2048x128xf32, #tpu.memory_space<hbm>>
    tpu.wait_indirect_dma semaphore(%arg11 : memref<!tpu.dma_semaphore, #tpu.memory_space<semaphore_mem>>) src(%dma_wait3A_171 : memref<2048x128xf32, #tpu.memory_space<hbm>>) dst(%arg8 : memref<128x128xf32, #tpu.memory_space<vmem>>)
    %add3A_172 = arith.constant 1024 : i32
    %add3A_173 = arith.addi %mul3A_2, %add3A_172 : i32
    %dma_start3A_174 = arith.constant 0 : i32
    %dma_start3A_175 = tpu.memref_slice %arg4[%add3A_173, %dma_start3A_174] : memref<40960x128xf32, #tpu.memory_space<hbm>> -> memref<128x128xf32, #tpu.memory_space<hbm>>
    %dma_start3A_176 = arith.constant 0 : i32
    %dma_start3A_177 = tpu.memref_slice %arg4[%add3A_173, %dma_start3A_176] : memref<40960x128xf32, #tpu.memory_space<hbm>> -> memref<128x128xf32, #tpu.memory_space<hbm>>
    tpu.enqueue_dma source(%arg8 : memref<128x128xf32, #tpu.memory_space<vmem>>) target(%dma_start3A_177 : memref<128x128xf32, #tpu.memory_space<hbm>>) target_semaphore(%arg14 : memref<!tpu.dma_semaphore, #tpu.memory_space<semaphore_mem>>)
    %dma_wait3A_178 = arith.constant 1152 : i32
    %dma_wait3A_179 = tpu.memref_slice %arg5[%dma_wait3A_178] : memref<1280xi32, #tpu.memory_space<vmem>> -> memref<128xi32, #tpu.memory_space<vmem>>
    %dma_wait3A_180 = arith.constant 0 : i32
    %dma_wait3A_181 = arith.constant 0 : i32
    %dma_wait3A_182 = tpu.memref_slice %arg2[%dma_wait3A_180, %dma_wait3A_181] : memref<2048x128xf32, #tpu.memory_space<hbm>> -> memref<2048x128xf32, #tpu.memory_space<hbm>>
    tpu.wait_indirect_dma semaphore(%arg9 : memref<!tpu.dma_semaphore, #tpu.memory_space<semaphore_mem>>) src(%dma_wait3A_182 : memref<2048x128xf32, #tpu.memory_space<hbm>>) dst(%arg6 : memref<128x128xf32, #tpu.memory_space<vmem>>)
    %add3A_183 = arith.constant 1152 : i32
    %add3A_184 = arith.addi %mul3A_2, %add3A_183 : i32
    %dma_start3A_185 = arith.constant 0 : i32
    %dma_start3A_186 = tpu.memref_slice %arg4[%add3A_184, %dma_start3A_185] : memref<40960x128xf32, #tpu.memory_space<hbm>> -> memref<128x128xf32, #tpu.memory_space<hbm>>
    %dma_start3A_187 = arith.constant 0 : i32
    %dma_start3A_188 = tpu.memref_slice %arg4[%add3A_184, %dma_start3A_187] : memref<40960x128xf32, #tpu.memory_space<hbm>> -> memref<128x128xf32, #tpu.memory_space<hbm>>
    tpu.enqueue_dma source(%arg6 : memref<128x128xf32, #tpu.memory_space<vmem>>) target(%dma_start3A_188 : memref<128x128xf32, #tpu.memory_space<hbm>>) target_semaphore(%arg12 : memref<!tpu.dma_semaphore, #tpu.memory_space<semaphore_mem>>)
    %dma_wait3A_189 = arith.constant 0 : i32
    %dma_wait3A_190 = tpu.memref_slice %arg4[%add3A_184, %dma_wait3A_189] : memref<40960x128xf32, #tpu.memory_space<hbm>> -> memref<128x128xf32, #tpu.memory_space<hbm>>
    %dma_wait3A_191 = arith.constant 0 : i32
    %dma_wait3A_192 = tpu.memref_slice %arg4[%add3A_184, %dma_wait3A_191] : memref<40960x128xf32, #tpu.memory_space<hbm>> -> memref<128x128xf32, #tpu.memory_space<hbm>>
    tpu.wait_dma2 semaphore(%arg12 : memref<!tpu.dma_semaphore, #tpu.memory_space<semaphore_mem>>) src(%arg6 : memref<128x128xf32, #tpu.memory_space<vmem>>) dst(%dma_wait3A_192 : memref<128x128xf32, #tpu.memory_space<hbm>>)
    %dma_wait3A_193 = arith.constant 0 : i32
    %dma_wait3A_194 = tpu.memref_slice %arg4[%add3A_153, %dma_wait3A_193] : memref<40960x128xf32, #tpu.memory_space<hbm>> -> memref<128x128xf32, #tpu.memory_space<hbm>>
    %dma_wait3A_195 = arith.constant 0 : i32
    %dma_wait3A_196 = tpu.memref_slice %arg4[%add3A_153, %dma_wait3A_195] : memref<40960x128xf32, #tpu.memory_space<hbm>> -> memref<128x128xf32, #tpu.memory_space<hbm>>
    tpu.wait_dma2 semaphore(%arg13 : memref<!tpu.dma_semaphore, #tpu.memory_space<semaphore_mem>>) src(%arg7 : memref<128x128xf32, #tpu.memory_space<vmem>>) dst(%dma_wait3A_196 : memref<128x128xf32, #tpu.memory_space<hbm>>)
    %dma_wait3A_197 = arith.constant 0 : i32
    %dma_wait3A_198 = tpu.memref_slice %arg4[%add3A_173, %dma_wait3A_197] : memref<40960x128xf32, #tpu.memory_space<hbm>> -> memref<128x128xf32, #tpu.memory_space<hbm>>
    %dma_wait3A_199 = arith.constant 0 : i32
    %dma_wait3A_200 = tpu.memref_slice %arg4[%add3A_173, %dma_wait3A_199] : memref<40960x128xf32, #tpu.memory_space<hbm>> -> memref<128x128xf32, #tpu.memory_space<hbm>>
    tpu.wait_dma2 semaphore(%arg14 : memref<!tpu.dma_semaphore, #tpu.memory_space<semaphore_mem>>) src(%arg8 : memref<128x128xf32, #tpu.memory_space<vmem>>) dst(%dma_wait3A_200 : memref<128x128xf32, #tpu.memory_space<hbm>>)
    return
  }
}

#map = affine_map<(d0, d1) -> (0, 0)>
module attributes {stable_mosaic.version = 14 : i64} {
  func.func @stage_b(%arg0: i32, %arg1: i32, %arg2: memref<2048x128xf32, #tpu.memory_space<hbm>>, %arg3: memref<32x1280xi32, #tpu.memory_space<hbm>>, %arg4: memref<40960x128xf32, #tpu.memory_space<hbm>>, %arg5: memref<1280xi32, #tpu.memory_space<vmem>>, %arg6: memref<128x128xf32, #tpu.memory_space<vmem>>, %arg7: memref<128x128xf32, #tpu.memory_space<vmem>>, %arg8: memref<128x128xf32, #tpu.memory_space<vmem>>, %arg9: memref<!tpu.dma_semaphore, #tpu.memory_space<semaphore_mem>>, %arg10: memref<!tpu.dma_semaphore, #tpu.memory_space<semaphore_mem>>, %arg11: memref<!tpu.dma_semaphore, #tpu.memory_space<semaphore_mem>>, %arg12: memref<!tpu.dma_semaphore, #tpu.memory_space<semaphore_mem>>, %arg13: memref<!tpu.dma_semaphore, #tpu.memory_space<semaphore_mem>>, %arg14: memref<!tpu.dma_semaphore, #tpu.memory_space<semaphore_mem>>) attributes {dimension_semantics = [#tpu.dimension_semantics<core_parallel>, #tpu.dimension_semantics<subcore_parallel>], iteration_bounds = array<i64: 2, 16>, scalar_prefetch = 0 : i64, scratch_operands = 10 : i64, tpu.core_type = #tpu.core_type<sc_vector_subcore>, window_params = [{transform_indices = #map}, {transform_indices = #map}, {transform_indices = #map}]} {
    %mul3A = arith.constant 2 : i32
    %mul3A_0 = arith.muli %arg1, %mul3A : i32
    %add3A = arith.addi %mul3A_0, %arg0 : i32
    %mul3A_1 = arith.constant 1280 : i32
    %mul3A_2 = arith.muli %add3A, %mul3A_1 : i32
    "tpu.region"() ({
      %run_scoped3A = tpu.sem_alloc : memref<!tpu.dma_semaphore, #tpu.memory_space<semaphore_mem>>
      %dma_start3A_201 = arith.constant 0 : i32
      %dma_start3A_202 = tpu.memref_slice %arg3[%add3A, %dma_start3A_201] : memref<32x1280xi32, #tpu.memory_space<hbm>> -> memref<1x1280xi32, #tpu.memory_space<hbm>>
      %dma_start3A_203 = tpu.memref_squeeze %dma_start3A_202 : memref<1x1280xi32, #tpu.memory_space<hbm>> -> memref<1280xi32, #tpu.memory_space<hbm>>
      %dma_start3A_204 = arith.constant 0 : i32
      %dma_start3A_205 = tpu.memref_slice %arg3[%add3A, %dma_start3A_204] : memref<32x1280xi32, #tpu.memory_space<hbm>> -> memref<1x1280xi32, #tpu.memory_space<hbm>>
      %dma_start3A_206 = tpu.memref_squeeze %dma_start3A_205 : memref<1x1280xi32, #tpu.memory_space<hbm>> -> memref<1280xi32, #tpu.memory_space<hbm>>
      tpu.enqueue_dma source(%dma_start3A_206 : memref<1280xi32, #tpu.memory_space<hbm>>) target(%arg5 : memref<1280xi32, #tpu.memory_space<vmem>>) target_semaphore(%run_scoped3A : memref<!tpu.dma_semaphore, #tpu.memory_space<semaphore_mem>>)
      %dma_wait3A_207 = arith.constant 0 : i32
      %dma_wait3A_208 = tpu.memref_slice %arg3[%add3A, %dma_wait3A_207] : memref<32x1280xi32, #tpu.memory_space<hbm>> -> memref<1x1280xi32, #tpu.memory_space<hbm>>
      %dma_wait3A_209 = tpu.memref_squeeze %dma_wait3A_208 : memref<1x1280xi32, #tpu.memory_space<hbm>> -> memref<1280xi32, #tpu.memory_space<hbm>>
      %dma_wait3A_210 = arith.constant 0 : i32
      %dma_wait3A_211 = tpu.memref_slice %arg3[%add3A, %dma_wait3A_210] : memref<32x1280xi32, #tpu.memory_space<hbm>> -> memref<1x1280xi32, #tpu.memory_space<hbm>>
      %dma_wait3A_212 = tpu.memref_squeeze %dma_wait3A_211 : memref<1x1280xi32, #tpu.memory_space<hbm>> -> memref<1280xi32, #tpu.memory_space<hbm>>
      tpu.wait_dma2 semaphore(%run_scoped3A : memref<!tpu.dma_semaphore, #tpu.memory_space<semaphore_mem>>) src(%dma_wait3A_212 : memref<1280xi32, #tpu.memory_space<hbm>>) dst(%arg5 : memref<1280xi32, #tpu.memory_space<vmem>>)
      tpu.yield
    }) : () -> ()
    %dma_start3A = arith.constant 0 : i32
    %dma_start3A_3 = tpu.memref_slice %arg5[%dma_start3A] : memref<1280xi32, #tpu.memory_space<vmem>> -> memref<128xi32, #tpu.memory_space<vmem>>
    %dma_start3A_4 = arith.constant 0 : i32
    %dma_start3A_5 = arith.constant 0 : i32
    %dma_start3A_6 = tpu.memref_slice %arg2[%dma_start3A_4, %dma_start3A_5] : memref<2048x128xf32, #tpu.memory_space<hbm>> -> memref<2048x128xf32, #tpu.memory_space<hbm>>
    tpu.enqueue_indirect_dma source(%dma_start3A_6 : memref<2048x128xf32, #tpu.memory_space<hbm>>) target(%arg6 : memref<128x128xf32, #tpu.memory_space<vmem>>) offsets(%dma_start3A_3 : memref<128xi32, #tpu.memory_space<vmem>>) semaphore(%arg9 : memref<!tpu.dma_semaphore, #tpu.memory_space<semaphore_mem>>)
    %dma_start3A_7 = arith.constant 128 : i32
    %dma_start3A_8 = tpu.memref_slice %arg5[%dma_start3A_7] : memref<1280xi32, #tpu.memory_space<vmem>> -> memref<128xi32, #tpu.memory_space<vmem>>
    %dma_start3A_9 = arith.constant 0 : i32
    %dma_start3A_10 = arith.constant 0 : i32
    %dma_start3A_11 = tpu.memref_slice %arg2[%dma_start3A_9, %dma_start3A_10] : memref<2048x128xf32, #tpu.memory_space<hbm>> -> memref<2048x128xf32, #tpu.memory_space<hbm>>
    tpu.enqueue_indirect_dma source(%dma_start3A_11 : memref<2048x128xf32, #tpu.memory_space<hbm>>) target(%arg7 : memref<128x128xf32, #tpu.memory_space<vmem>>) offsets(%dma_start3A_8 : memref<128xi32, #tpu.memory_space<vmem>>) semaphore(%arg10 : memref<!tpu.dma_semaphore, #tpu.memory_space<semaphore_mem>>)
    %dma_wait3A = arith.constant 0 : i32
    %dma_wait3A_12 = tpu.memref_slice %arg5[%dma_wait3A] : memref<1280xi32, #tpu.memory_space<vmem>> -> memref<128xi32, #tpu.memory_space<vmem>>
    %dma_wait3A_13 = arith.constant 0 : i32
    %dma_wait3A_14 = arith.constant 0 : i32
    %dma_wait3A_15 = tpu.memref_slice %arg2[%dma_wait3A_13, %dma_wait3A_14] : memref<2048x128xf32, #tpu.memory_space<hbm>> -> memref<2048x128xf32, #tpu.memory_space<hbm>>
    tpu.wait_indirect_dma semaphore(%arg9 : memref<!tpu.dma_semaphore, #tpu.memory_space<semaphore_mem>>) src(%dma_wait3A_15 : memref<2048x128xf32, #tpu.memory_space<hbm>>) dst(%arg6 : memref<128x128xf32, #tpu.memory_space<vmem>>)
    %add3A_16 = arith.constant 0 : i32
    %add3A_17 = arith.addi %mul3A_2, %add3A_16 : i32
    %dma_start3A_18 = arith.constant 0 : i32
    %dma_start3A_19 = tpu.memref_slice %arg4[%add3A_17, %dma_start3A_18] : memref<40960x128xf32, #tpu.memory_space<hbm>> -> memref<128x128xf32, #tpu.memory_space<hbm>>
    %dma_start3A_20 = arith.constant 0 : i32
    %dma_start3A_21 = tpu.memref_slice %arg4[%add3A_17, %dma_start3A_20] : memref<40960x128xf32, #tpu.memory_space<hbm>> -> memref<128x128xf32, #tpu.memory_space<hbm>>
    tpu.enqueue_dma source(%arg6 : memref<128x128xf32, #tpu.memory_space<vmem>>) target(%dma_start3A_21 : memref<128x128xf32, #tpu.memory_space<hbm>>) target_semaphore(%arg12 : memref<!tpu.dma_semaphore, #tpu.memory_space<semaphore_mem>>)
    %dma_start3A_22 = arith.constant 256 : i32
    %dma_start3A_23 = tpu.memref_slice %arg5[%dma_start3A_22] : memref<1280xi32, #tpu.memory_space<vmem>> -> memref<128xi32, #tpu.memory_space<vmem>>
    %dma_start3A_24 = arith.constant 0 : i32
    %dma_start3A_25 = arith.constant 0 : i32
    %dma_start3A_26 = tpu.memref_slice %arg2[%dma_start3A_24, %dma_start3A_25] : memref<2048x128xf32, #tpu.memory_space<hbm>> -> memref<2048x128xf32, #tpu.memory_space<hbm>>
    tpu.enqueue_indirect_dma source(%dma_start3A_26 : memref<2048x128xf32, #tpu.memory_space<hbm>>) target(%arg8 : memref<128x128xf32, #tpu.memory_space<vmem>>) offsets(%dma_start3A_23 : memref<128xi32, #tpu.memory_space<vmem>>) semaphore(%arg11 : memref<!tpu.dma_semaphore, #tpu.memory_space<semaphore_mem>>)
    %dma_wait3A_27 = arith.constant 128 : i32
    %dma_wait3A_28 = tpu.memref_slice %arg5[%dma_wait3A_27] : memref<1280xi32, #tpu.memory_space<vmem>> -> memref<128xi32, #tpu.memory_space<vmem>>
    %dma_wait3A_29 = arith.constant 0 : i32
    %dma_wait3A_30 = arith.constant 0 : i32
    %dma_wait3A_31 = tpu.memref_slice %arg2[%dma_wait3A_29, %dma_wait3A_30] : memref<2048x128xf32, #tpu.memory_space<hbm>> -> memref<2048x128xf32, #tpu.memory_space<hbm>>
    tpu.wait_indirect_dma semaphore(%arg10 : memref<!tpu.dma_semaphore, #tpu.memory_space<semaphore_mem>>) src(%dma_wait3A_31 : memref<2048x128xf32, #tpu.memory_space<hbm>>) dst(%arg7 : memref<128x128xf32, #tpu.memory_space<vmem>>)
    %add3A_32 = arith.constant 128 : i32
    %add3A_33 = arith.addi %mul3A_2, %add3A_32 : i32
    %dma_start3A_34 = arith.constant 0 : i32
    %dma_start3A_35 = tpu.memref_slice %arg4[%add3A_33, %dma_start3A_34] : memref<40960x128xf32, #tpu.memory_space<hbm>> -> memref<128x128xf32, #tpu.memory_space<hbm>>
    %dma_start3A_36 = arith.constant 0 : i32
    %dma_start3A_37 = tpu.memref_slice %arg4[%add3A_33, %dma_start3A_36] : memref<40960x128xf32, #tpu.memory_space<hbm>> -> memref<128x128xf32, #tpu.memory_space<hbm>>
    tpu.enqueue_dma source(%arg7 : memref<128x128xf32, #tpu.memory_space<vmem>>) target(%dma_start3A_37 : memref<128x128xf32, #tpu.memory_space<hbm>>) target_semaphore(%arg13 : memref<!tpu.dma_semaphore, #tpu.memory_space<semaphore_mem>>)
    %dma_wait3A_38 = arith.constant 0 : i32
    %dma_wait3A_39 = tpu.memref_slice %arg4[%add3A_17, %dma_wait3A_38] : memref<40960x128xf32, #tpu.memory_space<hbm>> -> memref<128x128xf32, #tpu.memory_space<hbm>>
    %dma_wait3A_40 = arith.constant 0 : i32
    %dma_wait3A_41 = tpu.memref_slice %arg4[%add3A_17, %dma_wait3A_40] : memref<40960x128xf32, #tpu.memory_space<hbm>> -> memref<128x128xf32, #tpu.memory_space<hbm>>
    tpu.wait_dma2 semaphore(%arg12 : memref<!tpu.dma_semaphore, #tpu.memory_space<semaphore_mem>>) src(%arg6 : memref<128x128xf32, #tpu.memory_space<vmem>>) dst(%dma_wait3A_41 : memref<128x128xf32, #tpu.memory_space<hbm>>)
    %dma_start3A_42 = arith.constant 384 : i32
    %dma_start3A_43 = tpu.memref_slice %arg5[%dma_start3A_42] : memref<1280xi32, #tpu.memory_space<vmem>> -> memref<128xi32, #tpu.memory_space<vmem>>
    %dma_start3A_44 = arith.constant 0 : i32
    %dma_start3A_45 = arith.constant 0 : i32
    %dma_start3A_46 = tpu.memref_slice %arg2[%dma_start3A_44, %dma_start3A_45] : memref<2048x128xf32, #tpu.memory_space<hbm>> -> memref<2048x128xf32, #tpu.memory_space<hbm>>
    tpu.enqueue_indirect_dma source(%dma_start3A_46 : memref<2048x128xf32, #tpu.memory_space<hbm>>) target(%arg6 : memref<128x128xf32, #tpu.memory_space<vmem>>) offsets(%dma_start3A_43 : memref<128xi32, #tpu.memory_space<vmem>>) semaphore(%arg9 : memref<!tpu.dma_semaphore, #tpu.memory_space<semaphore_mem>>)
    %dma_wait3A_47 = arith.constant 256 : i32
    %dma_wait3A_48 = tpu.memref_slice %arg5[%dma_wait3A_47] : memref<1280xi32, #tpu.memory_space<vmem>> -> memref<128xi32, #tpu.memory_space<vmem>>
    %dma_wait3A_49 = arith.constant 0 : i32
    %dma_wait3A_50 = arith.constant 0 : i32
    %dma_wait3A_51 = tpu.memref_slice %arg2[%dma_wait3A_49, %dma_wait3A_50] : memref<2048x128xf32, #tpu.memory_space<hbm>> -> memref<2048x128xf32, #tpu.memory_space<hbm>>
    tpu.wait_indirect_dma semaphore(%arg11 : memref<!tpu.dma_semaphore, #tpu.memory_space<semaphore_mem>>) src(%dma_wait3A_51 : memref<2048x128xf32, #tpu.memory_space<hbm>>) dst(%arg8 : memref<128x128xf32, #tpu.memory_space<vmem>>)
    %add3A_52 = arith.constant 256 : i32
    %add3A_53 = arith.addi %mul3A_2, %add3A_52 : i32
    %dma_start3A_54 = arith.constant 0 : i32
    %dma_start3A_55 = tpu.memref_slice %arg4[%add3A_53, %dma_start3A_54] : memref<40960x128xf32, #tpu.memory_space<hbm>> -> memref<128x128xf32, #tpu.memory_space<hbm>>
    %dma_start3A_56 = arith.constant 0 : i32
    %dma_start3A_57 = tpu.memref_slice %arg4[%add3A_53, %dma_start3A_56] : memref<40960x128xf32, #tpu.memory_space<hbm>> -> memref<128x128xf32, #tpu.memory_space<hbm>>
    tpu.enqueue_dma source(%arg8 : memref<128x128xf32, #tpu.memory_space<vmem>>) target(%dma_start3A_57 : memref<128x128xf32, #tpu.memory_space<hbm>>) target_semaphore(%arg14 : memref<!tpu.dma_semaphore, #tpu.memory_space<semaphore_mem>>)
    %dma_wait3A_58 = arith.constant 0 : i32
    %dma_wait3A_59 = tpu.memref_slice %arg4[%add3A_33, %dma_wait3A_58] : memref<40960x128xf32, #tpu.memory_space<hbm>> -> memref<128x128xf32, #tpu.memory_space<hbm>>
    %dma_wait3A_60 = arith.constant 0 : i32
    %dma_wait3A_61 = tpu.memref_slice %arg4[%add3A_33, %dma_wait3A_60] : memref<40960x128xf32, #tpu.memory_space<hbm>> -> memref<128x128xf32, #tpu.memory_space<hbm>>
    tpu.wait_dma2 semaphore(%arg13 : memref<!tpu.dma_semaphore, #tpu.memory_space<semaphore_mem>>) src(%arg7 : memref<128x128xf32, #tpu.memory_space<vmem>>) dst(%dma_wait3A_61 : memref<128x128xf32, #tpu.memory_space<hbm>>)
    %dma_start3A_62 = arith.constant 512 : i32
    %dma_start3A_63 = tpu.memref_slice %arg5[%dma_start3A_62] : memref<1280xi32, #tpu.memory_space<vmem>> -> memref<128xi32, #tpu.memory_space<vmem>>
    %dma_start3A_64 = arith.constant 0 : i32
    %dma_start3A_65 = arith.constant 0 : i32
    %dma_start3A_66 = tpu.memref_slice %arg2[%dma_start3A_64, %dma_start3A_65] : memref<2048x128xf32, #tpu.memory_space<hbm>> -> memref<2048x128xf32, #tpu.memory_space<hbm>>
    tpu.enqueue_indirect_dma source(%dma_start3A_66 : memref<2048x128xf32, #tpu.memory_space<hbm>>) target(%arg7 : memref<128x128xf32, #tpu.memory_space<vmem>>) offsets(%dma_start3A_63 : memref<128xi32, #tpu.memory_space<vmem>>) semaphore(%arg10 : memref<!tpu.dma_semaphore, #tpu.memory_space<semaphore_mem>>)
    %dma_wait3A_67 = arith.constant 384 : i32
    %dma_wait3A_68 = tpu.memref_slice %arg5[%dma_wait3A_67] : memref<1280xi32, #tpu.memory_space<vmem>> -> memref<128xi32, #tpu.memory_space<vmem>>
    %dma_wait3A_69 = arith.constant 0 : i32
    %dma_wait3A_70 = arith.constant 0 : i32
    %dma_wait3A_71 = tpu.memref_slice %arg2[%dma_wait3A_69, %dma_wait3A_70] : memref<2048x128xf32, #tpu.memory_space<hbm>> -> memref<2048x128xf32, #tpu.memory_space<hbm>>
    tpu.wait_indirect_dma semaphore(%arg9 : memref<!tpu.dma_semaphore, #tpu.memory_space<semaphore_mem>>) src(%dma_wait3A_71 : memref<2048x128xf32, #tpu.memory_space<hbm>>) dst(%arg6 : memref<128x128xf32, #tpu.memory_space<vmem>>)
    %add3A_72 = arith.constant 384 : i32
    %add3A_73 = arith.addi %mul3A_2, %add3A_72 : i32
    %dma_start3A_74 = arith.constant 0 : i32
    %dma_start3A_75 = tpu.memref_slice %arg4[%add3A_73, %dma_start3A_74] : memref<40960x128xf32, #tpu.memory_space<hbm>> -> memref<128x128xf32, #tpu.memory_space<hbm>>
    %dma_start3A_76 = arith.constant 0 : i32
    %dma_start3A_77 = tpu.memref_slice %arg4[%add3A_73, %dma_start3A_76] : memref<40960x128xf32, #tpu.memory_space<hbm>> -> memref<128x128xf32, #tpu.memory_space<hbm>>
    tpu.enqueue_dma source(%arg6 : memref<128x128xf32, #tpu.memory_space<vmem>>) target(%dma_start3A_77 : memref<128x128xf32, #tpu.memory_space<hbm>>) target_semaphore(%arg12 : memref<!tpu.dma_semaphore, #tpu.memory_space<semaphore_mem>>)
    %dma_wait3A_78 = arith.constant 0 : i32
    %dma_wait3A_79 = tpu.memref_slice %arg4[%add3A_53, %dma_wait3A_78] : memref<40960x128xf32, #tpu.memory_space<hbm>> -> memref<128x128xf32, #tpu.memory_space<hbm>>
    %dma_wait3A_80 = arith.constant 0 : i32
    %dma_wait3A_81 = tpu.memref_slice %arg4[%add3A_53, %dma_wait3A_80] : memref<40960x128xf32, #tpu.memory_space<hbm>> -> memref<128x128xf32, #tpu.memory_space<hbm>>
    tpu.wait_dma2 semaphore(%arg14 : memref<!tpu.dma_semaphore, #tpu.memory_space<semaphore_mem>>) src(%arg8 : memref<128x128xf32, #tpu.memory_space<vmem>>) dst(%dma_wait3A_81 : memref<128x128xf32, #tpu.memory_space<hbm>>)
    %dma_start3A_82 = arith.constant 640 : i32
    %dma_start3A_83 = tpu.memref_slice %arg5[%dma_start3A_82] : memref<1280xi32, #tpu.memory_space<vmem>> -> memref<128xi32, #tpu.memory_space<vmem>>
    %dma_start3A_84 = arith.constant 0 : i32
    %dma_start3A_85 = arith.constant 0 : i32
    %dma_start3A_86 = tpu.memref_slice %arg2[%dma_start3A_84, %dma_start3A_85] : memref<2048x128xf32, #tpu.memory_space<hbm>> -> memref<2048x128xf32, #tpu.memory_space<hbm>>
    tpu.enqueue_indirect_dma source(%dma_start3A_86 : memref<2048x128xf32, #tpu.memory_space<hbm>>) target(%arg8 : memref<128x128xf32, #tpu.memory_space<vmem>>) offsets(%dma_start3A_83 : memref<128xi32, #tpu.memory_space<vmem>>) semaphore(%arg11 : memref<!tpu.dma_semaphore, #tpu.memory_space<semaphore_mem>>)
    %dma_wait3A_87 = arith.constant 512 : i32
    %dma_wait3A_88 = tpu.memref_slice %arg5[%dma_wait3A_87] : memref<1280xi32, #tpu.memory_space<vmem>> -> memref<128xi32, #tpu.memory_space<vmem>>
    %dma_wait3A_89 = arith.constant 0 : i32
    %dma_wait3A_90 = arith.constant 0 : i32
    %dma_wait3A_91 = tpu.memref_slice %arg2[%dma_wait3A_89, %dma_wait3A_90] : memref<2048x128xf32, #tpu.memory_space<hbm>> -> memref<2048x128xf32, #tpu.memory_space<hbm>>
    tpu.wait_indirect_dma semaphore(%arg10 : memref<!tpu.dma_semaphore, #tpu.memory_space<semaphore_mem>>) src(%dma_wait3A_91 : memref<2048x128xf32, #tpu.memory_space<hbm>>) dst(%arg7 : memref<128x128xf32, #tpu.memory_space<vmem>>)
    %add3A_92 = arith.constant 512 : i32
    %add3A_93 = arith.addi %mul3A_2, %add3A_92 : i32
    %dma_start3A_94 = arith.constant 0 : i32
    %dma_start3A_95 = tpu.memref_slice %arg4[%add3A_93, %dma_start3A_94] : memref<40960x128xf32, #tpu.memory_space<hbm>> -> memref<128x128xf32, #tpu.memory_space<hbm>>
    %dma_start3A_96 = arith.constant 0 : i32
    %dma_start3A_97 = tpu.memref_slice %arg4[%add3A_93, %dma_start3A_96] : memref<40960x128xf32, #tpu.memory_space<hbm>> -> memref<128x128xf32, #tpu.memory_space<hbm>>
    tpu.enqueue_dma source(%arg7 : memref<128x128xf32, #tpu.memory_space<vmem>>) target(%dma_start3A_97 : memref<128x128xf32, #tpu.memory_space<hbm>>) target_semaphore(%arg13 : memref<!tpu.dma_semaphore, #tpu.memory_space<semaphore_mem>>)
    %dma_wait3A_98 = arith.constant 0 : i32
    %dma_wait3A_99 = tpu.memref_slice %arg4[%add3A_73, %dma_wait3A_98] : memref<40960x128xf32, #tpu.memory_space<hbm>> -> memref<128x128xf32, #tpu.memory_space<hbm>>
    %dma_wait3A_100 = arith.constant 0 : i32
    %dma_wait3A_101 = tpu.memref_slice %arg4[%add3A_73, %dma_wait3A_100] : memref<40960x128xf32, #tpu.memory_space<hbm>> -> memref<128x128xf32, #tpu.memory_space<hbm>>
    tpu.wait_dma2 semaphore(%arg12 : memref<!tpu.dma_semaphore, #tpu.memory_space<semaphore_mem>>) src(%arg6 : memref<128x128xf32, #tpu.memory_space<vmem>>) dst(%dma_wait3A_101 : memref<128x128xf32, #tpu.memory_space<hbm>>)
    %dma_start3A_102 = arith.constant 768 : i32
    %dma_start3A_103 = tpu.memref_slice %arg5[%dma_start3A_102] : memref<1280xi32, #tpu.memory_space<vmem>> -> memref<128xi32, #tpu.memory_space<vmem>>
    %dma_start3A_104 = arith.constant 0 : i32
    %dma_start3A_105 = arith.constant 0 : i32
    %dma_start3A_106 = tpu.memref_slice %arg2[%dma_start3A_104, %dma_start3A_105] : memref<2048x128xf32, #tpu.memory_space<hbm>> -> memref<2048x128xf32, #tpu.memory_space<hbm>>
    tpu.enqueue_indirect_dma source(%dma_start3A_106 : memref<2048x128xf32, #tpu.memory_space<hbm>>) target(%arg6 : memref<128x128xf32, #tpu.memory_space<vmem>>) offsets(%dma_start3A_103 : memref<128xi32, #tpu.memory_space<vmem>>) semaphore(%arg9 : memref<!tpu.dma_semaphore, #tpu.memory_space<semaphore_mem>>)
    %dma_wait3A_107 = arith.constant 640 : i32
    %dma_wait3A_108 = tpu.memref_slice %arg5[%dma_wait3A_107] : memref<1280xi32, #tpu.memory_space<vmem>> -> memref<128xi32, #tpu.memory_space<vmem>>
    %dma_wait3A_109 = arith.constant 0 : i32
    %dma_wait3A_110 = arith.constant 0 : i32
    %dma_wait3A_111 = tpu.memref_slice %arg2[%dma_wait3A_109, %dma_wait3A_110] : memref<2048x128xf32, #tpu.memory_space<hbm>> -> memref<2048x128xf32, #tpu.memory_space<hbm>>
    tpu.wait_indirect_dma semaphore(%arg11 : memref<!tpu.dma_semaphore, #tpu.memory_space<semaphore_mem>>) src(%dma_wait3A_111 : memref<2048x128xf32, #tpu.memory_space<hbm>>) dst(%arg8 : memref<128x128xf32, #tpu.memory_space<vmem>>)
    %add3A_112 = arith.constant 640 : i32
    %add3A_113 = arith.addi %mul3A_2, %add3A_112 : i32
    %dma_start3A_114 = arith.constant 0 : i32
    %dma_start3A_115 = tpu.memref_slice %arg4[%add3A_113, %dma_start3A_114] : memref<40960x128xf32, #tpu.memory_space<hbm>> -> memref<128x128xf32, #tpu.memory_space<hbm>>
    %dma_start3A_116 = arith.constant 0 : i32
    %dma_start3A_117 = tpu.memref_slice %arg4[%add3A_113, %dma_start3A_116] : memref<40960x128xf32, #tpu.memory_space<hbm>> -> memref<128x128xf32, #tpu.memory_space<hbm>>
    tpu.enqueue_dma source(%arg8 : memref<128x128xf32, #tpu.memory_space<vmem>>) target(%dma_start3A_117 : memref<128x128xf32, #tpu.memory_space<hbm>>) target_semaphore(%arg14 : memref<!tpu.dma_semaphore, #tpu.memory_space<semaphore_mem>>)
    %dma_wait3A_118 = arith.constant 0 : i32
    %dma_wait3A_119 = tpu.memref_slice %arg4[%add3A_93, %dma_wait3A_118] : memref<40960x128xf32, #tpu.memory_space<hbm>> -> memref<128x128xf32, #tpu.memory_space<hbm>>
    %dma_wait3A_120 = arith.constant 0 : i32
    %dma_wait3A_121 = tpu.memref_slice %arg4[%add3A_93, %dma_wait3A_120] : memref<40960x128xf32, #tpu.memory_space<hbm>> -> memref<128x128xf32, #tpu.memory_space<hbm>>
    tpu.wait_dma2 semaphore(%arg13 : memref<!tpu.dma_semaphore, #tpu.memory_space<semaphore_mem>>) src(%arg7 : memref<128x128xf32, #tpu.memory_space<vmem>>) dst(%dma_wait3A_121 : memref<128x128xf32, #tpu.memory_space<hbm>>)
    %dma_start3A_122 = arith.constant 896 : i32
    %dma_start3A_123 = tpu.memref_slice %arg5[%dma_start3A_122] : memref<1280xi32, #tpu.memory_space<vmem>> -> memref<128xi32, #tpu.memory_space<vmem>>
    %dma_start3A_124 = arith.constant 0 : i32
    %dma_start3A_125 = arith.constant 0 : i32
    %dma_start3A_126 = tpu.memref_slice %arg2[%dma_start3A_124, %dma_start3A_125] : memref<2048x128xf32, #tpu.memory_space<hbm>> -> memref<2048x128xf32, #tpu.memory_space<hbm>>
    tpu.enqueue_indirect_dma source(%dma_start3A_126 : memref<2048x128xf32, #tpu.memory_space<hbm>>) target(%arg7 : memref<128x128xf32, #tpu.memory_space<vmem>>) offsets(%dma_start3A_123 : memref<128xi32, #tpu.memory_space<vmem>>) semaphore(%arg10 : memref<!tpu.dma_semaphore, #tpu.memory_space<semaphore_mem>>)
    %dma_wait3A_127 = arith.constant 768 : i32
    %dma_wait3A_128 = tpu.memref_slice %arg5[%dma_wait3A_127] : memref<1280xi32, #tpu.memory_space<vmem>> -> memref<128xi32, #tpu.memory_space<vmem>>
    %dma_wait3A_129 = arith.constant 0 : i32
    %dma_wait3A_130 = arith.constant 0 : i32
    %dma_wait3A_131 = tpu.memref_slice %arg2[%dma_wait3A_129, %dma_wait3A_130] : memref<2048x128xf32, #tpu.memory_space<hbm>> -> memref<2048x128xf32, #tpu.memory_space<hbm>>
    tpu.wait_indirect_dma semaphore(%arg9 : memref<!tpu.dma_semaphore, #tpu.memory_space<semaphore_mem>>) src(%dma_wait3A_131 : memref<2048x128xf32, #tpu.memory_space<hbm>>) dst(%arg6 : memref<128x128xf32, #tpu.memory_space<vmem>>)
    %add3A_132 = arith.constant 768 : i32
    %add3A_133 = arith.addi %mul3A_2, %add3A_132 : i32
    %dma_start3A_134 = arith.constant 0 : i32
    %dma_start3A_135 = tpu.memref_slice %arg4[%add3A_133, %dma_start3A_134] : memref<40960x128xf32, #tpu.memory_space<hbm>> -> memref<128x128xf32, #tpu.memory_space<hbm>>
    %dma_start3A_136 = arith.constant 0 : i32
    %dma_start3A_137 = tpu.memref_slice %arg4[%add3A_133, %dma_start3A_136] : memref<40960x128xf32, #tpu.memory_space<hbm>> -> memref<128x128xf32, #tpu.memory_space<hbm>>
    tpu.enqueue_dma source(%arg6 : memref<128x128xf32, #tpu.memory_space<vmem>>) target(%dma_start3A_137 : memref<128x128xf32, #tpu.memory_space<hbm>>) target_semaphore(%arg12 : memref<!tpu.dma_semaphore, #tpu.memory_space<semaphore_mem>>)
    %dma_wait3A_138 = arith.constant 0 : i32
    %dma_wait3A_139 = tpu.memref_slice %arg4[%add3A_113, %dma_wait3A_138] : memref<40960x128xf32, #tpu.memory_space<hbm>> -> memref<128x128xf32, #tpu.memory_space<hbm>>
    %dma_wait3A_140 = arith.constant 0 : i32
    %dma_wait3A_141 = tpu.memref_slice %arg4[%add3A_113, %dma_wait3A_140] : memref<40960x128xf32, #tpu.memory_space<hbm>> -> memref<128x128xf32, #tpu.memory_space<hbm>>
    tpu.wait_dma2 semaphore(%arg14 : memref<!tpu.dma_semaphore, #tpu.memory_space<semaphore_mem>>) src(%arg8 : memref<128x128xf32, #tpu.memory_space<vmem>>) dst(%dma_wait3A_141 : memref<128x128xf32, #tpu.memory_space<hbm>>)
    %dma_start3A_142 = arith.constant 1024 : i32
    %dma_start3A_143 = tpu.memref_slice %arg5[%dma_start3A_142] : memref<1280xi32, #tpu.memory_space<vmem>> -> memref<128xi32, #tpu.memory_space<vmem>>
    %dma_start3A_144 = arith.constant 0 : i32
    %dma_start3A_145 = arith.constant 0 : i32
    %dma_start3A_146 = tpu.memref_slice %arg2[%dma_start3A_144, %dma_start3A_145] : memref<2048x128xf32, #tpu.memory_space<hbm>> -> memref<2048x128xf32, #tpu.memory_space<hbm>>
    tpu.enqueue_indirect_dma source(%dma_start3A_146 : memref<2048x128xf32, #tpu.memory_space<hbm>>) target(%arg8 : memref<128x128xf32, #tpu.memory_space<vmem>>) offsets(%dma_start3A_143 : memref<128xi32, #tpu.memory_space<vmem>>) semaphore(%arg11 : memref<!tpu.dma_semaphore, #tpu.memory_space<semaphore_mem>>)
    %dma_wait3A_147 = arith.constant 896 : i32
    %dma_wait3A_148 = tpu.memref_slice %arg5[%dma_wait3A_147] : memref<1280xi32, #tpu.memory_space<vmem>> -> memref<128xi32, #tpu.memory_space<vmem>>
    %dma_wait3A_149 = arith.constant 0 : i32
    %dma_wait3A_150 = arith.constant 0 : i32
    %dma_wait3A_151 = tpu.memref_slice %arg2[%dma_wait3A_149, %dma_wait3A_150] : memref<2048x128xf32, #tpu.memory_space<hbm>> -> memref<2048x128xf32, #tpu.memory_space<hbm>>
    tpu.wait_indirect_dma semaphore(%arg10 : memref<!tpu.dma_semaphore, #tpu.memory_space<semaphore_mem>>) src(%dma_wait3A_151 : memref<2048x128xf32, #tpu.memory_space<hbm>>) dst(%arg7 : memref<128x128xf32, #tpu.memory_space<vmem>>)
    %add3A_152 = arith.constant 896 : i32
    %add3A_153 = arith.addi %mul3A_2, %add3A_152 : i32
    %dma_start3A_154 = arith.constant 0 : i32
    %dma_start3A_155 = tpu.memref_slice %arg4[%add3A_153, %dma_start3A_154] : memref<40960x128xf32, #tpu.memory_space<hbm>> -> memref<128x128xf32, #tpu.memory_space<hbm>>
    %dma_start3A_156 = arith.constant 0 : i32
    %dma_start3A_157 = tpu.memref_slice %arg4[%add3A_153, %dma_start3A_156] : memref<40960x128xf32, #tpu.memory_space<hbm>> -> memref<128x128xf32, #tpu.memory_space<hbm>>
    tpu.enqueue_dma source(%arg7 : memref<128x128xf32, #tpu.memory_space<vmem>>) target(%dma_start3A_157 : memref<128x128xf32, #tpu.memory_space<hbm>>) target_semaphore(%arg13 : memref<!tpu.dma_semaphore, #tpu.memory_space<semaphore_mem>>)
    %dma_wait3A_158 = arith.constant 0 : i32
    %dma_wait3A_159 = tpu.memref_slice %arg4[%add3A_133, %dma_wait3A_158] : memref<40960x128xf32, #tpu.memory_space<hbm>> -> memref<128x128xf32, #tpu.memory_space<hbm>>
    %dma_wait3A_160 = arith.constant 0 : i32
    %dma_wait3A_161 = tpu.memref_slice %arg4[%add3A_133, %dma_wait3A_160] : memref<40960x128xf32, #tpu.memory_space<hbm>> -> memref<128x128xf32, #tpu.memory_space<hbm>>
    tpu.wait_dma2 semaphore(%arg12 : memref<!tpu.dma_semaphore, #tpu.memory_space<semaphore_mem>>) src(%arg6 : memref<128x128xf32, #tpu.memory_space<vmem>>) dst(%dma_wait3A_161 : memref<128x128xf32, #tpu.memory_space<hbm>>)
    %dma_start3A_162 = arith.constant 1152 : i32
    %dma_start3A_163 = tpu.memref_slice %arg5[%dma_start3A_162] : memref<1280xi32, #tpu.memory_space<vmem>> -> memref<128xi32, #tpu.memory_space<vmem>>
    %dma_start3A_164 = arith.constant 0 : i32
    %dma_start3A_165 = arith.constant 0 : i32
    %dma_start3A_166 = tpu.memref_slice %arg2[%dma_start3A_164, %dma_start3A_165] : memref<2048x128xf32, #tpu.memory_space<hbm>> -> memref<2048x128xf32, #tpu.memory_space<hbm>>
    tpu.enqueue_indirect_dma source(%dma_start3A_166 : memref<2048x128xf32, #tpu.memory_space<hbm>>) target(%arg6 : memref<128x128xf32, #tpu.memory_space<vmem>>) offsets(%dma_start3A_163 : memref<128xi32, #tpu.memory_space<vmem>>) semaphore(%arg9 : memref<!tpu.dma_semaphore, #tpu.memory_space<semaphore_mem>>)
    %dma_wait3A_167 = arith.constant 1024 : i32
    %dma_wait3A_168 = tpu.memref_slice %arg5[%dma_wait3A_167] : memref<1280xi32, #tpu.memory_space<vmem>> -> memref<128xi32, #tpu.memory_space<vmem>>
    %dma_wait3A_169 = arith.constant 0 : i32
    %dma_wait3A_170 = arith.constant 0 : i32
    %dma_wait3A_171 = tpu.memref_slice %arg2[%dma_wait3A_169, %dma_wait3A_170] : memref<2048x128xf32, #tpu.memory_space<hbm>> -> memref<2048x128xf32, #tpu.memory_space<hbm>>
    tpu.wait_indirect_dma semaphore(%arg11 : memref<!tpu.dma_semaphore, #tpu.memory_space<semaphore_mem>>) src(%dma_wait3A_171 : memref<2048x128xf32, #tpu.memory_space<hbm>>) dst(%arg8 : memref<128x128xf32, #tpu.memory_space<vmem>>)
    %add3A_172 = arith.constant 1024 : i32
    %add3A_173 = arith.addi %mul3A_2, %add3A_172 : i32
    %dma_start3A_174 = arith.constant 0 : i32
    %dma_start3A_175 = tpu.memref_slice %arg4[%add3A_173, %dma_start3A_174] : memref<40960x128xf32, #tpu.memory_space<hbm>> -> memref<128x128xf32, #tpu.memory_space<hbm>>
    %dma_start3A_176 = arith.constant 0 : i32
    %dma_start3A_177 = tpu.memref_slice %arg4[%add3A_173, %dma_start3A_176] : memref<40960x128xf32, #tpu.memory_space<hbm>> -> memref<128x128xf32, #tpu.memory_space<hbm>>
    tpu.enqueue_dma source(%arg8 : memref<128x128xf32, #tpu.memory_space<vmem>>) target(%dma_start3A_177 : memref<128x128xf32, #tpu.memory_space<hbm>>) target_semaphore(%arg14 : memref<!tpu.dma_semaphore, #tpu.memory_space<semaphore_mem>>)
    %dma_wait3A_178 = arith.constant 1152 : i32
    %dma_wait3A_179 = tpu.memref_slice %arg5[%dma_wait3A_178] : memref<1280xi32, #tpu.memory_space<vmem>> -> memref<128xi32, #tpu.memory_space<vmem>>
    %dma_wait3A_180 = arith.constant 0 : i32
    %dma_wait3A_181 = arith.constant 0 : i32
    %dma_wait3A_182 = tpu.memref_slice %arg2[%dma_wait3A_180, %dma_wait3A_181] : memref<2048x128xf32, #tpu.memory_space<hbm>> -> memref<2048x128xf32, #tpu.memory_space<hbm>>
    tpu.wait_indirect_dma semaphore(%arg9 : memref<!tpu.dma_semaphore, #tpu.memory_space<semaphore_mem>>) src(%dma_wait3A_182 : memref<2048x128xf32, #tpu.memory_space<hbm>>) dst(%arg6 : memref<128x128xf32, #tpu.memory_space<vmem>>)
    %add3A_183 = arith.constant 1152 : i32
    %add3A_184 = arith.addi %mul3A_2, %add3A_183 : i32
    %dma_start3A_185 = arith.constant 0 : i32
    %dma_start3A_186 = tpu.memref_slice %arg4[%add3A_184, %dma_start3A_185] : memref<40960x128xf32, #tpu.memory_space<hbm>> -> memref<128x128xf32, #tpu.memory_space<hbm>>
    %dma_start3A_187 = arith.constant 0 : i32
    %dma_start3A_188 = tpu.memref_slice %arg4[%add3A_184, %dma_start3A_187] : memref<40960x128xf32, #tpu.memory_space<hbm>> -> memref<128x128xf32, #tpu.memory_space<hbm>>
    tpu.enqueue_dma source(%arg6 : memref<128x128xf32, #tpu.memory_space<vmem>>) target(%dma_start3A_188 : memref<128x128xf32, #tpu.memory_space<hbm>>) target_semaphore(%arg12 : memref<!tpu.dma_semaphore, #tpu.memory_space<semaphore_mem>>)
    %dma_wait3A_189 = arith.constant 0 : i32
    %dma_wait3A_190 = tpu.memref_slice %arg4[%add3A_184, %dma_wait3A_189] : memref<40960x128xf32, #tpu.memory_space<hbm>> -> memref<128x128xf32, #tpu.memory_space<hbm>>
    %dma_wait3A_191 = arith.constant 0 : i32
    %dma_wait3A_192 = tpu.memref_slice %arg4[%add3A_184, %dma_wait3A_191] : memref<40960x128xf32, #tpu.memory_space<hbm>> -> memref<128x128xf32, #tpu.memory_space<hbm>>
    tpu.wait_dma2 semaphore(%arg12 : memref<!tpu.dma_semaphore, #tpu.memory_space<semaphore_mem>>) src(%arg6 : memref<128x128xf32, #tpu.memory_space<vmem>>) dst(%dma_wait3A_192 : memref<128x128xf32, #tpu.memory_space<hbm>>)
    %dma_wait3A_193 = arith.constant 0 : i32
    %dma_wait3A_194 = tpu.memref_slice %arg4[%add3A_153, %dma_wait3A_193] : memref<40960x128xf32, #tpu.memory_space<hbm>> -> memref<128x128xf32, #tpu.memory_space<hbm>>
    %dma_wait3A_195 = arith.constant 0 : i32
    %dma_wait3A_196 = tpu.memref_slice %arg4[%add3A_153, %dma_wait3A_195] : memref<40960x128xf32, #tpu.memory_space<hbm>> -> memref<128x128xf32, #tpu.memory_space<hbm>>
    tpu.wait_dma2 semaphore(%arg13 : memref<!tpu.dma_semaphore, #tpu.memory_space<semaphore_mem>>) src(%arg7 : memref<128x128xf32, #tpu.memory_space<vmem>>) dst(%dma_wait3A_196 : memref<128x128xf32, #tpu.memory_space<hbm>>)
    %dma_wait3A_197 = arith.constant 0 : i32
    %dma_wait3A_198 = tpu.memref_slice %arg4[%add3A_173, %dma_wait3A_197] : memref<40960x128xf32, #tpu.memory_space<hbm>> -> memref<128x128xf32, #tpu.memory_space<hbm>>
    %dma_wait3A_199 = arith.constant 0 : i32
    %dma_wait3A_200 = tpu.memref_slice %arg4[%add3A_173, %dma_wait3A_199] : memref<40960x128xf32, #tpu.memory_space<hbm>> -> memref<128x128xf32, #tpu.memory_space<hbm>>
    tpu.wait_dma2 semaphore(%arg14 : memref<!tpu.dma_semaphore, #tpu.memory_space<semaphore_mem>>) src(%arg8 : memref<128x128xf32, #tpu.memory_space<vmem>>) dst(%dma_wait3A_200 : memref<128x128xf32, #tpu.memory_space<hbm>>)
    return
  }
}

module attributes {stable_mosaic.version = 14 : i64} {
  func.func @_stage_a1_body(%arg0: i32, %arg1: i32, %arg2: memref<1x1024x64xf32, #tpu.memory_space<vmem>>, %arg3: memref<1x1024x64xf32, #tpu.memory_space<vmem>>, %arg4: memref<64x64xf32, #tpu.memory_space<vmem>>, %arg5: memref<1x64xf32, #tpu.memory_space<vmem>>, %arg6: memref<1x20x1024xi32, #tpu.memory_space<vmem>>, %arg7: memref<1x1024x64xf32, #tpu.memory_space<vmem>>, %arg8: memref<1x1024x128xf32, #tpu.memory_space<vmem>>) attributes {dimension_semantics = [#tpu.dimension_semantics<arbitrary>, #tpu.dimension_semantics<arbitrary>], iteration_bounds = array<i64: 2, 1>, scalar_prefetch = 0 : i64, scratch_operands = 0 : i64, tpu.core_type = #tpu.core_type<tc>, window_params = [{transform_indices = @transform_0, window_bounds = array<i64: 1, 1024, 64>}, {transform_indices = @transform_1, window_bounds = array<i64: 1, 1024, 64>}, {pipeline_mode = #tpu.pipeline_mode<synchronous>, transform_indices = @transform_2, window_bounds = array<i64: 64, 64>}, {pipeline_mode = #tpu.pipeline_mode<synchronous>, transform_indices = @transform_3, window_bounds = array<i64: 1, 64>}, {transform_indices = @transform_4, window_bounds = array<i64: 1, 20, 1024>}, {transform_indices = @transform_5, window_bounds = array<i64: 1, 1024, 64>}, {transform_indices = @transform_6, window_bounds = array<i64: 1, 1024, 128>}]} {
    %mul3A = arith.constant 1024 : i32
    %mul3A_0 = arith.muli %arg0, %mul3A : i32
    %get3A = arith.constant 0 : index
    %get3A_1 = arith.constant 0 : index
    %get3A_2 = arith.constant 0 : index
    %get3A_3 = vector.load %arg2[%get3A, %get3A_1, %get3A_2] : memref<1x1024x64xf32, #tpu.memory_space<vmem>>, vector<1x1024x64xf32>
    %get3A_4 = vector.shape_cast %get3A_3 : vector<1x1024x64xf32> to vector<1024x64xf32>
    %get3A_5 = arith.constant 0 : index
    %get3A_6 = arith.constant 0 : index
    %get3A_7 = arith.constant 0 : index
    %get3A_8 = vector.load %arg3[%get3A_5, %get3A_6, %get3A_7] : memref<1x1024x64xf32, #tpu.memory_space<vmem>>, vector<1x1024x64xf32>
    %get3A_9 = vector.shape_cast %get3A_8 : vector<1x1024x64xf32> to vector<1024x64xf32>
    %convert_element_type3A = arith.truncf %get3A_4 : vector<1024x64xf32> to vector<1024x64xbf16>
    %convert_element_type3A_10 = arith.truncf %get3A_9 : vector<1024x64xf32> to vector<1024x64xbf16>
    %dot_general3A = arith.constant dense<0.000000e+00> : vector<1024x1024xf32>
    %dot_general3A_11 = tpu.matmul %convert_element_type3A, %convert_element_type3A_10, %dot_general3A {dimension_numbers = #tpu.dot_dimension_numbers<[1], [1], [0], [0], [0, 0, 1, 0], [], []>, transpose_lhs_hint = false} : vector<1024x64xbf16>, vector<1024x64xbf16>, vector<1024x1024xf32> -> vector<1024x1024xf32>
    %mul3A_12 = arith.mulf %get3A_4, %get3A_4 : vector<1024x64xf32>
    %reduce_sum3A = arith.constant dense<0.000000e+00> : vector<1024xf32>
    %reduce_sum3A_13 = vector.multi_reduction <add>, %mul3A_12, %reduce_sum3A [1] : vector<1024x64xf32> to vector<1024xf32>
    %broadcast_in_dim3A = vector.shape_cast %reduce_sum3A_13 : vector<1024xf32> to vector<1024x1xf32>
    %mul3A_14 = arith.mulf %get3A_9, %get3A_9 : vector<1024x64xf32>
    %reduce_sum3A_15 = arith.constant dense<0.000000e+00> : vector<1024xf32>
    %reduce_sum3A_16 = vector.multi_reduction <add>, %mul3A_14, %reduce_sum3A_15 [1] : vector<1024x64xf32> to vector<1024xf32>
    %broadcast_in_dim3A_17 = vector.shape_cast %reduce_sum3A_16 : vector<1024xf32> to vector<1x1024xf32>
    %mul3A_18 = arith.constant 2.000000e+00 : f32
    %mul3A_19 = vector.broadcast %mul3A_18 : f32 to vector<1024x1024xf32>
    %mul3A_20 = arith.mulf %mul3A_19, %dot_general3A_11 : vector<1024x1024xf32>
    %sub3A = vector.broadcast %broadcast_in_dim3A : vector<1024x1xf32> to vector<1024x1024xf32>
    %sub3A_21 = arith.subf %mul3A_20, %sub3A : vector<1024x1024xf32>
    %sub3A_22 = vector.broadcast %broadcast_in_dim3A_17 : vector<1x1024xf32> to vector<1024x1024xf32>
    %sub3A_23 = arith.subf %sub3A_21, %sub3A_22 : vector<1024x1024xf32>
    %iota3A = tpu.iota {dimensions = array<i32: 1>} : vector<1024x1024xi32>
    %reduce_max3A = arith.constant dense<0xFF800000> : vector<1024xf32>
    %reduce_max3A_24 = vector.multi_reduction <maximumf>, %sub3A_23, %reduce_max3A [1] : vector<1024x1024xf32> to vector<1024xf32>
    %broadcast_in_dim3A_25 = vector.shape_cast %reduce_max3A_24 : vector<1024xf32> to vector<1024x1xf32>
    %eq3A = vector.broadcast %broadcast_in_dim3A_25 : vector<1024x1xf32> to vector<1024x1024xf32>
    %eq3A_26 = arith.cmpf oeq, %sub3A_23, %eq3A : vector<1024x1024xf32>
    %jit3A = arith.constant 1024 : i32
    %broadcast_in_dim3A_27 = vector.broadcast %jit3A : i32 to vector<1024x1024xi32>
    %select_n3A = arith.select %eq3A_26, %iota3A, %broadcast_in_dim3A_27 : vector<1024x1024xi1>, vector<1024x1024xi32>
    %reduce_min3A = arith.constant dense<2147483647> : vector<1024xi32>
    %reduce_min3A_28 = vector.multi_reduction <minsi>, %select_n3A, %reduce_min3A [1] : vector<1024x1024xi32> to vector<1024xi32>
    %broadcast_in_dim3A_29 = vector.shape_cast %reduce_min3A_28 : vector<1024xi32> to vector<1x1024xi32>
    %add3A = vector.broadcast %mul3A_0 : i32 to vector<1x1024xi32>
    %add3A_30 = arith.addi %broadcast_in_dim3A_29, %add3A : vector<1x1024xi32>
    %jit3A_31 = arith.constant -1.000000e+30 : f32
    %broadcast_in_dim3A_32 = vector.broadcast %jit3A_31 : f32 to vector<1024x1024xf32>
    %select_n3A_33 = arith.select %eq3A_26, %broadcast_in_dim3A_32, %sub3A_23 : vector<1024x1024xi1>, vector<1024x1024xf32>
    %reduce_max3A_34 = arith.constant dense<0xFF800000> : vector<1024xf32>
    %reduce_max3A_35 = vector.multi_reduction <maximumf>, %select_n3A_33, %reduce_max3A_34 [1] : vector<1024x1024xf32> to vector<1024xf32>
    %broadcast_in_dim3A_36 = vector.shape_cast %reduce_max3A_35 : vector<1024xf32> to vector<1024x1xf32>
    %eq3A_37 = vector.broadcast %broadcast_in_dim3A_36 : vector<1024x1xf32> to vector<1024x1024xf32>
    %eq3A_38 = arith.cmpf oeq, %select_n3A_33, %eq3A_37 : vector<1024x1024xf32>
    %jit3A_39 = arith.constant 1024 : i32
    %broadcast_in_dim3A_40 = vector.broadcast %jit3A_39 : i32 to vector<1024x1024xi32>
    %select_n3A_41 = arith.select %eq3A_38, %iota3A, %broadcast_in_dim3A_40 : vector<1024x1024xi1>, vector<1024x1024xi32>
    %reduce_min3A_42 = arith.constant dense<2147483647> : vector<1024xi32>
    %reduce_min3A_43 = vector.multi_reduction <minsi>, %select_n3A_41, %reduce_min3A_42 [1] : vector<1024x1024xi32> to vector<1024xi32>
    %broadcast_in_dim3A_44 = vector.shape_cast %reduce_min3A_43 : vector<1024xi32> to vector<1x1024xi32>
    %add3A_45 = vector.broadcast %mul3A_0 : i32 to vector<1x1024xi32>
    %add3A_46 = arith.addi %broadcast_in_dim3A_44, %add3A_45 : vector<1x1024xi32>
    %jit3A_47 = arith.constant -1.000000e+30 : f32
    %broadcast_in_dim3A_48 = vector.broadcast %jit3A_47 : f32 to vector<1024x1024xf32>
    %select_n3A_49 = arith.select %eq3A_38, %broadcast_in_dim3A_48, %select_n3A_33 : vector<1024x1024xi1>, vector<1024x1024xf32>
    %reduce_max3A_50 = arith.constant dense<0xFF800000> : vector<1024xf32>
    %reduce_max3A_51 = vector.multi_reduction <maximumf>, %select_n3A_49, %reduce_max3A_50 [1] : vector<1024x1024xf32> to vector<1024xf32>
    %broadcast_in_dim3A_52 = vector.shape_cast %reduce_max3A_51 : vector<1024xf32> to vector<1024x1xf32>
    %eq3A_53 = vector.broadcast %broadcast_in_dim3A_52 : vector<1024x1xf32> to vector<1024x1024xf32>
    %eq3A_54 = arith.cmpf oeq, %select_n3A_49, %eq3A_53 : vector<1024x1024xf32>
    %jit3A_55 = arith.constant 1024 : i32
    %broadcast_in_dim3A_56 = vector.broadcast %jit3A_55 : i32 to vector<1024x1024xi32>
    %select_n3A_57 = arith.select %eq3A_54, %iota3A, %broadcast_in_dim3A_56 : vector<1024x1024xi1>, vector<1024x1024xi32>
    %reduce_min3A_58 = arith.constant dense<2147483647> : vector<1024xi32>
    %reduce_min3A_59 = vector.multi_reduction <minsi>, %select_n3A_57, %reduce_min3A_58 [1] : vector<1024x1024xi32> to vector<1024xi32>
    %broadcast_in_dim3A_60 = vector.shape_cast %reduce_min3A_59 : vector<1024xi32> to vector<1x1024xi32>
    %add3A_61 = vector.broadcast %mul3A_0 : i32 to vector<1x1024xi32>
    %add3A_62 = arith.addi %broadcast_in_dim3A_60, %add3A_61 : vector<1x1024xi32>
    %jit3A_63 = arith.constant -1.000000e+30 : f32
    %broadcast_in_dim3A_64 = vector.broadcast %jit3A_63 : f32 to vector<1024x1024xf32>
    %select_n3A_65 = arith.select %eq3A_54, %broadcast_in_dim3A_64, %select_n3A_49 : vector<1024x1024xi1>, vector<1024x1024xf32>
    %reduce_max3A_66 = arith.constant dense<0xFF800000> : vector<1024xf32>
    %reduce_max3A_67 = vector.multi_reduction <maximumf>, %select_n3A_65, %reduce_max3A_66 [1] : vector<1024x1024xf32> to vector<1024xf32>
    %broadcast_in_dim3A_68 = vector.shape_cast %reduce_max3A_67 : vector<1024xf32> to vector<1024x1xf32>
    %eq3A_69 = vector.broadcast %broadcast_in_dim3A_68 : vector<1024x1xf32> to vector<1024x1024xf32>
    %eq3A_70 = arith.cmpf oeq, %select_n3A_65, %eq3A_69 : vector<1024x1024xf32>
    %jit3A_71 = arith.constant 1024 : i32
    %broadcast_in_dim3A_72 = vector.broadcast %jit3A_71 : i32 to vector<1024x1024xi32>
    %select_n3A_73 = arith.select %eq3A_70, %iota3A, %broadcast_in_dim3A_72 : vector<1024x1024xi1>, vector<1024x1024xi32>
    %reduce_min3A_74 = arith.constant dense<2147483647> : vector<1024xi32>
    %reduce_min3A_75 = vector.multi_reduction <minsi>, %select_n3A_73, %reduce_min3A_74 [1] : vector<1024x1024xi32> to vector<1024xi32>
    %broadcast_in_dim3A_76 = vector.shape_cast %reduce_min3A_75 : vector<1024xi32> to vector<1x1024xi32>
    %add3A_77 = vector.broadcast %mul3A_0 : i32 to vector<1x1024xi32>
    %add3A_78 = arith.addi %broadcast_in_dim3A_76, %add3A_77 : vector<1x1024xi32>
    %jit3A_79 = arith.constant -1.000000e+30 : f32
    %broadcast_in_dim3A_80 = vector.broadcast %jit3A_79 : f32 to vector<1024x1024xf32>
    %select_n3A_81 = arith.select %eq3A_70, %broadcast_in_dim3A_80, %select_n3A_65 : vector<1024x1024xi1>, vector<1024x1024xf32>
    %reduce_max3A_82 = arith.constant dense<0xFF800000> : vector<1024xf32>
    %reduce_max3A_83 = vector.multi_reduction <maximumf>, %select_n3A_81, %reduce_max3A_82 [1] : vector<1024x1024xf32> to vector<1024xf32>
    %broadcast_in_dim3A_84 = vector.shape_cast %reduce_max3A_83 : vector<1024xf32> to vector<1024x1xf32>
    %eq3A_85 = vector.broadcast %broadcast_in_dim3A_84 : vector<1024x1xf32> to vector<1024x1024xf32>
    %eq3A_86 = arith.cmpf oeq, %select_n3A_81, %eq3A_85 : vector<1024x1024xf32>
    %jit3A_87 = arith.constant 1024 : i32
    %broadcast_in_dim3A_88 = vector.broadcast %jit3A_87 : i32 to vector<1024x1024xi32>
    %select_n3A_89 = arith.select %eq3A_86, %iota3A, %broadcast_in_dim3A_88 : vector<1024x1024xi1>, vector<1024x1024xi32>
    %reduce_min3A_90 = arith.constant dense<2147483647> : vector<1024xi32>
    %reduce_min3A_91 = vector.multi_reduction <minsi>, %select_n3A_89, %reduce_min3A_90 [1] : vector<1024x1024xi32> to vector<1024xi32>
    %broadcast_in_dim3A_92 = vector.shape_cast %reduce_min3A_91 : vector<1024xi32> to vector<1x1024xi32>
    %add3A_93 = vector.broadcast %mul3A_0 : i32 to vector<1x1024xi32>
    %add3A_94 = arith.addi %broadcast_in_dim3A_92, %add3A_93 : vector<1x1024xi32>
    %jit3A_95 = arith.constant -1.000000e+30 : f32
    %broadcast_in_dim3A_96 = vector.broadcast %jit3A_95 : f32 to vector<1024x1024xf32>
    %select_n3A_97 = arith.select %eq3A_86, %broadcast_in_dim3A_96, %select_n3A_81 : vector<1024x1024xi1>, vector<1024x1024xf32>
    %reduce_max3A_98 = arith.constant dense<0xFF800000> : vector<1024xf32>
    %reduce_max3A_99 = vector.multi_reduction <maximumf>, %select_n3A_97, %reduce_max3A_98 [1] : vector<1024x1024xf32> to vector<1024xf32>
    %broadcast_in_dim3A_100 = vector.shape_cast %reduce_max3A_99 : vector<1024xf32> to vector<1024x1xf32>
    %eq3A_101 = vector.broadcast %broadcast_in_dim3A_100 : vector<1024x1xf32> to vector<1024x1024xf32>
    %eq3A_102 = arith.cmpf oeq, %select_n3A_97, %eq3A_101 : vector<1024x1024xf32>
    %jit3A_103 = arith.constant 1024 : i32
    %broadcast_in_dim3A_104 = vector.broadcast %jit3A_103 : i32 to vector<1024x1024xi32>
    %select_n3A_105 = arith.select %eq3A_102, %iota3A, %broadcast_in_dim3A_104 : vector<1024x1024xi1>, vector<1024x1024xi32>
    %reduce_min3A_106 = arith.constant dense<2147483647> : vector<1024xi32>
    %reduce_min3A_107 = vector.multi_reduction <minsi>, %select_n3A_105, %reduce_min3A_106 [1] : vector<1024x1024xi32> to vector<1024xi32>
    %broadcast_in_dim3A_108 = vector.shape_cast %reduce_min3A_107 : vector<1024xi32> to vector<1x1024xi32>
    %add3A_109 = vector.broadcast %mul3A_0 : i32 to vector<1x1024xi32>
    %add3A_110 = arith.addi %broadcast_in_dim3A_108, %add3A_109 : vector<1x1024xi32>
    %jit3A_111 = arith.constant -1.000000e+30 : f32
    %broadcast_in_dim3A_112 = vector.broadcast %jit3A_111 : f32 to vector<1024x1024xf32>
    %select_n3A_113 = arith.select %eq3A_102, %broadcast_in_dim3A_112, %select_n3A_97 : vector<1024x1024xi1>, vector<1024x1024xf32>
    %reduce_max3A_114 = arith.constant dense<0xFF800000> : vector<1024xf32>
    %reduce_max3A_115 = vector.multi_reduction <maximumf>, %select_n3A_113, %reduce_max3A_114 [1] : vector<1024x1024xf32> to vector<1024xf32>
    %broadcast_in_dim3A_116 = vector.shape_cast %reduce_max3A_115 : vector<1024xf32> to vector<1024x1xf32>
    %eq3A_117 = vector.broadcast %broadcast_in_dim3A_116 : vector<1024x1xf32> to vector<1024x1024xf32>
    %eq3A_118 = arith.cmpf oeq, %select_n3A_113, %eq3A_117 : vector<1024x1024xf32>
    %jit3A_119 = arith.constant 1024 : i32
    %broadcast_in_dim3A_120 = vector.broadcast %jit3A_119 : i32 to vector<1024x1024xi32>
    %select_n3A_121 = arith.select %eq3A_118, %iota3A, %broadcast_in_dim3A_120 : vector<1024x1024xi1>, vector<1024x1024xi32>
    %reduce_min3A_122 = arith.constant dense<2147483647> : vector<1024xi32>
    %reduce_min3A_123 = vector.multi_reduction <minsi>, %select_n3A_121, %reduce_min3A_122 [1] : vector<1024x1024xi32> to vector<1024xi32>
    %broadcast_in_dim3A_124 = vector.shape_cast %reduce_min3A_123 : vector<1024xi32> to vector<1x1024xi32>
    %add3A_125 = vector.broadcast %mul3A_0 : i32 to vector<1x1024xi32>
    %add3A_126 = arith.addi %broadcast_in_dim3A_124, %add3A_125 : vector<1x1024xi32>
    %jit3A_127 = arith.constant -1.000000e+30 : f32
    %broadcast_in_dim3A_128 = vector.broadcast %jit3A_127 : f32 to vector<1024x1024xf32>
    %select_n3A_129 = arith.select %eq3A_118, %broadcast_in_dim3A_128, %select_n3A_113 : vector<1024x1024xi1>, vector<1024x1024xf32>
    %reduce_max3A_130 = arith.constant dense<0xFF800000> : vector<1024xf32>
    %reduce_max3A_131 = vector.multi_reduction <maximumf>, %select_n3A_129, %reduce_max3A_130 [1] : vector<1024x1024xf32> to vector<1024xf32>
    %broadcast_in_dim3A_132 = vector.shape_cast %reduce_max3A_131 : vector<1024xf32> to vector<1024x1xf32>
    %eq3A_133 = vector.broadcast %broadcast_in_dim3A_132 : vector<1024x1xf32> to vector<1024x1024xf32>
    %eq3A_134 = arith.cmpf oeq, %select_n3A_129, %eq3A_133 : vector<1024x1024xf32>
    %jit3A_135 = arith.constant 1024 : i32
    %broadcast_in_dim3A_136 = vector.broadcast %jit3A_135 : i32 to vector<1024x1024xi32>
    %select_n3A_137 = arith.select %eq3A_134, %iota3A, %broadcast_in_dim3A_136 : vector<1024x1024xi1>, vector<1024x1024xi32>
    %reduce_min3A_138 = arith.constant dense<2147483647> : vector<1024xi32>
    %reduce_min3A_139 = vector.multi_reduction <minsi>, %select_n3A_137, %reduce_min3A_138 [1] : vector<1024x1024xi32> to vector<1024xi32>
    %broadcast_in_dim3A_140 = vector.shape_cast %reduce_min3A_139 : vector<1024xi32> to vector<1x1024xi32>
    %add3A_141 = vector.broadcast %mul3A_0 : i32 to vector<1x1024xi32>
    %add3A_142 = arith.addi %broadcast_in_dim3A_140, %add3A_141 : vector<1x1024xi32>
    %jit3A_143 = arith.constant -1.000000e+30 : f32
    %broadcast_in_dim3A_144 = vector.broadcast %jit3A_143 : f32 to vector<1024x1024xf32>
    %select_n3A_145 = arith.select %eq3A_134, %broadcast_in_dim3A_144, %select_n3A_129 : vector<1024x1024xi1>, vector<1024x1024xf32>
    %reduce_max3A_146 = arith.constant dense<0xFF800000> : vector<1024xf32>
    %reduce_max3A_147 = vector.multi_reduction <maximumf>, %select_n3A_145, %reduce_max3A_146 [1] : vector<1024x1024xf32> to vector<1024xf32>
    %broadcast_in_dim3A_148 = vector.shape_cast %reduce_max3A_147 : vector<1024xf32> to vector<1024x1xf32>
    %eq3A_149 = vector.broadcast %broadcast_in_dim3A_148 : vector<1024x1xf32> to vector<1024x1024xf32>
    %eq3A_150 = arith.cmpf oeq, %select_n3A_145, %eq3A_149 : vector<1024x1024xf32>
    %jit3A_151 = arith.constant 1024 : i32
    %broadcast_in_dim3A_152 = vector.broadcast %jit3A_151 : i32 to vector<1024x1024xi32>
    %select_n3A_153 = arith.select %eq3A_150, %iota3A, %broadcast_in_dim3A_152 : vector<1024x1024xi1>, vector<1024x1024xi32>
    %reduce_min3A_154 = arith.constant dense<2147483647> : vector<1024xi32>
    %reduce_min3A_155 = vector.multi_reduction <minsi>, %select_n3A_153, %reduce_min3A_154 [1] : vector<1024x1024xi32> to vector<1024xi32>
    %broadcast_in_dim3A_156 = vector.shape_cast %reduce_min3A_155 : vector<1024xi32> to vector<1x1024xi32>
    %add3A_157 = vector.broadcast %mul3A_0 : i32 to vector<1x1024xi32>
    %add3A_158 = arith.addi %broadcast_in_dim3A_156, %add3A_157 : vector<1x1024xi32>
    %jit3A_159 = arith.constant -1.000000e+30 : f32
    %broadcast_in_dim3A_160 = vector.broadcast %jit3A_159 : f32 to vector<1024x1024xf32>
    %select_n3A_161 = arith.select %eq3A_150, %broadcast_in_dim3A_160, %select_n3A_145 : vector<1024x1024xi1>, vector<1024x1024xf32>
    %reduce_max3A_162 = arith.constant dense<0xFF800000> : vector<1024xf32>
    %reduce_max3A_163 = vector.multi_reduction <maximumf>, %select_n3A_161, %reduce_max3A_162 [1] : vector<1024x1024xf32> to vector<1024xf32>
    %broadcast_in_dim3A_164 = vector.shape_cast %reduce_max3A_163 : vector<1024xf32> to vector<1024x1xf32>
    %eq3A_165 = vector.broadcast %broadcast_in_dim3A_164 : vector<1024x1xf32> to vector<1024x1024xf32>
    %eq3A_166 = arith.cmpf oeq, %select_n3A_161, %eq3A_165 : vector<1024x1024xf32>
    %jit3A_167 = arith.constant 1024 : i32
    %broadcast_in_dim3A_168 = vector.broadcast %jit3A_167 : i32 to vector<1024x1024xi32>
    %select_n3A_169 = arith.select %eq3A_166, %iota3A, %broadcast_in_dim3A_168 : vector<1024x1024xi1>, vector<1024x1024xi32>
    %reduce_min3A_170 = arith.constant dense<2147483647> : vector<1024xi32>
    %reduce_min3A_171 = vector.multi_reduction <minsi>, %select_n3A_169, %reduce_min3A_170 [1] : vector<1024x1024xi32> to vector<1024xi32>
    %broadcast_in_dim3A_172 = vector.shape_cast %reduce_min3A_171 : vector<1024xi32> to vector<1x1024xi32>
    %add3A_173 = vector.broadcast %mul3A_0 : i32 to vector<1x1024xi32>
    %add3A_174 = arith.addi %broadcast_in_dim3A_172, %add3A_173 : vector<1x1024xi32>
    %jit3A_175 = arith.constant -1.000000e+30 : f32
    %broadcast_in_dim3A_176 = vector.broadcast %jit3A_175 : f32 to vector<1024x1024xf32>
    %select_n3A_177 = arith.select %eq3A_166, %broadcast_in_dim3A_176, %select_n3A_161 : vector<1024x1024xi1>, vector<1024x1024xf32>
    %reduce_max3A_178 = arith.constant dense<0xFF800000> : vector<1024xf32>
    %reduce_max3A_179 = vector.multi_reduction <maximumf>, %select_n3A_177, %reduce_max3A_178 [1] : vector<1024x1024xf32> to vector<1024xf32>
    %broadcast_in_dim3A_180 = vector.shape_cast %reduce_max3A_179 : vector<1024xf32> to vector<1024x1xf32>
    %eq3A_181 = vector.broadcast %broadcast_in_dim3A_180 : vector<1024x1xf32> to vector<1024x1024xf32>
    %eq3A_182 = arith.cmpf oeq, %select_n3A_177, %eq3A_181 : vector<1024x1024xf32>
    %jit3A_183 = arith.constant 1024 : i32
    %broadcast_in_dim3A_184 = vector.broadcast %jit3A_183 : i32 to vector<1024x1024xi32>
    %select_n3A_185 = arith.select %eq3A_182, %iota3A, %broadcast_in_dim3A_184 : vector<1024x1024xi1>, vector<1024x1024xi32>
    %reduce_min3A_186 = arith.constant dense<2147483647> : vector<1024xi32>
    %reduce_min3A_187 = vector.multi_reduction <minsi>, %select_n3A_185, %reduce_min3A_186 [1] : vector<1024x1024xi32> to vector<1024xi32>
    %broadcast_in_dim3A_188 = vector.shape_cast %reduce_min3A_187 : vector<1024xi32> to vector<1x1024xi32>
    %add3A_189 = vector.broadcast %mul3A_0 : i32 to vector<1x1024xi32>
    %add3A_190 = arith.addi %broadcast_in_dim3A_188, %add3A_189 : vector<1x1024xi32>
    %jit3A_191 = arith.constant -1.000000e+30 : f32
    %broadcast_in_dim3A_192 = vector.broadcast %jit3A_191 : f32 to vector<1024x1024xf32>
    %select_n3A_193 = arith.select %eq3A_182, %broadcast_in_dim3A_192, %select_n3A_177 : vector<1024x1024xi1>, vector<1024x1024xf32>
    %reduce_max3A_194 = arith.constant dense<0xFF800000> : vector<1024xf32>
    %reduce_max3A_195 = vector.multi_reduction <maximumf>, %select_n3A_193, %reduce_max3A_194 [1] : vector<1024x1024xf32> to vector<1024xf32>
    %broadcast_in_dim3A_196 = vector.shape_cast %reduce_max3A_195 : vector<1024xf32> to vector<1024x1xf32>
    %eq3A_197 = vector.broadcast %broadcast_in_dim3A_196 : vector<1024x1xf32> to vector<1024x1024xf32>
    %eq3A_198 = arith.cmpf oeq, %select_n3A_193, %eq3A_197 : vector<1024x1024xf32>
    %jit3A_199 = arith.constant 1024 : i32
    %broadcast_in_dim3A_200 = vector.broadcast %jit3A_199 : i32 to vector<1024x1024xi32>
    %select_n3A_201 = arith.select %eq3A_198, %iota3A, %broadcast_in_dim3A_200 : vector<1024x1024xi1>, vector<1024x1024xi32>
    %reduce_min3A_202 = arith.constant dense<2147483647> : vector<1024xi32>
    %reduce_min3A_203 = vector.multi_reduction <minsi>, %select_n3A_201, %reduce_min3A_202 [1] : vector<1024x1024xi32> to vector<1024xi32>
    %broadcast_in_dim3A_204 = vector.shape_cast %reduce_min3A_203 : vector<1024xi32> to vector<1x1024xi32>
    %add3A_205 = vector.broadcast %mul3A_0 : i32 to vector<1x1024xi32>
    %add3A_206 = arith.addi %broadcast_in_dim3A_204, %add3A_205 : vector<1x1024xi32>
    %jit3A_207 = arith.constant -1.000000e+30 : f32
    %broadcast_in_dim3A_208 = vector.broadcast %jit3A_207 : f32 to vector<1024x1024xf32>
    %select_n3A_209 = arith.select %eq3A_198, %broadcast_in_dim3A_208, %select_n3A_193 : vector<1024x1024xi1>, vector<1024x1024xf32>
    %reduce_max3A_210 = arith.constant dense<0xFF800000> : vector<1024xf32>
    %reduce_max3A_211 = vector.multi_reduction <maximumf>, %select_n3A_209, %reduce_max3A_210 [1] : vector<1024x1024xf32> to vector<1024xf32>
    %broadcast_in_dim3A_212 = vector.shape_cast %reduce_max3A_211 : vector<1024xf32> to vector<1024x1xf32>
    %eq3A_213 = vector.broadcast %broadcast_in_dim3A_212 : vector<1024x1xf32> to vector<1024x1024xf32>
    %eq3A_214 = arith.cmpf oeq, %select_n3A_209, %eq3A_213 : vector<1024x1024xf32>
    %jit3A_215 = arith.constant 1024 : i32
    %broadcast_in_dim3A_216 = vector.broadcast %jit3A_215 : i32 to vector<1024x1024xi32>
    %select_n3A_217 = arith.select %eq3A_214, %iota3A, %broadcast_in_dim3A_216 : vector<1024x1024xi1>, vector<1024x1024xi32>
    %reduce_min3A_218 = arith.constant dense<2147483647> : vector<1024xi32>
    %reduce_min3A_219 = vector.multi_reduction <minsi>, %select_n3A_217, %reduce_min3A_218 [1] : vector<1024x1024xi32> to vector<1024xi32>
    %broadcast_in_dim3A_220 = vector.shape_cast %reduce_min3A_219 : vector<1024xi32> to vector<1x1024xi32>
    %add3A_221 = vector.broadcast %mul3A_0 : i32 to vector<1x1024xi32>
    %add3A_222 = arith.addi %broadcast_in_dim3A_220, %add3A_221 : vector<1x1024xi32>
    %jit3A_223 = arith.constant -1.000000e+30 : f32
    %broadcast_in_dim3A_224 = vector.broadcast %jit3A_223 : f32 to vector<1024x1024xf32>
    %select_n3A_225 = arith.select %eq3A_214, %broadcast_in_dim3A_224, %select_n3A_209 : vector<1024x1024xi1>, vector<1024x1024xf32>
    %reduce_max3A_226 = arith.constant dense<0xFF800000> : vector<1024xf32>
    %reduce_max3A_227 = vector.multi_reduction <maximumf>, %select_n3A_225, %reduce_max3A_226 [1] : vector<1024x1024xf32> to vector<1024xf32>
    %broadcast_in_dim3A_228 = vector.shape_cast %reduce_max3A_227 : vector<1024xf32> to vector<1024x1xf32>
    %eq3A_229 = vector.broadcast %broadcast_in_dim3A_228 : vector<1024x1xf32> to vector<1024x1024xf32>
    %eq3A_230 = arith.cmpf oeq, %select_n3A_225, %eq3A_229 : vector<1024x1024xf32>
    %jit3A_231 = arith.constant 1024 : i32
    %broadcast_in_dim3A_232 = vector.broadcast %jit3A_231 : i32 to vector<1024x1024xi32>
    %select_n3A_233 = arith.select %eq3A_230, %iota3A, %broadcast_in_dim3A_232 : vector<1024x1024xi1>, vector<1024x1024xi32>
    %reduce_min3A_234 = arith.constant dense<2147483647> : vector<1024xi32>
    %reduce_min3A_235 = vector.multi_reduction <minsi>, %select_n3A_233, %reduce_min3A_234 [1] : vector<1024x1024xi32> to vector<1024xi32>
    %broadcast_in_dim3A_236 = vector.shape_cast %reduce_min3A_235 : vector<1024xi32> to vector<1x1024xi32>
    %add3A_237 = vector.broadcast %mul3A_0 : i32 to vector<1x1024xi32>
    %add3A_238 = arith.addi %broadcast_in_dim3A_236, %add3A_237 : vector<1x1024xi32>
    %jit3A_239 = arith.constant -1.000000e+30 : f32
    %broadcast_in_dim3A_240 = vector.broadcast %jit3A_239 : f32 to vector<1024x1024xf32>
    %select_n3A_241 = arith.select %eq3A_230, %broadcast_in_dim3A_240, %select_n3A_225 : vector<1024x1024xi1>, vector<1024x1024xf32>
    %reduce_max3A_242 = arith.constant dense<0xFF800000> : vector<1024xf32>
    %reduce_max3A_243 = vector.multi_reduction <maximumf>, %select_n3A_241, %reduce_max3A_242 [1] : vector<1024x1024xf32> to vector<1024xf32>
    %broadcast_in_dim3A_244 = vector.shape_cast %reduce_max3A_243 : vector<1024xf32> to vector<1024x1xf32>
    %eq3A_245 = vector.broadcast %broadcast_in_dim3A_244 : vector<1024x1xf32> to vector<1024x1024xf32>
    %eq3A_246 = arith.cmpf oeq, %select_n3A_241, %eq3A_245 : vector<1024x1024xf32>
    %jit3A_247 = arith.constant 1024 : i32
    %broadcast_in_dim3A_248 = vector.broadcast %jit3A_247 : i32 to vector<1024x1024xi32>
    %select_n3A_249 = arith.select %eq3A_246, %iota3A, %broadcast_in_dim3A_248 : vector<1024x1024xi1>, vector<1024x1024xi32>
    %reduce_min3A_250 = arith.constant dense<2147483647> : vector<1024xi32>
    %reduce_min3A_251 = vector.multi_reduction <minsi>, %select_n3A_249, %reduce_min3A_250 [1] : vector<1024x1024xi32> to vector<1024xi32>
    %broadcast_in_dim3A_252 = vector.shape_cast %reduce_min3A_251 : vector<1024xi32> to vector<1x1024xi32>
    %add3A_253 = vector.broadcast %mul3A_0 : i32 to vector<1x1024xi32>
    %add3A_254 = arith.addi %broadcast_in_dim3A_252, %add3A_253 : vector<1x1024xi32>
    %jit3A_255 = arith.constant -1.000000e+30 : f32
    %broadcast_in_dim3A_256 = vector.broadcast %jit3A_255 : f32 to vector<1024x1024xf32>
    %select_n3A_257 = arith.select %eq3A_246, %broadcast_in_dim3A_256, %select_n3A_241 : vector<1024x1024xi1>, vector<1024x1024xf32>
    %reduce_max3A_258 = arith.constant dense<0xFF800000> : vector<1024xf32>
    %reduce_max3A_259 = vector.multi_reduction <maximumf>, %select_n3A_257, %reduce_max3A_258 [1] : vector<1024x1024xf32> to vector<1024xf32>
    %broadcast_in_dim3A_260 = vector.shape_cast %reduce_max3A_259 : vector<1024xf32> to vector<1024x1xf32>
    %eq3A_261 = vector.broadcast %broadcast_in_dim3A_260 : vector<1024x1xf32> to vector<1024x1024xf32>
    %eq3A_262 = arith.cmpf oeq, %select_n3A_257, %eq3A_261 : vector<1024x1024xf32>
    %jit3A_263 = arith.constant 1024 : i32
    %broadcast_in_dim3A_264 = vector.broadcast %jit3A_263 : i32 to vector<1024x1024xi32>
    %select_n3A_265 = arith.select %eq3A_262, %iota3A, %broadcast_in_dim3A_264 : vector<1024x1024xi1>, vector<1024x1024xi32>
    %reduce_min3A_266 = arith.constant dense<2147483647> : vector<1024xi32>
    %reduce_min3A_267 = vector.multi_reduction <minsi>, %select_n3A_265, %reduce_min3A_266 [1] : vector<1024x1024xi32> to vector<1024xi32>
    %broadcast_in_dim3A_268 = vector.shape_cast %reduce_min3A_267 : vector<1024xi32> to vector<1x1024xi32>
    %add3A_269 = vector.broadcast %mul3A_0 : i32 to vector<1x1024xi32>
    %add3A_270 = arith.addi %broadcast_in_dim3A_268, %add3A_269 : vector<1x1024xi32>
    %jit3A_271 = arith.constant -1.000000e+30 : f32
    %broadcast_in_dim3A_272 = vector.broadcast %jit3A_271 : f32 to vector<1024x1024xf32>
    %select_n3A_273 = arith.select %eq3A_262, %broadcast_in_dim3A_272, %select_n3A_257 : vector<1024x1024xi1>, vector<1024x1024xf32>
    %reduce_max3A_274 = arith.constant dense<0xFF800000> : vector<1024xf32>
    %reduce_max3A_275 = vector.multi_reduction <maximumf>, %select_n3A_273, %reduce_max3A_274 [1] : vector<1024x1024xf32> to vector<1024xf32>
    %broadcast_in_dim3A_276 = vector.shape_cast %reduce_max3A_275 : vector<1024xf32> to vector<1024x1xf32>
    %eq3A_277 = vector.broadcast %broadcast_in_dim3A_276 : vector<1024x1xf32> to vector<1024x1024xf32>
    %eq3A_278 = arith.cmpf oeq, %select_n3A_273, %eq3A_277 : vector<1024x1024xf32>
    %jit3A_279 = arith.constant 1024 : i32
    %broadcast_in_dim3A_280 = vector.broadcast %jit3A_279 : i32 to vector<1024x1024xi32>
    %select_n3A_281 = arith.select %eq3A_278, %iota3A, %broadcast_in_dim3A_280 : vector<1024x1024xi1>, vector<1024x1024xi32>
    %reduce_min3A_282 = arith.constant dense<2147483647> : vector<1024xi32>
    %reduce_min3A_283 = vector.multi_reduction <minsi>, %select_n3A_281, %reduce_min3A_282 [1] : vector<1024x1024xi32> to vector<1024xi32>
    %broadcast_in_dim3A_284 = vector.shape_cast %reduce_min3A_283 : vector<1024xi32> to vector<1x1024xi32>
    %add3A_285 = vector.broadcast %mul3A_0 : i32 to vector<1x1024xi32>
    %add3A_286 = arith.addi %broadcast_in_dim3A_284, %add3A_285 : vector<1x1024xi32>
    %jit3A_287 = arith.constant -1.000000e+30 : f32
    %broadcast_in_dim3A_288 = vector.broadcast %jit3A_287 : f32 to vector<1024x1024xf32>
    %select_n3A_289 = arith.select %eq3A_278, %broadcast_in_dim3A_288, %select_n3A_273 : vector<1024x1024xi1>, vector<1024x1024xf32>
    %reduce_max3A_290 = arith.constant dense<0xFF800000> : vector<1024xf32>
    %reduce_max3A_291 = vector.multi_reduction <maximumf>, %select_n3A_289, %reduce_max3A_290 [1] : vector<1024x1024xf32> to vector<1024xf32>
    %broadcast_in_dim3A_292 = vector.shape_cast %reduce_max3A_291 : vector<1024xf32> to vector<1024x1xf32>
    %eq3A_293 = vector.broadcast %broadcast_in_dim3A_292 : vector<1024x1xf32> to vector<1024x1024xf32>
    %eq3A_294 = arith.cmpf oeq, %select_n3A_289, %eq3A_293 : vector<1024x1024xf32>
    %jit3A_295 = arith.constant 1024 : i32
    %broadcast_in_dim3A_296 = vector.broadcast %jit3A_295 : i32 to vector<1024x1024xi32>
    %select_n3A_297 = arith.select %eq3A_294, %iota3A, %broadcast_in_dim3A_296 : vector<1024x1024xi1>, vector<1024x1024xi32>
    %reduce_min3A_298 = arith.constant dense<2147483647> : vector<1024xi32>
    %reduce_min3A_299 = vector.multi_reduction <minsi>, %select_n3A_297, %reduce_min3A_298 [1] : vector<1024x1024xi32> to vector<1024xi32>
    %broadcast_in_dim3A_300 = vector.shape_cast %reduce_min3A_299 : vector<1024xi32> to vector<1x1024xi32>
    %add3A_301 = vector.broadcast %mul3A_0 : i32 to vector<1x1024xi32>
    %add3A_302 = arith.addi %broadcast_in_dim3A_300, %add3A_301 : vector<1x1024xi32>
    %jit3A_303 = arith.constant -1.000000e+30 : f32
    %broadcast_in_dim3A_304 = vector.broadcast %jit3A_303 : f32 to vector<1024x1024xf32>
    %select_n3A_305 = arith.select %eq3A_294, %broadcast_in_dim3A_304, %select_n3A_289 : vector<1024x1024xi1>, vector<1024x1024xf32>
    %reduce_max3A_306 = arith.constant dense<0xFF800000> : vector<1024xf32>
    %reduce_max3A_307 = vector.multi_reduction <maximumf>, %select_n3A_305, %reduce_max3A_306 [1] : vector<1024x1024xf32> to vector<1024xf32>
    %broadcast_in_dim3A_308 = vector.shape_cast %reduce_max3A_307 : vector<1024xf32> to vector<1024x1xf32>
    %eq3A_309 = vector.broadcast %broadcast_in_dim3A_308 : vector<1024x1xf32> to vector<1024x1024xf32>
    %eq3A_310 = arith.cmpf oeq, %select_n3A_305, %eq3A_309 : vector<1024x1024xf32>
    %jit3A_311 = arith.constant 1024 : i32
    %broadcast_in_dim3A_312 = vector.broadcast %jit3A_311 : i32 to vector<1024x1024xi32>
    %select_n3A_313 = arith.select %eq3A_310, %iota3A, %broadcast_in_dim3A_312 : vector<1024x1024xi1>, vector<1024x1024xi32>
    %reduce_min3A_314 = arith.constant dense<2147483647> : vector<1024xi32>
    %reduce_min3A_315 = vector.multi_reduction <minsi>, %select_n3A_313, %reduce_min3A_314 [1] : vector<1024x1024xi32> to vector<1024xi32>
    %broadcast_in_dim3A_316 = vector.shape_cast %reduce_min3A_315 : vector<1024xi32> to vector<1x1024xi32>
    %add3A_317 = vector.broadcast %mul3A_0 : i32 to vector<1x1024xi32>
    %add3A_318 = arith.addi %broadcast_in_dim3A_316, %add3A_317 : vector<1x1024xi32>
    %jit3A_319 = arith.constant -1.000000e+30 : f32
    %broadcast_in_dim3A_320 = vector.broadcast %jit3A_319 : f32 to vector<1024x1024xf32>
    %select_n3A_321 = arith.select %eq3A_310, %broadcast_in_dim3A_320, %select_n3A_305 : vector<1024x1024xi1>, vector<1024x1024xf32>
    %reduce_max3A_322 = arith.constant dense<0xFF800000> : vector<1024xf32>
    %reduce_max3A_323 = vector.multi_reduction <maximumf>, %select_n3A_321, %reduce_max3A_322 [1] : vector<1024x1024xf32> to vector<1024xf32>
    %broadcast_in_dim3A_324 = vector.shape_cast %reduce_max3A_323 : vector<1024xf32> to vector<1024x1xf32>
    %eq3A_325 = vector.broadcast %broadcast_in_dim3A_324 : vector<1024x1xf32> to vector<1024x1024xf32>
    %eq3A_326 = arith.cmpf oeq, %select_n3A_321, %eq3A_325 : vector<1024x1024xf32>
    %jit3A_327 = arith.constant 1024 : i32
    %broadcast_in_dim3A_328 = vector.broadcast %jit3A_327 : i32 to vector<1024x1024xi32>
    %select_n3A_329 = arith.select %eq3A_326, %iota3A, %broadcast_in_dim3A_328 : vector<1024x1024xi1>, vector<1024x1024xi32>
    %reduce_min3A_330 = arith.constant dense<2147483647> : vector<1024xi32>
    %reduce_min3A_331 = vector.multi_reduction <minsi>, %select_n3A_329, %reduce_min3A_330 [1] : vector<1024x1024xi32> to vector<1024xi32>
    %broadcast_in_dim3A_332 = vector.shape_cast %reduce_min3A_331 : vector<1024xi32> to vector<1x1024xi32>
    %add3A_333 = vector.broadcast %mul3A_0 : i32 to vector<1x1024xi32>
    %add3A_334 = arith.addi %broadcast_in_dim3A_332, %add3A_333 : vector<1x1024xi32>
    %concatenate3A = tpu.concatenate %add3A_30, %add3A_46, %add3A_62, %add3A_78, %add3A_94, %add3A_110, %add3A_126, %add3A_142, %add3A_158, %add3A_174, %add3A_190, %add3A_206, %add3A_222, %add3A_238, %add3A_254, %add3A_270, %add3A_286, %add3A_302, %add3A_318, %add3A_334 in 0 : vector<1x1024xi32>, vector<1x1024xi32>, vector<1x1024xi32>, vector<1x1024xi32>, vector<1x1024xi32>, vector<1x1024xi32>, vector<1x1024xi32>, vector<1x1024xi32>, vector<1x1024xi32>, vector<1x1024xi32>, vector<1x1024xi32>, vector<1x1024xi32>, vector<1x1024xi32>, vector<1x1024xi32>, vector<1x1024xi32>, vector<1x1024xi32>, vector<1x1024xi32>, vector<1x1024xi32>, vector<1x1024xi32>, vector<1x1024xi32> -> vector<20x1024xi32>
    %swap3A = arith.constant 0 : index
    %swap3A_335 = arith.constant 0 : index
    %swap3A_336 = arith.constant 0 : index
    %swap3A_337 = vector.load %arg6[%swap3A, %swap3A_335, %swap3A_336] : memref<1x20x1024xi32, #tpu.memory_space<vmem>>, vector<1x20x1024xi32>
    %swap3A_338 = vector.shape_cast %swap3A_337 : vector<1x20x1024xi32> to vector<20x1024xi32>
    %swap3A_339 = vector.shape_cast %concatenate3A : vector<20x1024xi32> to vector<1x20x1024xi32>
    tpu.vector_store %arg6[%swap3A, %swap3A_335, %swap3A_336], %swap3A_339 {strides = array<i32>} : memref<1x20x1024xi32, #tpu.memory_space<vmem>>, vector<1x20x1024xi32>,
    %get3A_340 = arith.constant 0 : index
    %get3A_341 = arith.constant 0 : index
    %get3A_342 = vector.load %arg4[%get3A_340, %get3A_341] : memref<64x64xf32, #tpu.memory_space<vmem>>, vector<64x64xf32>
    %convert_element_type3A_343 = arith.truncf %get3A_342 : vector<64x64xf32> to vector<64x64xbf16>
    %dot_general3A_344 = arith.constant dense<0.000000e+00> : vector<1024x64xf32>
    %dot_general3A_345 = tpu.matmul %convert_element_type3A, %convert_element_type3A_343, %dot_general3A_344 {dimension_numbers = #tpu.dot_dimension_numbers<[1], [0], [0], [1], [0, 0, 1, 1], [], []>, transpose_lhs_hint = false} : vector<1024x64xbf16>, vector<64x64xbf16>, vector<1024x64xf32> -> vector<1024x64xf32>
    %get3A_346 = arith.constant 0 : index
    %get3A_347 = arith.constant 0 : index
    %get3A_348 = vector.load %arg5[%get3A_346, %get3A_347] : memref<1x64xf32, #tpu.memory_space<vmem>>, vector<1x64xf32>
    %add3A_349 = vector.broadcast %get3A_348 : vector<1x64xf32> to vector<1024x64xf32>
    %add3A_350 = arith.addf %dot_general3A_345, %add3A_349 : vector<1024x64xf32>
    %swap3A_351 = arith.constant 0 : index
    %swap3A_352 = arith.constant 0 : index
    %swap3A_353 = arith.constant 0 : index
    %swap3A_354 = vector.load %arg7[%swap3A_351, %swap3A_352, %swap3A_353] : memref<1x1024x64xf32, #tpu.memory_space<vmem>>, vector<1x1024x64xf32>
    %swap3A_355 = vector.shape_cast %swap3A_354 : vector<1x1024x64xf32> to vector<1024x64xf32>
    %swap3A_356 = vector.shape_cast %add3A_350 : vector<1024x64xf32> to vector<1x1024x64xf32>
    tpu.vector_store %arg7[%swap3A_351, %swap3A_352, %swap3A_353], %swap3A_356 {strides = array<i32>} : memref<1x1024x64xf32, #tpu.memory_space<vmem>>, vector<1x1024x64xf32>,
    %broadcast_in_dim3A_357 = arith.constant 0.000000e+00 : f32
    %broadcast_in_dim3A_358 = vector.broadcast %broadcast_in_dim3A_357 : f32 to vector<1024x64xf32>
    %concatenate3A_359 = tpu.concatenate %get3A_4, %broadcast_in_dim3A_358 in 1 : vector<1024x64xf32>, vector<1024x64xf32> -> vector<1024x128xf32>
    %swap3A_360 = arith.constant 0 : index
    %swap3A_361 = arith.constant 0 : index
    %swap3A_362 = arith.constant 0 : index
    %swap3A_363 = vector.load %arg8[%swap3A_360, %swap3A_361, %swap3A_362] : memref<1x1024x128xf32, #tpu.memory_space<vmem>>, vector<1x1024x128xf32>
    %swap3A_364 = vector.shape_cast %swap3A_363 : vector<1x1024x128xf32> to vector<1024x128xf32>
    %swap3A_365 = vector.shape_cast %concatenate3A_359 : vector<1024x128xf32> to vector<1x1024x128xf32>
    tpu.vector_store %arg8[%swap3A_360, %swap3A_361, %swap3A_362], %swap3A_365 {strides = array<i32>} : memref<1x1024x128xf32, #tpu.memory_space<vmem>>, vector<1x1024x128xf32>,
    return
  }
  func.func @transform_0(%arg0: i32, %arg1: i32) -> (i32, i32, i32) {
    %c0_i32 = arith.constant 0 : i32
    %c0_i32_0 = arith.constant 0 : i32
    return %arg0, %arg1, %c0_i32 : i32, i32, i32
  }
  func.func @transform_1(%arg0: i32, %arg1: i32) -> (i32, i32, i32) {
    %c0_i32 = arith.constant 0 : i32
    %c0_i32_0 = arith.constant 0 : i32
    %c0_i32_1 = arith.constant 0 : i32
    return %arg0, %c0_i32, %c0_i32_0 : i32, i32, i32
  }
  func.func @transform_2(%arg0: i32, %arg1: i32) -> (i32, i32) {
    %c0_i32 = arith.constant 0 : i32
    %c0_i32_0 = arith.constant 0 : i32
    %c0_i32_1 = arith.constant 0 : i32
    return %c0_i32, %c0_i32_0 : i32, i32
  }
  func.func @transform_3(%arg0: i32, %arg1: i32) -> (i32, i32) {
    %c0_i32 = arith.constant 0 : i32
    %c0_i32_0 = arith.constant 0 : i32
    %c0_i32_1 = arith.constant 0 : i32
    return %c0_i32, %c0_i32_0 : i32, i32
  }
  func.func @transform_4(%arg0: i32, %arg1: i32) -> (i32, i32, i32) {
    %c0_i32 = arith.constant 0 : i32
    %c0_i32_0 = arith.constant 0 : i32
    return %arg0, %c0_i32, %arg1 : i32, i32, i32
  }
  func.func @transform_5(%arg0: i32, %arg1: i32) -> (i32, i32, i32) {
    %c0_i32 = arith.constant 0 : i32
    %c0_i32_0 = arith.constant 0 : i32
    return %arg0, %arg1, %c0_i32 : i32, i32, i32
  }
  func.func @transform_6(%arg0: i32, %arg1: i32) -> (i32, i32, i32) {
    %c0_i32 = arith.constant 0 : i32
    %c0_i32_0 = arith.constant 0 : i32
    return %arg0, %arg1, %c0_i32 : i32, i32, i32
  }
}

module attributes {stable_mosaic.version = 14 : i64} {
  func.func @_stage_c_body(%arg0: i32, %arg1: memref<5120x128xf32, #tpu.memory_space<vmem>>, %arg2: memref<256x128xf32, #tpu.memory_space<vmem>>, %arg3: memref<256x64xf32, #tpu.memory_space<vmem>>, %arg4: memref<128x64xf32, #tpu.memory_space<vmem>>, %arg5: memref<256x64xf32, #tpu.memory_space<vmem>>, %arg6: memref<1x1x64xf32, #tpu.memory_space<vmem>>, %arg7: memref<1x1x64xf32, #tpu.memory_space<vmem>>) attributes {dimension_semantics = [#tpu.dimension_semantics<arbitrary>], iteration_bounds = array<i64: 8>, scalar_prefetch = 0 : i64, scratch_operands = 0 : i64, tpu.core_type = #tpu.core_type<tc>, window_params = [{transform_indices = @transform_0, window_bounds = array<i64: 5120, 128>}, {transform_indices = @transform_1, window_bounds = array<i64: 256, 128>}, {transform_indices = @transform_2, window_bounds = array<i64: 256, 64>}, {pipeline_mode = #tpu.pipeline_mode<synchronous>, transform_indices = @transform_3, window_bounds = array<i64: 128, 64>}, {transform_indices = @transform_4, window_bounds = array<i64: 256, 64>}, {transform_indices = @transform_5, window_bounds = array<i64: 1, 1, 64>}, {transform_indices = @transform_6, window_bounds = array<i64: 1, 1, 64>}]} {
    %get3A = arith.constant 0 : index
    %get3A_0 = arith.constant 0 : index
    %get3A_1 = vector.load %arg1[%get3A, %get3A_0] : memref<5120x128xf32, #tpu.memory_space<vmem>>, vector<5120x128xf32>
    %reshape3A = vector.shape_cast %get3A_1 : vector<5120x128xf32> to vector<256x20x128xf32>
    %get3A_2 = arith.constant 0 : index
    %get3A_3 = arith.constant 0 : index
    %get3A_4 = vector.load %arg2[%get3A_2, %get3A_3] : memref<256x128xf32, #tpu.memory_space<vmem>>, vector<256x128xf32>
    %broadcast_in_dim3A = vector.shape_cast %get3A_4 : vector<256x128xf32> to vector<256x1x128xf32>
    %sub3A = vector.broadcast %broadcast_in_dim3A : vector<256x1x128xf32> to vector<256x20x128xf32>
    %sub3A_5 = arith.subf %reshape3A, %sub3A : vector<256x20x128xf32>
    %convert_element_type3A = arith.truncf %sub3A_5 : vector<256x20x128xf32> to vector<256x20x128xbf16>
    %get3A_6 = arith.constant 0 : index
    %get3A_7 = arith.constant 0 : index
    %get3A_8 = vector.load %arg4[%get3A_6, %get3A_7] : memref<128x64xf32, #tpu.memory_space<vmem>>, vector<128x64xf32>
    %convert_element_type3A_9 = arith.truncf %get3A_8 : vector<128x64xf32> to vector<128x64xbf16>
    %reshape3A_10 = vector.shape_cast %convert_element_type3A : vector<256x20x128xbf16> to vector<5120x128xbf16>
    %dot_general3A = arith.constant dense<0.000000e+00> : vector<5120x64xf32>
    %dot_general3A_11 = tpu.matmul %reshape3A_10, %convert_element_type3A_9, %dot_general3A {dimension_numbers = #tpu.dot_dimension_numbers<[1], [0], [0], [1], [0, 0, 1, 1], [], []>, transpose_lhs_hint = false} : vector<5120x128xbf16>, vector<128x64xbf16>, vector<5120x64xf32> -> vector<5120x64xf32>
    %reshape3A_12 = vector.shape_cast %dot_general3A_11 : vector<5120x64xf32> to vector<256x20x64xf32>
    %get3A_13 = arith.constant 0 : index
    %get3A_14 = arith.constant 0 : index
    %get3A_15 = vector.load %arg3[%get3A_13, %get3A_14] : memref<256x64xf32, #tpu.memory_space<vmem>>, vector<256x64xf32>
    %reduce_sum3A = arith.constant dense<0.000000e+00> : vector<256x64xf32>
    %reduce_sum3A_16 = vector.multi_reduction <add>, %reshape3A_12, %reduce_sum3A [1] : vector<256x20x64xf32> to vector<256x64xf32>
    %mul3A = arith.mulf %reshape3A_12, %reshape3A_12 : vector<256x20x64xf32>
    %reduce_sum3A_17 = arith.constant dense<0.000000e+00> : vector<256x64xf32>
    %reduce_sum3A_18 = vector.multi_reduction <add>, %mul3A, %reduce_sum3A_17 [1] : vector<256x20x64xf32> to vector<256x64xf32>
    %reduce_max3A = arith.constant dense<0xFF800000> : vector<256x64xf32>
    %reduce_max3A_19 = vector.multi_reduction <maximumf>, %reshape3A_12, %reduce_max3A [1] : vector<256x20x64xf32> to vector<256x64xf32>
    %add3A = arith.addf %get3A_15, %reduce_max3A_19 : vector<256x64xf32>
    %swap3A = arith.constant 0 : index
    %swap3A_20 = arith.constant 0 : index
    %swap3A_21 = vector.load %arg5[%swap3A, %swap3A_20] : memref<256x64xf32, #tpu.memory_space<vmem>>, vector<256x64xf32>
    tpu.vector_store %arg5[%swap3A, %swap3A_20], %add3A {strides = array<i32>} : memref<256x64xf32, #tpu.memory_space<vmem>>, vector<256x64xf32>,
    %mul3A_22 = arith.constant 2.000000e+01 : f32
    %mul3A_23 = vector.broadcast %mul3A_22 : f32 to vector<256x64xf32>
    %mul3A_24 = arith.mulf %mul3A_23, %get3A_15 : vector<256x64xf32>
    %add3A_25 = arith.addf %mul3A_24, %reduce_sum3A_16 : vector<256x64xf32>
    %reduce_sum3A_26 = arith.constant dense<0.000000e+00> : vector<64xf32>
    %reduce_sum3A_27 = vector.multi_reduction <add>, %add3A_25, %reduce_sum3A_26 [0] : vector<256x64xf32> to vector<64xf32>
    %broadcast_in_dim3A_28 = vector.shape_cast %reduce_sum3A_27 : vector<64xf32> to vector<1x64xf32>
    %swap3A_29 = arith.constant 0 : index
    %swap3A_30 = arith.constant 0 : index
    %swap3A_31 = arith.constant 0 : index
    %swap3A_32 = vector.load %arg6[%swap3A_29, %swap3A_30, %swap3A_31] : memref<1x1x64xf32, #tpu.memory_space<vmem>>, vector<1x1x64xf32>
    %swap3A_33 = vector.shape_cast %swap3A_32 : vector<1x1x64xf32> to vector<1x64xf32>
    %swap3A_34 = vector.shape_cast %broadcast_in_dim3A_28 : vector<1x64xf32> to vector<1x1x64xf32>
    tpu.vector_store %arg6[%swap3A_29, %swap3A_30, %swap3A_31], %swap3A_34 {strides = array<i32>} : memref<1x1x64xf32, #tpu.memory_space<vmem>>, vector<1x1x64xf32>,
    %mul3A_35 = arith.constant 2.000000e+01 : f32
    %mul3A_36 = vector.broadcast %mul3A_35 : f32 to vector<256x64xf32>
    %mul3A_37 = arith.mulf %mul3A_36, %get3A_15 : vector<256x64xf32>
    %mul3A_38 = arith.mulf %mul3A_37, %get3A_15 : vector<256x64xf32>
    %mul3A_39 = arith.constant 2.000000e+00 : f32
    %mul3A_40 = vector.broadcast %mul3A_39 : f32 to vector<256x64xf32>
    %mul3A_41 = arith.mulf %mul3A_40, %get3A_15 : vector<256x64xf32>
    %mul3A_42 = arith.mulf %mul3A_41, %reduce_sum3A_16 : vector<256x64xf32>
    %add3A_43 = arith.addf %mul3A_38, %mul3A_42 : vector<256x64xf32>
    %add3A_44 = arith.addf %add3A_43, %reduce_sum3A_18 : vector<256x64xf32>
    %reduce_sum3A_45 = arith.constant dense<0.000000e+00> : vector<64xf32>
    %reduce_sum3A_46 = vector.multi_reduction <add>, %add3A_44, %reduce_sum3A_45 [0] : vector<256x64xf32> to vector<64xf32>
    %broadcast_in_dim3A_47 = vector.shape_cast %reduce_sum3A_46 : vector<64xf32> to vector<1x64xf32>
    %swap3A_48 = arith.constant 0 : index
    %swap3A_49 = arith.constant 0 : index
    %swap3A_50 = arith.constant 0 : index
    %swap3A_51 = vector.load %arg7[%swap3A_48, %swap3A_49, %swap3A_50] : memref<1x1x64xf32, #tpu.memory_space<vmem>>, vector<1x1x64xf32>
    %swap3A_52 = vector.shape_cast %swap3A_51 : vector<1x1x64xf32> to vector<1x64xf32>
    %swap3A_53 = vector.shape_cast %broadcast_in_dim3A_47 : vector<1x64xf32> to vector<1x1x64xf32>
    tpu.vector_store %arg7[%swap3A_48, %swap3A_49, %swap3A_50], %swap3A_53 {strides = array<i32>} : memref<1x1x64xf32, #tpu.memory_space<vmem>>, vector<1x1x64xf32>,
    return
  }
  func.func @transform_0(%arg0: i32) -> (i32, i32) {
    %c0_i32 = arith.constant 0 : i32
    %c0_i32_0 = arith.constant 0 : i32
    return %arg0, %c0_i32 : i32, i32
  }
  func.func @transform_1(%arg0: i32) -> (i32, i32) {
    %c0_i32 = arith.constant 0 : i32
    %c0_i32_0 = arith.constant 0 : i32
    return %arg0, %c0_i32 : i32, i32
  }
  func.func @transform_2(%arg0: i32) -> (i32, i32) {
    %c0_i32 = arith.constant 0 : i32
    %c0_i32_0 = arith.constant 0 : i32
    return %arg0, %c0_i32 : i32, i32
  }
  func.func @transform_3(%arg0: i32) -> (i32, i32) {
    %c0_i32 = arith.constant 0 : i32
    %c0_i32_0 = arith.constant 0 : i32
    %c0_i32_1 = arith.constant 0 : i32
    return %c0_i32, %c0_i32_0 : i32, i32
  }
  func.func @transform_4(%arg0: i32) -> (i32, i32) {
    %c0_i32 = arith.constant 0 : i32
    %c0_i32_0 = arith.constant 0 : i32
    return %arg0, %c0_i32 : i32, i32
  }
  func.func @transform_5(%arg0: i32) -> (i32, i32, i32) {
    %c0_i32 = arith.constant 0 : i32
    %c0_i32_0 = arith.constant 0 : i32
    %c0_i32_1 = arith.constant 0 : i32
    return %arg0, %c0_i32, %c0_i32_0 : i32, i32, i32
  }
  func.func @transform_6(%arg0: i32) -> (i32, i32, i32) {
    %c0_i32 = arith.constant 0 : i32
    %c0_i32_0 = arith.constant 0 : i32
    %c0_i32_1 = arith.constant 0 : i32
    return %arg0, %c0_i32, %c0_i32_0 : i32, i32, i32
  }
}

module attributes {stable_mosaic.version = 14 : i64} {
  func.func @_stage_a23_body(%arg0: i32, %arg1: i32, %arg2: memref<1x1024x128xf32, #tpu.memory_space<vmem>>, %arg3: memref<1x1024x128xf32, #tpu.memory_space<vmem>>, %arg4: memref<1x1024x64xf32, #tpu.memory_space<vmem>>, %arg5: memref<1x1024x64xf32, #tpu.memory_space<vmem>>, %arg6: memref<8x1x64xf32, #tpu.memory_space<vmem>>, %arg7: memref<8x1x64xf32, #tpu.memory_space<vmem>>, %arg8: memref<1x64xf32, #tpu.memory_space<vmem>>, %arg9: memref<1x64xf32, #tpu.memory_space<vmem>>, %arg10: memref<128x64xf32, #tpu.memory_space<vmem>>, %arg11: memref<1x64xf32, #tpu.memory_space<vmem>>, %arg12: memref<1x20x1024xi32, #tpu.memory_space<vmem>>, %arg13: memref<1x1024x64xf32, #tpu.memory_space<vmem>>, %arg14: memref<1x1024x128xf32, #tpu.memory_space<vmem>>) attributes {dimension_semantics = [#tpu.dimension_semantics<arbitrary>, #tpu.dimension_semantics<arbitrary>], iteration_bounds = array<i64: 2, 1>, scalar_prefetch = 0 : i64, scratch_operands = 0 : i64, tpu.core_type = #tpu.core_type<tc>, window_params = [{transform_indices = @transform_0, window_bounds = array<i64: 1, 1024, 128>}, {transform_indices = @transform_1, window_bounds = array<i64: 1, 1024, 128>}, {transform_indices = @transform_2, window_bounds = array<i64: 1, 1024, 64>}, {transform_indices = @transform_3, window_bounds = array<i64: 1, 1024, 64>}, {pipeline_mode = #tpu.pipeline_mode<synchronous>, transform_indices = @transform_4, window_bounds = array<i64: 8, 1, 64>}, {pipeline_mode = #tpu.pipeline_mode<synchronous>, transform_indices = @transform_5, window_bounds = array<i64: 8, 1, 64>}, {pipeline_mode = #tpu.pipeline_mode<synchronous>, transform_indices = @transform_6, window_bounds = array<i64: 1, 64>}, {pipeline_mode = #tpu.pipeline_mode<synchronous>, transform_indices = @transform_7, window_bounds = array<i64: 1, 64>}, {pipeline_mode = #tpu.pipeline_mode<synchronous>, transform_indices = @transform_8, window_bounds = array<i64: 128, 64>}, {pipeline_mode = #tpu.pipeline_mode<synchronous>, transform_indices = @transform_9, window_bounds = array<i64: 1, 64>}, {transform_indices = @transform_10, window_bounds = array<i64: 1, 20, 1024>}, {transform_indices = @transform_11, window_bounds = array<i64: 1, 1024, 64>}, {transform_indices = @transform_12, window_bounds = array<i64: 1, 1024, 128>}]} {
    %mul3A = arith.constant 1024 : i32
    %mul3A_0 = arith.muli %arg0, %mul3A : i32
    %get3A = arith.constant 0 : index
    %get3A_1 = arith.constant 0 : index
    %get3A_2 = arith.constant 0 : index
    %get3A_3 = vector.load %arg5[%get3A, %get3A_1, %get3A_2] : memref<1x1024x64xf32, #tpu.memory_space<vmem>>, vector<1x1024x64xf32>
    %get3A_4 = vector.shape_cast %get3A_3 : vector<1x1024x64xf32> to vector<1024x64xf32>
    %get3A_5 = arith.constant 0 : index
    %get3A_6 = arith.constant 0 : index
    %get3A_7 = arith.constant 0 : index
    %get3A_8 = vector.load %arg6[%get3A_5, %get3A_6, %get3A_7] : memref<8x1x64xf32, #tpu.memory_space<vmem>>, vector<8x1x64xf32>
    %reduce_sum3A = arith.constant dense<0.000000e+00> : vector<1x64xf32>
    %reduce_sum3A_9 = vector.multi_reduction <add>, %get3A_8, %reduce_sum3A [0] : vector<8x1x64xf32> to vector<1x64xf32>
    %div3A = arith.constant 4.096000e+04 : f32
    %div3A_10 = vector.broadcast %div3A : f32 to vector<1x64xf32>
    %div3A_11 = arith.divf %reduce_sum3A_9, %div3A_10 : vector<1x64xf32>
    %get3A_12 = arith.constant 0 : index
    %get3A_13 = arith.constant 0 : index
    %get3A_14 = arith.constant 0 : index
    %get3A_15 = vector.load %arg7[%get3A_12, %get3A_13, %get3A_14] : memref<8x1x64xf32, #tpu.memory_space<vmem>>, vector<8x1x64xf32>
    %reduce_sum3A_16 = arith.constant dense<0.000000e+00> : vector<1x64xf32>
    %reduce_sum3A_17 = vector.multi_reduction <add>, %get3A_15, %reduce_sum3A_16 [0] : vector<8x1x64xf32> to vector<1x64xf32>
    %div3A_18 = arith.constant 4.096000e+04 : f32
    %div3A_19 = vector.broadcast %div3A_18 : f32 to vector<1x64xf32>
    %div3A_20 = arith.divf %reduce_sum3A_17, %div3A_19 : vector<1x64xf32>
    %mul3A_21 = arith.mulf %div3A_11, %div3A_11 : vector<1x64xf32>
    %sub3A = arith.subf %div3A_20, %mul3A_21 : vector<1x64xf32>
    %add3A = arith.constant 9.99999974E-6 : f32
    %add3A_22 = vector.broadcast %add3A : f32 to vector<1x64xf32>
    %add3A_23 = arith.addf %sub3A, %add3A_22 : vector<1x64xf32>
    %rsqrt3A = math.rsqrt %add3A_23 : vector<1x64xf32>
    %get3A_24 = arith.constant 0 : index
    %get3A_25 = arith.constant 0 : index
    %get3A_26 = vector.load %arg8[%get3A_24, %get3A_25] : memref<1x64xf32, #tpu.memory_space<vmem>>, vector<1x64xf32>
    %mul3A_27 = arith.mulf %rsqrt3A, %get3A_26 : vector<1x64xf32>
    %sub3A_28 = vector.broadcast %div3A_11 : vector<1x64xf32> to vector<1024x64xf32>
    %sub3A_29 = arith.subf %get3A_4, %sub3A_28 : vector<1024x64xf32>
    %mul3A_30 = vector.broadcast %mul3A_27 : vector<1x64xf32> to vector<1024x64xf32>
    %mul3A_31 = arith.mulf %sub3A_29, %mul3A_30 : vector<1024x64xf32>
    %get3A_32 = arith.constant 0 : index
    %get3A_33 = arith.constant 0 : index
    %get3A_34 = vector.load %arg9[%get3A_32, %get3A_33] : memref<1x64xf32, #tpu.memory_space<vmem>>, vector<1x64xf32>
    %add3A_35 = vector.broadcast %get3A_34 : vector<1x64xf32> to vector<1024x64xf32>
    %add3A_36 = arith.addf %mul3A_31, %add3A_35 : vector<1024x64xf32>
    %max3A = arith.constant 0.000000e+00 : f32
    %max3A_37 = vector.broadcast %max3A : f32 to vector<1024x64xf32>
    %max3A_38 = arith.maximumf %add3A_36, %max3A_37 : vector<1024x64xf32>
    %get3A_39 = arith.constant 0 : index
    %get3A_40 = arith.constant 0 : index
    %get3A_41 = arith.constant 0 : index
    %get3A_42 = vector.load %arg4[%get3A_39, %get3A_40, %get3A_41] : memref<1x1024x64xf32, #tpu.memory_space<vmem>>, vector<1x1024x64xf32>
    %get3A_43 = vector.shape_cast %get3A_42 : vector<1x1024x64xf32> to vector<1024x64xf32>
    %get3A_44 = arith.constant 0 : index
    %get3A_45 = arith.constant 0 : index
    %get3A_46 = arith.constant 0 : index
    %get3A_47 = vector.load %arg6[%get3A_44, %get3A_45, %get3A_46] : memref<8x1x64xf32, #tpu.memory_space<vmem>>, vector<8x1x64xf32>
    %reduce_sum3A_48 = arith.constant dense<0.000000e+00> : vector<1x64xf32>
    %reduce_sum3A_49 = vector.multi_reduction <add>, %get3A_47, %reduce_sum3A_48 [0] : vector<8x1x64xf32> to vector<1x64xf32>
    %div3A_50 = arith.constant 4.096000e+04 : f32
    %div3A_51 = vector.broadcast %div3A_50 : f32 to vector<1x64xf32>
    %div3A_52 = arith.divf %reduce_sum3A_49, %div3A_51 : vector<1x64xf32>
    %get3A_53 = arith.constant 0 : index
    %get3A_54 = arith.constant 0 : index
    %get3A_55 = arith.constant 0 : index
    %get3A_56 = vector.load %arg7[%get3A_53, %get3A_54, %get3A_55] : memref<8x1x64xf32, #tpu.memory_space<vmem>>, vector<8x1x64xf32>
    %reduce_sum3A_57 = arith.constant dense<0.000000e+00> : vector<1x64xf32>
    %reduce_sum3A_58 = vector.multi_reduction <add>, %get3A_56, %reduce_sum3A_57 [0] : vector<8x1x64xf32> to vector<1x64xf32>
    %div3A_59 = arith.constant 4.096000e+04 : f32
    %div3A_60 = vector.broadcast %div3A_59 : f32 to vector<1x64xf32>
    %div3A_61 = arith.divf %reduce_sum3A_58, %div3A_60 : vector<1x64xf32>
    %mul3A_62 = arith.mulf %div3A_52, %div3A_52 : vector<1x64xf32>
    %sub3A_63 = arith.subf %div3A_61, %mul3A_62 : vector<1x64xf32>
    %add3A_64 = arith.constant 9.99999974E-6 : f32
    %add3A_65 = vector.broadcast %add3A_64 : f32 to vector<1x64xf32>
    %add3A_66 = arith.addf %sub3A_63, %add3A_65 : vector<1x64xf32>
    %rsqrt3A_67 = math.rsqrt %add3A_66 : vector<1x64xf32>
    %get3A_68 = arith.constant 0 : index
    %get3A_69 = arith.constant 0 : index
    %get3A_70 = vector.load %arg8[%get3A_68, %get3A_69] : memref<1x64xf32, #tpu.memory_space<vmem>>, vector<1x64xf32>
    %mul3A_71 = arith.mulf %rsqrt3A_67, %get3A_70 : vector<1x64xf32>
    %sub3A_72 = vector.broadcast %div3A_52 : vector<1x64xf32> to vector<1024x64xf32>
    %sub3A_73 = arith.subf %get3A_43, %sub3A_72 : vector<1024x64xf32>
    %mul3A_74 = vector.broadcast %mul3A_71 : vector<1x64xf32> to vector<1024x64xf32>
    %mul3A_75 = arith.mulf %sub3A_73, %mul3A_74 : vector<1024x64xf32>
    %get3A_76 = arith.constant 0 : index
    %get3A_77 = arith.constant 0 : index
    %get3A_78 = vector.load %arg9[%get3A_76, %get3A_77] : memref<1x64xf32, #tpu.memory_space<vmem>>, vector<1x64xf32>
    %add3A_79 = vector.broadcast %get3A_78 : vector<1x64xf32> to vector<1024x64xf32>
    %add3A_80 = arith.addf %mul3A_75, %add3A_79 : vector<1024x64xf32>
    %max3A_81 = arith.constant 0.000000e+00 : f32
    %max3A_82 = vector.broadcast %max3A_81 : f32 to vector<1024x64xf32>
    %max3A_83 = arith.maximumf %add3A_80, %max3A_82 : vector<1024x64xf32>
    %get3A_84 = arith.constant 0 : index
    %get3A_85 = arith.constant 0 : index
    %get3A_86 = arith.constant 0 : index
    %get3A_87 = vector.load %arg3[%get3A_84, %get3A_85, %get3A_86] : memref<1x1024x128xf32, #tpu.memory_space<vmem>>, vector<1x1024x128xf32>
    %get3A_88 = vector.shape_cast %get3A_87 : vector<1x1024x128xf32> to vector<1024x128xf32>
    %slice3A = vector.extract_strided_slice %get3A_88 {offsets = [0, 0], sizes = [1024, 64], strides = [1, 1]} : vector<1024x128xf32> to vector<1024x64xf32>
    %concatenate3A = tpu.concatenate %max3A_38, %slice3A in 1 : vector<1024x64xf32>, vector<1024x64xf32> -> vector<1024x128xf32>
    %get3A_89 = arith.constant 0 : index
    %get3A_90 = arith.constant 0 : index
    %get3A_91 = arith.constant 0 : index
    %get3A_92 = vector.load %arg2[%get3A_89, %get3A_90, %get3A_91] : memref<1x1024x128xf32, #tpu.memory_space<vmem>>, vector<1x1024x128xf32>
    %get3A_93 = vector.shape_cast %get3A_92 : vector<1x1024x128xf32> to vector<1024x128xf32>
    %slice3A_94 = vector.extract_strided_slice %get3A_93 {offsets = [0, 0], sizes = [1024, 64], strides = [1, 1]} : vector<1024x128xf32> to vector<1024x64xf32>
    %concatenate3A_95 = tpu.concatenate %max3A_83, %slice3A_94 in 1 : vector<1024x64xf32>, vector<1024x64xf32> -> vector<1024x128xf32>
    %convert_element_type3A = arith.truncf %concatenate3A_95 : vector<1024x128xf32> to vector<1024x128xbf16>
    %convert_element_type3A_96 = arith.truncf %concatenate3A : vector<1024x128xf32> to vector<1024x128xbf16>
    %dot_general3A = arith.constant dense<0.000000e+00> : vector<1024x1024xf32>
    %dot_general3A_97 = tpu.matmul %convert_element_type3A, %convert_element_type3A_96, %dot_general3A {dimension_numbers = #tpu.dot_dimension_numbers<[1], [1], [0], [0], [0, 0, 1, 0], [], []>, transpose_lhs_hint = false} : vector<1024x128xbf16>, vector<1024x128xbf16>, vector<1024x1024xf32> -> vector<1024x1024xf32>
    %mul3A_98 = arith.mulf %concatenate3A_95, %concatenate3A_95 : vector<1024x128xf32>
    %reduce_sum3A_99 = arith.constant dense<0.000000e+00> : vector<1024xf32>
    %reduce_sum3A_100 = vector.multi_reduction <add>, %mul3A_98, %reduce_sum3A_99 [1] : vector<1024x128xf32> to vector<1024xf32>
    %broadcast_in_dim3A = vector.shape_cast %reduce_sum3A_100 : vector<1024xf32> to vector<1024x1xf32>
    %mul3A_101 = arith.mulf %concatenate3A, %concatenate3A : vector<1024x128xf32>
    %reduce_sum3A_102 = arith.constant dense<0.000000e+00> : vector<1024xf32>
    %reduce_sum3A_103 = vector.multi_reduction <add>, %mul3A_101, %reduce_sum3A_102 [1] : vector<1024x128xf32> to vector<1024xf32>
    %broadcast_in_dim3A_104 = vector.shape_cast %reduce_sum3A_103 : vector<1024xf32> to vector<1x1024xf32>
    %mul3A_105 = arith.constant 2.000000e+00 : f32
    %mul3A_106 = vector.broadcast %mul3A_105 : f32 to vector<1024x1024xf32>
    %mul3A_107 = arith.mulf %mul3A_106, %dot_general3A_97 : vector<1024x1024xf32>
    %sub3A_108 = vector.broadcast %broadcast_in_dim3A : vector<1024x1xf32> to vector<1024x1024xf32>
    %sub3A_109 = arith.subf %mul3A_107, %sub3A_108 : vector<1024x1024xf32>
    %sub3A_110 = vector.broadcast %broadcast_in_dim3A_104 : vector<1x1024xf32> to vector<1024x1024xf32>
    %sub3A_111 = arith.subf %sub3A_109, %sub3A_110 : vector<1024x1024xf32>
    %iota3A = tpu.iota {dimensions = array<i32: 1>} : vector<1024x1024xi32>
    %reduce_max3A = arith.constant dense<0xFF800000> : vector<1024xf32>
    %reduce_max3A_112 = vector.multi_reduction <maximumf>, %sub3A_111, %reduce_max3A [1] : vector<1024x1024xf32> to vector<1024xf32>
    %broadcast_in_dim3A_113 = vector.shape_cast %reduce_max3A_112 : vector<1024xf32> to vector<1024x1xf32>
    %eq3A = vector.broadcast %broadcast_in_dim3A_113 : vector<1024x1xf32> to vector<1024x1024xf32>
    %eq3A_114 = arith.cmpf oeq, %sub3A_111, %eq3A : vector<1024x1024xf32>
    %jit3A = arith.constant 1024 : i32
    %broadcast_in_dim3A_115 = vector.broadcast %jit3A : i32 to vector<1024x1024xi32>
    %select_n3A = arith.select %eq3A_114, %iota3A, %broadcast_in_dim3A_115 : vector<1024x1024xi1>, vector<1024x1024xi32>
    %reduce_min3A = arith.constant dense<2147483647> : vector<1024xi32>
    %reduce_min3A_116 = vector.multi_reduction <minsi>, %select_n3A, %reduce_min3A [1] : vector<1024x1024xi32> to vector<1024xi32>
    %broadcast_in_dim3A_117 = vector.shape_cast %reduce_min3A_116 : vector<1024xi32> to vector<1x1024xi32>
    %add3A_118 = vector.broadcast %mul3A_0 : i32 to vector<1x1024xi32>
    %add3A_119 = arith.addi %broadcast_in_dim3A_117, %add3A_118 : vector<1x1024xi32>
    %jit3A_120 = arith.constant -1.000000e+30 : f32
    %broadcast_in_dim3A_121 = vector.broadcast %jit3A_120 : f32 to vector<1024x1024xf32>
    %select_n3A_122 = arith.select %eq3A_114, %broadcast_in_dim3A_121, %sub3A_111 : vector<1024x1024xi1>, vector<1024x1024xf32>
    %reduce_max3A_123 = arith.constant dense<0xFF800000> : vector<1024xf32>
    %reduce_max3A_124 = vector.multi_reduction <maximumf>, %select_n3A_122, %reduce_max3A_123 [1] : vector<1024x1024xf32> to vector<1024xf32>
    %broadcast_in_dim3A_125 = vector.shape_cast %reduce_max3A_124 : vector<1024xf32> to vector<1024x1xf32>
    %eq3A_126 = vector.broadcast %broadcast_in_dim3A_125 : vector<1024x1xf32> to vector<1024x1024xf32>
    %eq3A_127 = arith.cmpf oeq, %select_n3A_122, %eq3A_126 : vector<1024x1024xf32>
    %jit3A_128 = arith.constant 1024 : i32
    %broadcast_in_dim3A_129 = vector.broadcast %jit3A_128 : i32 to vector<1024x1024xi32>
    %select_n3A_130 = arith.select %eq3A_127, %iota3A, %broadcast_in_dim3A_129 : vector<1024x1024xi1>, vector<1024x1024xi32>
    %reduce_min3A_131 = arith.constant dense<2147483647> : vector<1024xi32>
    %reduce_min3A_132 = vector.multi_reduction <minsi>, %select_n3A_130, %reduce_min3A_131 [1] : vector<1024x1024xi32> to vector<1024xi32>
    %broadcast_in_dim3A_133 = vector.shape_cast %reduce_min3A_132 : vector<1024xi32> to vector<1x1024xi32>
    %add3A_134 = vector.broadcast %mul3A_0 : i32 to vector<1x1024xi32>
    %add3A_135 = arith.addi %broadcast_in_dim3A_133, %add3A_134 : vector<1x1024xi32>
    %jit3A_136 = arith.constant -1.000000e+30 : f32
    %broadcast_in_dim3A_137 = vector.broadcast %jit3A_136 : f32 to vector<1024x1024xf32>
    %select_n3A_138 = arith.select %eq3A_127, %broadcast_in_dim3A_137, %select_n3A_122 : vector<1024x1024xi1>, vector<1024x1024xf32>
    %reduce_max3A_139 = arith.constant dense<0xFF800000> : vector<1024xf32>
    %reduce_max3A_140 = vector.multi_reduction <maximumf>, %select_n3A_138, %reduce_max3A_139 [1] : vector<1024x1024xf32> to vector<1024xf32>
    %broadcast_in_dim3A_141 = vector.shape_cast %reduce_max3A_140 : vector<1024xf32> to vector<1024x1xf32>
    %eq3A_142 = vector.broadcast %broadcast_in_dim3A_141 : vector<1024x1xf32> to vector<1024x1024xf32>
    %eq3A_143 = arith.cmpf oeq, %select_n3A_138, %eq3A_142 : vector<1024x1024xf32>
    %jit3A_144 = arith.constant 1024 : i32
    %broadcast_in_dim3A_145 = vector.broadcast %jit3A_144 : i32 to vector<1024x1024xi32>
    %select_n3A_146 = arith.select %eq3A_143, %iota3A, %broadcast_in_dim3A_145 : vector<1024x1024xi1>, vector<1024x1024xi32>
    %reduce_min3A_147 = arith.constant dense<2147483647> : vector<1024xi32>
    %reduce_min3A_148 = vector.multi_reduction <minsi>, %select_n3A_146, %reduce_min3A_147 [1] : vector<1024x1024xi32> to vector<1024xi32>
    %broadcast_in_dim3A_149 = vector.shape_cast %reduce_min3A_148 : vector<1024xi32> to vector<1x1024xi32>
    %add3A_150 = vector.broadcast %mul3A_0 : i32 to vector<1x1024xi32>
    %add3A_151 = arith.addi %broadcast_in_dim3A_149, %add3A_150 : vector<1x1024xi32>
    %jit3A_152 = arith.constant -1.000000e+30 : f32
    %broadcast_in_dim3A_153 = vector.broadcast %jit3A_152 : f32 to vector<1024x1024xf32>
    %select_n3A_154 = arith.select %eq3A_143, %broadcast_in_dim3A_153, %select_n3A_138 : vector<1024x1024xi1>, vector<1024x1024xf32>
    %reduce_max3A_155 = arith.constant dense<0xFF800000> : vector<1024xf32>
    %reduce_max3A_156 = vector.multi_reduction <maximumf>, %select_n3A_154, %reduce_max3A_155 [1] : vector<1024x1024xf32> to vector<1024xf32>
    %broadcast_in_dim3A_157 = vector.shape_cast %reduce_max3A_156 : vector<1024xf32> to vector<1024x1xf32>
    %eq3A_158 = vector.broadcast %broadcast_in_dim3A_157 : vector<1024x1xf32> to vector<1024x1024xf32>
    %eq3A_159 = arith.cmpf oeq, %select_n3A_154, %eq3A_158 : vector<1024x1024xf32>
    %jit3A_160 = arith.constant 1024 : i32
    %broadcast_in_dim3A_161 = vector.broadcast %jit3A_160 : i32 to vector<1024x1024xi32>
    %select_n3A_162 = arith.select %eq3A_159, %iota3A, %broadcast_in_dim3A_161 : vector<1024x1024xi1>, vector<1024x1024xi32>
    %reduce_min3A_163 = arith.constant dense<2147483647> : vector<1024xi32>
    %reduce_min3A_164 = vector.multi_reduction <minsi>, %select_n3A_162, %reduce_min3A_163 [1] : vector<1024x1024xi32> to vector<1024xi32>
    %broadcast_in_dim3A_165 = vector.shape_cast %reduce_min3A_164 : vector<1024xi32> to vector<1x1024xi32>
    %add3A_166 = vector.broadcast %mul3A_0 : i32 to vector<1x1024xi32>
    %add3A_167 = arith.addi %broadcast_in_dim3A_165, %add3A_166 : vector<1x1024xi32>
    %jit3A_168 = arith.constant -1.000000e+30 : f32
    %broadcast_in_dim3A_169 = vector.broadcast %jit3A_168 : f32 to vector<1024x1024xf32>
    %select_n3A_170 = arith.select %eq3A_159, %broadcast_in_dim3A_169, %select_n3A_154 : vector<1024x1024xi1>, vector<1024x1024xf32>
    %reduce_max3A_171 = arith.constant dense<0xFF800000> : vector<1024xf32>
    %reduce_max3A_172 = vector.multi_reduction <maximumf>, %select_n3A_170, %reduce_max3A_171 [1] : vector<1024x1024xf32> to vector<1024xf32>
    %broadcast_in_dim3A_173 = vector.shape_cast %reduce_max3A_172 : vector<1024xf32> to vector<1024x1xf32>
    %eq3A_174 = vector.broadcast %broadcast_in_dim3A_173 : vector<1024x1xf32> to vector<1024x1024xf32>
    %eq3A_175 = arith.cmpf oeq, %select_n3A_170, %eq3A_174 : vector<1024x1024xf32>
    %jit3A_176 = arith.constant 1024 : i32
    %broadcast_in_dim3A_177 = vector.broadcast %jit3A_176 : i32 to vector<1024x1024xi32>
    %select_n3A_178 = arith.select %eq3A_175, %iota3A, %broadcast_in_dim3A_177 : vector<1024x1024xi1>, vector<1024x1024xi32>
    %reduce_min3A_179 = arith.constant dense<2147483647> : vector<1024xi32>
    %reduce_min3A_180 = vector.multi_reduction <minsi>, %select_n3A_178, %reduce_min3A_179 [1] : vector<1024x1024xi32> to vector<1024xi32>
    %broadcast_in_dim3A_181 = vector.shape_cast %reduce_min3A_180 : vector<1024xi32> to vector<1x1024xi32>
    %add3A_182 = vector.broadcast %mul3A_0 : i32 to vector<1x1024xi32>
    %add3A_183 = arith.addi %broadcast_in_dim3A_181, %add3A_182 : vector<1x1024xi32>
    %jit3A_184 = arith.constant -1.000000e+30 : f32
    %broadcast_in_dim3A_185 = vector.broadcast %jit3A_184 : f32 to vector<1024x1024xf32>
    %select_n3A_186 = arith.select %eq3A_175, %broadcast_in_dim3A_185, %select_n3A_170 : vector<1024x1024xi1>, vector<1024x1024xf32>
    %reduce_max3A_187 = arith.constant dense<0xFF800000> : vector<1024xf32>
    %reduce_max3A_188 = vector.multi_reduction <maximumf>, %select_n3A_186, %reduce_max3A_187 [1] : vector<1024x1024xf32> to vector<1024xf32>
    %broadcast_in_dim3A_189 = vector.shape_cast %reduce_max3A_188 : vector<1024xf32> to vector<1024x1xf32>
    %eq3A_190 = vector.broadcast %broadcast_in_dim3A_189 : vector<1024x1xf32> to vector<1024x1024xf32>
    %eq3A_191 = arith.cmpf oeq, %select_n3A_186, %eq3A_190 : vector<1024x1024xf32>
    %jit3A_192 = arith.constant 1024 : i32
    %broadcast_in_dim3A_193 = vector.broadcast %jit3A_192 : i32 to vector<1024x1024xi32>
    %select_n3A_194 = arith.select %eq3A_191, %iota3A, %broadcast_in_dim3A_193 : vector<1024x1024xi1>, vector<1024x1024xi32>
    %reduce_min3A_195 = arith.constant dense<2147483647> : vector<1024xi32>
    %reduce_min3A_196 = vector.multi_reduction <minsi>, %select_n3A_194, %reduce_min3A_195 [1] : vector<1024x1024xi32> to vector<1024xi32>
    %broadcast_in_dim3A_197 = vector.shape_cast %reduce_min3A_196 : vector<1024xi32> to vector<1x1024xi32>
    %add3A_198 = vector.broadcast %mul3A_0 : i32 to vector<1x1024xi32>
    %add3A_199 = arith.addi %broadcast_in_dim3A_197, %add3A_198 : vector<1x1024xi32>
    %jit3A_200 = arith.constant -1.000000e+30 : f32
    %broadcast_in_dim3A_201 = vector.broadcast %jit3A_200 : f32 to vector<1024x1024xf32>
    %select_n3A_202 = arith.select %eq3A_191, %broadcast_in_dim3A_201, %select_n3A_186 : vector<1024x1024xi1>, vector<1024x1024xf32>
    %reduce_max3A_203 = arith.constant dense<0xFF800000> : vector<1024xf32>
    %reduce_max3A_204 = vector.multi_reduction <maximumf>, %select_n3A_202, %reduce_max3A_203 [1] : vector<1024x1024xf32> to vector<1024xf32>
    %broadcast_in_dim3A_205 = vector.shape_cast %reduce_max3A_204 : vector<1024xf32> to vector<1024x1xf32>
    %eq3A_206 = vector.broadcast %broadcast_in_dim3A_205 : vector<1024x1xf32> to vector<1024x1024xf32>
    %eq3A_207 = arith.cmpf oeq, %select_n3A_202, %eq3A_206 : vector<1024x1024xf32>
    %jit3A_208 = arith.constant 1024 : i32
    %broadcast_in_dim3A_209 = vector.broadcast %jit3A_208 : i32 to vector<1024x1024xi32>
    %select_n3A_210 = arith.select %eq3A_207, %iota3A, %broadcast_in_dim3A_209 : vector<1024x1024xi1>, vector<1024x1024xi32>
    %reduce_min3A_211 = arith.constant dense<2147483647> : vector<1024xi32>
    %reduce_min3A_212 = vector.multi_reduction <minsi>, %select_n3A_210, %reduce_min3A_211 [1] : vector<1024x1024xi32> to vector<1024xi32>
    %broadcast_in_dim3A_213 = vector.shape_cast %reduce_min3A_212 : vector<1024xi32> to vector<1x1024xi32>
    %add3A_214 = vector.broadcast %mul3A_0 : i32 to vector<1x1024xi32>
    %add3A_215 = arith.addi %broadcast_in_dim3A_213, %add3A_214 : vector<1x1024xi32>
    %jit3A_216 = arith.constant -1.000000e+30 : f32
    %broadcast_in_dim3A_217 = vector.broadcast %jit3A_216 : f32 to vector<1024x1024xf32>
    %select_n3A_218 = arith.select %eq3A_207, %broadcast_in_dim3A_217, %select_n3A_202 : vector<1024x1024xi1>, vector<1024x1024xf32>
    %reduce_max3A_219 = arith.constant dense<0xFF800000> : vector<1024xf32>
    %reduce_max3A_220 = vector.multi_reduction <maximumf>, %select_n3A_218, %reduce_max3A_219 [1] : vector<1024x1024xf32> to vector<1024xf32>
    %broadcast_in_dim3A_221 = vector.shape_cast %reduce_max3A_220 : vector<1024xf32> to vector<1024x1xf32>
    %eq3A_222 = vector.broadcast %broadcast_in_dim3A_221 : vector<1024x1xf32> to vector<1024x1024xf32>
    %eq3A_223 = arith.cmpf oeq, %select_n3A_218, %eq3A_222 : vector<1024x1024xf32>
    %jit3A_224 = arith.constant 1024 : i32
    %broadcast_in_dim3A_225 = vector.broadcast %jit3A_224 : i32 to vector<1024x1024xi32>
    %select_n3A_226 = arith.select %eq3A_223, %iota3A, %broadcast_in_dim3A_225 : vector<1024x1024xi1>, vector<1024x1024xi32>
    %reduce_min3A_227 = arith.constant dense<2147483647> : vector<1024xi32>
    %reduce_min3A_228 = vector.multi_reduction <minsi>, %select_n3A_226, %reduce_min3A_227 [1] : vector<1024x1024xi32> to vector<1024xi32>
    %broadcast_in_dim3A_229 = vector.shape_cast %reduce_min3A_228 : vector<1024xi32> to vector<1x1024xi32>
    %add3A_230 = vector.broadcast %mul3A_0 : i32 to vector<1x1024xi32>
    %add3A_231 = arith.addi %broadcast_in_dim3A_229, %add3A_230 : vector<1x1024xi32>
    %jit3A_232 = arith.constant -1.000000e+30 : f32
    %broadcast_in_dim3A_233 = vector.broadcast %jit3A_232 : f32 to vector<1024x1024xf32>
    %select_n3A_234 = arith.select %eq3A_223, %broadcast_in_dim3A_233, %select_n3A_218 : vector<1024x1024xi1>, vector<1024x1024xf32>
    %reduce_max3A_235 = arith.constant dense<0xFF800000> : vector<1024xf32>
    %reduce_max3A_236 = vector.multi_reduction <maximumf>, %select_n3A_234, %reduce_max3A_235 [1] : vector<1024x1024xf32> to vector<1024xf32>
    %broadcast_in_dim3A_237 = vector.shape_cast %reduce_max3A_236 : vector<1024xf32> to vector<1024x1xf32>
    %eq3A_238 = vector.broadcast %broadcast_in_dim3A_237 : vector<1024x1xf32> to vector<1024x1024xf32>
    %eq3A_239 = arith.cmpf oeq, %select_n3A_234, %eq3A_238 : vector<1024x1024xf32>
    %jit3A_240 = arith.constant 1024 : i32
    %broadcast_in_dim3A_241 = vector.broadcast %jit3A_240 : i32 to vector<1024x1024xi32>
    %select_n3A_242 = arith.select %eq3A_239, %iota3A, %broadcast_in_dim3A_241 : vector<1024x1024xi1>, vector<1024x1024xi32>
    %reduce_min3A_243 = arith.constant dense<2147483647> : vector<1024xi32>
    %reduce_min3A_244 = vector.multi_reduction <minsi>, %select_n3A_242, %reduce_min3A_243 [1] : vector<1024x1024xi32> to vector<1024xi32>
    %broadcast_in_dim3A_245 = vector.shape_cast %reduce_min3A_244 : vector<1024xi32> to vector<1x1024xi32>
    %add3A_246 = vector.broadcast %mul3A_0 : i32 to vector<1x1024xi32>
    %add3A_247 = arith.addi %broadcast_in_dim3A_245, %add3A_246 : vector<1x1024xi32>
    %jit3A_248 = arith.constant -1.000000e+30 : f32
    %broadcast_in_dim3A_249 = vector.broadcast %jit3A_248 : f32 to vector<1024x1024xf32>
    %select_n3A_250 = arith.select %eq3A_239, %broadcast_in_dim3A_249, %select_n3A_234 : vector<1024x1024xi1>, vector<1024x1024xf32>
    %reduce_max3A_251 = arith.constant dense<0xFF800000> : vector<1024xf32>
    %reduce_max3A_252 = vector.multi_reduction <maximumf>, %select_n3A_250, %reduce_max3A_251 [1] : vector<1024x1024xf32> to vector<1024xf32>
    %broadcast_in_dim3A_253 = vector.shape_cast %reduce_max3A_252 : vector<1024xf32> to vector<1024x1xf32>
    %eq3A_254 = vector.broadcast %broadcast_in_dim3A_253 : vector<1024x1xf32> to vector<1024x1024xf32>
    %eq3A_255 = arith.cmpf oeq, %select_n3A_250, %eq3A_254 : vector<1024x1024xf32>
    %jit3A_256 = arith.constant 1024 : i32
    %broadcast_in_dim3A_257 = vector.broadcast %jit3A_256 : i32 to vector<1024x1024xi32>
    %select_n3A_258 = arith.select %eq3A_255, %iota3A, %broadcast_in_dim3A_257 : vector<1024x1024xi1>, vector<1024x1024xi32>
    %reduce_min3A_259 = arith.constant dense<2147483647> : vector<1024xi32>
    %reduce_min3A_260 = vector.multi_reduction <minsi>, %select_n3A_258, %reduce_min3A_259 [1] : vector<1024x1024xi32> to vector<1024xi32>
    %broadcast_in_dim3A_261 = vector.shape_cast %reduce_min3A_260 : vector<1024xi32> to vector<1x1024xi32>
    %add3A_262 = vector.broadcast %mul3A_0 : i32 to vector<1x1024xi32>
    %add3A_263 = arith.addi %broadcast_in_dim3A_261, %add3A_262 : vector<1x1024xi32>
    %jit3A_264 = arith.constant -1.000000e+30 : f32
    %broadcast_in_dim3A_265 = vector.broadcast %jit3A_264 : f32 to vector<1024x1024xf32>
    %select_n3A_266 = arith.select %eq3A_255, %broadcast_in_dim3A_265, %select_n3A_250 : vector<1024x1024xi1>, vector<1024x1024xf32>
    %reduce_max3A_267 = arith.constant dense<0xFF800000> : vector<1024xf32>
    %reduce_max3A_268 = vector.multi_reduction <maximumf>, %select_n3A_266, %reduce_max3A_267 [1] : vector<1024x1024xf32> to vector<1024xf32>
    %broadcast_in_dim3A_269 = vector.shape_cast %reduce_max3A_268 : vector<1024xf32> to vector<1024x1xf32>
    %eq3A_270 = vector.broadcast %broadcast_in_dim3A_269 : vector<1024x1xf32> to vector<1024x1024xf32>
    %eq3A_271 = arith.cmpf oeq, %select_n3A_266, %eq3A_270 : vector<1024x1024xf32>
    %jit3A_272 = arith.constant 1024 : i32
    %broadcast_in_dim3A_273 = vector.broadcast %jit3A_272 : i32 to vector<1024x1024xi32>
    %select_n3A_274 = arith.select %eq3A_271, %iota3A, %broadcast_in_dim3A_273 : vector<1024x1024xi1>, vector<1024x1024xi32>
    %reduce_min3A_275 = arith.constant dense<2147483647> : vector<1024xi32>
    %reduce_min3A_276 = vector.multi_reduction <minsi>, %select_n3A_274, %reduce_min3A_275 [1] : vector<1024x1024xi32> to vector<1024xi32>
    %broadcast_in_dim3A_277 = vector.shape_cast %reduce_min3A_276 : vector<1024xi32> to vector<1x1024xi32>
    %add3A_278 = vector.broadcast %mul3A_0 : i32 to vector<1x1024xi32>
    %add3A_279 = arith.addi %broadcast_in_dim3A_277, %add3A_278 : vector<1x1024xi32>
    %jit3A_280 = arith.constant -1.000000e+30 : f32
    %broadcast_in_dim3A_281 = vector.broadcast %jit3A_280 : f32 to vector<1024x1024xf32>
    %select_n3A_282 = arith.select %eq3A_271, %broadcast_in_dim3A_281, %select_n3A_266 : vector<1024x1024xi1>, vector<1024x1024xf32>
    %reduce_max3A_283 = arith.constant dense<0xFF800000> : vector<1024xf32>
    %reduce_max3A_284 = vector.multi_reduction <maximumf>, %select_n3A_282, %reduce_max3A_283 [1] : vector<1024x1024xf32> to vector<1024xf32>
    %broadcast_in_dim3A_285 = vector.shape_cast %reduce_max3A_284 : vector<1024xf32> to vector<1024x1xf32>
    %eq3A_286 = vector.broadcast %broadcast_in_dim3A_285 : vector<1024x1xf32> to vector<1024x1024xf32>
    %eq3A_287 = arith.cmpf oeq, %select_n3A_282, %eq3A_286 : vector<1024x1024xf32>
    %jit3A_288 = arith.constant 1024 : i32
    %broadcast_in_dim3A_289 = vector.broadcast %jit3A_288 : i32 to vector<1024x1024xi32>
    %select_n3A_290 = arith.select %eq3A_287, %iota3A, %broadcast_in_dim3A_289 : vector<1024x1024xi1>, vector<1024x1024xi32>
    %reduce_min3A_291 = arith.constant dense<2147483647> : vector<1024xi32>
    %reduce_min3A_292 = vector.multi_reduction <minsi>, %select_n3A_290, %reduce_min3A_291 [1] : vector<1024x1024xi32> to vector<1024xi32>
    %broadcast_in_dim3A_293 = vector.shape_cast %reduce_min3A_292 : vector<1024xi32> to vector<1x1024xi32>
    %add3A_294 = vector.broadcast %mul3A_0 : i32 to vector<1x1024xi32>
    %add3A_295 = arith.addi %broadcast_in_dim3A_293, %add3A_294 : vector<1x1024xi32>
    %jit3A_296 = arith.constant -1.000000e+30 : f32
    %broadcast_in_dim3A_297 = vector.broadcast %jit3A_296 : f32 to vector<1024x1024xf32>
    %select_n3A_298 = arith.select %eq3A_287, %broadcast_in_dim3A_297, %select_n3A_282 : vector<1024x1024xi1>, vector<1024x1024xf32>
    %reduce_max3A_299 = arith.constant dense<0xFF800000> : vector<1024xf32>
    %reduce_max3A_300 = vector.multi_reduction <maximumf>, %select_n3A_298, %reduce_max3A_299 [1] : vector<1024x1024xf32> to vector<1024xf32>
    %broadcast_in_dim3A_301 = vector.shape_cast %reduce_max3A_300 : vector<1024xf32> to vector<1024x1xf32>
    %eq3A_302 = vector.broadcast %broadcast_in_dim3A_301 : vector<1024x1xf32> to vector<1024x1024xf32>
    %eq3A_303 = arith.cmpf oeq, %select_n3A_298, %eq3A_302 : vector<1024x1024xf32>
    %jit3A_304 = arith.constant 1024 : i32
    %broadcast_in_dim3A_305 = vector.broadcast %jit3A_304 : i32 to vector<1024x1024xi32>
    %select_n3A_306 = arith.select %eq3A_303, %iota3A, %broadcast_in_dim3A_305 : vector<1024x1024xi1>, vector<1024x1024xi32>
    %reduce_min3A_307 = arith.constant dense<2147483647> : vector<1024xi32>
    %reduce_min3A_308 = vector.multi_reduction <minsi>, %select_n3A_306, %reduce_min3A_307 [1] : vector<1024x1024xi32> to vector<1024xi32>
    %broadcast_in_dim3A_309 = vector.shape_cast %reduce_min3A_308 : vector<1024xi32> to vector<1x1024xi32>
    %add3A_310 = vector.broadcast %mul3A_0 : i32 to vector<1x1024xi32>
    %add3A_311 = arith.addi %broadcast_in_dim3A_309, %add3A_310 : vector<1x1024xi32>
    %jit3A_312 = arith.constant -1.000000e+30 : f32
    %broadcast_in_dim3A_313 = vector.broadcast %jit3A_312 : f32 to vector<1024x1024xf32>
    %select_n3A_314 = arith.select %eq3A_303, %broadcast_in_dim3A_313, %select_n3A_298 : vector<1024x1024xi1>, vector<1024x1024xf32>
    %reduce_max3A_315 = arith.constant dense<0xFF800000> : vector<1024xf32>
    %reduce_max3A_316 = vector.multi_reduction <maximumf>, %select_n3A_314, %reduce_max3A_315 [1] : vector<1024x1024xf32> to vector<1024xf32>
    %broadcast_in_dim3A_317 = vector.shape_cast %reduce_max3A_316 : vector<1024xf32> to vector<1024x1xf32>
    %eq3A_318 = vector.broadcast %broadcast_in_dim3A_317 : vector<1024x1xf32> to vector<1024x1024xf32>
    %eq3A_319 = arith.cmpf oeq, %select_n3A_314, %eq3A_318 : vector<1024x1024xf32>
    %jit3A_320 = arith.constant 1024 : i32
    %broadcast_in_dim3A_321 = vector.broadcast %jit3A_320 : i32 to vector<1024x1024xi32>
    %select_n3A_322 = arith.select %eq3A_319, %iota3A, %broadcast_in_dim3A_321 : vector<1024x1024xi1>, vector<1024x1024xi32>
    %reduce_min3A_323 = arith.constant dense<2147483647> : vector<1024xi32>
    %reduce_min3A_324 = vector.multi_reduction <minsi>, %select_n3A_322, %reduce_min3A_323 [1] : vector<1024x1024xi32> to vector<1024xi32>
    %broadcast_in_dim3A_325 = vector.shape_cast %reduce_min3A_324 : vector<1024xi32> to vector<1x1024xi32>
    %add3A_326 = vector.broadcast %mul3A_0 : i32 to vector<1x1024xi32>
    %add3A_327 = arith.addi %broadcast_in_dim3A_325, %add3A_326 : vector<1x1024xi32>
    %jit3A_328 = arith.constant -1.000000e+30 : f32
    %broadcast_in_dim3A_329 = vector.broadcast %jit3A_328 : f32 to vector<1024x1024xf32>
    %select_n3A_330 = arith.select %eq3A_319, %broadcast_in_dim3A_329, %select_n3A_314 : vector<1024x1024xi1>, vector<1024x1024xf32>
    %reduce_max3A_331 = arith.constant dense<0xFF800000> : vector<1024xf32>
    %reduce_max3A_332 = vector.multi_reduction <maximumf>, %select_n3A_330, %reduce_max3A_331 [1] : vector<1024x1024xf32> to vector<1024xf32>
    %broadcast_in_dim3A_333 = vector.shape_cast %reduce_max3A_332 : vector<1024xf32> to vector<1024x1xf32>
    %eq3A_334 = vector.broadcast %broadcast_in_dim3A_333 : vector<1024x1xf32> to vector<1024x1024xf32>
    %eq3A_335 = arith.cmpf oeq, %select_n3A_330, %eq3A_334 : vector<1024x1024xf32>
    %jit3A_336 = arith.constant 1024 : i32
    %broadcast_in_dim3A_337 = vector.broadcast %jit3A_336 : i32 to vector<1024x1024xi32>
    %select_n3A_338 = arith.select %eq3A_335, %iota3A, %broadcast_in_dim3A_337 : vector<1024x1024xi1>, vector<1024x1024xi32>
    %reduce_min3A_339 = arith.constant dense<2147483647> : vector<1024xi32>
    %reduce_min3A_340 = vector.multi_reduction <minsi>, %select_n3A_338, %reduce_min3A_339 [1] : vector<1024x1024xi32> to vector<1024xi32>
    %broadcast_in_dim3A_341 = vector.shape_cast %reduce_min3A_340 : vector<1024xi32> to vector<1x1024xi32>
    %add3A_342 = vector.broadcast %mul3A_0 : i32 to vector<1x1024xi32>
    %add3A_343 = arith.addi %broadcast_in_dim3A_341, %add3A_342 : vector<1x1024xi32>
    %jit3A_344 = arith.constant -1.000000e+30 : f32
    %broadcast_in_dim3A_345 = vector.broadcast %jit3A_344 : f32 to vector<1024x1024xf32>
    %select_n3A_346 = arith.select %eq3A_335, %broadcast_in_dim3A_345, %select_n3A_330 : vector<1024x1024xi1>, vector<1024x1024xf32>
    %reduce_max3A_347 = arith.constant dense<0xFF800000> : vector<1024xf32>
    %reduce_max3A_348 = vector.multi_reduction <maximumf>, %select_n3A_346, %reduce_max3A_347 [1] : vector<1024x1024xf32> to vector<1024xf32>
    %broadcast_in_dim3A_349 = vector.shape_cast %reduce_max3A_348 : vector<1024xf32> to vector<1024x1xf32>
    %eq3A_350 = vector.broadcast %broadcast_in_dim3A_349 : vector<1024x1xf32> to vector<1024x1024xf32>
    %eq3A_351 = arith.cmpf oeq, %select_n3A_346, %eq3A_350 : vector<1024x1024xf32>
    %jit3A_352 = arith.constant 1024 : i32
    %broadcast_in_dim3A_353 = vector.broadcast %jit3A_352 : i32 to vector<1024x1024xi32>
    %select_n3A_354 = arith.select %eq3A_351, %iota3A, %broadcast_in_dim3A_353 : vector<1024x1024xi1>, vector<1024x1024xi32>
    %reduce_min3A_355 = arith.constant dense<2147483647> : vector<1024xi32>
    %reduce_min3A_356 = vector.multi_reduction <minsi>, %select_n3A_354, %reduce_min3A_355 [1] : vector<1024x1024xi32> to vector<1024xi32>
    %broadcast_in_dim3A_357 = vector.shape_cast %reduce_min3A_356 : vector<1024xi32> to vector<1x1024xi32>
    %add3A_358 = vector.broadcast %mul3A_0 : i32 to vector<1x1024xi32>
    %add3A_359 = arith.addi %broadcast_in_dim3A_357, %add3A_358 : vector<1x1024xi32>
    %jit3A_360 = arith.constant -1.000000e+30 : f32
    %broadcast_in_dim3A_361 = vector.broadcast %jit3A_360 : f32 to vector<1024x1024xf32>
    %select_n3A_362 = arith.select %eq3A_351, %broadcast_in_dim3A_361, %select_n3A_346 : vector<1024x1024xi1>, vector<1024x1024xf32>
    %reduce_max3A_363 = arith.constant dense<0xFF800000> : vector<1024xf32>
    %reduce_max3A_364 = vector.multi_reduction <maximumf>, %select_n3A_362, %reduce_max3A_363 [1] : vector<1024x1024xf32> to vector<1024xf32>
    %broadcast_in_dim3A_365 = vector.shape_cast %reduce_max3A_364 : vector<1024xf32> to vector<1024x1xf32>
    %eq3A_366 = vector.broadcast %broadcast_in_dim3A_365 : vector<1024x1xf32> to vector<1024x1024xf32>
    %eq3A_367 = arith.cmpf oeq, %select_n3A_362, %eq3A_366 : vector<1024x1024xf32>
    %jit3A_368 = arith.constant 1024 : i32
    %broadcast_in_dim3A_369 = vector.broadcast %jit3A_368 : i32 to vector<1024x1024xi32>
    %select_n3A_370 = arith.select %eq3A_367, %iota3A, %broadcast_in_dim3A_369 : vector<1024x1024xi1>, vector<1024x1024xi32>
    %reduce_min3A_371 = arith.constant dense<2147483647> : vector<1024xi32>
    %reduce_min3A_372 = vector.multi_reduction <minsi>, %select_n3A_370, %reduce_min3A_371 [1] : vector<1024x1024xi32> to vector<1024xi32>
    %broadcast_in_dim3A_373 = vector.shape_cast %reduce_min3A_372 : vector<1024xi32> to vector<1x1024xi32>
    %add3A_374 = vector.broadcast %mul3A_0 : i32 to vector<1x1024xi32>
    %add3A_375 = arith.addi %broadcast_in_dim3A_373, %add3A_374 : vector<1x1024xi32>
    %jit3A_376 = arith.constant -1.000000e+30 : f32
    %broadcast_in_dim3A_377 = vector.broadcast %jit3A_376 : f32 to vector<1024x1024xf32>
    %select_n3A_378 = arith.select %eq3A_367, %broadcast_in_dim3A_377, %select_n3A_362 : vector<1024x1024xi1>, vector<1024x1024xf32>
    %reduce_max3A_379 = arith.constant dense<0xFF800000> : vector<1024xf32>
    %reduce_max3A_380 = vector.multi_reduction <maximumf>, %select_n3A_378, %reduce_max3A_379 [1] : vector<1024x1024xf32> to vector<1024xf32>
    %broadcast_in_dim3A_381 = vector.shape_cast %reduce_max3A_380 : vector<1024xf32> to vector<1024x1xf32>
    %eq3A_382 = vector.broadcast %broadcast_in_dim3A_381 : vector<1024x1xf32> to vector<1024x1024xf32>
    %eq3A_383 = arith.cmpf oeq, %select_n3A_378, %eq3A_382 : vector<1024x1024xf32>
    %jit3A_384 = arith.constant 1024 : i32
    %broadcast_in_dim3A_385 = vector.broadcast %jit3A_384 : i32 to vector<1024x1024xi32>
    %select_n3A_386 = arith.select %eq3A_383, %iota3A, %broadcast_in_dim3A_385 : vector<1024x1024xi1>, vector<1024x1024xi32>
    %reduce_min3A_387 = arith.constant dense<2147483647> : vector<1024xi32>
    %reduce_min3A_388 = vector.multi_reduction <minsi>, %select_n3A_386, %reduce_min3A_387 [1] : vector<1024x1024xi32> to vector<1024xi32>
    %broadcast_in_dim3A_389 = vector.shape_cast %reduce_min3A_388 : vector<1024xi32> to vector<1x1024xi32>
    %add3A_390 = vector.broadcast %mul3A_0 : i32 to vector<1x1024xi32>
    %add3A_391 = arith.addi %broadcast_in_dim3A_389, %add3A_390 : vector<1x1024xi32>
    %jit3A_392 = arith.constant -1.000000e+30 : f32
    %broadcast_in_dim3A_393 = vector.broadcast %jit3A_392 : f32 to vector<1024x1024xf32>
    %select_n3A_394 = arith.select %eq3A_383, %broadcast_in_dim3A_393, %select_n3A_378 : vector<1024x1024xi1>, vector<1024x1024xf32>
    %reduce_max3A_395 = arith.constant dense<0xFF800000> : vector<1024xf32>
    %reduce_max3A_396 = vector.multi_reduction <maximumf>, %select_n3A_394, %reduce_max3A_395 [1] : vector<1024x1024xf32> to vector<1024xf32>
    %broadcast_in_dim3A_397 = vector.shape_cast %reduce_max3A_396 : vector<1024xf32> to vector<1024x1xf32>
    %eq3A_398 = vector.broadcast %broadcast_in_dim3A_397 : vector<1024x1xf32> to vector<1024x1024xf32>
    %eq3A_399 = arith.cmpf oeq, %select_n3A_394, %eq3A_398 : vector<1024x1024xf32>
    %jit3A_400 = arith.constant 1024 : i32
    %broadcast_in_dim3A_401 = vector.broadcast %jit3A_400 : i32 to vector<1024x1024xi32>
    %select_n3A_402 = arith.select %eq3A_399, %iota3A, %broadcast_in_dim3A_401 : vector<1024x1024xi1>, vector<1024x1024xi32>
    %reduce_min3A_403 = arith.constant dense<2147483647> : vector<1024xi32>
    %reduce_min3A_404 = vector.multi_reduction <minsi>, %select_n3A_402, %reduce_min3A_403 [1] : vector<1024x1024xi32> to vector<1024xi32>
    %broadcast_in_dim3A_405 = vector.shape_cast %reduce_min3A_404 : vector<1024xi32> to vector<1x1024xi32>
    %add3A_406 = vector.broadcast %mul3A_0 : i32 to vector<1x1024xi32>
    %add3A_407 = arith.addi %broadcast_in_dim3A_405, %add3A_406 : vector<1x1024xi32>
    %jit3A_408 = arith.constant -1.000000e+30 : f32
    %broadcast_in_dim3A_409 = vector.broadcast %jit3A_408 : f32 to vector<1024x1024xf32>
    %select_n3A_410 = arith.select %eq3A_399, %broadcast_in_dim3A_409, %select_n3A_394 : vector<1024x1024xi1>, vector<1024x1024xf32>
    %reduce_max3A_411 = arith.constant dense<0xFF800000> : vector<1024xf32>
    %reduce_max3A_412 = vector.multi_reduction <maximumf>, %select_n3A_410, %reduce_max3A_411 [1] : vector<1024x1024xf32> to vector<1024xf32>
    %broadcast_in_dim3A_413 = vector.shape_cast %reduce_max3A_412 : vector<1024xf32> to vector<1024x1xf32>
    %eq3A_414 = vector.broadcast %broadcast_in_dim3A_413 : vector<1024x1xf32> to vector<1024x1024xf32>
    %eq3A_415 = arith.cmpf oeq, %select_n3A_410, %eq3A_414 : vector<1024x1024xf32>
    %jit3A_416 = arith.constant 1024 : i32
    %broadcast_in_dim3A_417 = vector.broadcast %jit3A_416 : i32 to vector<1024x1024xi32>
    %select_n3A_418 = arith.select %eq3A_415, %iota3A, %broadcast_in_dim3A_417 : vector<1024x1024xi1>, vector<1024x1024xi32>
    %reduce_min3A_419 = arith.constant dense<2147483647> : vector<1024xi32>
    %reduce_min3A_420 = vector.multi_reduction <minsi>, %select_n3A_418, %reduce_min3A_419 [1] : vector<1024x1024xi32> to vector<1024xi32>
    %broadcast_in_dim3A_421 = vector.shape_cast %reduce_min3A_420 : vector<1024xi32> to vector<1x1024xi32>
    %add3A_422 = vector.broadcast %mul3A_0 : i32 to vector<1x1024xi32>
    %add3A_423 = arith.addi %broadcast_in_dim3A_421, %add3A_422 : vector<1x1024xi32>
    %concatenate3A_424 = tpu.concatenate %add3A_119, %add3A_135, %add3A_151, %add3A_167, %add3A_183, %add3A_199, %add3A_215, %add3A_231, %add3A_247, %add3A_263, %add3A_279, %add3A_295, %add3A_311, %add3A_327, %add3A_343, %add3A_359, %add3A_375, %add3A_391, %add3A_407, %add3A_423 in 0 : vector<1x1024xi32>, vector<1x1024xi32>, vector<1x1024xi32>, vector<1x1024xi32>, vector<1x1024xi32>, vector<1x1024xi32>, vector<1x1024xi32>, vector<1x1024xi32>, vector<1x1024xi32>, vector<1x1024xi32>, vector<1x1024xi32>, vector<1x1024xi32>, vector<1x1024xi32>, vector<1x1024xi32>, vector<1x1024xi32>, vector<1x1024xi32>, vector<1x1024xi32>, vector<1x1024xi32>, vector<1x1024xi32>, vector<1x1024xi32> -> vector<20x1024xi32>
    %swap3A = arith.constant 0 : index
    %swap3A_425 = arith.constant 0 : index
    %swap3A_426 = arith.constant 0 : index
    %swap3A_427 = vector.load %arg12[%swap3A, %swap3A_425, %swap3A_426] : memref<1x20x1024xi32, #tpu.memory_space<vmem>>, vector<1x20x1024xi32>
    %swap3A_428 = vector.shape_cast %swap3A_427 : vector<1x20x1024xi32> to vector<20x1024xi32>
    %swap3A_429 = vector.shape_cast %concatenate3A_424 : vector<20x1024xi32> to vector<1x20x1024xi32>
    tpu.vector_store %arg12[%swap3A, %swap3A_425, %swap3A_426], %swap3A_429 {strides = array<i32>} : memref<1x20x1024xi32, #tpu.memory_space<vmem>>, vector<1x20x1024xi32>,
    %get3A_430 = arith.constant 0 : index
    %get3A_431 = arith.constant 0 : index
    %get3A_432 = vector.load %arg10[%get3A_430, %get3A_431] : memref<128x64xf32, #tpu.memory_space<vmem>>, vector<128x64xf32>
    %convert_element_type3A_433 = arith.truncf %get3A_432 : vector<128x64xf32> to vector<128x64xbf16>
    %dot_general3A_434 = arith.constant dense<0.000000e+00> : vector<1024x64xf32>
    %dot_general3A_435 = tpu.matmul %convert_element_type3A, %convert_element_type3A_433, %dot_general3A_434 {dimension_numbers = #tpu.dot_dimension_numbers<[1], [0], [0], [1], [0, 0, 1, 1], [], []>, transpose_lhs_hint = false} : vector<1024x128xbf16>, vector<128x64xbf16>, vector<1024x64xf32> -> vector<1024x64xf32>
    %get3A_436 = arith.constant 0 : index
    %get3A_437 = arith.constant 0 : index
    %get3A_438 = vector.load %arg11[%get3A_436, %get3A_437] : memref<1x64xf32, #tpu.memory_space<vmem>>, vector<1x64xf32>
    %add3A_439 = vector.broadcast %get3A_438 : vector<1x64xf32> to vector<1024x64xf32>
    %add3A_440 = arith.addf %dot_general3A_435, %add3A_439 : vector<1024x64xf32>
    %swap3A_441 = arith.constant 0 : index
    %swap3A_442 = arith.constant 0 : index
    %swap3A_443 = arith.constant 0 : index
    %swap3A_444 = vector.load %arg13[%swap3A_441, %swap3A_442, %swap3A_443] : memref<1x1024x64xf32, #tpu.memory_space<vmem>>, vector<1x1024x64xf32>
    %swap3A_445 = vector.shape_cast %swap3A_444 : vector<1x1024x64xf32> to vector<1024x64xf32>
    %swap3A_446 = vector.shape_cast %add3A_440 : vector<1024x64xf32> to vector<1x1024x64xf32>
    tpu.vector_store %arg13[%swap3A_441, %swap3A_442, %swap3A_443], %swap3A_446 {strides = array<i32>} : memref<1x1024x64xf32, #tpu.memory_space<vmem>>, vector<1x1024x64xf32>,
    %swap3A_447 = arith.constant 0 : index
    %swap3A_448 = arith.constant 0 : index
    %swap3A_449 = arith.constant 0 : index
    %swap3A_450 = vector.load %arg14[%swap3A_447, %swap3A_448, %swap3A_449] : memref<1x1024x128xf32, #tpu.memory_space<vmem>>, vector<1x1024x128xf32>
    %swap3A_451 = vector.shape_cast %swap3A_450 : vector<1x1024x128xf32> to vector<1024x128xf32>
    %swap3A_452 = vector.shape_cast %concatenate3A_95 : vector<1024x128xf32> to vector<1x1024x128xf32>
    tpu.vector_store %arg14[%swap3A_447, %swap3A_448, %swap3A_449], %swap3A_452 {strides = array<i32>} : memref<1x1024x128xf32, #tpu.memory_space<vmem>>, vector<1x1024x128xf32>,
    return
  }
  func.func @transform_0(%arg0: i32, %arg1: i32) -> (i32, i32, i32) {
    %c0_i32 = arith.constant 0 : i32
    %c0_i32_0 = arith.constant 0 : i32
    return %arg0, %arg1, %c0_i32 : i32, i32, i32
  }
  func.func @transform_1(%arg0: i32, %arg1: i32) -> (i32, i32, i32) {
    %c0_i32 = arith.constant 0 : i32
    %c0_i32_0 = arith.constant 0 : i32
    %c0_i32_1 = arith.constant 0 : i32
    return %arg0, %c0_i32, %c0_i32_0 : i32, i32, i32
  }
  func.func @transform_2(%arg0: i32, %arg1: i32) -> (i32, i32, i32) {
    %c0_i32 = arith.constant 0 : i32
    %c0_i32_0 = arith.constant 0 : i32
    return %arg0, %arg1, %c0_i32 : i32, i32, i32
  }
  func.func @transform_3(%arg0: i32, %arg1: i32) -> (i32, i32, i32) {
    %c0_i32 = arith.constant 0 : i32
    %c0_i32_0 = arith.constant 0 : i32
    %c0_i32_1 = arith.constant 0 : i32
    return %arg0, %c0_i32, %c0_i32_0 : i32, i32, i32
  }
  func.func @transform_4(%arg0: i32, %arg1: i32) -> (i32, i32, i32) {
    %c0_i32 = arith.constant 0 : i32
    %c0_i32_0 = arith.constant 0 : i32
    %c0_i32_1 = arith.constant 0 : i32
    %c0_i32_2 = arith.constant 0 : i32
    return %c0_i32, %c0_i32_0, %c0_i32_1 : i32, i32, i32
  }
  func.func @transform_5(%arg0: i32, %arg1: i32) -> (i32, i32, i32) {
    %c0_i32 = arith.constant 0 : i32
    %c0_i32_0 = arith.constant 0 : i32
    %c0_i32_1 = arith.constant 0 : i32
    %c0_i32_2 = arith.constant 0 : i32
    return %c0_i32, %c0_i32_0, %c0_i32_1 : i32, i32, i32
  }
  func.func @transform_6(%arg0: i32, %arg1: i32) -> (i32, i32) {
    %c0_i32 = arith.constant 0 : i32
    %c0_i32_0 = arith.constant 0 : i32
    %c0_i32_1 = arith.constant 0 : i32
    return %c0_i32, %c0_i32_0 : i32, i32
  }
  func.func @transform_7(%arg0: i32, %arg1: i32) -> (i32, i32) {
    %c0_i32 = arith.constant 0 : i32
    %c0_i32_0 = arith.constant 0 : i32
    %c0_i32_1 = arith.constant 0 : i32
    return %c0_i32, %c0_i32_0 : i32, i32
  }
  func.func @transform_8(%arg0: i32, %arg1: i32) -> (i32, i32) {
    %c0_i32 = arith.constant 0 : i32
    %c0_i32_0 = arith.constant 0 : i32
    %c0_i32_1 = arith.constant 0 : i32
    return %c0_i32, %c0_i32_0 : i32, i32
  }
  func.func @transform_9(%arg0: i32, %arg1: i32) -> (i32, i32) {
    %c0_i32 = arith.constant 0 : i32
    %c0_i32_0 = arith.constant 0 : i32
    %c0_i32_1 = arith.constant 0 : i32
    return %c0_i32, %c0_i32_0 : i32, i32
  }
  func.func @transform_10(%arg0: i32, %arg1: i32) -> (i32, i32, i32) {
    %c0_i32 = arith.constant 0 : i32
    %c0_i32_0 = arith.constant 0 : i32
    return %arg0, %c0_i32, %arg1 : i32, i32, i32
  }
  func.func @transform_11(%arg0: i32, %arg1: i32) -> (i32, i32, i32) {
    %c0_i32 = arith.constant 0 : i32
    %c0_i32_0 = arith.constant 0 : i32
    return %arg0, %arg1, %c0_i32 : i32, i32, i32
  }
  func.func @transform_12(%arg0: i32, %arg1: i32) -> (i32, i32, i32) {
    %c0_i32 = arith.constant 0 : i32
    %c0_i32_0 = arith.constant 0 : i32
    return %arg0, %arg1, %c0_i32 : i32, i32, i32
  }
}

module attributes {stable_mosaic.version = 14 : i64} {
  func.func @_stage_a23_body(%arg0: i32, %arg1: i32, %arg2: memref<1x1024x128xf32, #tpu.memory_space<vmem>>, %arg3: memref<1x1024x128xf32, #tpu.memory_space<vmem>>, %arg4: memref<1x1024x64xf32, #tpu.memory_space<vmem>>, %arg5: memref<1x1024x64xf32, #tpu.memory_space<vmem>>, %arg6: memref<8x1x64xf32, #tpu.memory_space<vmem>>, %arg7: memref<8x1x64xf32, #tpu.memory_space<vmem>>, %arg8: memref<1x64xf32, #tpu.memory_space<vmem>>, %arg9: memref<1x64xf32, #tpu.memory_space<vmem>>, %arg10: memref<192x64xf32, #tpu.memory_space<vmem>>, %arg11: memref<1x64xf32, #tpu.memory_space<vmem>>, %arg12: memref<1x20x1024xi32, #tpu.memory_space<vmem>>, %arg13: memref<1x1024x64xf32, #tpu.memory_space<vmem>>, %arg14: memref<1x1024x256xf32, #tpu.memory_space<vmem>>) attributes {dimension_semantics = [#tpu.dimension_semantics<arbitrary>, #tpu.dimension_semantics<arbitrary>], iteration_bounds = array<i64: 2, 1>, scalar_prefetch = 0 : i64, scratch_operands = 0 : i64, tpu.core_type = #tpu.core_type<tc>, window_params = [{transform_indices = @transform_0, window_bounds = array<i64: 1, 1024, 128>}, {transform_indices = @transform_1, window_bounds = array<i64: 1, 1024, 128>}, {transform_indices = @transform_2, window_bounds = array<i64: 1, 1024, 64>}, {transform_indices = @transform_3, window_bounds = array<i64: 1, 1024, 64>}, {pipeline_mode = #tpu.pipeline_mode<synchronous>, transform_indices = @transform_4, window_bounds = array<i64: 8, 1, 64>}, {pipeline_mode = #tpu.pipeline_mode<synchronous>, transform_indices = @transform_5, window_bounds = array<i64: 8, 1, 64>}, {pipeline_mode = #tpu.pipeline_mode<synchronous>, transform_indices = @transform_6, window_bounds = array<i64: 1, 64>}, {pipeline_mode = #tpu.pipeline_mode<synchronous>, transform_indices = @transform_7, window_bounds = array<i64: 1, 64>}, {pipeline_mode = #tpu.pipeline_mode<synchronous>, transform_indices = @transform_8, window_bounds = array<i64: 192, 64>}, {pipeline_mode = #tpu.pipeline_mode<synchronous>, transform_indices = @transform_9, window_bounds = array<i64: 1, 64>}, {transform_indices = @transform_10, window_bounds = array<i64: 1, 20, 1024>}, {transform_indices = @transform_11, window_bounds = array<i64: 1, 1024, 64>}, {transform_indices = @transform_12, window_bounds = array<i64: 1, 1024, 256>}]} {
    %mul3A = arith.constant 1024 : i32
    %mul3A_0 = arith.muli %arg0, %mul3A : i32
    %get3A = arith.constant 0 : index
    %get3A_1 = arith.constant 0 : index
    %get3A_2 = arith.constant 0 : index
    %get3A_3 = vector.load %arg5[%get3A, %get3A_1, %get3A_2] : memref<1x1024x64xf32, #tpu.memory_space<vmem>>, vector<1x1024x64xf32>
    %get3A_4 = vector.shape_cast %get3A_3 : vector<1x1024x64xf32> to vector<1024x64xf32>
    %get3A_5 = arith.constant 0 : index
    %get3A_6 = arith.constant 0 : index
    %get3A_7 = arith.constant 0 : index
    %get3A_8 = vector.load %arg6[%get3A_5, %get3A_6, %get3A_7] : memref<8x1x64xf32, #tpu.memory_space<vmem>>, vector<8x1x64xf32>
    %reduce_sum3A = arith.constant dense<0.000000e+00> : vector<1x64xf32>
    %reduce_sum3A_9 = vector.multi_reduction <add>, %get3A_8, %reduce_sum3A [0] : vector<8x1x64xf32> to vector<1x64xf32>
    %div3A = arith.constant 4.096000e+04 : f32
    %div3A_10 = vector.broadcast %div3A : f32 to vector<1x64xf32>
    %div3A_11 = arith.divf %reduce_sum3A_9, %div3A_10 : vector<1x64xf32>
    %get3A_12 = arith.constant 0 : index
    %get3A_13 = arith.constant 0 : index
    %get3A_14 = arith.constant 0 : index
    %get3A_15 = vector.load %arg7[%get3A_12, %get3A_13, %get3A_14] : memref<8x1x64xf32, #tpu.memory_space<vmem>>, vector<8x1x64xf32>
    %reduce_sum3A_16 = arith.constant dense<0.000000e+00> : vector<1x64xf32>
    %reduce_sum3A_17 = vector.multi_reduction <add>, %get3A_15, %reduce_sum3A_16 [0] : vector<8x1x64xf32> to vector<1x64xf32>
    %div3A_18 = arith.constant 4.096000e+04 : f32
    %div3A_19 = vector.broadcast %div3A_18 : f32 to vector<1x64xf32>
    %div3A_20 = arith.divf %reduce_sum3A_17, %div3A_19 : vector<1x64xf32>
    %mul3A_21 = arith.mulf %div3A_11, %div3A_11 : vector<1x64xf32>
    %sub3A = arith.subf %div3A_20, %mul3A_21 : vector<1x64xf32>
    %add3A = arith.constant 9.99999974E-6 : f32
    %add3A_22 = vector.broadcast %add3A : f32 to vector<1x64xf32>
    %add3A_23 = arith.addf %sub3A, %add3A_22 : vector<1x64xf32>
    %rsqrt3A = math.rsqrt %add3A_23 : vector<1x64xf32>
    %get3A_24 = arith.constant 0 : index
    %get3A_25 = arith.constant 0 : index
    %get3A_26 = vector.load %arg8[%get3A_24, %get3A_25] : memref<1x64xf32, #tpu.memory_space<vmem>>, vector<1x64xf32>
    %mul3A_27 = arith.mulf %rsqrt3A, %get3A_26 : vector<1x64xf32>
    %sub3A_28 = vector.broadcast %div3A_11 : vector<1x64xf32> to vector<1024x64xf32>
    %sub3A_29 = arith.subf %get3A_4, %sub3A_28 : vector<1024x64xf32>
    %mul3A_30 = vector.broadcast %mul3A_27 : vector<1x64xf32> to vector<1024x64xf32>
    %mul3A_31 = arith.mulf %sub3A_29, %mul3A_30 : vector<1024x64xf32>
    %get3A_32 = arith.constant 0 : index
    %get3A_33 = arith.constant 0 : index
    %get3A_34 = vector.load %arg9[%get3A_32, %get3A_33] : memref<1x64xf32, #tpu.memory_space<vmem>>, vector<1x64xf32>
    %add3A_35 = vector.broadcast %get3A_34 : vector<1x64xf32> to vector<1024x64xf32>
    %add3A_36 = arith.addf %mul3A_31, %add3A_35 : vector<1024x64xf32>
    %max3A = arith.constant 0.000000e+00 : f32
    %max3A_37 = vector.broadcast %max3A : f32 to vector<1024x64xf32>
    %max3A_38 = arith.maximumf %add3A_36, %max3A_37 : vector<1024x64xf32>
    %get3A_39 = arith.constant 0 : index
    %get3A_40 = arith.constant 0 : index
    %get3A_41 = arith.constant 0 : index
    %get3A_42 = vector.load %arg4[%get3A_39, %get3A_40, %get3A_41] : memref<1x1024x64xf32, #tpu.memory_space<vmem>>, vector<1x1024x64xf32>
    %get3A_43 = vector.shape_cast %get3A_42 : vector<1x1024x64xf32> to vector<1024x64xf32>
    %get3A_44 = arith.constant 0 : index
    %get3A_45 = arith.constant 0 : index
    %get3A_46 = arith.constant 0 : index
    %get3A_47 = vector.load %arg6[%get3A_44, %get3A_45, %get3A_46] : memref<8x1x64xf32, #tpu.memory_space<vmem>>, vector<8x1x64xf32>
    %reduce_sum3A_48 = arith.constant dense<0.000000e+00> : vector<1x64xf32>
    %reduce_sum3A_49 = vector.multi_reduction <add>, %get3A_47, %reduce_sum3A_48 [0] : vector<8x1x64xf32> to vector<1x64xf32>
    %div3A_50 = arith.constant 4.096000e+04 : f32
    %div3A_51 = vector.broadcast %div3A_50 : f32 to vector<1x64xf32>
    %div3A_52 = arith.divf %reduce_sum3A_49, %div3A_51 : vector<1x64xf32>
    %get3A_53 = arith.constant 0 : index
    %get3A_54 = arith.constant 0 : index
    %get3A_55 = arith.constant 0 : index
    %get3A_56 = vector.load %arg7[%get3A_53, %get3A_54, %get3A_55] : memref<8x1x64xf32, #tpu.memory_space<vmem>>, vector<8x1x64xf32>
    %reduce_sum3A_57 = arith.constant dense<0.000000e+00> : vector<1x64xf32>
    %reduce_sum3A_58 = vector.multi_reduction <add>, %get3A_56, %reduce_sum3A_57 [0] : vector<8x1x64xf32> to vector<1x64xf32>
    %div3A_59 = arith.constant 4.096000e+04 : f32
    %div3A_60 = vector.broadcast %div3A_59 : f32 to vector<1x64xf32>
    %div3A_61 = arith.divf %reduce_sum3A_58, %div3A_60 : vector<1x64xf32>
    %mul3A_62 = arith.mulf %div3A_52, %div3A_52 : vector<1x64xf32>
    %sub3A_63 = arith.subf %div3A_61, %mul3A_62 : vector<1x64xf32>
    %add3A_64 = arith.constant 9.99999974E-6 : f32
    %add3A_65 = vector.broadcast %add3A_64 : f32 to vector<1x64xf32>
    %add3A_66 = arith.addf %sub3A_63, %add3A_65 : vector<1x64xf32>
    %rsqrt3A_67 = math.rsqrt %add3A_66 : vector<1x64xf32>
    %get3A_68 = arith.constant 0 : index
    %get3A_69 = arith.constant 0 : index
    %get3A_70 = vector.load %arg8[%get3A_68, %get3A_69] : memref<1x64xf32, #tpu.memory_space<vmem>>, vector<1x64xf32>
    %mul3A_71 = arith.mulf %rsqrt3A_67, %get3A_70 : vector<1x64xf32>
    %sub3A_72 = vector.broadcast %div3A_52 : vector<1x64xf32> to vector<1024x64xf32>
    %sub3A_73 = arith.subf %get3A_43, %sub3A_72 : vector<1024x64xf32>
    %mul3A_74 = vector.broadcast %mul3A_71 : vector<1x64xf32> to vector<1024x64xf32>
    %mul3A_75 = arith.mulf %sub3A_73, %mul3A_74 : vector<1024x64xf32>
    %get3A_76 = arith.constant 0 : index
    %get3A_77 = arith.constant 0 : index
    %get3A_78 = vector.load %arg9[%get3A_76, %get3A_77] : memref<1x64xf32, #tpu.memory_space<vmem>>, vector<1x64xf32>
    %add3A_79 = vector.broadcast %get3A_78 : vector<1x64xf32> to vector<1024x64xf32>
    %add3A_80 = arith.addf %mul3A_75, %add3A_79 : vector<1024x64xf32>
    %max3A_81 = arith.constant 0.000000e+00 : f32
    %max3A_82 = vector.broadcast %max3A_81 : f32 to vector<1024x64xf32>
    %max3A_83 = arith.maximumf %add3A_80, %max3A_82 : vector<1024x64xf32>
    %get3A_84 = arith.constant 0 : index
    %get3A_85 = arith.constant 0 : index
    %get3A_86 = arith.constant 0 : index
    %get3A_87 = vector.load %arg3[%get3A_84, %get3A_85, %get3A_86] : memref<1x1024x128xf32, #tpu.memory_space<vmem>>, vector<1x1024x128xf32>
    %get3A_88 = vector.shape_cast %get3A_87 : vector<1x1024x128xf32> to vector<1024x128xf32>
    %concatenate3A = tpu.concatenate %max3A_38, %get3A_88 in 1 : vector<1024x64xf32>, vector<1024x128xf32> -> vector<1024x192xf32>
    %get3A_89 = arith.constant 0 : index
    %get3A_90 = arith.constant 0 : index
    %get3A_91 = arith.constant 0 : index
    %get3A_92 = vector.load %arg2[%get3A_89, %get3A_90, %get3A_91] : memref<1x1024x128xf32, #tpu.memory_space<vmem>>, vector<1x1024x128xf32>
    %get3A_93 = vector.shape_cast %get3A_92 : vector<1x1024x128xf32> to vector<1024x128xf32>
    %concatenate3A_94 = tpu.concatenate %max3A_83, %get3A_93 in 1 : vector<1024x64xf32>, vector<1024x128xf32> -> vector<1024x192xf32>
    %convert_element_type3A = arith.truncf %concatenate3A_94 : vector<1024x192xf32> to vector<1024x192xbf16>
    %convert_element_type3A_95 = arith.truncf %concatenate3A : vector<1024x192xf32> to vector<1024x192xbf16>
    %dot_general3A = arith.constant dense<0.000000e+00> : vector<1024x1024xf32>
    %dot_general3A_96 = tpu.matmul %convert_element_type3A, %convert_element_type3A_95, %dot_general3A {dimension_numbers = #tpu.dot_dimension_numbers<[1], [1], [0], [0], [0, 0, 1, 0], [], []>, transpose_lhs_hint = false} : vector<1024x192xbf16>, vector<1024x192xbf16>, vector<1024x1024xf32> -> vector<1024x1024xf32>
    %mul3A_97 = arith.mulf %concatenate3A_94, %concatenate3A_94 : vector<1024x192xf32>
    %reduce_sum3A_98 = arith.constant dense<0.000000e+00> : vector<1024xf32>
    %reduce_sum3A_99 = vector.multi_reduction <add>, %mul3A_97, %reduce_sum3A_98 [1] : vector<1024x192xf32> to vector<1024xf32>
    %broadcast_in_dim3A = vector.shape_cast %reduce_sum3A_99 : vector<1024xf32> to vector<1024x1xf32>
    %mul3A_100 = arith.mulf %concatenate3A, %concatenate3A : vector<1024x192xf32>
    %reduce_sum3A_101 = arith.constant dense<0.000000e+00> : vector<1024xf32>
    %reduce_sum3A_102 = vector.multi_reduction <add>, %mul3A_100, %reduce_sum3A_101 [1] : vector<1024x192xf32> to vector<1024xf32>
    %broadcast_in_dim3A_103 = vector.shape_cast %reduce_sum3A_102 : vector<1024xf32> to vector<1x1024xf32>
    %mul3A_104 = arith.constant 2.000000e+00 : f32
    %mul3A_105 = vector.broadcast %mul3A_104 : f32 to vector<1024x1024xf32>
    %mul3A_106 = arith.mulf %mul3A_105, %dot_general3A_96 : vector<1024x1024xf32>
    %sub3A_107 = vector.broadcast %broadcast_in_dim3A : vector<1024x1xf32> to vector<1024x1024xf32>
    %sub3A_108 = arith.subf %mul3A_106, %sub3A_107 : vector<1024x1024xf32>
    %sub3A_109 = vector.broadcast %broadcast_in_dim3A_103 : vector<1x1024xf32> to vector<1024x1024xf32>
    %sub3A_110 = arith.subf %sub3A_108, %sub3A_109 : vector<1024x1024xf32>
    %iota3A = tpu.iota {dimensions = array<i32: 1>} : vector<1024x1024xi32>
    %reduce_max3A = arith.constant dense<0xFF800000> : vector<1024xf32>
    %reduce_max3A_111 = vector.multi_reduction <maximumf>, %sub3A_110, %reduce_max3A [1] : vector<1024x1024xf32> to vector<1024xf32>
    %broadcast_in_dim3A_112 = vector.shape_cast %reduce_max3A_111 : vector<1024xf32> to vector<1024x1xf32>
    %eq3A = vector.broadcast %broadcast_in_dim3A_112 : vector<1024x1xf32> to vector<1024x1024xf32>
    %eq3A_113 = arith.cmpf oeq, %sub3A_110, %eq3A : vector<1024x1024xf32>
    %jit3A = arith.constant 1024 : i32
    %broadcast_in_dim3A_114 = vector.broadcast %jit3A : i32 to vector<1024x1024xi32>
    %select_n3A = arith.select %eq3A_113, %iota3A, %broadcast_in_dim3A_114 : vector<1024x1024xi1>, vector<1024x1024xi32>
    %reduce_min3A = arith.constant dense<2147483647> : vector<1024xi32>
    %reduce_min3A_115 = vector.multi_reduction <minsi>, %select_n3A, %reduce_min3A [1] : vector<1024x1024xi32> to vector<1024xi32>
    %broadcast_in_dim3A_116 = vector.shape_cast %reduce_min3A_115 : vector<1024xi32> to vector<1x1024xi32>
    %add3A_117 = vector.broadcast %mul3A_0 : i32 to vector<1x1024xi32>
    %add3A_118 = arith.addi %broadcast_in_dim3A_116, %add3A_117 : vector<1x1024xi32>
    %jit3A_119 = arith.constant -1.000000e+30 : f32
    %broadcast_in_dim3A_120 = vector.broadcast %jit3A_119 : f32 to vector<1024x1024xf32>
    %select_n3A_121 = arith.select %eq3A_113, %broadcast_in_dim3A_120, %sub3A_110 : vector<1024x1024xi1>, vector<1024x1024xf32>
    %reduce_max3A_122 = arith.constant dense<0xFF800000> : vector<1024xf32>
    %reduce_max3A_123 = vector.multi_reduction <maximumf>, %select_n3A_121, %reduce_max3A_122 [1] : vector<1024x1024xf32> to vector<1024xf32>
    %broadcast_in_dim3A_124 = vector.shape_cast %reduce_max3A_123 : vector<1024xf32> to vector<1024x1xf32>
    %eq3A_125 = vector.broadcast %broadcast_in_dim3A_124 : vector<1024x1xf32> to vector<1024x1024xf32>
    %eq3A_126 = arith.cmpf oeq, %select_n3A_121, %eq3A_125 : vector<1024x1024xf32>
    %jit3A_127 = arith.constant 1024 : i32
    %broadcast_in_dim3A_128 = vector.broadcast %jit3A_127 : i32 to vector<1024x1024xi32>
    %select_n3A_129 = arith.select %eq3A_126, %iota3A, %broadcast_in_dim3A_128 : vector<1024x1024xi1>, vector<1024x1024xi32>
    %reduce_min3A_130 = arith.constant dense<2147483647> : vector<1024xi32>
    %reduce_min3A_131 = vector.multi_reduction <minsi>, %select_n3A_129, %reduce_min3A_130 [1] : vector<1024x1024xi32> to vector<1024xi32>
    %broadcast_in_dim3A_132 = vector.shape_cast %reduce_min3A_131 : vector<1024xi32> to vector<1x1024xi32>
    %add3A_133 = vector.broadcast %mul3A_0 : i32 to vector<1x1024xi32>
    %add3A_134 = arith.addi %broadcast_in_dim3A_132, %add3A_133 : vector<1x1024xi32>
    %jit3A_135 = arith.constant -1.000000e+30 : f32
    %broadcast_in_dim3A_136 = vector.broadcast %jit3A_135 : f32 to vector<1024x1024xf32>
    %select_n3A_137 = arith.select %eq3A_126, %broadcast_in_dim3A_136, %select_n3A_121 : vector<1024x1024xi1>, vector<1024x1024xf32>
    %reduce_max3A_138 = arith.constant dense<0xFF800000> : vector<1024xf32>
    %reduce_max3A_139 = vector.multi_reduction <maximumf>, %select_n3A_137, %reduce_max3A_138 [1] : vector<1024x1024xf32> to vector<1024xf32>
    %broadcast_in_dim3A_140 = vector.shape_cast %reduce_max3A_139 : vector<1024xf32> to vector<1024x1xf32>
    %eq3A_141 = vector.broadcast %broadcast_in_dim3A_140 : vector<1024x1xf32> to vector<1024x1024xf32>
    %eq3A_142 = arith.cmpf oeq, %select_n3A_137, %eq3A_141 : vector<1024x1024xf32>
    %jit3A_143 = arith.constant 1024 : i32
    %broadcast_in_dim3A_144 = vector.broadcast %jit3A_143 : i32 to vector<1024x1024xi32>
    %select_n3A_145 = arith.select %eq3A_142, %iota3A, %broadcast_in_dim3A_144 : vector<1024x1024xi1>, vector<1024x1024xi32>
    %reduce_min3A_146 = arith.constant dense<2147483647> : vector<1024xi32>
    %reduce_min3A_147 = vector.multi_reduction <minsi>, %select_n3A_145, %reduce_min3A_146 [1] : vector<1024x1024xi32> to vector<1024xi32>
    %broadcast_in_dim3A_148 = vector.shape_cast %reduce_min3A_147 : vector<1024xi32> to vector<1x1024xi32>
    %add3A_149 = vector.broadcast %mul3A_0 : i32 to vector<1x1024xi32>
    %add3A_150 = arith.addi %broadcast_in_dim3A_148, %add3A_149 : vector<1x1024xi32>
    %jit3A_151 = arith.constant -1.000000e+30 : f32
    %broadcast_in_dim3A_152 = vector.broadcast %jit3A_151 : f32 to vector<1024x1024xf32>
    %select_n3A_153 = arith.select %eq3A_142, %broadcast_in_dim3A_152, %select_n3A_137 : vector<1024x1024xi1>, vector<1024x1024xf32>
    %reduce_max3A_154 = arith.constant dense<0xFF800000> : vector<1024xf32>
    %reduce_max3A_155 = vector.multi_reduction <maximumf>, %select_n3A_153, %reduce_max3A_154 [1] : vector<1024x1024xf32> to vector<1024xf32>
    %broadcast_in_dim3A_156 = vector.shape_cast %reduce_max3A_155 : vector<1024xf32> to vector<1024x1xf32>
    %eq3A_157 = vector.broadcast %broadcast_in_dim3A_156 : vector<1024x1xf32> to vector<1024x1024xf32>
    %eq3A_158 = arith.cmpf oeq, %select_n3A_153, %eq3A_157 : vector<1024x1024xf32>
    %jit3A_159 = arith.constant 1024 : i32
    %broadcast_in_dim3A_160 = vector.broadcast %jit3A_159 : i32 to vector<1024x1024xi32>
    %select_n3A_161 = arith.select %eq3A_158, %iota3A, %broadcast_in_dim3A_160 : vector<1024x1024xi1>, vector<1024x1024xi32>
    %reduce_min3A_162 = arith.constant dense<2147483647> : vector<1024xi32>
    %reduce_min3A_163 = vector.multi_reduction <minsi>, %select_n3A_161, %reduce_min3A_162 [1] : vector<1024x1024xi32> to vector<1024xi32>
    %broadcast_in_dim3A_164 = vector.shape_cast %reduce_min3A_163 : vector<1024xi32> to vector<1x1024xi32>
    %add3A_165 = vector.broadcast %mul3A_0 : i32 to vector<1x1024xi32>
    %add3A_166 = arith.addi %broadcast_in_dim3A_164, %add3A_165 : vector<1x1024xi32>
    %jit3A_167 = arith.constant -1.000000e+30 : f32
    %broadcast_in_dim3A_168 = vector.broadcast %jit3A_167 : f32 to vector<1024x1024xf32>
    %select_n3A_169 = arith.select %eq3A_158, %broadcast_in_dim3A_168, %select_n3A_153 : vector<1024x1024xi1>, vector<1024x1024xf32>
    %reduce_max3A_170 = arith.constant dense<0xFF800000> : vector<1024xf32>
    %reduce_max3A_171 = vector.multi_reduction <maximumf>, %select_n3A_169, %reduce_max3A_170 [1] : vector<1024x1024xf32> to vector<1024xf32>
    %broadcast_in_dim3A_172 = vector.shape_cast %reduce_max3A_171 : vector<1024xf32> to vector<1024x1xf32>
    %eq3A_173 = vector.broadcast %broadcast_in_dim3A_172 : vector<1024x1xf32> to vector<1024x1024xf32>
    %eq3A_174 = arith.cmpf oeq, %select_n3A_169, %eq3A_173 : vector<1024x1024xf32>
    %jit3A_175 = arith.constant 1024 : i32
    %broadcast_in_dim3A_176 = vector.broadcast %jit3A_175 : i32 to vector<1024x1024xi32>
    %select_n3A_177 = arith.select %eq3A_174, %iota3A, %broadcast_in_dim3A_176 : vector<1024x1024xi1>, vector<1024x1024xi32>
    %reduce_min3A_178 = arith.constant dense<2147483647> : vector<1024xi32>
    %reduce_min3A_179 = vector.multi_reduction <minsi>, %select_n3A_177, %reduce_min3A_178 [1] : vector<1024x1024xi32> to vector<1024xi32>
    %broadcast_in_dim3A_180 = vector.shape_cast %reduce_min3A_179 : vector<1024xi32> to vector<1x1024xi32>
    %add3A_181 = vector.broadcast %mul3A_0 : i32 to vector<1x1024xi32>
    %add3A_182 = arith.addi %broadcast_in_dim3A_180, %add3A_181 : vector<1x1024xi32>
    %jit3A_183 = arith.constant -1.000000e+30 : f32
    %broadcast_in_dim3A_184 = vector.broadcast %jit3A_183 : f32 to vector<1024x1024xf32>
    %select_n3A_185 = arith.select %eq3A_174, %broadcast_in_dim3A_184, %select_n3A_169 : vector<1024x1024xi1>, vector<1024x1024xf32>
    %reduce_max3A_186 = arith.constant dense<0xFF800000> : vector<1024xf32>
    %reduce_max3A_187 = vector.multi_reduction <maximumf>, %select_n3A_185, %reduce_max3A_186 [1] : vector<1024x1024xf32> to vector<1024xf32>
    %broadcast_in_dim3A_188 = vector.shape_cast %reduce_max3A_187 : vector<1024xf32> to vector<1024x1xf32>
    %eq3A_189 = vector.broadcast %broadcast_in_dim3A_188 : vector<1024x1xf32> to vector<1024x1024xf32>
    %eq3A_190 = arith.cmpf oeq, %select_n3A_185, %eq3A_189 : vector<1024x1024xf32>
    %jit3A_191 = arith.constant 1024 : i32
    %broadcast_in_dim3A_192 = vector.broadcast %jit3A_191 : i32 to vector<1024x1024xi32>
    %select_n3A_193 = arith.select %eq3A_190, %iota3A, %broadcast_in_dim3A_192 : vector<1024x1024xi1>, vector<1024x1024xi32>
    %reduce_min3A_194 = arith.constant dense<2147483647> : vector<1024xi32>
    %reduce_min3A_195 = vector.multi_reduction <minsi>, %select_n3A_193, %reduce_min3A_194 [1] : vector<1024x1024xi32> to vector<1024xi32>
    %broadcast_in_dim3A_196 = vector.shape_cast %reduce_min3A_195 : vector<1024xi32> to vector<1x1024xi32>
    %add3A_197 = vector.broadcast %mul3A_0 : i32 to vector<1x1024xi32>
    %add3A_198 = arith.addi %broadcast_in_dim3A_196, %add3A_197 : vector<1x1024xi32>
    %jit3A_199 = arith.constant -1.000000e+30 : f32
    %broadcast_in_dim3A_200 = vector.broadcast %jit3A_199 : f32 to vector<1024x1024xf32>
    %select_n3A_201 = arith.select %eq3A_190, %broadcast_in_dim3A_200, %select_n3A_185 : vector<1024x1024xi1>, vector<1024x1024xf32>
    %reduce_max3A_202 = arith.constant dense<0xFF800000> : vector<1024xf32>
    %reduce_max3A_203 = vector.multi_reduction <maximumf>, %select_n3A_201, %reduce_max3A_202 [1] : vector<1024x1024xf32> to vector<1024xf32>
    %broadcast_in_dim3A_204 = vector.shape_cast %reduce_max3A_203 : vector<1024xf32> to vector<1024x1xf32>
    %eq3A_205 = vector.broadcast %broadcast_in_dim3A_204 : vector<1024x1xf32> to vector<1024x1024xf32>
    %eq3A_206 = arith.cmpf oeq, %select_n3A_201, %eq3A_205 : vector<1024x1024xf32>
    %jit3A_207 = arith.constant 1024 : i32
    %broadcast_in_dim3A_208 = vector.broadcast %jit3A_207 : i32 to vector<1024x1024xi32>
    %select_n3A_209 = arith.select %eq3A_206, %iota3A, %broadcast_in_dim3A_208 : vector<1024x1024xi1>, vector<1024x1024xi32>
    %reduce_min3A_210 = arith.constant dense<2147483647> : vector<1024xi32>
    %reduce_min3A_211 = vector.multi_reduction <minsi>, %select_n3A_209, %reduce_min3A_210 [1] : vector<1024x1024xi32> to vector<1024xi32>
    %broadcast_in_dim3A_212 = vector.shape_cast %reduce_min3A_211 : vector<1024xi32> to vector<1x1024xi32>
    %add3A_213 = vector.broadcast %mul3A_0 : i32 to vector<1x1024xi32>
    %add3A_214 = arith.addi %broadcast_in_dim3A_212, %add3A_213 : vector<1x1024xi32>
    %jit3A_215 = arith.constant -1.000000e+30 : f32
    %broadcast_in_dim3A_216 = vector.broadcast %jit3A_215 : f32 to vector<1024x1024xf32>
    %select_n3A_217 = arith.select %eq3A_206, %broadcast_in_dim3A_216, %select_n3A_201 : vector<1024x1024xi1>, vector<1024x1024xf32>
    %reduce_max3A_218 = arith.constant dense<0xFF800000> : vector<1024xf32>
    %reduce_max3A_219 = vector.multi_reduction <maximumf>, %select_n3A_217, %reduce_max3A_218 [1] : vector<1024x1024xf32> to vector<1024xf32>
    %broadcast_in_dim3A_220 = vector.shape_cast %reduce_max3A_219 : vector<1024xf32> to vector<1024x1xf32>
    %eq3A_221 = vector.broadcast %broadcast_in_dim3A_220 : vector<1024x1xf32> to vector<1024x1024xf32>
    %eq3A_222 = arith.cmpf oeq, %select_n3A_217, %eq3A_221 : vector<1024x1024xf32>
    %jit3A_223 = arith.constant 1024 : i32
    %broadcast_in_dim3A_224 = vector.broadcast %jit3A_223 : i32 to vector<1024x1024xi32>
    %select_n3A_225 = arith.select %eq3A_222, %iota3A, %broadcast_in_dim3A_224 : vector<1024x1024xi1>, vector<1024x1024xi32>
    %reduce_min3A_226 = arith.constant dense<2147483647> : vector<1024xi32>
    %reduce_min3A_227 = vector.multi_reduction <minsi>, %select_n3A_225, %reduce_min3A_226 [1] : vector<1024x1024xi32> to vector<1024xi32>
    %broadcast_in_dim3A_228 = vector.shape_cast %reduce_min3A_227 : vector<1024xi32> to vector<1x1024xi32>
    %add3A_229 = vector.broadcast %mul3A_0 : i32 to vector<1x1024xi32>
    %add3A_230 = arith.addi %broadcast_in_dim3A_228, %add3A_229 : vector<1x1024xi32>
    %jit3A_231 = arith.constant -1.000000e+30 : f32
    %broadcast_in_dim3A_232 = vector.broadcast %jit3A_231 : f32 to vector<1024x1024xf32>
    %select_n3A_233 = arith.select %eq3A_222, %broadcast_in_dim3A_232, %select_n3A_217 : vector<1024x1024xi1>, vector<1024x1024xf32>
    %reduce_max3A_234 = arith.constant dense<0xFF800000> : vector<1024xf32>
    %reduce_max3A_235 = vector.multi_reduction <maximumf>, %select_n3A_233, %reduce_max3A_234 [1] : vector<1024x1024xf32> to vector<1024xf32>
    %broadcast_in_dim3A_236 = vector.shape_cast %reduce_max3A_235 : vector<1024xf32> to vector<1024x1xf32>
    %eq3A_237 = vector.broadcast %broadcast_in_dim3A_236 : vector<1024x1xf32> to vector<1024x1024xf32>
    %eq3A_238 = arith.cmpf oeq, %select_n3A_233, %eq3A_237 : vector<1024x1024xf32>
    %jit3A_239 = arith.constant 1024 : i32
    %broadcast_in_dim3A_240 = vector.broadcast %jit3A_239 : i32 to vector<1024x1024xi32>
    %select_n3A_241 = arith.select %eq3A_238, %iota3A, %broadcast_in_dim3A_240 : vector<1024x1024xi1>, vector<1024x1024xi32>
    %reduce_min3A_242 = arith.constant dense<2147483647> : vector<1024xi32>
    %reduce_min3A_243 = vector.multi_reduction <minsi>, %select_n3A_241, %reduce_min3A_242 [1] : vector<1024x1024xi32> to vector<1024xi32>
    %broadcast_in_dim3A_244 = vector.shape_cast %reduce_min3A_243 : vector<1024xi32> to vector<1x1024xi32>
    %add3A_245 = vector.broadcast %mul3A_0 : i32 to vector<1x1024xi32>
    %add3A_246 = arith.addi %broadcast_in_dim3A_244, %add3A_245 : vector<1x1024xi32>
    %jit3A_247 = arith.constant -1.000000e+30 : f32
    %broadcast_in_dim3A_248 = vector.broadcast %jit3A_247 : f32 to vector<1024x1024xf32>
    %select_n3A_249 = arith.select %eq3A_238, %broadcast_in_dim3A_248, %select_n3A_233 : vector<1024x1024xi1>, vector<1024x1024xf32>
    %reduce_max3A_250 = arith.constant dense<0xFF800000> : vector<1024xf32>
    %reduce_max3A_251 = vector.multi_reduction <maximumf>, %select_n3A_249, %reduce_max3A_250 [1] : vector<1024x1024xf32> to vector<1024xf32>
    %broadcast_in_dim3A_252 = vector.shape_cast %reduce_max3A_251 : vector<1024xf32> to vector<1024x1xf32>
    %eq3A_253 = vector.broadcast %broadcast_in_dim3A_252 : vector<1024x1xf32> to vector<1024x1024xf32>
    %eq3A_254 = arith.cmpf oeq, %select_n3A_249, %eq3A_253 : vector<1024x1024xf32>
    %jit3A_255 = arith.constant 1024 : i32
    %broadcast_in_dim3A_256 = vector.broadcast %jit3A_255 : i32 to vector<1024x1024xi32>
    %select_n3A_257 = arith.select %eq3A_254, %iota3A, %broadcast_in_dim3A_256 : vector<1024x1024xi1>, vector<1024x1024xi32>
    %reduce_min3A_258 = arith.constant dense<2147483647> : vector<1024xi32>
    %reduce_min3A_259 = vector.multi_reduction <minsi>, %select_n3A_257, %reduce_min3A_258 [1] : vector<1024x1024xi32> to vector<1024xi32>
    %broadcast_in_dim3A_260 = vector.shape_cast %reduce_min3A_259 : vector<1024xi32> to vector<1x1024xi32>
    %add3A_261 = vector.broadcast %mul3A_0 : i32 to vector<1x1024xi32>
    %add3A_262 = arith.addi %broadcast_in_dim3A_260, %add3A_261 : vector<1x1024xi32>
    %jit3A_263 = arith.constant -1.000000e+30 : f32
    %broadcast_in_dim3A_264 = vector.broadcast %jit3A_263 : f32 to vector<1024x1024xf32>
    %select_n3A_265 = arith.select %eq3A_254, %broadcast_in_dim3A_264, %select_n3A_249 : vector<1024x1024xi1>, vector<1024x1024xf32>
    %reduce_max3A_266 = arith.constant dense<0xFF800000> : vector<1024xf32>
    %reduce_max3A_267 = vector.multi_reduction <maximumf>, %select_n3A_265, %reduce_max3A_266 [1] : vector<1024x1024xf32> to vector<1024xf32>
    %broadcast_in_dim3A_268 = vector.shape_cast %reduce_max3A_267 : vector<1024xf32> to vector<1024x1xf32>
    %eq3A_269 = vector.broadcast %broadcast_in_dim3A_268 : vector<1024x1xf32> to vector<1024x1024xf32>
    %eq3A_270 = arith.cmpf oeq, %select_n3A_265, %eq3A_269 : vector<1024x1024xf32>
    %jit3A_271 = arith.constant 1024 : i32
    %broadcast_in_dim3A_272 = vector.broadcast %jit3A_271 : i32 to vector<1024x1024xi32>
    %select_n3A_273 = arith.select %eq3A_270, %iota3A, %broadcast_in_dim3A_272 : vector<1024x1024xi1>, vector<1024x1024xi32>
    %reduce_min3A_274 = arith.constant dense<2147483647> : vector<1024xi32>
    %reduce_min3A_275 = vector.multi_reduction <minsi>, %select_n3A_273, %reduce_min3A_274 [1] : vector<1024x1024xi32> to vector<1024xi32>
    %broadcast_in_dim3A_276 = vector.shape_cast %reduce_min3A_275 : vector<1024xi32> to vector<1x1024xi32>
    %add3A_277 = vector.broadcast %mul3A_0 : i32 to vector<1x1024xi32>
    %add3A_278 = arith.addi %broadcast_in_dim3A_276, %add3A_277 : vector<1x1024xi32>
    %jit3A_279 = arith.constant -1.000000e+30 : f32
    %broadcast_in_dim3A_280 = vector.broadcast %jit3A_279 : f32 to vector<1024x1024xf32>
    %select_n3A_281 = arith.select %eq3A_270, %broadcast_in_dim3A_280, %select_n3A_265 : vector<1024x1024xi1>, vector<1024x1024xf32>
    %reduce_max3A_282 = arith.constant dense<0xFF800000> : vector<1024xf32>
    %reduce_max3A_283 = vector.multi_reduction <maximumf>, %select_n3A_281, %reduce_max3A_282 [1] : vector<1024x1024xf32> to vector<1024xf32>
    %broadcast_in_dim3A_284 = vector.shape_cast %reduce_max3A_283 : vector<1024xf32> to vector<1024x1xf32>
    %eq3A_285 = vector.broadcast %broadcast_in_dim3A_284 : vector<1024x1xf32> to vector<1024x1024xf32>
    %eq3A_286 = arith.cmpf oeq, %select_n3A_281, %eq3A_285 : vector<1024x1024xf32>
    %jit3A_287 = arith.constant 1024 : i32
    %broadcast_in_dim3A_288 = vector.broadcast %jit3A_287 : i32 to vector<1024x1024xi32>
    %select_n3A_289 = arith.select %eq3A_286, %iota3A, %broadcast_in_dim3A_288 : vector<1024x1024xi1>, vector<1024x1024xi32>
    %reduce_min3A_290 = arith.constant dense<2147483647> : vector<1024xi32>
    %reduce_min3A_291 = vector.multi_reduction <minsi>, %select_n3A_289, %reduce_min3A_290 [1] : vector<1024x1024xi32> to vector<1024xi32>
    %broadcast_in_dim3A_292 = vector.shape_cast %reduce_min3A_291 : vector<1024xi32> to vector<1x1024xi32>
    %add3A_293 = vector.broadcast %mul3A_0 : i32 to vector<1x1024xi32>
    %add3A_294 = arith.addi %broadcast_in_dim3A_292, %add3A_293 : vector<1x1024xi32>
    %jit3A_295 = arith.constant -1.000000e+30 : f32
    %broadcast_in_dim3A_296 = vector.broadcast %jit3A_295 : f32 to vector<1024x1024xf32>
    %select_n3A_297 = arith.select %eq3A_286, %broadcast_in_dim3A_296, %select_n3A_281 : vector<1024x1024xi1>, vector<1024x1024xf32>
    %reduce_max3A_298 = arith.constant dense<0xFF800000> : vector<1024xf32>
    %reduce_max3A_299 = vector.multi_reduction <maximumf>, %select_n3A_297, %reduce_max3A_298 [1] : vector<1024x1024xf32> to vector<1024xf32>
    %broadcast_in_dim3A_300 = vector.shape_cast %reduce_max3A_299 : vector<1024xf32> to vector<1024x1xf32>
    %eq3A_301 = vector.broadcast %broadcast_in_dim3A_300 : vector<1024x1xf32> to vector<1024x1024xf32>
    %eq3A_302 = arith.cmpf oeq, %select_n3A_297, %eq3A_301 : vector<1024x1024xf32>
    %jit3A_303 = arith.constant 1024 : i32
    %broadcast_in_dim3A_304 = vector.broadcast %jit3A_303 : i32 to vector<1024x1024xi32>
    %select_n3A_305 = arith.select %eq3A_302, %iota3A, %broadcast_in_dim3A_304 : vector<1024x1024xi1>, vector<1024x1024xi32>
    %reduce_min3A_306 = arith.constant dense<2147483647> : vector<1024xi32>
    %reduce_min3A_307 = vector.multi_reduction <minsi>, %select_n3A_305, %reduce_min3A_306 [1] : vector<1024x1024xi32> to vector<1024xi32>
    %broadcast_in_dim3A_308 = vector.shape_cast %reduce_min3A_307 : vector<1024xi32> to vector<1x1024xi32>
    %add3A_309 = vector.broadcast %mul3A_0 : i32 to vector<1x1024xi32>
    %add3A_310 = arith.addi %broadcast_in_dim3A_308, %add3A_309 : vector<1x1024xi32>
    %jit3A_311 = arith.constant -1.000000e+30 : f32
    %broadcast_in_dim3A_312 = vector.broadcast %jit3A_311 : f32 to vector<1024x1024xf32>
    %select_n3A_313 = arith.select %eq3A_302, %broadcast_in_dim3A_312, %select_n3A_297 : vector<1024x1024xi1>, vector<1024x1024xf32>
    %reduce_max3A_314 = arith.constant dense<0xFF800000> : vector<1024xf32>
    %reduce_max3A_315 = vector.multi_reduction <maximumf>, %select_n3A_313, %reduce_max3A_314 [1] : vector<1024x1024xf32> to vector<1024xf32>
    %broadcast_in_dim3A_316 = vector.shape_cast %reduce_max3A_315 : vector<1024xf32> to vector<1024x1xf32>
    %eq3A_317 = vector.broadcast %broadcast_in_dim3A_316 : vector<1024x1xf32> to vector<1024x1024xf32>
    %eq3A_318 = arith.cmpf oeq, %select_n3A_313, %eq3A_317 : vector<1024x1024xf32>
    %jit3A_319 = arith.constant 1024 : i32
    %broadcast_in_dim3A_320 = vector.broadcast %jit3A_319 : i32 to vector<1024x1024xi32>
    %select_n3A_321 = arith.select %eq3A_318, %iota3A, %broadcast_in_dim3A_320 : vector<1024x1024xi1>, vector<1024x1024xi32>
    %reduce_min3A_322 = arith.constant dense<2147483647> : vector<1024xi32>
    %reduce_min3A_323 = vector.multi_reduction <minsi>, %select_n3A_321, %reduce_min3A_322 [1] : vector<1024x1024xi32> to vector<1024xi32>
    %broadcast_in_dim3A_324 = vector.shape_cast %reduce_min3A_323 : vector<1024xi32> to vector<1x1024xi32>
    %add3A_325 = vector.broadcast %mul3A_0 : i32 to vector<1x1024xi32>
    %add3A_326 = arith.addi %broadcast_in_dim3A_324, %add3A_325 : vector<1x1024xi32>
    %jit3A_327 = arith.constant -1.000000e+30 : f32
    %broadcast_in_dim3A_328 = vector.broadcast %jit3A_327 : f32 to vector<1024x1024xf32>
    %select_n3A_329 = arith.select %eq3A_318, %broadcast_in_dim3A_328, %select_n3A_313 : vector<1024x1024xi1>, vector<1024x1024xf32>
    %reduce_max3A_330 = arith.constant dense<0xFF800000> : vector<1024xf32>
    %reduce_max3A_331 = vector.multi_reduction <maximumf>, %select_n3A_329, %reduce_max3A_330 [1] : vector<1024x1024xf32> to vector<1024xf32>
    %broadcast_in_dim3A_332 = vector.shape_cast %reduce_max3A_331 : vector<1024xf32> to vector<1024x1xf32>
    %eq3A_333 = vector.broadcast %broadcast_in_dim3A_332 : vector<1024x1xf32> to vector<1024x1024xf32>
    %eq3A_334 = arith.cmpf oeq, %select_n3A_329, %eq3A_333 : vector<1024x1024xf32>
    %jit3A_335 = arith.constant 1024 : i32
    %broadcast_in_dim3A_336 = vector.broadcast %jit3A_335 : i32 to vector<1024x1024xi32>
    %select_n3A_337 = arith.select %eq3A_334, %iota3A, %broadcast_in_dim3A_336 : vector<1024x1024xi1>, vector<1024x1024xi32>
    %reduce_min3A_338 = arith.constant dense<2147483647> : vector<1024xi32>
    %reduce_min3A_339 = vector.multi_reduction <minsi>, %select_n3A_337, %reduce_min3A_338 [1] : vector<1024x1024xi32> to vector<1024xi32>
    %broadcast_in_dim3A_340 = vector.shape_cast %reduce_min3A_339 : vector<1024xi32> to vector<1x1024xi32>
    %add3A_341 = vector.broadcast %mul3A_0 : i32 to vector<1x1024xi32>
    %add3A_342 = arith.addi %broadcast_in_dim3A_340, %add3A_341 : vector<1x1024xi32>
    %jit3A_343 = arith.constant -1.000000e+30 : f32
    %broadcast_in_dim3A_344 = vector.broadcast %jit3A_343 : f32 to vector<1024x1024xf32>
    %select_n3A_345 = arith.select %eq3A_334, %broadcast_in_dim3A_344, %select_n3A_329 : vector<1024x1024xi1>, vector<1024x1024xf32>
    %reduce_max3A_346 = arith.constant dense<0xFF800000> : vector<1024xf32>
    %reduce_max3A_347 = vector.multi_reduction <maximumf>, %select_n3A_345, %reduce_max3A_346 [1] : vector<1024x1024xf32> to vector<1024xf32>
    %broadcast_in_dim3A_348 = vector.shape_cast %reduce_max3A_347 : vector<1024xf32> to vector<1024x1xf32>
    %eq3A_349 = vector.broadcast %broadcast_in_dim3A_348 : vector<1024x1xf32> to vector<1024x1024xf32>
    %eq3A_350 = arith.cmpf oeq, %select_n3A_345, %eq3A_349 : vector<1024x1024xf32>
    %jit3A_351 = arith.constant 1024 : i32
    %broadcast_in_dim3A_352 = vector.broadcast %jit3A_351 : i32 to vector<1024x1024xi32>
    %select_n3A_353 = arith.select %eq3A_350, %iota3A, %broadcast_in_dim3A_352 : vector<1024x1024xi1>, vector<1024x1024xi32>
    %reduce_min3A_354 = arith.constant dense<2147483647> : vector<1024xi32>
    %reduce_min3A_355 = vector.multi_reduction <minsi>, %select_n3A_353, %reduce_min3A_354 [1] : vector<1024x1024xi32> to vector<1024xi32>
    %broadcast_in_dim3A_356 = vector.shape_cast %reduce_min3A_355 : vector<1024xi32> to vector<1x1024xi32>
    %add3A_357 = vector.broadcast %mul3A_0 : i32 to vector<1x1024xi32>
    %add3A_358 = arith.addi %broadcast_in_dim3A_356, %add3A_357 : vector<1x1024xi32>
    %jit3A_359 = arith.constant -1.000000e+30 : f32
    %broadcast_in_dim3A_360 = vector.broadcast %jit3A_359 : f32 to vector<1024x1024xf32>
    %select_n3A_361 = arith.select %eq3A_350, %broadcast_in_dim3A_360, %select_n3A_345 : vector<1024x1024xi1>, vector<1024x1024xf32>
    %reduce_max3A_362 = arith.constant dense<0xFF800000> : vector<1024xf32>
    %reduce_max3A_363 = vector.multi_reduction <maximumf>, %select_n3A_361, %reduce_max3A_362 [1] : vector<1024x1024xf32> to vector<1024xf32>
    %broadcast_in_dim3A_364 = vector.shape_cast %reduce_max3A_363 : vector<1024xf32> to vector<1024x1xf32>
    %eq3A_365 = vector.broadcast %broadcast_in_dim3A_364 : vector<1024x1xf32> to vector<1024x1024xf32>
    %eq3A_366 = arith.cmpf oeq, %select_n3A_361, %eq3A_365 : vector<1024x1024xf32>
    %jit3A_367 = arith.constant 1024 : i32
    %broadcast_in_dim3A_368 = vector.broadcast %jit3A_367 : i32 to vector<1024x1024xi32>
    %select_n3A_369 = arith.select %eq3A_366, %iota3A, %broadcast_in_dim3A_368 : vector<1024x1024xi1>, vector<1024x1024xi32>
    %reduce_min3A_370 = arith.constant dense<2147483647> : vector<1024xi32>
    %reduce_min3A_371 = vector.multi_reduction <minsi>, %select_n3A_369, %reduce_min3A_370 [1] : vector<1024x1024xi32> to vector<1024xi32>
    %broadcast_in_dim3A_372 = vector.shape_cast %reduce_min3A_371 : vector<1024xi32> to vector<1x1024xi32>
    %add3A_373 = vector.broadcast %mul3A_0 : i32 to vector<1x1024xi32>
    %add3A_374 = arith.addi %broadcast_in_dim3A_372, %add3A_373 : vector<1x1024xi32>
    %jit3A_375 = arith.constant -1.000000e+30 : f32
    %broadcast_in_dim3A_376 = vector.broadcast %jit3A_375 : f32 to vector<1024x1024xf32>
    %select_n3A_377 = arith.select %eq3A_366, %broadcast_in_dim3A_376, %select_n3A_361 : vector<1024x1024xi1>, vector<1024x1024xf32>
    %reduce_max3A_378 = arith.constant dense<0xFF800000> : vector<1024xf32>
    %reduce_max3A_379 = vector.multi_reduction <maximumf>, %select_n3A_377, %reduce_max3A_378 [1] : vector<1024x1024xf32> to vector<1024xf32>
    %broadcast_in_dim3A_380 = vector.shape_cast %reduce_max3A_379 : vector<1024xf32> to vector<1024x1xf32>
    %eq3A_381 = vector.broadcast %broadcast_in_dim3A_380 : vector<1024x1xf32> to vector<1024x1024xf32>
    %eq3A_382 = arith.cmpf oeq, %select_n3A_377, %eq3A_381 : vector<1024x1024xf32>
    %jit3A_383 = arith.constant 1024 : i32
    %broadcast_in_dim3A_384 = vector.broadcast %jit3A_383 : i32 to vector<1024x1024xi32>
    %select_n3A_385 = arith.select %eq3A_382, %iota3A, %broadcast_in_dim3A_384 : vector<1024x1024xi1>, vector<1024x1024xi32>
    %reduce_min3A_386 = arith.constant dense<2147483647> : vector<1024xi32>
    %reduce_min3A_387 = vector.multi_reduction <minsi>, %select_n3A_385, %reduce_min3A_386 [1] : vector<1024x1024xi32> to vector<1024xi32>
    %broadcast_in_dim3A_388 = vector.shape_cast %reduce_min3A_387 : vector<1024xi32> to vector<1x1024xi32>
    %add3A_389 = vector.broadcast %mul3A_0 : i32 to vector<1x1024xi32>
    %add3A_390 = arith.addi %broadcast_in_dim3A_388, %add3A_389 : vector<1x1024xi32>
    %jit3A_391 = arith.constant -1.000000e+30 : f32
    %broadcast_in_dim3A_392 = vector.broadcast %jit3A_391 : f32 to vector<1024x1024xf32>
    %select_n3A_393 = arith.select %eq3A_382, %broadcast_in_dim3A_392, %select_n3A_377 : vector<1024x1024xi1>, vector<1024x1024xf32>
    %reduce_max3A_394 = arith.constant dense<0xFF800000> : vector<1024xf32>
    %reduce_max3A_395 = vector.multi_reduction <maximumf>, %select_n3A_393, %reduce_max3A_394 [1] : vector<1024x1024xf32> to vector<1024xf32>
    %broadcast_in_dim3A_396 = vector.shape_cast %reduce_max3A_395 : vector<1024xf32> to vector<1024x1xf32>
    %eq3A_397 = vector.broadcast %broadcast_in_dim3A_396 : vector<1024x1xf32> to vector<1024x1024xf32>
    %eq3A_398 = arith.cmpf oeq, %select_n3A_393, %eq3A_397 : vector<1024x1024xf32>
    %jit3A_399 = arith.constant 1024 : i32
    %broadcast_in_dim3A_400 = vector.broadcast %jit3A_399 : i32 to vector<1024x1024xi32>
    %select_n3A_401 = arith.select %eq3A_398, %iota3A, %broadcast_in_dim3A_400 : vector<1024x1024xi1>, vector<1024x1024xi32>
    %reduce_min3A_402 = arith.constant dense<2147483647> : vector<1024xi32>
    %reduce_min3A_403 = vector.multi_reduction <minsi>, %select_n3A_401, %reduce_min3A_402 [1] : vector<1024x1024xi32> to vector<1024xi32>
    %broadcast_in_dim3A_404 = vector.shape_cast %reduce_min3A_403 : vector<1024xi32> to vector<1x1024xi32>
    %add3A_405 = vector.broadcast %mul3A_0 : i32 to vector<1x1024xi32>
    %add3A_406 = arith.addi %broadcast_in_dim3A_404, %add3A_405 : vector<1x1024xi32>
    %jit3A_407 = arith.constant -1.000000e+30 : f32
    %broadcast_in_dim3A_408 = vector.broadcast %jit3A_407 : f32 to vector<1024x1024xf32>
    %select_n3A_409 = arith.select %eq3A_398, %broadcast_in_dim3A_408, %select_n3A_393 : vector<1024x1024xi1>, vector<1024x1024xf32>
    %reduce_max3A_410 = arith.constant dense<0xFF800000> : vector<1024xf32>
    %reduce_max3A_411 = vector.multi_reduction <maximumf>, %select_n3A_409, %reduce_max3A_410 [1] : vector<1024x1024xf32> to vector<1024xf32>
    %broadcast_in_dim3A_412 = vector.shape_cast %reduce_max3A_411 : vector<1024xf32> to vector<1024x1xf32>
    %eq3A_413 = vector.broadcast %broadcast_in_dim3A_412 : vector<1024x1xf32> to vector<1024x1024xf32>
    %eq3A_414 = arith.cmpf oeq, %select_n3A_409, %eq3A_413 : vector<1024x1024xf32>
    %jit3A_415 = arith.constant 1024 : i32
    %broadcast_in_dim3A_416 = vector.broadcast %jit3A_415 : i32 to vector<1024x1024xi32>
    %select_n3A_417 = arith.select %eq3A_414, %iota3A, %broadcast_in_dim3A_416 : vector<1024x1024xi1>, vector<1024x1024xi32>
    %reduce_min3A_418 = arith.constant dense<2147483647> : vector<1024xi32>
    %reduce_min3A_419 = vector.multi_reduction <minsi>, %select_n3A_417, %reduce_min3A_418 [1] : vector<1024x1024xi32> to vector<1024xi32>
    %broadcast_in_dim3A_420 = vector.shape_cast %reduce_min3A_419 : vector<1024xi32> to vector<1x1024xi32>
    %add3A_421 = vector.broadcast %mul3A_0 : i32 to vector<1x1024xi32>
    %add3A_422 = arith.addi %broadcast_in_dim3A_420, %add3A_421 : vector<1x1024xi32>
    %concatenate3A_423 = tpu.concatenate %add3A_118, %add3A_134, %add3A_150, %add3A_166, %add3A_182, %add3A_198, %add3A_214, %add3A_230, %add3A_246, %add3A_262, %add3A_278, %add3A_294, %add3A_310, %add3A_326, %add3A_342, %add3A_358, %add3A_374, %add3A_390, %add3A_406, %add3A_422 in 0 : vector<1x1024xi32>, vector<1x1024xi32>, vector<1x1024xi32>, vector<1x1024xi32>, vector<1x1024xi32>, vector<1x1024xi32>, vector<1x1024xi32>, vector<1x1024xi32>, vector<1x1024xi32>, vector<1x1024xi32>, vector<1x1024xi32>, vector<1x1024xi32>, vector<1x1024xi32>, vector<1x1024xi32>, vector<1x1024xi32>, vector<1x1024xi32>, vector<1x1024xi32>, vector<1x1024xi32>, vector<1x1024xi32>, vector<1x1024xi32> -> vector<20x1024xi32>
    %swap3A = arith.constant 0 : index
    %swap3A_424 = arith.constant 0 : index
    %swap3A_425 = arith.constant 0 : index
    %swap3A_426 = vector.load %arg12[%swap3A, %swap3A_424, %swap3A_425] : memref<1x20x1024xi32, #tpu.memory_space<vmem>>, vector<1x20x1024xi32>
    %swap3A_427 = vector.shape_cast %swap3A_426 : vector<1x20x1024xi32> to vector<20x1024xi32>
    %swap3A_428 = vector.shape_cast %concatenate3A_423 : vector<20x1024xi32> to vector<1x20x1024xi32>
    tpu.vector_store %arg12[%swap3A, %swap3A_424, %swap3A_425], %swap3A_428 {strides = array<i32>} : memref<1x20x1024xi32, #tpu.memory_space<vmem>>, vector<1x20x1024xi32>,
    %get3A_429 = arith.constant 0 : index
    %get3A_430 = arith.constant 0 : index
    %get3A_431 = vector.load %arg10[%get3A_429, %get3A_430] : memref<192x64xf32, #tpu.memory_space<vmem>>, vector<192x64xf32>
    %convert_element_type3A_432 = arith.truncf %get3A_431 : vector<192x64xf32> to vector<192x64xbf16>
    %dot_general3A_433 = arith.constant dense<0.000000e+00> : vector<1024x64xf32>
    %dot_general3A_434 = tpu.matmul %convert_element_type3A, %convert_element_type3A_432, %dot_general3A_433 {dimension_numbers = #tpu.dot_dimension_numbers<[1], [0], [0], [1], [0, 0, 1, 1], [], []>, transpose_lhs_hint = false} : vector<1024x192xbf16>, vector<192x64xbf16>, vector<1024x64xf32> -> vector<1024x64xf32>
    %get3A_435 = arith.constant 0 : index
    %get3A_436 = arith.constant 0 : index
    %get3A_437 = vector.load %arg11[%get3A_435, %get3A_436] : memref<1x64xf32, #tpu.memory_space<vmem>>, vector<1x64xf32>
    %add3A_438 = vector.broadcast %get3A_437 : vector<1x64xf32> to vector<1024x64xf32>
    %add3A_439 = arith.addf %dot_general3A_434, %add3A_438 : vector<1024x64xf32>
    %swap3A_440 = arith.constant 0 : index
    %swap3A_441 = arith.constant 0 : index
    %swap3A_442 = arith.constant 0 : index
    %swap3A_443 = vector.load %arg13[%swap3A_440, %swap3A_441, %swap3A_442] : memref<1x1024x64xf32, #tpu.memory_space<vmem>>, vector<1x1024x64xf32>
    %swap3A_444 = vector.shape_cast %swap3A_443 : vector<1x1024x64xf32> to vector<1024x64xf32>
    %swap3A_445 = vector.shape_cast %add3A_439 : vector<1024x64xf32> to vector<1x1024x64xf32>
    tpu.vector_store %arg13[%swap3A_440, %swap3A_441, %swap3A_442], %swap3A_445 {strides = array<i32>} : memref<1x1024x64xf32, #tpu.memory_space<vmem>>, vector<1x1024x64xf32>,
    %broadcast_in_dim3A_446 = arith.constant 0.000000e+00 : f32
    %broadcast_in_dim3A_447 = vector.broadcast %broadcast_in_dim3A_446 : f32 to vector<1024x64xf32>
    %concatenate3A_448 = tpu.concatenate %concatenate3A_94, %broadcast_in_dim3A_447 in 1 : vector<1024x192xf32>, vector<1024x64xf32> -> vector<1024x256xf32>
    %swap3A_449 = arith.constant 0 : index
    %swap3A_450 = arith.constant 0 : index
    %swap3A_451 = arith.constant 0 : index
    %swap3A_452 = vector.load %arg14[%swap3A_449, %swap3A_450, %swap3A_451] : memref<1x1024x256xf32, #tpu.memory_space<vmem>>, vector<1x1024x256xf32>
    %swap3A_453 = vector.shape_cast %swap3A_452 : vector<1x1024x256xf32> to vector<1024x256xf32>
    %swap3A_454 = vector.shape_cast %concatenate3A_448 : vector<1024x256xf32> to vector<1x1024x256xf32>
    tpu.vector_store %arg14[%swap3A_449, %swap3A_450, %swap3A_451], %swap3A_454 {strides = array<i32>} : memref<1x1024x256xf32, #tpu.memory_space<vmem>>, vector<1x1024x256xf32>,
    return
  }
  func.func @transform_0(%arg0: i32, %arg1: i32) -> (i32, i32, i32) {
    %c0_i32 = arith.constant 0 : i32
    %c0_i32_0 = arith.constant 0 : i32
    return %arg0, %arg1, %c0_i32 : i32, i32, i32
  }
  func.func @transform_1(%arg0: i32, %arg1: i32) -> (i32, i32, i32) {
    %c0_i32 = arith.constant 0 : i32
    %c0_i32_0 = arith.constant 0 : i32
    %c0_i32_1 = arith.constant 0 : i32
    return %arg0, %c0_i32, %c0_i32_0 : i32, i32, i32
  }
  func.func @transform_2(%arg0: i32, %arg1: i32) -> (i32, i32, i32) {
    %c0_i32 = arith.constant 0 : i32
    %c0_i32_0 = arith.constant 0 : i32
    return %arg0, %arg1, %c0_i32 : i32, i32, i32
  }
  func.func @transform_3(%arg0: i32, %arg1: i32) -> (i32, i32, i32) {
    %c0_i32 = arith.constant 0 : i32
    %c0_i32_0 = arith.constant 0 : i32
    %c0_i32_1 = arith.constant 0 : i32
    return %arg0, %c0_i32, %c0_i32_0 : i32, i32, i32
  }
  func.func @transform_4(%arg0: i32, %arg1: i32) -> (i32, i32, i32) {
    %c0_i32 = arith.constant 0 : i32
    %c0_i32_0 = arith.constant 0 : i32
    %c0_i32_1 = arith.constant 0 : i32
    %c0_i32_2 = arith.constant 0 : i32
    return %c0_i32, %c0_i32_0, %c0_i32_1 : i32, i32, i32
  }
  func.func @transform_5(%arg0: i32, %arg1: i32) -> (i32, i32, i32) {
    %c0_i32 = arith.constant 0 : i32
    %c0_i32_0 = arith.constant 0 : i32
    %c0_i32_1 = arith.constant 0 : i32
    %c0_i32_2 = arith.constant 0 : i32
    return %c0_i32, %c0_i32_0, %c0_i32_1 : i32, i32, i32
  }
  func.func @transform_6(%arg0: i32, %arg1: i32) -> (i32, i32) {
    %c0_i32 = arith.constant 0 : i32
    %c0_i32_0 = arith.constant 0 : i32
    %c0_i32_1 = arith.constant 0 : i32
    return %c0_i32, %c0_i32_0 : i32, i32
  }
  func.func @transform_7(%arg0: i32, %arg1: i32) -> (i32, i32) {
    %c0_i32 = arith.constant 0 : i32
    %c0_i32_0 = arith.constant 0 : i32
    %c0_i32_1 = arith.constant 0 : i32
    return %c0_i32, %c0_i32_0 : i32, i32
  }
  func.func @transform_8(%arg0: i32, %arg1: i32) -> (i32, i32) {
    %c0_i32 = arith.constant 0 : i32
    %c0_i32_0 = arith.constant 0 : i32
    %c0_i32_1 = arith.constant 0 : i32
    return %c0_i32, %c0_i32_0 : i32, i32
  }
  func.func @transform_9(%arg0: i32, %arg1: i32) -> (i32, i32) {
    %c0_i32 = arith.constant 0 : i32
    %c0_i32_0 = arith.constant 0 : i32
    %c0_i32_1 = arith.constant 0 : i32
    return %c0_i32, %c0_i32_0 : i32, i32
  }
  func.func @transform_10(%arg0: i32, %arg1: i32) -> (i32, i32, i32) {
    %c0_i32 = arith.constant 0 : i32
    %c0_i32_0 = arith.constant 0 : i32
    return %arg0, %c0_i32, %arg1 : i32, i32, i32
  }
  func.func @transform_11(%arg0: i32, %arg1: i32) -> (i32, i32, i32) {
    %c0_i32 = arith.constant 0 : i32
    %c0_i32_0 = arith.constant 0 : i32
    return %arg0, %arg1, %c0_i32 : i32, i32, i32
  }
  func.func @transform_12(%arg0: i32, %arg1: i32) -> (i32, i32, i32) {
    %c0_i32 = arith.constant 0 : i32
    %c0_i32_0 = arith.constant 0 : i32
    return %arg0, %arg1, %c0_i32 : i32, i32, i32
  }
}

module attributes {stable_mosaic.version = 14 : i64} {
  func.func @_stage_c_body(%arg0: i32, %arg1: memref<5120x256xf32, #tpu.memory_space<vmem>>, %arg2: memref<256x256xf32, #tpu.memory_space<vmem>>, %arg3: memref<256x64xf32, #tpu.memory_space<vmem>>, %arg4: memref<256x64xf32, #tpu.memory_space<vmem>>, %arg5: memref<256x64xf32, #tpu.memory_space<vmem>>, %arg6: memref<1x1x64xf32, #tpu.memory_space<vmem>>, %arg7: memref<1x1x64xf32, #tpu.memory_space<vmem>>) attributes {dimension_semantics = [#tpu.dimension_semantics<arbitrary>], iteration_bounds = array<i64: 8>, scalar_prefetch = 0 : i64, scratch_operands = 0 : i64, tpu.core_type = #tpu.core_type<tc>, window_params = [{transform_indices = @transform_0, window_bounds = array<i64: 5120, 256>}, {transform_indices = @transform_1, window_bounds = array<i64: 256, 256>}, {transform_indices = @transform_2, window_bounds = array<i64: 256, 64>}, {pipeline_mode = #tpu.pipeline_mode<synchronous>, transform_indices = @transform_3, window_bounds = array<i64: 256, 64>}, {transform_indices = @transform_4, window_bounds = array<i64: 256, 64>}, {transform_indices = @transform_5, window_bounds = array<i64: 1, 1, 64>}, {transform_indices = @transform_6, window_bounds = array<i64: 1, 1, 64>}]} {
    %get3A = arith.constant 0 : index
    %get3A_0 = arith.constant 0 : index
    %get3A_1 = vector.load %arg1[%get3A, %get3A_0] : memref<5120x256xf32, #tpu.memory_space<vmem>>, vector<5120x256xf32>
    %reshape3A = vector.shape_cast %get3A_1 : vector<5120x256xf32> to vector<256x20x256xf32>
    %get3A_2 = arith.constant 0 : index
    %get3A_3 = arith.constant 0 : index
    %get3A_4 = vector.load %arg2[%get3A_2, %get3A_3] : memref<256x256xf32, #tpu.memory_space<vmem>>, vector<256x256xf32>
    %broadcast_in_dim3A = vector.shape_cast %get3A_4 : vector<256x256xf32> to vector<256x1x256xf32>
    %sub3A = vector.broadcast %broadcast_in_dim3A : vector<256x1x256xf32> to vector<256x20x256xf32>
    %sub3A_5 = arith.subf %reshape3A, %sub3A : vector<256x20x256xf32>
    %convert_element_type3A = arith.truncf %sub3A_5 : vector<256x20x256xf32> to vector<256x20x256xbf16>
    %get3A_6 = arith.constant 0 : index
    %get3A_7 = arith.constant 0 : index
    %get3A_8 = vector.load %arg4[%get3A_6, %get3A_7] : memref<256x64xf32, #tpu.memory_space<vmem>>, vector<256x64xf32>
    %convert_element_type3A_9 = arith.truncf %get3A_8 : vector<256x64xf32> to vector<256x64xbf16>
    %reshape3A_10 = vector.shape_cast %convert_element_type3A : vector<256x20x256xbf16> to vector<5120x256xbf16>
    %dot_general3A = arith.constant dense<0.000000e+00> : vector<5120x64xf32>
    %dot_general3A_11 = tpu.matmul %reshape3A_10, %convert_element_type3A_9, %dot_general3A {dimension_numbers = #tpu.dot_dimension_numbers<[1], [0], [0], [1], [0, 0, 1, 1], [], []>, transpose_lhs_hint = false} : vector<5120x256xbf16>, vector<256x64xbf16>, vector<5120x64xf32> -> vector<5120x64xf32>
    %reshape3A_12 = vector.shape_cast %dot_general3A_11 : vector<5120x64xf32> to vector<256x20x64xf32>
    %get3A_13 = arith.constant 0 : index
    %get3A_14 = arith.constant 0 : index
    %get3A_15 = vector.load %arg3[%get3A_13, %get3A_14] : memref<256x64xf32, #tpu.memory_space<vmem>>, vector<256x64xf32>
    %reduce_sum3A = arith.constant dense<0.000000e+00> : vector<256x64xf32>
    %reduce_sum3A_16 = vector.multi_reduction <add>, %reshape3A_12, %reduce_sum3A [1] : vector<256x20x64xf32> to vector<256x64xf32>
    %mul3A = arith.mulf %reshape3A_12, %reshape3A_12 : vector<256x20x64xf32>
    %reduce_sum3A_17 = arith.constant dense<0.000000e+00> : vector<256x64xf32>
    %reduce_sum3A_18 = vector.multi_reduction <add>, %mul3A, %reduce_sum3A_17 [1] : vector<256x20x64xf32> to vector<256x64xf32>
    %reduce_max3A = arith.constant dense<0xFF800000> : vector<256x64xf32>
    %reduce_max3A_19 = vector.multi_reduction <maximumf>, %reshape3A_12, %reduce_max3A [1] : vector<256x20x64xf32> to vector<256x64xf32>
    %add3A = arith.addf %get3A_15, %reduce_max3A_19 : vector<256x64xf32>
    %swap3A = arith.constant 0 : index
    %swap3A_20 = arith.constant 0 : index
    %swap3A_21 = vector.load %arg5[%swap3A, %swap3A_20] : memref<256x64xf32, #tpu.memory_space<vmem>>, vector<256x64xf32>
    tpu.vector_store %arg5[%swap3A, %swap3A_20], %add3A {strides = array<i32>} : memref<256x64xf32, #tpu.memory_space<vmem>>, vector<256x64xf32>,
    %mul3A_22 = arith.constant 2.000000e+01 : f32
    %mul3A_23 = vector.broadcast %mul3A_22 : f32 to vector<256x64xf32>
    %mul3A_24 = arith.mulf %mul3A_23, %get3A_15 : vector<256x64xf32>
    %add3A_25 = arith.addf %mul3A_24, %reduce_sum3A_16 : vector<256x64xf32>
    %reduce_sum3A_26 = arith.constant dense<0.000000e+00> : vector<64xf32>
    %reduce_sum3A_27 = vector.multi_reduction <add>, %add3A_25, %reduce_sum3A_26 [0] : vector<256x64xf32> to vector<64xf32>
    %broadcast_in_dim3A_28 = vector.shape_cast %reduce_sum3A_27 : vector<64xf32> to vector<1x64xf32>
    %swap3A_29 = arith.constant 0 : index
    %swap3A_30 = arith.constant 0 : index
    %swap3A_31 = arith.constant 0 : index
    %swap3A_32 = vector.load %arg6[%swap3A_29, %swap3A_30, %swap3A_31] : memref<1x1x64xf32, #tpu.memory_space<vmem>>, vector<1x1x64xf32>
    %swap3A_33 = vector.shape_cast %swap3A_32 : vector<1x1x64xf32> to vector<1x64xf32>
    %swap3A_34 = vector.shape_cast %broadcast_in_dim3A_28 : vector<1x64xf32> to vector<1x1x64xf32>
    tpu.vector_store %arg6[%swap3A_29, %swap3A_30, %swap3A_31], %swap3A_34 {strides = array<i32>} : memref<1x1x64xf32, #tpu.memory_space<vmem>>, vector<1x1x64xf32>,
    %mul3A_35 = arith.constant 2.000000e+01 : f32
    %mul3A_36 = vector.broadcast %mul3A_35 : f32 to vector<256x64xf32>
    %mul3A_37 = arith.mulf %mul3A_36, %get3A_15 : vector<256x64xf32>
    %mul3A_38 = arith.mulf %mul3A_37, %get3A_15 : vector<256x64xf32>
    %mul3A_39 = arith.constant 2.000000e+00 : f32
    %mul3A_40 = vector.broadcast %mul3A_39 : f32 to vector<256x64xf32>
    %mul3A_41 = arith.mulf %mul3A_40, %get3A_15 : vector<256x64xf32>
    %mul3A_42 = arith.mulf %mul3A_41, %reduce_sum3A_16 : vector<256x64xf32>
    %add3A_43 = arith.addf %mul3A_38, %mul3A_42 : vector<256x64xf32>
    %add3A_44 = arith.addf %add3A_43, %reduce_sum3A_18 : vector<256x64xf32>
    %reduce_sum3A_45 = arith.constant dense<0.000000e+00> : vector<64xf32>
    %reduce_sum3A_46 = vector.multi_reduction <add>, %add3A_44, %reduce_sum3A_45 [0] : vector<256x64xf32> to vector<64xf32>
    %broadcast_in_dim3A_47 = vector.shape_cast %reduce_sum3A_46 : vector<64xf32> to vector<1x64xf32>
    %swap3A_48 = arith.constant 0 : index
    %swap3A_49 = arith.constant 0 : index
    %swap3A_50 = arith.constant 0 : index
    %swap3A_51 = vector.load %arg7[%swap3A_48, %swap3A_49, %swap3A_50] : memref<1x1x64xf32, #tpu.memory_space<vmem>>, vector<1x1x64xf32>
    %swap3A_52 = vector.shape_cast %swap3A_51 : vector<1x1x64xf32> to vector<1x64xf32>
    %swap3A_53 = vector.shape_cast %broadcast_in_dim3A_47 : vector<1x64xf32> to vector<1x1x64xf32>
    tpu.vector_store %arg7[%swap3A_48, %swap3A_49, %swap3A_50], %swap3A_53 {strides = array<i32>} : memref<1x1x64xf32, #tpu.memory_space<vmem>>, vector<1x1x64xf32>,
    return
  }
  func.func @transform_0(%arg0: i32) -> (i32, i32) {
    %c0_i32 = arith.constant 0 : i32
    %c0_i32_0 = arith.constant 0 : i32
    return %arg0, %c0_i32 : i32, i32
  }
  func.func @transform_1(%arg0: i32) -> (i32, i32) {
    %c0_i32 = arith.constant 0 : i32
    %c0_i32_0 = arith.constant 0 : i32
    return %arg0, %c0_i32 : i32, i32
  }
  func.func @transform_2(%arg0: i32) -> (i32, i32) {
    %c0_i32 = arith.constant 0 : i32
    %c0_i32_0 = arith.constant 0 : i32
    return %arg0, %c0_i32 : i32, i32
  }
  func.func @transform_3(%arg0: i32) -> (i32, i32) {
    %c0_i32 = arith.constant 0 : i32
    %c0_i32_0 = arith.constant 0 : i32
    %c0_i32_1 = arith.constant 0 : i32
    return %c0_i32, %c0_i32_0 : i32, i32
  }
  func.func @transform_4(%arg0: i32) -> (i32, i32) {
    %c0_i32 = arith.constant 0 : i32
    %c0_i32_0 = arith.constant 0 : i32
    return %arg0, %c0_i32 : i32, i32
  }
  func.func @transform_5(%arg0: i32) -> (i32, i32, i32) {
    %c0_i32 = arith.constant 0 : i32
    %c0_i32_0 = arith.constant 0 : i32
    %c0_i32_1 = arith.constant 0 : i32
    return %arg0, %c0_i32, %c0_i32_0 : i32, i32, i32
  }
  func.func @transform_6(%arg0: i32) -> (i32, i32, i32) {
    %c0_i32 = arith.constant 0 : i32
    %c0_i32_0 = arith.constant 0 : i32
    %c0_i32_1 = arith.constant 0 : i32
    return %arg0, %c0_i32, %c0_i32_0 : i32, i32, i32
  }
}

module attributes {stable_mosaic.version = 14 : i64} {
  func.func @_stage_f_body(%arg0: memref<2048x64xf32, #tpu.memory_space<vmem>>, %arg1: memref<8x1x64xf32, #tpu.memory_space<vmem>>, %arg2: memref<8x1x64xf32, #tpu.memory_space<vmem>>, %arg3: memref<1x64xf32, #tpu.memory_space<vmem>>, %arg4: memref<1x64xf32, #tpu.memory_space<vmem>>, %arg5: memref<2048x64xf32, #tpu.memory_space<vmem>>) attributes {dimension_semantics = [], scalar_prefetch = 0 : i64, scratch_operands = 0 : i64, tpu.core_type = #tpu.core_type<tc>} {
    %get3A = arith.constant 0 : index
    %get3A_0 = arith.constant 0 : index
    %get3A_1 = vector.load %arg0[%get3A, %get3A_0] : memref<2048x64xf32, #tpu.memory_space<vmem>>, vector<2048x64xf32>
    %get3A_2 = arith.constant 0 : index
    %get3A_3 = arith.constant 0 : index
    %get3A_4 = arith.constant 0 : index
    %get3A_5 = vector.load %arg1[%get3A_2, %get3A_3, %get3A_4] : memref<8x1x64xf32, #tpu.memory_space<vmem>>, vector<8x1x64xf32>
    %reduce_sum3A = arith.constant dense<0.000000e+00> : vector<1x64xf32>
    %reduce_sum3A_6 = vector.multi_reduction <add>, %get3A_5, %reduce_sum3A [0] : vector<8x1x64xf32> to vector<1x64xf32>
    %div3A = arith.constant 4.096000e+04 : f32
    %div3A_7 = vector.broadcast %div3A : f32 to vector<1x64xf32>
    %div3A_8 = arith.divf %reduce_sum3A_6, %div3A_7 : vector<1x64xf32>
    %get3A_9 = arith.constant 0 : index
    %get3A_10 = arith.constant 0 : index
    %get3A_11 = arith.constant 0 : index
    %get3A_12 = vector.load %arg2[%get3A_9, %get3A_10, %get3A_11] : memref<8x1x64xf32, #tpu.memory_space<vmem>>, vector<8x1x64xf32>
    %reduce_sum3A_13 = arith.constant dense<0.000000e+00> : vector<1x64xf32>
    %reduce_sum3A_14 = vector.multi_reduction <add>, %get3A_12, %reduce_sum3A_13 [0] : vector<8x1x64xf32> to vector<1x64xf32>
    %div3A_15 = arith.constant 4.096000e+04 : f32
    %div3A_16 = vector.broadcast %div3A_15 : f32 to vector<1x64xf32>
    %div3A_17 = arith.divf %reduce_sum3A_14, %div3A_16 : vector<1x64xf32>
    %mul3A = arith.mulf %div3A_8, %div3A_8 : vector<1x64xf32>
    %sub3A = arith.subf %div3A_17, %mul3A : vector<1x64xf32>
    %add3A = arith.constant 9.99999974E-6 : f32
    %add3A_18 = vector.broadcast %add3A : f32 to vector<1x64xf32>
    %add3A_19 = arith.addf %sub3A, %add3A_18 : vector<1x64xf32>
    %rsqrt3A = math.rsqrt %add3A_19 : vector<1x64xf32>
    %get3A_20 = arith.constant 0 : index
    %get3A_21 = arith.constant 0 : index
    %get3A_22 = vector.load %arg3[%get3A_20, %get3A_21] : memref<1x64xf32, #tpu.memory_space<vmem>>, vector<1x64xf32>
    %mul3A_23 = arith.mulf %rsqrt3A, %get3A_22 : vector<1x64xf32>
    %sub3A_24 = vector.broadcast %div3A_8 : vector<1x64xf32> to vector<2048x64xf32>
    %sub3A_25 = arith.subf %get3A_1, %sub3A_24 : vector<2048x64xf32>
    %mul3A_26 = vector.broadcast %mul3A_23 : vector<1x64xf32> to vector<2048x64xf32>
    %mul3A_27 = arith.mulf %sub3A_25, %mul3A_26 : vector<2048x64xf32>
    %get3A_28 = arith.constant 0 : index
    %get3A_29 = arith.constant 0 : index
    %get3A_30 = vector.load %arg4[%get3A_28, %get3A_29] : memref<1x64xf32, #tpu.memory_space<vmem>>, vector<1x64xf32>
    %add3A_31 = vector.broadcast %get3A_30 : vector<1x64xf32> to vector<2048x64xf32>
    %add3A_32 = arith.addf %mul3A_27, %add3A_31 : vector<2048x64xf32>
    %max3A = arith.constant 0.000000e+00 : f32
    %max3A_33 = vector.broadcast %max3A : f32 to vector<2048x64xf32>
    %max3A_34 = arith.maximumf %add3A_32, %max3A_33 : vector<2048x64xf32>
    %swap3A = arith.constant 0 : index
    %swap3A_35 = arith.constant 0 : index
    %swap3A_36 = vector.load %arg5[%swap3A, %swap3A_35] : memref<2048x64xf32, #tpu.memory_space<vmem>>, vector<2048x64xf32>
    tpu.vector_store %arg5[%swap3A, %swap3A_35], %max3A_34 {strides = array<i32>} : memref<2048x64xf32, #tpu.memory_space<vmem>>, vector<2048x64xf32>,
    return
  }
}

</mosaic_0001>

<sc_bundles>
// kernel: kernel.12.cloned.1.call-start
scs
__scs_entry_jumppad:
0x0: {  	(pc) =	sbr.rel $0x88, $3  }
0x1: {  	(tag) =	ssettag $0x0;
	lr =	simm.s32 $0x1  }
0x2: {  	[smem:$0x3F94] =	sst lr;
	_ =	strace $0xD0000000  }
0x3: {  	_ = 	snop  }
0x4: {  	_ = 	snop  }
0x5: {  	_ = 	snop  }
0x6: {  	_ = 	snop  }
0x7: {  	_ = 	snop  }
__scs_overlays_trampoline_lowered:
0x8: {  	[smem:$0x3FA3] =	sst s0  }
0x9: {  	[smem:$0x3FA4] =	sst s1  }
0xa: {  	[smem:$0x3FA5] =	sst s2  }
0xb: {  	[smem:$0x3FA6] =	sst s3  }
0xc: {  	[smem:$0x3FA7] =	sst s4  }
0xd: {  	[smem:$0x3FA8] =	sst s5  }
0xe: {  	[smem:$0x3FA9] =	sst s6  }
0xf: {  	[smem:$0x3FAA] =	sst s7  }
0x10: {  	[smem:$0x3FAB] =	sst s8  }
0x11: {  	[smem:$0x3FAC] =	sst s9;
	s0 =	simm.s32 @!p0 $0x0  }
0x12: {  	s1 =	sld [smem:$0x3F92];
	s0 =	simm.s32 @p0 $0x1  }
0x13: {  	[smem:$0x3FAD] =	sst s0;
	s0 =	simm.s32 @!p1 $0x0  }
0x14: {  	s2 =	sld [smem:$0x3F91];
	s0 =	simm.s32 @p1 $0x1  }
0x15: {  	[smem:$0x3FAE] =	sst s0;
	s0 =	simm.s32 @!p2 $0x0  }
0x16: {  	s3 =	sld [smem:$0x3FDB];
	s0 =	simm.s32 @p2 $0x1  }
0x17: {  	s4 =	simm.s32 $0x1BF5;
	[smem:$0x3FB0] =	sst s0  }
0x18: {  	s0 =	sld [smem:$0x3F93];
	_ =	swait.ge [sflag:s4], $0x0  }
0x19: {  	s7 =	sld [smem:$0x3F94]  }
0x1a: {  	s8 =	sadd.s32 $0xFFFFE003, lr  }
0x1b: {  	s9 =	sadd.s32 $0xFFFFFEF7, lr;
	s5 =	simm.s32 $0xFFFFFFFF;
	p2 =	slt.u32 s8, $0xFFFFF086  }
0x1c: {  	p1 =	slt.u32 s9, $0xF7A;
	s5 =	simm.s32 @!p2 $0x0  }
0x1d: {  	s5 =	simm.s32 @p1 $0x1;
	p0 =	seq.s32 s7, s2  }
0x1e: {  	s7 =	smul.u32 @!p0 $0xF7A, s2;
	p2 =	seq.s32 @!p0 s5, $0x0  }
0x1f: {  	s9 =	smul.u32 $0xF7A, s1;
	s8 =	simm.s32 @!p0 $0x1BF5;
	p2 =	por !p2, p0  }
0x20: {  	[sflag:s8] =	ssyncset.s32 @!p0 $0xFFFFF086;
	s6 =	sadd.s32 @!p0 s3, s7;
	s7 =	simm.s32 @!p0 $0x108  }
0x21: {  	s3 =	sadd.s32 s3, s9;
	s6 =	sadd.s32 @!p0 $0x88, s6;
	s7 =	simm.s32 @p2 $0x1082  }
0x22: {  	[simem:s7], [sflag:s8] =	dma.local @!p0 [hbm:s6], $0xF7A  }
0x23: {  	s9 =	sor.u32 $0xD0000000, s2;
	s6 =	simm.s32 $0x108;
	_ =	swait.ge @!p0 [sflag:s8], $0x0  }
0x24: {  	s3 =	sadd.s32 $0x88, s3;
	s6 =	simm.s32 @!p1 $0x1082;
	[sflag:s4] =	ssyncset.s32 $0xFFFFF086  }
0x25: {  	[simem:s6], [sflag:s4] =	dma.local [hbm:s3], $0xF7A  }
0x26: {  	[smem:$0x3F94] =	sst s1;
	(tag) =	ssettag s2;
	_ =	strace s9  }
0x27: {  	s1 =	sld [smem:$0x3FA4]  }
0x28: {  	s2 =	sld [smem:$0x3FA5]  }
0x29: {  	s4 =	sld [smem:$0x3FA7]  }
0x2a: {  	p0 =	seq.s32 s5, $0x0;
	s5 =	sld [smem:$0x3FA8]  }
0x2b: {  	s6 =	sld [smem:$0x3FA9]  }
0x2c: {  	s7 =	sld [smem:$0x3FAA]  }
0x2d: {  	s3 =	simm.s32 $0x108;
	s8 =	sld [smem:$0x3FAB]  }
0x2e: {  	s3 =	simm.s32 @!p0 $0x1082;
	s9 =	sld [smem:$0x3FAC]  }
0x2f: {  	lr =	sadd.s32 s0, s3;
	s0 =	sld [smem:$0x3FA3]  }
0x30: {  	s3 =	sld [smem:$0x3FA6]  }
0x31: {  	[smem:$0x3FAF] =	sst s10  }
0x32: {  	s10 =	sld [smem:$0x3FAD];
	_ =	sdelay $0x3  }
0x33: {  	p0 =	seq.s32 s10, $0x1;
	s10 =	sld [smem:$0x3FAF];
	_ =	sdelay $0x3  }
0x34: {  	[smem:$0x3FAF] =	sst s10  }
0x35: {  	s10 =	sld [smem:$0x3FAE];
	_ =	sdelay $0x3  }
0x36: {  	p1 =	seq.s32 s10, $0x1;
	s10 =	sld [smem:$0x3FAF];
	_ =	sdelay $0x3  }
0x37: {  	[smem:$0x3FAF] =	sst s10  }
0x38: {  	s10 =	sld [smem:$0x3FB0]  }
0x39: {  	_ = 	snop;
	(pc) =	sbr.ind lr, $3  }
0x3a: {  	_ = 	snop  }
0x3b: {  	_ = 	snop  }
0x3c: {  	p2 =	seq.s32 s10, $0x1;
	s10 =	sld [smem:$0x3FAF]  }
0x3d: {  	_ =	shalt  }
0x3e: {  	_ =	shalt  }
0x3f: {  	_ =	shalt  }
0x40: {  	_ =	shalt  }
0x41: {  	_ =	shalt  }
0x42: {  	_ =	shalt  }
0x43: {  	_ =	shalt  }
0x44: {  	_ =	shalt  }
0x45: {  	_ =	shalt  }
0x46: {  	_ =	shalt  }
0x47: {  	_ =	shalt  }
0x48: {  	_ =	shalt  }
0x49: {  	_ =	shalt  }
0x4a: {  	_ =	shalt  }
0x4b: {  	_ =	shalt  }
0x4c: {  	_ =	shalt  }
0x4d: {  	_ =	shalt  }
0x4e: {  	_ =	shalt  }
0x4f: {  	_ =	shalt  }
0x50: {  	_ =	shalt  }
0x51: {  	_ =	shalt  }
0x52: {  	_ =	shalt  }
0x53: {  	_ =	shalt  }
0x54: {  	_ =	shalt  }
0x55: {  	_ =	shalt  }
0x56: {  	_ =	shalt  }
0x57: {  	_ =	shalt  }
0x58: {  	_ =	shalt  }
0x59: {  	_ =	shalt  }
0x5a: {  	_ =	shalt  }
0x5b: {  	_ =	shalt  }
0x5c: {  	_ =	shalt  }
0x5d: {  	_ =	shalt  }
0x5e: {  	_ =	shalt  }
0x5f: {  	_ =	shalt  }
0x60: {  	_ =	shalt  }
0x61: {  	_ =	shalt  }
0x62: {  	_ =	shalt  }
0x63: {  	_ =	shalt  }
0x64: {  	_ =	shalt  }
0x65: {  	_ =	shalt  }
0x66: {  	_ =	shalt  }
0x67: {  	_ =	shalt  }
0x68: {  	_ =	shalt  }
0x69: {  	_ =	shalt  }
0x6a: {  	_ =	shalt  }
0x6b: {  	_ =	shalt  }
0x6c: {  	_ =	shalt  }
0x6d: {  	_ =	shalt  }
0x6e: {  	_ =	shalt  }
0x6f: {  	_ =	shalt  }
0x70: {  	_ =	shalt  }
0x71: {  	_ =	shalt  }
0x72: {  	_ =	shalt  }
0x73: {  	_ =	shalt  }
0x74: {  	_ =	shalt  }
0x75: {  	_ =	shalt  }
0x76: {  	_ =	shalt  }
0x77: {  	_ =	shalt  }
0x78: {  	_ =	shalt  }
0x79: {  	_ =	shalt  }
0x7a: {  	_ =	shalt  }
0x7b: {  	_ =	shalt  }
0x7c: {  	_ =	shalt  }
0x7d: {  	_ =	shalt  }
0x7e: {  	_ =	shalt  }
0x7f: {  	_ =	shalt  }
0x80: {  	_ =	shalt  }
0x81: {  	_ =	shalt  }
0x82: {  	_ =	shalt  }
0x83: {  	_ =	shalt  }
0x84: {  	_ =	shalt  }
0x85: {  	_ =	shalt  }
0x86: {  	_ =	shalt  }
0x87: {  	_ =	shalt  }
.Lfunc_end0:
.L_simem_size_0:
called_computation_lowered:
.L_overlay_start_0:
0x88: {  	s2 =	sld [smem:$0x3FD9]  }
0x89: {  	s3 =	sld [smem:$0x3FFE];
	_ =	sdelay $0x1  }
0x8a: {  	s1 =	srdreg.scid  }
0x8b: {  	s0 =	sand.u32 $0x1, s1  }
0x8c: {  	s17 =	sshll.u32 s0, $0xA;
	s2 =	sadd.s32 s3, s2  }
0x8d: {  	s2 =	sadd.s32 s2, s17  }
0x8e: {  	[smem:$0x3FBB] =	sst s2  }
0x8f: {  	_ = 	snop  }
0x90: {  	s2 =	sld [smem:$0x3FD0];
	(tm) =	ssettm $0x1  }
0x91: {  	s18 =	sld [smem:$0x3FFB];
	_ =	sdelay $0x3  }
0x92: {  	_ =	strace s18  }
0x93: {  	s3 =	sld [smem:$0x3FFC];
	_ =	sdelay $0x3  }
0x94: {  	_ =	strace s3  }
0x95: {  	s3 =	sld [smem:$0x3FFD];
	_ =	sdelay $0x3  }
0x96: {  	_ =	strace s3  }
0x97: {  	_ =	strace $0x8FFFFFFF  }
0x98: {  	s19 =	sld [smem:$0x3FDB];
	_ =	sdelay $0x1  }
0x99: {  	s4 =	simm.s32 $_scs_section_size  }
0x9a: {  	s5 =	simm.s32 $_size__tile_overlayer_lowered;
	s6 =	simm.s32 $_tile_overlayer_lowered  }
0x9b: {  	s22 =	simm.s32 $0x1BFF;
	s21 =	sshll.u32 s6, $0x1;
	s3 =	sadd.s32 s4, s19  }
0x9c: {  	s7 =	simm.s32 $0x0;
	s20 =	sshll.u32 s5, $0x1;
	s5 =	sadd.s32 s21, s3  }
0x9d: {  	[timem:s7], [sflag:s22] =	dma.local [hbm:s5], s20  }
0x9e: {  	_ =	swait.ge [sflag:s22], s20  }
0x9f: {  	s4 =	ssub.s32 $0x0, s20;
	[sflag:s22] =	ssyncset.done $0x0  }
0xa0: {  	[sflag:s22] =	ssyncadd.s32 s4;
	_ =	sdelay $0x1  }
0xa1: {  	s23 =	simm.s32 $0x1B8B  }
0xa2: {  	_ =	swait.ge [sflag:s23], $0x1  }
0xa3: {  	[sflag:s23] =	ssyncset.done $0x0  }
0xa4: {  	s25 =	simm.s32 $0x1B8E;
	s24 =	sld [smem:$0x3FFE];
	[sflag:s23] =	ssyncadd.s32 $0xFFFFFFFF  }
0xa5: {  	s26 =	simm.s32 $execute0_lowered;
	[smem:$0x3FD2] =	sst s25  }
0xa6: {  	s5 =	sshll.u32 s26, $0x1;
	_ =	strace $0x80000046;
	[dreg:$0x1] =	wrdreg $0xFFFFFFFF  }
0xa7: {  	s28 =	simm.s32 $_size_execute0_lowered;
	s3 =	sadd.s32 s3, s5;
	[dreg:$0x0] =	wrdreg $0x0  }
0xa8: {  	s5 =	sshll.u32 s28, $0x1;
	[dreg:$0x2] =	wrdreg s3  }
0xa9: {  	[dreg:$0x3] =	wrdreg s5  }
0xaa: {  	[dreg:$0x4] =	wrdreg $0xC0  }
0xab: {  	_ =	task [dreg:s7], $0x5FFFF  }
0xac: {  	[dreg:$0x1] =	wrdreg $0xFFFFFFFF  }
0xad: {  	[dreg:$0x0] =	wrdreg $0x60  }
0xae: {  	[dreg:$0x2] =	wrdreg s2  }
0xaf: {  	[dreg:$0x3] =	wrdreg s24  }
0xb0: {  	[dreg:$0x4] =	wrdreg $0x9  }
0xb1: {  	_ =	task.clear_ibuf [dreg:s7], $0x5FFFF;
	_ =	strace $0x90000046  }
0xb2: {  	s29 =	simm.s32 $0x9;
	_ =	strace $0x80000048  }
0xb3: {  	_ =	swait.ge [sflag:s29], $0x1  }
0xb4: {  	[sflag:s29] =	ssyncadd.s32 $0xFFFFFFFF  }
0xb5: {  	_ =	strace $0x90000048  }
0xb6: {  	_ =	sfence  }
0xb7: {  	s30 =	sld [smem:$0x0];
	_ =	sdelay $0x2  }
0xb8: {  	s31 =	sshll.u32 s1, $0xD;
	s1 =	sshrl.u32 s1, $0x2  }
0xb9: {  	s3 =	sand.u32 $0x4000, s31;
	s1 =	sadd.s32 s1, s30  }
0xba: {  	s0 =	sor.u32 s3, s0;
	s1 =	sshll.u32 s1, $0x11  }
0xbb: {  	s0 =	sor.u32 s1, s0  }
0xbc: {  	s0 =	sadd.s32 $0x8F2B, s0  }
0xbd: {  	[sflag:s0] =	ssyncadd.remote.s32 $0x1  }
0xbe: {  	_ =	sfence.sel $0xFFFF  }
0xbf: {  	[dreg:$0x0] =	wrdreg $0xFFFFFFFF;
	(pc) =	sbr.abs _section_cstart, $3  }
0xc0: {  	[dreg:$0x1] =	wrdreg $0xFFFFFFFF  }
0xc1: {  	_ =	task.clear_ibuf [dreg:s7], $0x2FFFF;
	_ =	strace $0x9FFFFFFF  }
0xc2: {  	(tm) =	ssettm $0x7FFFFFFF  }
0xc3: {  	_ =	shalt  }
tec
execute0_lowered:
.L_overlay_start_1:
0x0: {  	(tag) =	ssettag $0x1  }
0x1: {  	s1 =	srdreg.scid;
	s0 =	stileid.u32  }
0x2: {  	s1 =	sand.u32 $0x1, s1;
	s2 =	sshll.u32 s0, $0x1  }
0x3: {  	s3 =	sshrl.u32 s0, $0x2;
	s4 =	sor.u32 s1, s2  }
0x4: {  	s5 =	smul.u32 $0x2800, s3;
	s21 =	sshll.u32 s4, $0x7  }
0x5: {  	s6 =	rddreg [dreg:$0x1];
	s7 =	sand.u32 $0x380, s21  }
0x6: {  	s2 =	rddreg [dreg:$0x0];
	s3 =	simm.s32 $0x0;
	s5 =	sor.u32 s5, s7  }
0x7: {  	[smem:$0x7FF] =	sst s3;
	s22 =	smul.u32 $0x5000, s4;
	s5 =	sshrl.u32 s5, $0x3  }
0x8: {  	s8 =	smul.u32 $0x28000, s4;
	s5 =	sadd.s32 s5, s6;
	s6 =	sadd.s32 $0x5400, s6  }
0x9: {  	_ =	strace $0x80000047;
	s5 =	sadd.s32 $0x4000, s5;
	s4 =	sadd.s32 s6, s22  }
0xa: {  	s24 =	sshrl.u32 s8, $0x3;
	[dreg:$0x3] =	wrdreg s5;
	s23 =	sadd.s32 $0x800, s4  }
0xb: {  	s31 =	sadd.s32 s6, s24;
	[dreg:$0x4] =	wrdreg s23  }
0xc: {  	s7 =	simm.s32 $0x7;
	s25 =	sadd.s32 $0x1000, s31;
	s26 =	rddreg [dreg:$0x3]  }
0xd: {  	s6 =	simm.s32 $0x400;
	s5 =	simm.s32 $0x80;
	[dreg:$0x5] =	wrdreg s25  }
0xe: {  	[tilespmem:s3], [sflag:$0x7] =	stream.strided.gather [hbm4b:s26+s5], $0x500, s6, s5, $0x38;
	[tilespmem:$0xC500] =	vst v63  }
0xf: {  	_ =	swait.ge [sflag:s7], $0x500  }
0x10: {  	[sflag:s7] =	ssyncset.done $0x0  }
0x11: {  	s8 =	simm.s32 $0x500;
	[sflag:s7] =	ssyncadd.s32 $0xFFFFFB00  }
0x12: {  	[tilespmem:s8], [sflag:$0x1] =	stream.indirect.gather [hbm4b:s2+s5], $0x80, s3, s5, $0xb8;
	[tilespmem:$0xC500] =	vst v63  }
0x13: {  	s9 =	simm.s32 $0x4500;
	s10 =	simm.s32 $0x1  }
0x14: {  	[tilespmem:s9], [sflag:$0x2] =	stream.indirect.gather [hbm4b:s2+s5], $0x80, s5, s5, $0xb8;
	[tilespmem:$0xC500] =	vst v63  }
0x15: {  	_ =	swait.ge [sflag:s10], $0x4000  }
0x16: {  	[sflag:s10] =	ssyncset.done $0x0  }
0x17: {  	[sflag:s10] =	ssyncadd.s32 $0xFFFFC000  }
0x18: {  	[hbm4b:s4+s3] =	stream.linear.scatter [tilespmem:s8], [sflag:$0x4], $0x4000, $0x38;
	[tilespmem:$0xC500] =	vst v63  }
0x19: {  	s11 =	simm.s32 $0x100;
	s12 =	simm.s32 $0x8500;
	s13 =	simm.s32 $0x2  }
0x1a: {  	[tilespmem:s12], [sflag:$0x3] =	stream.indirect.gather [hbm4b:s2+s5], $0x80, s11, s5, $0xb8;
	[tilespmem:$0xC500] =	vst v63  }
0x1b: {  	_ =	swait.ge [sflag:s13], $0x4000  }
0x1c: {  	[sflag:s13] =	ssyncset.done $0x0  }
0x1d: {  	s14 =	simm.s32 $0x4;
	s15 =	rddreg [dreg:$0x4];
	[sflag:s13] =	ssyncadd.s32 $0xFFFFC000  }
0x1e: {  	[hbm4b:s15+s3] =	stream.linear.scatter [tilespmem:s9], [sflag:$0x5], $0x4000, $0x38;
	[tilespmem:$0xC500] =	vst v63  }
0x1f: {  	_ =	swait.ge [sflag:s14], $0x4000  }
0x20: {  	[sflag:s14] =	ssyncset.done $0x0  }
0x21: {  	s16 =	simm.s32 $0x3;
	s15 =	simm.s32 $0x180;
	[sflag:s14] =	ssyncadd.s32 $0xFFFFC000  }
0x22: {  	[tilespmem:s8], [sflag:$0x1] =	stream.indirect.gather [hbm4b:s2+s5], $0x80, s15, s5, $0xb8;
	[tilespmem:$0xC500] =	vst v63  }
0x23: {  	_ =	swait.ge [sflag:s16], $0x4000  }
0x24: {  	[sflag:s16] =	ssyncset.done $0x0  }
0x25: {  	s17 =	simm.s32 $0x5;
	s18 =	rddreg [dreg:$0x5];
	[sflag:s16] =	ssyncadd.s32 $0xFFFFC000  }
0x26: {  	[hbm4b:s18+s3] =	stream.linear.scatter [tilespmem:s12], [sflag:$0x6], $0x4000, $0x38;
	[tilespmem:$0xC500] =	vst v63  }
0x27: {  	_ =	swait.ge [sflag:s17], $0x4000  }
0x28: {  	[sflag:s17] =	ssyncset.done $0x0  }
0x29: {  	s18 =	simm.s32 $0x200;
	[sflag:s17] =	ssyncadd.s32 $0xFFFFC000  }
0x2a: {  	[tilespmem:s9], [sflag:$0x2] =	stream.indirect.gather [hbm4b:s2+s5], $0x80, s18, s5, $0xb8;
	[tilespmem:$0xC500] =	vst v63  }
0x2b: {  	_ =	swait.ge [sflag:s10], $0x4000  }
0x2c: {  	[sflag:s10] =	ssyncset.done $0x0  }
0x2d: {  	s19 =	simm.s32 $0x6;
	s20 =	sadd.s32 $0x1800, s31;
	[sflag:s10] =	ssyncadd.s32 $0xFFFFC000  }
0x2e: {  	[hbm4b:s20+s3] =	stream.linear.scatter [tilespmem:s8], [sflag:$0x4], $0x4000, $0x38;
	[tilespmem:$0xC500] =	vst v63  }
0x2f: {  	_ =	swait.ge [sflag:s19], $0x4000  }
0x30: {  	[sflag:s19] =	ssyncset.done $0x0  }
0x31: {  	s21 =	simm.s32 $0x280;
	[sflag:s19] =	ssyncadd.s32 $0xFFFFC000  }
0x32: {  	[tilespmem:s12], [sflag:$0x3] =	stream.indirect.gather [hbm4b:s2+s5], $0x80, s21, s5, $0xb8;
	[tilespmem:$0xC500] =	vst v63  }
0x33: {  	_ =	swait.ge [sflag:s13], $0x4000  }
0x34: {  	[sflag:s13] =	ssyncset.done $0x0  }
0x35: {  	s22 =	sadd.s32 $0x2000, s31;
	[sflag:s13] =	ssyncadd.s32 $0xFFFFC000  }
0x36: {  	[hbm4b:s22+s3] =	stream.linear.scatter [tilespmem:s9], [sflag:$0x5], $0x4000, $0x38;
	[tilespmem:$0xC500] =	vst v63  }
0x37: {  	_ =	swait.ge [sflag:s14], $0x4000  }
0x38: {  	[sflag:s14] =	ssyncset.done $0x0  }
0x39: {  	s23 =	simm.s32 $0x300;
	[sflag:s14] =	ssyncadd.s32 $0xFFFFC000  }
0x3a: {  	[tilespmem:s8], [sflag:$0x1] =	stream.indirect.gather [hbm4b:s2+s5], $0x80, s23, s5, $0xb8;
	[tilespmem:$0xC500] =	vst v63  }
0x3b: {  	_ =	swait.ge [sflag:s16], $0x4000  }
0x3c: {  	[sflag:s16] =	ssyncset.done $0x0  }
0x3d: {  	s24 =	sadd.s32 $0x2800, s31;
	[sflag:s16] =	ssyncadd.s32 $0xFFFFC000  }
0x3e: {  	[hbm4b:s24+s3] =	stream.linear.scatter [tilespmem:s12], [sflag:$0x6], $0x4000, $0x38;
	[tilespmem:$0xC500] =	vst v63  }
0x3f: {  	_ =	swait.ge [sflag:s17], $0x4000  }
0x40: {  	[sflag:s17] =	ssyncset.done $0x0  }
0x41: {  	s25 =	simm.s32 $0x380;
	[sflag:s17] =	ssyncadd.s32 $0xFFFFC000  }
0x42: {  	[tilespmem:s9], [sflag:$0x2] =	stream.indirect.gather [hbm4b:s2+s5], $0x80, s25, s5, $0xb8;
	[tilespmem:$0xC500] =	vst v63  }
0x43: {  	_ =	swait.ge [sflag:s10], $0x4000  }
0x44: {  	[sflag:s10] =	ssyncset.done $0x0  }
0x45: {  	s26 =	sadd.s32 $0x3000, s31;
	[sflag:s10] =	ssyncadd.s32 $0xFFFFC000  }
0x46: {  	[hbm4b:s26+s3] =	stream.linear.scatter [tilespmem:s8], [sflag:$0x4], $0x4000, $0x38;
	[tilespmem:$0xC500] =	vst v63  }
0x47: {  	_ =	swait.ge [sflag:s19], $0x4000  }
0x48: {  	[sflag:s19] =	ssyncset.done $0x0  }
0x49: {  	[sflag:s19] =	ssyncadd.s32 $0xFFFFC000  }
0x4a: {  	[tilespmem:s12], [sflag:$0x3] =	stream.indirect.gather [hbm4b:s2+s5], $0x80, s6, s5, $0xb8;
	[tilespmem:$0xC500] =	vst v63  }
0x4b: {  	_ =	swait.ge [sflag:s13], $0x4000  }
0x4c: {  	[sflag:s13] =	ssyncset.done $0x0  }
0x4d: {  	s28 =	sadd.s32 $0x3800, s31;
	[sflag:s13] =	ssyncadd.s32 $0xFFFFC000  }
0x4e: {  	[hbm4b:s28+s3] =	stream.linear.scatter [tilespmem:s9], [sflag:$0x5], $0x4000, $0x38;
	[tilespmem:$0xC500] =	vst v63  }
0x4f: {  	_ =	swait.ge [sflag:s14], $0x4000  }
0x50: {  	[sflag:s14] =	ssyncset.done $0x0  }
0x51: {  	s29 =	simm.s32 $0x480;
	[sflag:s14] =	ssyncadd.s32 $0xFFFFC000  }
0x52: {  	[tilespmem:s8], [sflag:$0x1] =	stream.indirect.gather [hbm4b:s2+s5], $0x80, s29, s5, $0xb8;
	[tilespmem:$0xC500] =	vst v63  }
0x53: {  	_ =	swait.ge [sflag:s16], $0x4000  }
0x54: {  	[sflag:s16] =	ssyncset.done $0x0  }
0x55: {  	s30 =	sadd.s32 $0x4000, s31;
	[sflag:s16] =	ssyncadd.s32 $0xFFFFC000  }
0x56: {  	[hbm4b:s30+s3] =	stream.linear.scatter [tilespmem:s12], [sflag:$0x6], $0x4000, $0x38;
	[tilespmem:$0xC500] =	vst v63  }
0x57: {  	s1 =	ssub.s32 $0x2, s1;
	_ =	swait.ge [sflag:s10], $0x4000  }
0x58: {  	s0 =	sshrl.u32 s1, $0x1;
	[sflag:s10] =	ssyncset.done $0x0  }
0x59: {  	s0 =	ssub.s32 s1, s0;
	s31 =	sadd.s32 $0x4800, s31;
	[sflag:s10] =	ssyncadd.s32 $0xFFFFC000  }
0x5a: {  	[hbm4b:s31+s3] =	stream.linear.scatter [tilespmem:s8], [sflag:$0x4], $0x4000, $0x38;
	[tilespmem:$0xC500] =	vst v63  }
0x5b: {  	s0 =	smax.u32 s0, $0x1;
	_ =	swait.ge [sflag:s14], $0x4000  }
0x5c: {  	p0 =	sne.s32 s0, $0x1;
	[sflag:s14] =	ssyncset.done $0x0  }
.Ltmp0:
0x5d: {  	[sflag:s14] =	ssyncadd.s32 $0xFFFFC000;
	(pc) =	sbr.rel @!p0 .LBB2_2-.Ltmp0, $4  }
0x5e: {  	_ =	swait.ge [sflag:s17], $0x4000  }
0x5f: {  	[sflag:s17] =	ssyncset.done $0x0  }
0x60: {  	[sflag:s17] =	ssyncadd.s32 $0xFFFFC000  }
0x61: {  	s1 =	sadd.s32 $0xFFFFFFFF, s0;
	_ =	swait.ge [sflag:s19], $0x4000  }
.LBB2_1:
0x62: {  	[sflag:s19] =	ssyncset.done $0x0  }
0x63: {  	s0 =	rddreg [dreg:$0x3];
	[sflag:s19] =	ssyncadd.s32 $0xFFFFC000  }
0x64: {  	[tilespmem:s3], [sflag:$0x7] =	stream.strided.gather [hbm4b:s0+s5], $0x500, s6, s5, $0x38;
	[tilespmem:$0xC500] =	vst v63  }
0x65: {  	_ =	swait.ge [sflag:s7], $0x500  }
0x66: {  	[sflag:s7] =	ssyncset.done $0x0  }
0x67: {  	[sflag:s7] =	ssyncadd.s32 $0xFFFFFB00  }
0x68: {  	[tilespmem:s8], [sflag:$0x1] =	stream.indirect.gather [hbm4b:s2+s5], $0x80, s3, s5, $0xb8;
	[tilespmem:$0xC500] =	vst v63  }
0x69: {  	_ = 	snop  }
0x6a: {  	[tilespmem:s9], [sflag:$0x2] =	stream.indirect.gather [hbm4b:s2+s5], $0x80, s5, s5, $0xb8;
	[tilespmem:$0xC500] =	vst v63  }
0x6b: {  	_ =	swait.ge [sflag:s10], $0x4000  }
0x6c: {  	[sflag:s10] =	ssyncset.done $0x0  }
0x6d: {  	[sflag:s10] =	ssyncadd.s32 $0xFFFFC000  }
0x6e: {  	[hbm4b:s4+s3] =	stream.linear.scatter [tilespmem:s8], [sflag:$0x4], $0x4000, $0x38;
	[tilespmem:$0xC500] =	vst v63  }
0x6f: {  	_ = 	snop  }
0x70: {  	[tilespmem:s12], [sflag:$0x3] =	stream.indirect.gather [hbm4b:s2+s5], $0x80, s11, s5, $0xb8;
	[tilespmem:$0xC500] =	vst v63  }
0x71: {  	_ =	swait.ge [sflag:s13], $0x4000  }
0x72: {  	[sflag:s13] =	ssyncset.done $0x0  }
0x73: {  	s0 =	rddreg [dreg:$0x4];
	[sflag:s13] =	ssyncadd.s32 $0xFFFFC000  }
0x74: {  	[hbm4b:s0+s3] =	stream.linear.scatter [tilespmem:s9], [sflag:$0x5], $0x4000, $0x38;
	[tilespmem:$0xC500] =	vst v63  }
0x75: {  	_ =	swait.ge [sflag:s14], $0x4000  }
0x76: {  	[sflag:s14] =	ssyncset.done $0x0  }
0x77: {  	[sflag:s14] =	ssyncadd.s32 $0xFFFFC000  }
0x78: {  	[tilespmem:s8], [sflag:$0x1] =	stream.indirect.gather [hbm4b:s2+s5], $0x80, s15, s5, $0xb8;
	[tilespmem:$0xC500] =	vst v63  }
0x79: {  	_ =	swait.ge [sflag:s16], $0x4000  }
0x7a: {  	[sflag:s16] =	ssyncset.done $0x0  }
0x7b: {  	s0 =	rddreg [dreg:$0x5];
	[sflag:s16] =	ssyncadd.s32 $0xFFFFC000  }
0x7c: {  	[hbm4b:s0+s3] =	stream.linear.scatter [tilespmem:s12], [sflag:$0x6], $0x4000, $0x38;
	[tilespmem:$0xC500] =	vst v63  }
0x7d: {  	_ =	swait.ge [sflag:s17], $0x4000  }
0x7e: {  	[sflag:s17] =	ssyncset.done $0x0  }
0x7f: {  	[sflag:s17] =	ssyncadd.s32 $0xFFFFC000  }
0x80: {  	[tilespmem:s9], [sflag:$0x2] =	stream.indirect.gather [hbm4b:s2+s5], $0x80, s18, s5, $0xb8;
	[tilespmem:$0xC500] =	vst v63  }
0x81: {  	_ =	swait.ge [sflag:s10], $0x4000  }
0x82: {  	[sflag:s10] =	ssyncset.done $0x0  }
0x83: {  	[sflag:s10] =	ssyncadd.s32 $0xFFFFC000  }
0x84: {  	[hbm4b:s20+s3] =	stream.linear.scatter [tilespmem:s8], [sflag:$0x4], $0x4000, $0x38;
	[tilespmem:$0xC500] =	vst v63  }
0x85: {  	_ =	swait.ge [sflag:s19], $0x4000  }
0x86: {  	[sflag:s19] =	ssyncset.done $0x0  }
0x87: {  	[sflag:s19] =	ssyncadd.s32 $0xFFFFC000  }
0x88: {  	[tilespmem:s12], [sflag:$0x3] =	stream.indirect.gather [hbm4b:s2+s5], $0x80, s21, s5, $0xb8;
	[tilespmem:$0xC500] =	vst v63  }
0x89: {  	_ =	swait.ge [sflag:s13], $0x4000  }
0x8a: {  	[sflag:s13] =	ssyncset.done $0x0  }
0x8b: {  	[sflag:s13] =	ssyncadd.s32 $0xFFFFC000  }
0x8c: {  	[hbm4b:s22+s3] =	stream.linear.scatter [tilespmem:s9], [sflag:$0x5], $0x4000, $0x38;
	[tilespmem:$0xC500] =	vst v63  }
0x8d: {  	_ =	swait.ge [sflag:s14], $0x4000  }
0x8e: {  	[sflag:s14] =	ssyncset.done $0x0  }
0x8f: {  	[sflag:s14] =	ssyncadd.s32 $0xFFFFC000  }
0x90: {  	[tilespmem:s8], [sflag:$0x1] =	stream.indirect.gather [hbm4b:s2+s5], $0x80, s23, s5, $0xb8;
	[tilespmem:$0xC500] =	vst v63  }
0x91: {  	_ =	swait.ge [sflag:s16], $0x4000  }
0x92: {  	[sflag:s16] =	ssyncset.done $0x0  }
0x93: {  	[sflag:s16] =	ssyncadd.s32 $0xFFFFC000  }
0x94: {  	[hbm4b:s24+s3] =	stream.linear.scatter [tilespmem:s12], [sflag:$0x6], $0x4000, $0x38;
	[tilespmem:$0xC500] =	vst v63  }
0x95: {  	_ =	swait.ge [sflag:s17], $0x4000  }
0x96: {  	[sflag:s17] =	ssyncset.done $0x0  }
0x97: {  	[sflag:s17] =	ssyncadd.s32 $0xFFFFC000  }
0x98: {  	[tilespmem:s9], [sflag:$0x2] =	stream.indirect.gather [hbm4b:s2+s5], $0x80, s25, s5, $0xb8;
	[tilespmem:$0xC500] =	vst v63  }
0x99: {  	_ =	swait.ge [sflag:s10], $0x4000  }
0x9a: {  	[sflag:s10] =	ssyncset.done $0x0  }
0x9b: {  	[sflag:s10] =	ssyncadd.s32 $0xFFFFC000  }
0x9c: {  	[hbm4b:s26+s3] =	stream.linear.scatter [tilespmem:s8], [sflag:$0x4], $0x4000, $0x38;
	[tilespmem:$0xC500] =	vst v63  }
0x9d: {  	_ =	swait.ge [sflag:s19], $0x4000  }
0x9e: {  	[sflag:s19] =	ssyncset.done $0x0  }
0x9f: {  	[sflag:s19] =	ssyncadd.s32 $0xFFFFC000  }
0xa0: {  	[tilespmem:s12], [sflag:$0x3] =	stream.indirect.gather [hbm4b:s2+s5], $0x80, s6, s5, $0xb8;
	[tilespmem:$0xC500] =	vst v63  }
0xa1: {  	_ =	swait.ge [sflag:s13], $0x4000  }
0xa2: {  	[sflag:s13] =	ssyncset.done $0x0  }
0xa3: {  	[sflag:s13] =	ssyncadd.s32 $0xFFFFC000  }
0xa4: {  	[hbm4b:s28+s3] =	stream.linear.scatter [tilespmem:s9], [sflag:$0x5], $0x4000, $0x38;
	[tilespmem:$0xC500] =	vst v63  }
0xa5: {  	_ =	swait.ge [sflag:s14], $0x4000  }
0xa6: {  	[sflag:s14] =	ssyncset.done $0x0  }
0xa7: {  	[sflag:s14] =	ssyncadd.s32 $0xFFFFC000  }
0xa8: {  	[tilespmem:s8], [sflag:$0x1] =	stream.indirect.gather [hbm4b:s2+s5], $0x80, s29, s5, $0xb8;
	[tilespmem:$0xC500] =	vst v63  }
0xa9: {  	_ =	swait.ge [sflag:s16], $0x4000  }
0xaa: {  	[sflag:s16] =	ssyncset.done $0x0  }
0xab: {  	[sflag:s16] =	ssyncadd.s32 $0xFFFFC000  }
0xac: {  	[hbm4b:s30+s3] =	stream.linear.scatter [tilespmem:s12], [sflag:$0x6], $0x4000, $0x38;
	[tilespmem:$0xC500] =	vst v63  }
0xad: {  	_ =	swait.ge [sflag:s10], $0x4000  }
0xae: {  	[sflag:s10] =	ssyncset.done $0x0  }
0xaf: {  	[sflag:s10] =	ssyncadd.s32 $0xFFFFC000  }
0xb0: {  	[hbm4b:s31+s3] =	stream.linear.scatter [tilespmem:s8], [sflag:$0x4], $0x4000, $0x38;
	[tilespmem:$0xC500] =	vst v63  }
0xb1: {  	_ =	swait.ge [sflag:s14], $0x4000  }
0xb2: {  	p0 =	sne.s32 s1, $0x1;
	[sflag:s14] =	ssyncset.done $0x0  }
.Ltmp1:
0xb3: {  	[sflag:s14] =	ssyncadd.s32 $0xFFFFC000;
	(pc) =	sbr.rel @p0 .LBB2_1-.Ltmp1, $4  }
0xb4: {  	_ =	swait.ge [sflag:s17], $0x4000  }
0xb5: {  	[sflag:s17] =	ssyncset.done $0x0  }
0xb6: {  	[sflag:s17] =	ssyncadd.s32 $0xFFFFC000  }
0xb7: {  	s1 =	sadd.s32 $0xFFFFFFFF, s1;
	_ =	swait.ge [sflag:s19], $0x4000  }
.LBB2_2:
0xb8: {  	[sflag:s19] =	ssyncset.done $0x0  }
0xb9: {  	[sflag:s19] =	ssyncadd.s32 $0xFFFFC000  }
0xba: {  	_ =	sfence.sel $0x180000  }
0xbb: {  	[bflag:$0x0] =	sbarrier.arrive $0xFFFF  }
0xbc: {  	_ =	strace $0x90000047  }
0xbd: {  	s0 =	stileid.u32;
	[bflag:$0x2] =	sbarrier.arrive $0xFFFF  }
0xbe: {  	p0 =	sne.s32 s0, $0x0;
	s0 =	rddreg [dreg:$0x2]  }
0xbf: {  	s0 =	sadd.s32 @!p0 $0x100000, s0  }
0xc0: {  	[sflag:s0] =	ssyncadd.tile.s32 @!p0 $0x1;
	_ =	shalt  }
.Lfunc_end2:
_tile_overlayer_lowered:
.L_overlay_start_2:
0xc1: {  	(tag) =	ssettag $0x2  }
0xc2: {  	s0 =	rddreg [dreg:$0x0];
	s2 =	stileid.u32  }
0xc3: {  	s1 =	rddreg [dreg:$0x1];
	p0 =	sne.s32 s2, $0x0  }
0xc4: {  	s3 =	rddreg [dreg:$0x2];
	[bflag:$0x3] =	sbarrier.arrive $0xFFFF;
	s2 =	simm.s32 @!p0 $0x1C07  }
0xc5: {  	[timem:s3], [sflag:s2] =	dma.local @!p0 [hbm:s0], s1  }
0xc6: {  	s0 =	simm.s32 @!p0 $0x7  }
0xc7: {  	_ =	swait.ge @!p0 [sflag:s0], s1  }
0xc8: {  	s1 =	ssub.s32 @!p0 $0x0, s1;
	[sflag:s0] =	ssyncset.done @!p0 $0x0  }
0xc9: {  	[sflag:s0] =	ssyncadd.s32 @!p0 s1  }
0xca: {  	[bflag:$0x3] =	sbarrier.arrive $0xFFFF  }
0xcb: {  	_ =	shalt  }

// kernel: kernel.15.cloned.1.call-start
scs
__scs_entry_jumppad:
0x0: {  	(pc) =	sbr.rel $0x88, $3  }
0x1: {  	(tag) =	ssettag $0x0;
	lr =	simm.s32 $0x1  }
0x2: {  	[smem:$0x3F94] =	sst lr;
	_ =	strace $0xD0000000  }
0x3: {  	_ = 	snop  }
0x4: {  	_ = 	snop  }
0x5: {  	_ = 	snop  }
0x6: {  	_ = 	snop  }
0x7: {  	_ = 	snop  }
__scs_overlays_trampoline_lowered:
0x8: {  	[smem:$0x3FA3] =	sst s0  }
0x9: {  	[smem:$0x3FA4] =	sst s1  }
0xa: {  	[smem:$0x3FA5] =	sst s2  }
0xb: {  	[smem:$0x3FA6] =	sst s3  }
0xc: {  	[smem:$0x3FA7] =	sst s4  }
0xd: {  	[smem:$0x3FA8] =	sst s5  }
0xe: {  	[smem:$0x3FA9] =	sst s6  }
0xf: {  	[smem:$0x3FAA] =	sst s7  }
0x10: {  	[smem:$0x3FAB] =	sst s8  }
0x11: {  	[smem:$0x3FAC] =	sst s9;
	s0 =	simm.s32 @!p0 $0x0  }
0x12: {  	s1 =	sld [smem:$0x3F92];
	s0 =	simm.s32 @p0 $0x1  }
0x13: {  	[smem:$0x3FAD] =	sst s0;
	s0 =	simm.s32 @!p1 $0x0  }
0x14: {  	s2 =	sld [smem:$0x3F91];
	s0 =	simm.s32 @p1 $0x1  }
0x15: {  	[smem:$0x3FAE] =	sst s0;
	s0 =	simm.s32 @!p2 $0x0  }
0x16: {  	s3 =	sld [smem:$0x3FDB];
	s0 =	simm.s32 @p2 $0x1  }
0x17: {  	s4 =	simm.s32 $0x1BF5;
	[smem:$0x3FB0] =	sst s0  }
0x18: {  	s0 =	sld [smem:$0x3F93];
	_ =	swait.ge [sflag:s4], $0x0  }
0x19: {  	s7 =	sld [smem:$0x3F94]  }
0x1a: {  	s8 =	sadd.s32 $0xFFFFE003, lr  }
0x1b: {  	s9 =	sadd.s32 $0xFFFFFEF7, lr;
	s5 =	simm.s32 $0xFFFFFFFF;
	p2 =	slt.u32 s8, $0xFFFFF086  }
0x1c: {  	p1 =	slt.u32 s9, $0xF7A;
	s5 =	simm.s32 @!p2 $0x0  }
0x1d: {  	s5 =	simm.s32 @p1 $0x1;
	p0 =	seq.s32 s7, s2  }
0x1e: {  	s7 =	smul.u32 @!p0 $0xF7A, s2;
	p2 =	seq.s32 @!p0 s5, $0x0  }
0x1f: {  	s9 =	smul.u32 $0xF7A, s1;
	s8 =	simm.s32 @!p0 $0x1BF5;
	p2 =	por !p2, p0  }
0x20: {  	[sflag:s8] =	ssyncset.s32 @!p0 $0xFFFFF086;
	s6 =	sadd.s32 @!p0 s3, s7;
	s7 =	simm.s32 @!p0 $0x108  }
0x21: {  	s3 =	sadd.s32 s3, s9;
	s6 =	sadd.s32 @!p0 $0x88, s6;
	s7 =	simm.s32 @p2 $0x1082  }
0x22: {  	[simem:s7], [sflag:s8] =	dma.local @!p0 [hbm:s6], $0xF7A  }
0x23: {  	s9 =	sor.u32 $0xD0000000, s2;
	s6 =	simm.s32 $0x108;
	_ =	swait.ge @!p0 [sflag:s8], $0x0  }
0x24: {  	s3 =	sadd.s32 $0x88, s3;
	s6 =	simm.s32 @!p1 $0x1082;
	[sflag:s4] =	ssyncset.s32 $0xFFFFF086  }
0x25: {  	[simem:s6], [sflag:s4] =	dma.local [hbm:s3], $0xF7A  }
0x26: {  	[smem:$0x3F94] =	sst s1;
	(tag) =	ssettag s2;
	_ =	strace s9  }
0x27: {  	s1 =	sld [smem:$0x3FA4]  }
0x28: {  	s2 =	sld [smem:$0x3FA5]  }
0x29: {  	s4 =	sld [smem:$0x3FA7]  }
0x2a: {  	p0 =	seq.s32 s5, $0x0;
	s5 =	sld [smem:$0x3FA8]  }
0x2b: {  	s6 =	sld [smem:$0x3FA9]  }
0x2c: {  	s7 =	sld [smem:$0x3FAA]  }
0x2d: {  	s3 =	simm.s32 $0x108;
	s8 =	sld [smem:$0x3FAB]  }
0x2e: {  	s3 =	simm.s32 @!p0 $0x1082;
	s9 =	sld [smem:$0x3FAC]  }
0x2f: {  	lr =	sadd.s32 s0, s3;
	s0 =	sld [smem:$0x3FA3]  }
0x30: {  	s3 =	sld [smem:$0x3FA6]  }
0x31: {  	[smem:$0x3FAF] =	sst s10  }
0x32: {  	s10 =	sld [smem:$0x3FAD];
	_ =	sdelay $0x3  }
0x33: {  	p0 =	seq.s32 s10, $0x1;
	s10 =	sld [smem:$0x3FAF];
	_ =	sdelay $0x3  }
0x34: {  	[smem:$0x3FAF] =	sst s10  }
0x35: {  	s10 =	sld [smem:$0x3FAE];
	_ =	sdelay $0x3  }
0x36: {  	p1 =	seq.s32 s10, $0x1;
	s10 =	sld [smem:$0x3FAF];
	_ =	sdelay $0x3  }
0x37: {  	[smem:$0x3FAF] =	sst s10  }
0x38: {  	s10 =	sld [smem:$0x3FB0]  }
0x39: {  	_ = 	snop;
	(pc) =	sbr.ind lr, $3  }
0x3a: {  	_ = 	snop  }
0x3b: {  	_ = 	snop  }
0x3c: {  	p2 =	seq.s32 s10, $0x1;
	s10 =	sld [smem:$0x3FAF]  }
0x3d: {  	_ =	shalt  }
0x3e: {  	_ =	shalt  }
0x3f: {  	_ =	shalt  }
0x40: {  	_ =	shalt  }
0x41: {  	_ =	shalt  }
0x42: {  	_ =	shalt  }
0x43: {  	_ =	shalt  }
0x44: {  	_ =	shalt  }
0x45: {  	_ =	shalt  }
0x46: {  	_ =	shalt  }
0x47: {  	_ =	shalt  }
0x48: {  	_ =	shalt  }
0x49: {  	_ =	shalt  }
0x4a: {  	_ =	shalt  }
0x4b: {  	_ =	shalt  }
0x4c: {  	_ =	shalt  }
0x4d: {  	_ =	shalt  }
0x4e: {  	_ =	shalt  }
0x4f: {  	_ =	shalt  }
0x50: {  	_ =	shalt  }
0x51: {  	_ =	shalt  }
0x52: {  	_ =	shalt  }
0x53: {  	_ =	shalt  }
0x54: {  	_ =	shalt  }
0x55: {  	_ =	shalt  }
0x56: {  	_ =	shalt  }
0x57: {  	_ =	shalt  }
0x58: {  	_ =	shalt  }
0x59: {  	_ =	shalt  }
0x5a: {  	_ =	shalt  }
0x5b: {  	_ =	shalt  }
0x5c: {  	_ =	shalt  }
0x5d: {  	_ =	shalt  }
0x5e: {  	_ =	shalt  }
0x5f: {  	_ =	shalt  }
0x60: {  	_ =	shalt  }
0x61: {  	_ =	shalt  }
0x62: {  	_ =	shalt  }
0x63: {  	_ =	shalt  }
0x64: {  	_ =	shalt  }
0x65: {  	_ =	shalt  }
0x66: {  	_ =	shalt  }
0x67: {  	_ =	shalt  }
0x68: {  	_ =	shalt  }
0x69: {  	_ =	shalt  }
0x6a: {  	_ =	shalt  }
0x6b: {  	_ =	shalt  }
0x6c: {  	_ =	shalt  }
0x6d: {  	_ =	shalt  }
0x6e: {  	_ =	shalt  }
0x6f: {  	_ =	shalt  }
0x70: {  	_ =	shalt  }
0x71: {  	_ =	shalt  }
0x72: {  	_ =	shalt  }
0x73: {  	_ =	shalt  }
0x74: {  	_ =	shalt  }
0x75: {  	_ =	shalt  }
0x76: {  	_ =	shalt  }
0x77: {  	_ =	shalt  }
0x78: {  	_ =	shalt  }
0x79: {  	_ =	shalt  }
0x7a: {  	_ =	shalt  }
0x7b: {  	_ =	shalt  }
0x7c: {  	_ =	shalt  }
0x7d: {  	_ =	shalt  }
0x7e: {  	_ =	shalt  }
0x7f: {  	_ =	shalt  }
0x80: {  	_ =	shalt  }
0x81: {  	_ =	shalt  }
0x82: {  	_ =	shalt  }
0x83: {  	_ =	shalt  }
0x84: {  	_ =	shalt  }
0x85: {  	_ =	shalt  }
0x86: {  	_ =	shalt  }
0x87: {  	_ =	shalt  }
.Lfunc_end0:
.L_simem_size_0:
called_computation.1_lowered:
.L_overlay_start_0:
0x88: {  	s2 =	sld [smem:$0x3FD9]  }
0x89: {  	s3 =	sld [smem:$0x3FFE];
	_ =	sdelay $0x1  }
0x8a: {  	s1 =	srdreg.scid  }
0x8b: {  	s0 =	sand.u32 $0x1, s1  }
0x8c: {  	s17 =	sshll.u32 s0, $0xA;
	s2 =	sadd.s32 s3, s2  }
0x8d: {  	s2 =	sadd.s32 s2, s17  }
0x8e: {  	[smem:$0x3FBB] =	sst s2  }
0x8f: {  	_ = 	snop  }
0x90: {  	s2 =	sld [smem:$0x3FD0];
	(tm) =	ssettm $0x1  }
0x91: {  	s18 =	sld [smem:$0x3FFB];
	_ =	sdelay $0x3  }
0x92: {  	_ =	strace s18  }
0x93: {  	s3 =	sld [smem:$0x3FFC];
	_ =	sdelay $0x3  }
0x94: {  	_ =	strace s3  }
0x95: {  	s3 =	sld [smem:$0x3FFD];
	_ =	sdelay $0x3  }
0x96: {  	_ =	strace s3  }
0x97: {  	_ =	strace $0x8FFFFFFF  }
0x98: {  	s19 =	sld [smem:$0x3FDB];
	_ =	sdelay $0x1  }
0x99: {  	s4 =	simm.s32 $_scs_section_size  }
0x9a: {  	s5 =	simm.s32 $_size__tile_overlayer_lowered;
	s6 =	simm.s32 $_tile_overlayer_lowered  }
0x9b: {  	s22 =	simm.s32 $0x1BFF;
	s21 =	sshll.u32 s6, $0x1;
	s3 =	sadd.s32 s4, s19  }
0x9c: {  	s7 =	simm.s32 $0x0;
	s20 =	sshll.u32 s5, $0x1;
	s5 =	sadd.s32 s21, s3  }
0x9d: {  	[timem:s7], [sflag:s22] =	dma.local [hbm:s5], s20  }
0x9e: {  	_ =	swait.ge [sflag:s22], s20  }
0x9f: {  	s4 =	ssub.s32 $0x0, s20;
	[sflag:s22] =	ssyncset.done $0x0  }
0xa0: {  	[sflag:s22] =	ssyncadd.s32 s4;
	_ =	sdelay $0x1  }
0xa1: {  	s23 =	simm.s32 $0x1B8B  }
0xa2: {  	_ =	swait.ge [sflag:s23], $0x1  }
0xa3: {  	[sflag:s23] =	ssyncset.done $0x0  }
0xa4: {  	s25 =	simm.s32 $0x1B8E;
	s24 =	sld [smem:$0x3FFE];
	[sflag:s23] =	ssyncadd.s32 $0xFFFFFFFF  }
0xa5: {  	s26 =	simm.s32 $execute0_lowered;
	[smem:$0x3FD2] =	sst s25  }
0xa6: {  	s5 =	sshll.u32 s26, $0x1;
	_ =	strace $0x80000049;
	[dreg:$0x1] =	wrdreg $0xFFFFFFFF  }
0xa7: {  	s28 =	simm.s32 $_size_execute0_lowered;
	s3 =	sadd.s32 s3, s5;
	[dreg:$0x0] =	wrdreg $0x0  }
0xa8: {  	s5 =	sshll.u32 s28, $0x1;
	[dreg:$0x2] =	wrdreg s3  }
0xa9: {  	[dreg:$0x3] =	wrdreg s5  }
0xaa: {  	[dreg:$0x4] =	wrdreg $0xC0  }
0xab: {  	_ =	task [dreg:s7], $0x5FFFF  }
0xac: {  	[dreg:$0x1] =	wrdreg $0xFFFFFFFF  }
0xad: {  	[dreg:$0x0] =	wrdreg $0x60  }
0xae: {  	[dreg:$0x2] =	wrdreg s2  }
0xaf: {  	[dreg:$0x3] =	wrdreg s24  }
0xb0: {  	[dreg:$0x4] =	wrdreg $0x9  }
0xb1: {  	_ =	task.clear_ibuf [dreg:s7], $0x5FFFF;
	_ =	strace $0x90000049  }
0xb2: {  	s29 =	simm.s32 $0x9;
	_ =	strace $0x8000004B  }
0xb3: {  	_ =	swait.ge [sflag:s29], $0x1  }
0xb4: {  	[sflag:s29] =	ssyncadd.s32 $0xFFFFFFFF  }
0xb5: {  	_ =	strace $0x9000004B  }
0xb6: {  	_ =	sfence  }
0xb7: {  	s30 =	sld [smem:$0x0];
	_ =	sdelay $0x2  }
0xb8: {  	s31 =	sshll.u32 s1, $0xD;
	s1 =	sshrl.u32 s1, $0x2  }
0xb9: {  	s3 =	sand.u32 $0x4000, s31;
	s1 =	sadd.s32 s1, s30  }
0xba: {  	s0 =	sor.u32 s3, s0;
	s1 =	sshll.u32 s1, $0x11  }
0xbb: {  	s0 =	sor.u32 s1, s0  }
0xbc: {  	s0 =	sadd.s32 $0x8F2B, s0  }
0xbd: {  	[sflag:s0] =	ssyncadd.remote.s32 $0x1  }
0xbe: {  	_ =	sfence.sel $0xFFFF  }
0xbf: {  	[dreg:$0x0] =	wrdreg $0xFFFFFFFF;
	(pc) =	sbr.abs _section_cstart, $3  }
0xc0: {  	[dreg:$0x1] =	wrdreg $0xFFFFFFFF  }
0xc1: {  	_ =	task.clear_ibuf [dreg:s7], $0x2FFFF;
	_ =	strace $0x9FFFFFFF  }
0xc2: {  	(tm) =	ssettm $0x7FFFFFFF  }
0xc3: {  	_ =	shalt  }
tec
execute0_lowered:
.L_overlay_start_1:
0x0: {  	(tag) =	ssettag $0x1  }
0x1: {  	s1 =	srdreg.scid;
	s0 =	stileid.u32  }
0x2: {  	s1 =	sand.u32 $0x1, s1;
	s2 =	sshll.u32 s0, $0x1  }
0x3: {  	s3 =	sshrl.u32 s0, $0x2;
	s4 =	sor.u32 s1, s2  }
0x4: {  	s5 =	smul.u32 $0x2800, s3;
	s21 =	sshll.u32 s4, $0x7  }
0x5: {  	s6 =	rddreg [dreg:$0x1];
	s7 =	sand.u32 $0x380, s21  }
0x6: {  	s2 =	rddreg [dreg:$0x0];
	s3 =	simm.s32 $0x0;
	s5 =	sor.u32 s5, s7  }
0x7: {  	[smem:$0x7FF] =	sst s3;
	s22 =	smul.u32 $0x5000, s4;
	s5 =	sshrl.u32 s5, $0x3  }
0x8: {  	s8 =	smul.u32 $0x28000, s4;
	s5 =	sadd.s32 s5, s6;
	s6 =	sadd.s32 $0x5400, s6  }
0x9: {  	_ =	strace $0x8000004A;
	s5 =	sadd.s32 $0x4000, s5;
	s4 =	sadd.s32 s6, s22  }
0xa: {  	s24 =	sshrl.u32 s8, $0x3;
	[dreg:$0x3] =	wrdreg s5;
	s23 =	sadd.s32 $0x800, s4  }
0xb: {  	s31 =	sadd.s32 s6, s24;
	[dreg:$0x4] =	wrdreg s23  }
0xc: {  	s7 =	simm.s32 $0x7;
	s25 =	sadd.s32 $0x1000, s31;
	s26 =	rddreg [dreg:$0x3]  }
0xd: {  	s6 =	simm.s32 $0x400;
	s5 =	simm.s32 $0x80;
	[dreg:$0x5] =	wrdreg s25  }
0xe: {  	[tilespmem:s3], [sflag:$0x7] =	stream.strided.gather [hbm4b:s26+s5], $0x500, s6, s5, $0x38;
	[tilespmem:$0xC500] =	vst v63  }
0xf: {  	_ =	swait.ge [sflag:s7], $0x500  }
0x10: {  	[sflag:s7] =	ssyncset.done $0x0  }
0x11: {  	s8 =	simm.s32 $0x500;
	[sflag:s7] =	ssyncadd.s32 $0xFFFFFB00  }
0x12: {  	[tilespmem:s8], [sflag:$0x1] =	stream.indirect.gather [hbm4b:s2+s5], $0x80, s3, s5, $0xb8;
	[tilespmem:$0xC500] =	vst v63  }
0x13: {  	s9 =	simm.s32 $0x4500;
	s10 =	simm.s32 $0x1  }
0x14: {  	[tilespmem:s9], [sflag:$0x2] =	stream.indirect.gather [hbm4b:s2+s5], $0x80, s5, s5, $0xb8;
	[tilespmem:$0xC500] =	vst v63  }
0x15: {  	_ =	swait.ge [sflag:s10], $0x4000  }
0x16: {  	[sflag:s10] =	ssyncset.done $0x0  }
0x17: {  	[sflag:s10] =	ssyncadd.s32 $0xFFFFC000  }
0x18: {  	[hbm4b:s4+s3] =	stream.linear.scatter [tilespmem:s8], [sflag:$0x4], $0x4000, $0x38;
	[tilespmem:$0xC500] =	vst v63  }
0x19: {  	s11 =	simm.s32 $0x100;
	s12 =	simm.s32 $0x8500;
	s13 =	simm.s32 $0x2  }
0x1a: {  	[tilespmem:s12], [sflag:$0x3] =	stream.indirect.gather [hbm4b:s2+s5], $0x80, s11, s5, $0xb8;
	[tilespmem:$0xC500] =	vst v63  }
0x1b: {  	_ =	swait.ge [sflag:s13], $0x4000  }
0x1c: {  	[sflag:s13] =	ssyncset.done $0x0  }
0x1d: {  	s14 =	simm.s32 $0x4;
	s15 =	rddreg [dreg:$0x4];
	[sflag:s13] =	ssyncadd.s32 $0xFFFFC000  }
0x1e: {  	[hbm4b:s15+s3] =	stream.linear.scatter [tilespmem:s9], [sflag:$0x5], $0x4000, $0x38;
	[tilespmem:$0xC500] =	vst v63  }
0x1f: {  	_ =	swait.ge [sflag:s14], $0x4000  }
0x20: {  	[sflag:s14] =	ssyncset.done $0x0  }
0x21: {  	s16 =	simm.s32 $0x3;
	s15 =	simm.s32 $0x180;
	[sflag:s14] =	ssyncadd.s32 $0xFFFFC000  }
0x22: {  	[tilespmem:s8], [sflag:$0x1] =	stream.indirect.gather [hbm4b:s2+s5], $0x80, s15, s5, $0xb8;
	[tilespmem:$0xC500] =	vst v63  }
0x23: {  	_ =	swait.ge [sflag:s16], $0x4000  }
0x24: {  	[sflag:s16] =	ssyncset.done $0x0  }
0x25: {  	s17 =	simm.s32 $0x5;
	s18 =	rddreg [dreg:$0x5];
	[sflag:s16] =	ssyncadd.s32 $0xFFFFC000  }
0x26: {  	[hbm4b:s18+s3] =	stream.linear.scatter [tilespmem:s12], [sflag:$0x6], $0x4000, $0x38;
	[tilespmem:$0xC500] =	vst v63  }
0x27: {  	_ =	swait.ge [sflag:s17], $0x4000  }
0x28: {  	[sflag:s17] =	ssyncset.done $0x0  }
0x29: {  	s18 =	simm.s32 $0x200;
	[sflag:s17] =	ssyncadd.s32 $0xFFFFC000  }
0x2a: {  	[tilespmem:s9], [sflag:$0x2] =	stream.indirect.gather [hbm4b:s2+s5], $0x80, s18, s5, $0xb8;
	[tilespmem:$0xC500] =	vst v63  }
0x2b: {  	_ =	swait.ge [sflag:s10], $0x4000  }
0x2c: {  	[sflag:s10] =	ssyncset.done $0x0  }
0x2d: {  	s19 =	simm.s32 $0x6;
	s20 =	sadd.s32 $0x1800, s31;
	[sflag:s10] =	ssyncadd.s32 $0xFFFFC000  }
0x2e: {  	[hbm4b:s20+s3] =	stream.linear.scatter [tilespmem:s8], [sflag:$0x4], $0x4000, $0x38;
	[tilespmem:$0xC500] =	vst v63  }
0x2f: {  	_ =	swait.ge [sflag:s19], $0x4000  }
0x30: {  	[sflag:s19] =	ssyncset.done $0x0  }
0x31: {  	s21 =	simm.s32 $0x280;
	[sflag:s19] =	ssyncadd.s32 $0xFFFFC000  }
0x32: {  	[tilespmem:s12], [sflag:$0x3] =	stream.indirect.gather [hbm4b:s2+s5], $0x80, s21, s5, $0xb8;
	[tilespmem:$0xC500] =	vst v63  }
0x33: {  	_ =	swait.ge [sflag:s13], $0x4000  }
0x34: {  	[sflag:s13] =	ssyncset.done $0x0  }
0x35: {  	s22 =	sadd.s32 $0x2000, s31;
	[sflag:s13] =	ssyncadd.s32 $0xFFFFC000  }
0x36: {  	[hbm4b:s22+s3] =	stream.linear.scatter [tilespmem:s9], [sflag:$0x5], $0x4000, $0x38;
	[tilespmem:$0xC500] =	vst v63  }
0x37: {  	_ =	swait.ge [sflag:s14], $0x4000  }
0x38: {  	[sflag:s14] =	ssyncset.done $0x0  }
0x39: {  	s23 =	simm.s32 $0x300;
	[sflag:s14] =	ssyncadd.s32 $0xFFFFC000  }
0x3a: {  	[tilespmem:s8], [sflag:$0x1] =	stream.indirect.gather [hbm4b:s2+s5], $0x80, s23, s5, $0xb8;
	[tilespmem:$0xC500] =	vst v63  }
0x3b: {  	_ =	swait.ge [sflag:s16], $0x4000  }
0x3c: {  	[sflag:s16] =	ssyncset.done $0x0  }
0x3d: {  	s24 =	sadd.s32 $0x2800, s31;
	[sflag:s16] =	ssyncadd.s32 $0xFFFFC000  }
0x3e: {  	[hbm4b:s24+s3] =	stream.linear.scatter [tilespmem:s12], [sflag:$0x6], $0x4000, $0x38;
	[tilespmem:$0xC500] =	vst v63  }
0x3f: {  	_ =	swait.ge [sflag:s17], $0x4000  }
0x40: {  	[sflag:s17] =	ssyncset.done $0x0  }
0x41: {  	s25 =	simm.s32 $0x380;
	[sflag:s17] =	ssyncadd.s32 $0xFFFFC000  }
0x42: {  	[tilespmem:s9], [sflag:$0x2] =	stream.indirect.gather [hbm4b:s2+s5], $0x80, s25, s5, $0xb8;
	[tilespmem:$0xC500] =	vst v63  }
0x43: {  	_ =	swait.ge [sflag:s10], $0x4000  }
0x44: {  	[sflag:s10] =	ssyncset.done $0x0  }
0x45: {  	s26 =	sadd.s32 $0x3000, s31;
	[sflag:s10] =	ssyncadd.s32 $0xFFFFC000  }
0x46: {  	[hbm4b:s26+s3] =	stream.linear.scatter [tilespmem:s8], [sflag:$0x4], $0x4000, $0x38;
	[tilespmem:$0xC500] =	vst v63  }
0x47: {  	_ =	swait.ge [sflag:s19], $0x4000  }
0x48: {  	[sflag:s19] =	ssyncset.done $0x0  }
0x49: {  	[sflag:s19] =	ssyncadd.s32 $0xFFFFC000  }
0x4a: {  	[tilespmem:s12], [sflag:$0x3] =	stream.indirect.gather [hbm4b:s2+s5], $0x80, s6, s5, $0xb8;
	[tilespmem:$0xC500] =	vst v63  }
0x4b: {  	_ =	swait.ge [sflag:s13], $0x4000  }
0x4c: {  	[sflag:s13] =	ssyncset.done $0x0  }
0x4d: {  	s28 =	sadd.s32 $0x3800, s31;
	[sflag:s13] =	ssyncadd.s32 $0xFFFFC000  }
0x4e: {  	[hbm4b:s28+s3] =	stream.linear.scatter [tilespmem:s9], [sflag:$0x5], $0x4000, $0x38;
	[tilespmem:$0xC500] =	vst v63  }
0x4f: {  	_ =	swait.ge [sflag:s14], $0x4000  }
0x50: {  	[sflag:s14] =	ssyncset.done $0x0  }
0x51: {  	s29 =	simm.s32 $0x480;
	[sflag:s14] =	ssyncadd.s32 $0xFFFFC000  }
0x52: {  	[tilespmem:s8], [sflag:$0x1] =	stream.indirect.gather [hbm4b:s2+s5], $0x80, s29, s5, $0xb8;
	[tilespmem:$0xC500] =	vst v63  }
0x53: {  	_ =	swait.ge [sflag:s16], $0x4000  }
0x54: {  	[sflag:s16] =	ssyncset.done $0x0  }
0x55: {  	s30 =	sadd.s32 $0x4000, s31;
	[sflag:s16] =	ssyncadd.s32 $0xFFFFC000  }
0x56: {  	[hbm4b:s30+s3] =	stream.linear.scatter [tilespmem:s12], [sflag:$0x6], $0x4000, $0x38;
	[tilespmem:$0xC500] =	vst v63  }
0x57: {  	s1 =	ssub.s32 $0x2, s1;
	_ =	swait.ge [sflag:s10], $0x4000  }
0x58: {  	s0 =	sshrl.u32 s1, $0x1;
	[sflag:s10] =	ssyncset.done $0x0  }
0x59: {  	s0 =	ssub.s32 s1, s0;
	s31 =	sadd.s32 $0x4800, s31;
	[sflag:s10] =	ssyncadd.s32 $0xFFFFC000  }
0x5a: {  	[hbm4b:s31+s3] =	stream.linear.scatter [tilespmem:s8], [sflag:$0x4], $0x4000, $0x38;
	[tilespmem:$0xC500] =	vst v63  }
0x5b: {  	s0 =	smax.u32 s0, $0x1;
	_ =	swait.ge [sflag:s14], $0x4000  }
0x5c: {  	p0 =	sne.s32 s0, $0x1;
	[sflag:s14] =	ssyncset.done $0x0  }
.Ltmp0:
0x5d: {  	[sflag:s14] =	ssyncadd.s32 $0xFFFFC000;
	(pc) =	sbr.rel @!p0 .LBB2_2-.Ltmp0, $4  }
0x5e: {  	_ =	swait.ge [sflag:s17], $0x4000  }
0x5f: {  	[sflag:s17] =	ssyncset.done $0x0  }
0x60: {  	[sflag:s17] =	ssyncadd.s32 $0xFFFFC000  }
0x61: {  	s1 =	sadd.s32 $0xFFFFFFFF, s0;
	_ =	swait.ge [sflag:s19], $0x4000  }
.LBB2_1:
0x62: {  	[sflag:s19] =	ssyncset.done $0x0  }
0x63: {  	s0 =	rddreg [dreg:$0x3];
	[sflag:s19] =	ssyncadd.s32 $0xFFFFC000  }
0x64: {  	[tilespmem:s3], [sflag:$0x7] =	stream.strided.gather [hbm4b:s0+s5], $0x500, s6, s5, $0x38;
	[tilespmem:$0xC500] =	vst v63  }
0x65: {  	_ =	swait.ge [sflag:s7], $0x500  }
0x66: {  	[sflag:s7] =	ssyncset.done $0x0  }
0x67: {  	[sflag:s7] =	ssyncadd.s32 $0xFFFFFB00  }
0x68: {  	[tilespmem:s8], [sflag:$0x1] =	stream.indirect.gather [hbm4b:s2+s5], $0x80, s3, s5, $0xb8;
	[tilespmem:$0xC500] =	vst v63  }
0x69: {  	_ = 	snop  }
0x6a: {  	[tilespmem:s9], [sflag:$0x2] =	stream.indirect.gather [hbm4b:s2+s5], $0x80, s5, s5, $0xb8;
	[tilespmem:$0xC500] =	vst v63  }
0x6b: {  	_ =	swait.ge [sflag:s10], $0x4000  }
0x6c: {  	[sflag:s10] =	ssyncset.done $0x0  }
0x6d: {  	[sflag:s10] =	ssyncadd.s32 $0xFFFFC000  }
0x6e: {  	[hbm4b:s4+s3] =	stream.linear.scatter [tilespmem:s8], [sflag:$0x4], $0x4000, $0x38;
	[tilespmem:$0xC500] =	vst v63  }
0x6f: {  	_ = 	snop  }
0x70: {  	[tilespmem:s12], [sflag:$0x3] =	stream.indirect.gather [hbm4b:s2+s5], $0x80, s11, s5, $0xb8;
	[tilespmem:$0xC500] =	vst v63  }
0x71: {  	_ =	swait.ge [sflag:s13], $0x4000  }
0x72: {  	[sflag:s13] =	ssyncset.done $0x0  }
0x73: {  	s0 =	rddreg [dreg:$0x4];
	[sflag:s13] =	ssyncadd.s32 $0xFFFFC000  }
0x74: {  	[hbm4b:s0+s3] =	stream.linear.scatter [tilespmem:s9], [sflag:$0x5], $0x4000, $0x38;
	[tilespmem:$0xC500] =	vst v63  }
0x75: {  	_ =	swait.ge [sflag:s14], $0x4000  }
0x76: {  	[sflag:s14] =	ssyncset.done $0x0  }
0x77: {  	[sflag:s14] =	ssyncadd.s32 $0xFFFFC000  }
0x78: {  	[tilespmem:s8], [sflag:$0x1] =	stream.indirect.gather [hbm4b:s2+s5], $0x80, s15, s5, $0xb8;
	[tilespmem:$0xC500] =	vst v63  }
0x79: {  	_ =	swait.ge [sflag:s16], $0x4000  }
0x7a: {  	[sflag:s16] =	ssyncset.done $0x0  }
0x7b: {  	s0 =	rddreg [dreg:$0x5];
	[sflag:s16] =	ssyncadd.s32 $0xFFFFC000  }
0x7c: {  	[hbm4b:s0+s3] =	stream.linear.scatter [tilespmem:s12], [sflag:$0x6], $0x4000, $0x38;
	[tilespmem:$0xC500] =	vst v63  }
0x7d: {  	_ =	swait.ge [sflag:s17], $0x4000  }
0x7e: {  	[sflag:s17] =	ssyncset.done $0x0  }
0x7f: {  	[sflag:s17] =	ssyncadd.s32 $0xFFFFC000  }
0x80: {  	[tilespmem:s9], [sflag:$0x2] =	stream.indirect.gather [hbm4b:s2+s5], $0x80, s18, s5, $0xb8;
	[tilespmem:$0xC500] =	vst v63  }
0x81: {  	_ =	swait.ge [sflag:s10], $0x4000  }
0x82: {  	[sflag:s10] =	ssyncset.done $0x0  }
0x83: {  	[sflag:s10] =	ssyncadd.s32 $0xFFFFC000  }
0x84: {  	[hbm4b:s20+s3] =	stream.linear.scatter [tilespmem:s8], [sflag:$0x4], $0x4000, $0x38;
	[tilespmem:$0xC500] =	vst v63  }
0x85: {  	_ =	swait.ge [sflag:s19], $0x4000  }
0x86: {  	[sflag:s19] =	ssyncset.done $0x0  }
0x87: {  	[sflag:s19] =	ssyncadd.s32 $0xFFFFC000  }
0x88: {  	[tilespmem:s12], [sflag:$0x3] =	stream.indirect.gather [hbm4b:s2+s5], $0x80, s21, s5, $0xb8;
	[tilespmem:$0xC500] =	vst v63  }
0x89: {  	_ =	swait.ge [sflag:s13], $0x4000  }
0x8a: {  	[sflag:s13] =	ssyncset.done $0x0  }
0x8b: {  	[sflag:s13] =	ssyncadd.s32 $0xFFFFC000  }
0x8c: {  	[hbm4b:s22+s3] =	stream.linear.scatter [tilespmem:s9], [sflag:$0x5], $0x4000, $0x38;
	[tilespmem:$0xC500] =	vst v63  }
0x8d: {  	_ =	swait.ge [sflag:s14], $0x4000  }
0x8e: {  	[sflag:s14] =	ssyncset.done $0x0  }
0x8f: {  	[sflag:s14] =	ssyncadd.s32 $0xFFFFC000  }
0x90: {  	[tilespmem:s8], [sflag:$0x1] =	stream.indirect.gather [hbm4b:s2+s5], $0x80, s23, s5, $0xb8;
	[tilespmem:$0xC500] =	vst v63  }
0x91: {  	_ =	swait.ge [sflag:s16], $0x4000  }
0x92: {  	[sflag:s16] =	ssyncset.done $0x0  }
0x93: {  	[sflag:s16] =	ssyncadd.s32 $0xFFFFC000  }
0x94: {  	[hbm4b:s24+s3] =	stream.linear.scatter [tilespmem:s12], [sflag:$0x6], $0x4000, $0x38;
	[tilespmem:$0xC500] =	vst v63  }
0x95: {  	_ =	swait.ge [sflag:s17], $0x4000  }
0x96: {  	[sflag:s17] =	ssyncset.done $0x0  }
0x97: {  	[sflag:s17] =	ssyncadd.s32 $0xFFFFC000  }
0x98: {  	[tilespmem:s9], [sflag:$0x2] =	stream.indirect.gather [hbm4b:s2+s5], $0x80, s25, s5, $0xb8;
	[tilespmem:$0xC500] =	vst v63  }
0x99: {  	_ =	swait.ge [sflag:s10], $0x4000  }
0x9a: {  	[sflag:s10] =	ssyncset.done $0x0  }
0x9b: {  	[sflag:s10] =	ssyncadd.s32 $0xFFFFC000  }
0x9c: {  	[hbm4b:s26+s3] =	stream.linear.scatter [tilespmem:s8], [sflag:$0x4], $0x4000, $0x38;
	[tilespmem:$0xC500] =	vst v63  }
0x9d: {  	_ =	swait.ge [sflag:s19], $0x4000  }
0x9e: {  	[sflag:s19] =	ssyncset.done $0x0  }
0x9f: {  	[sflag:s19] =	ssyncadd.s32 $0xFFFFC000  }
0xa0: {  	[tilespmem:s12], [sflag:$0x3] =	stream.indirect.gather [hbm4b:s2+s5], $0x80, s6, s5, $0xb8;
	[tilespmem:$0xC500] =	vst v63  }
0xa1: {  	_ =	swait.ge [sflag:s13], $0x4000  }
0xa2: {  	[sflag:s13] =	ssyncset.done $0x0  }
0xa3: {  	[sflag:s13] =	ssyncadd.s32 $0xFFFFC000  }
0xa4: {  	[hbm4b:s28+s3] =	stream.linear.scatter [tilespmem:s9], [sflag:$0x5], $0x4000, $0x38;
	[tilespmem:$0xC500] =	vst v63  }
0xa5: {  	_ =	swait.ge [sflag:s14], $0x4000  }
0xa6: {  	[sflag:s14] =	ssyncset.done $0x0  }
0xa7: {  	[sflag:s14] =	ssyncadd.s32 $0xFFFFC000  }
0xa8: {  	[tilespmem:s8], [sflag:$0x1] =	stream.indirect.gather [hbm4b:s2+s5], $0x80, s29, s5, $0xb8;
	[tilespmem:$0xC500] =	vst v63  }
0xa9: {  	_ =	swait.ge [sflag:s16], $0x4000  }
0xaa: {  	[sflag:s16] =	ssyncset.done $0x0  }
0xab: {  	[sflag:s16] =	ssyncadd.s32 $0xFFFFC000  }
0xac: {  	[hbm4b:s30+s3] =	stream.linear.scatter [tilespmem:s12], [sflag:$0x6], $0x4000, $0x38;
	[tilespmem:$0xC500] =	vst v63  }
0xad: {  	_ =	swait.ge [sflag:s10], $0x4000  }
0xae: {  	[sflag:s10] =	ssyncset.done $0x0  }
0xaf: {  	[sflag:s10] =	ssyncadd.s32 $0xFFFFC000  }
0xb0: {  	[hbm4b:s31+s3] =	stream.linear.scatter [tilespmem:s8], [sflag:$0x4], $0x4000, $0x38;
	[tilespmem:$0xC500] =	vst v63  }
0xb1: {  	_ =	swait.ge [sflag:s14], $0x4000  }
0xb2: {  	p0 =	sne.s32 s1, $0x1;
	[sflag:s14] =	ssyncset.done $0x0  }
.Ltmp1:
0xb3: {  	[sflag:s14] =	ssyncadd.s32 $0xFFFFC000;
	(pc) =	sbr.rel @p0 .LBB2_1-.Ltmp1, $4  }
0xb4: {  	_ =	swait.ge [sflag:s17], $0x4000  }
0xb5: {  	[sflag:s17] =	ssyncset.done $0x0  }
0xb6: {  	[sflag:s17] =	ssyncadd.s32 $0xFFFFC000  }
0xb7: {  	s1 =	sadd.s32 $0xFFFFFFFF, s1;
	_ =	swait.ge [sflag:s19], $0x4000  }
.LBB2_2:
0xb8: {  	[sflag:s19] =	ssyncset.done $0x0  }
0xb9: {  	[sflag:s19] =	ssyncadd.s32 $0xFFFFC000  }
0xba: {  	_ =	sfence.sel $0x180000  }
0xbb: {  	[bflag:$0x0] =	sbarrier.arrive $0xFFFF  }
0xbc: {  	_ =	strace $0x9000004A  }
0xbd: {  	s0 =	stileid.u32;
	[bflag:$0x2] =	sbarrier.arrive $0xFFFF  }
0xbe: {  	p0 =	sne.s32 s0, $0x0;
	s0 =	rddreg [dreg:$0x2]  }
0xbf: {  	s0 =	sadd.s32 @!p0 $0x100000, s0  }
0xc0: {  	[sflag:s0] =	ssyncadd.tile.s32 @!p0 $0x1;
	_ =	shalt  }
.Lfunc_end2:
_tile_overlayer_lowered:
.L_overlay_start_2:
0xc1: {  	(tag) =	ssettag $0x2  }
0xc2: {  	s0 =	rddreg [dreg:$0x0];
	s2 =	stileid.u32  }
0xc3: {  	s1 =	rddreg [dreg:$0x1];
	p0 =	sne.s32 s2, $0x0  }
0xc4: {  	s3 =	rddreg [dreg:$0x2];
	[bflag:$0x3] =	sbarrier.arrive $0xFFFF;
	s2 =	simm.s32 @!p0 $0x1C07  }
0xc5: {  	[timem:s3], [sflag:s2] =	dma.local @!p0 [hbm:s0], s1  }
0xc6: {  	s0 =	simm.s32 @!p0 $0x7  }
0xc7: {  	_ =	swait.ge @!p0 [sflag:s0], s1  }
0xc8: {  	s1 =	ssub.s32 @!p0 $0x0, s1;
	[sflag:s0] =	ssyncset.done @!p0 $0x0  }
0xc9: {  	[sflag:s0] =	ssyncadd.s32 @!p0 s1  }
0xca: {  	[bflag:$0x3] =	sbarrier.arrive $0xFFFF  }
0xcb: {  	_ =	shalt  }

// kernel: kernel.18.cloned.1.call-start
scs
__scs_entry_jumppad:
0x0: {  	(pc) =	sbr.rel $0x88, $3  }
0x1: {  	(tag) =	ssettag $0x0;
	lr =	simm.s32 $0x1  }
0x2: {  	[smem:$0x3F94] =	sst lr;
	_ =	strace $0xD0000000  }
0x3: {  	_ = 	snop  }
0x4: {  	_ = 	snop  }
0x5: {  	_ = 	snop  }
0x6: {  	_ = 	snop  }
0x7: {  	_ = 	snop  }
__scs_overlays_trampoline_lowered:
0x8: {  	[smem:$0x3FA3] =	sst s0  }
0x9: {  	[smem:$0x3FA4] =	sst s1  }
0xa: {  	[smem:$0x3FA5] =	sst s2  }
0xb: {  	[smem:$0x3FA6] =	sst s3  }
0xc: {  	[smem:$0x3FA7] =	sst s4  }
0xd: {  	[smem:$0x3FA8] =	sst s5  }
0xe: {  	[smem:$0x3FA9] =	sst s6  }
0xf: {  	[smem:$0x3FAA] =	sst s7  }
0x10: {  	[smem:$0x3FAB] =	sst s8  }
0x11: {  	[smem:$0x3FAC] =	sst s9;
	s0 =	simm.s32 @!p0 $0x0  }
0x12: {  	s1 =	sld [smem:$0x3F92];
	s0 =	simm.s32 @p0 $0x1  }
0x13: {  	[smem:$0x3FAD] =	sst s0;
	s0 =	simm.s32 @!p1 $0x0  }
0x14: {  	s2 =	sld [smem:$0x3F91];
	s0 =	simm.s32 @p1 $0x1  }
0x15: {  	[smem:$0x3FAE] =	sst s0;
	s0 =	simm.s32 @!p2 $0x0  }
0x16: {  	s3 =	sld [smem:$0x3FDB];
	s0 =	simm.s32 @p2 $0x1  }
0x17: {  	s4 =	simm.s32 $0x1BF5;
	[smem:$0x3FB0] =	sst s0  }
0x18: {  	s0 =	sld [smem:$0x3F93];
	_ =	swait.ge [sflag:s4], $0x0  }
0x19: {  	s7 =	sld [smem:$0x3F94]  }
0x1a: {  	s8 =	sadd.s32 $0xFFFFE003, lr  }
0x1b: {  	s9 =	sadd.s32 $0xFFFFFEF7, lr;
	s5 =	simm.s32 $0xFFFFFFFF;
	p2 =	slt.u32 s8, $0xFFFFF086  }
0x1c: {  	p1 =	slt.u32 s9, $0xF7A;
	s5 =	simm.s32 @!p2 $0x0  }
0x1d: {  	s5 =	simm.s32 @p1 $0x1;
	p0 =	seq.s32 s7, s2  }
0x1e: {  	s7 =	smul.u32 @!p0 $0xF7A, s2;
	p2 =	seq.s32 @!p0 s5, $0x0  }
0x1f: {  	s9 =	smul.u32 $0xF7A, s1;
	s8 =	simm.s32 @!p0 $0x1BF5;
	p2 =	por !p2, p0  }
0x20: {  	[sflag:s8] =	ssyncset.s32 @!p0 $0xFFFFF086;
	s6 =	sadd.s32 @!p0 s3, s7;
	s7 =	simm.s32 @!p0 $0x108  }
0x21: {  	s3 =	sadd.s32 s3, s9;
	s6 =	sadd.s32 @!p0 $0x88, s6;
	s7 =	simm.s32 @p2 $0x1082  }
0x22: {  	[simem:s7], [sflag:s8] =	dma.local @!p0 [hbm:s6], $0xF7A  }
0x23: {  	s9 =	sor.u32 $0xD0000000, s2;
	s6 =	simm.s32 $0x108;
	_ =	swait.ge @!p0 [sflag:s8], $0x0  }
0x24: {  	s3 =	sadd.s32 $0x88, s3;
	s6 =	simm.s32 @!p1 $0x1082;
	[sflag:s4] =	ssyncset.s32 $0xFFFFF086  }
0x25: {  	[simem:s6], [sflag:s4] =	dma.local [hbm:s3], $0xF7A  }
0x26: {  	[smem:$0x3F94] =	sst s1;
	(tag) =	ssettag s2;
	_ =	strace s9  }
0x27: {  	s1 =	sld [smem:$0x3FA4]  }
0x28: {  	s2 =	sld [smem:$0x3FA5]  }
0x29: {  	s4 =	sld [smem:$0x3FA7]  }
0x2a: {  	p0 =	seq.s32 s5, $0x0;
	s5 =	sld [smem:$0x3FA8]  }
0x2b: {  	s6 =	sld [smem:$0x3FA9]  }
0x2c: {  	s7 =	sld [smem:$0x3FAA]  }
0x2d: {  	s3 =	simm.s32 $0x108;
	s8 =	sld [smem:$0x3FAB]  }
0x2e: {  	s3 =	simm.s32 @!p0 $0x1082;
	s9 =	sld [smem:$0x3FAC]  }
0x2f: {  	lr =	sadd.s32 s0, s3;
	s0 =	sld [smem:$0x3FA3]  }
0x30: {  	s3 =	sld [smem:$0x3FA6]  }
0x31: {  	[smem:$0x3FAF] =	sst s10  }
0x32: {  	s10 =	sld [smem:$0x3FAD];
	_ =	sdelay $0x3  }
0x33: {  	p0 =	seq.s32 s10, $0x1;
	s10 =	sld [smem:$0x3FAF];
	_ =	sdelay $0x3  }
0x34: {  	[smem:$0x3FAF] =	sst s10  }
0x35: {  	s10 =	sld [smem:$0x3FAE];
	_ =	sdelay $0x3  }
0x36: {  	p1 =	seq.s32 s10, $0x1;
	s10 =	sld [smem:$0x3FAF];
	_ =	sdelay $0x3  }
0x37: {  	[smem:$0x3FAF] =	sst s10  }
0x38: {  	s10 =	sld [smem:$0x3FB0]  }
0x39: {  	_ = 	snop;
	(pc) =	sbr.ind lr, $3  }
0x3a: {  	_ = 	snop  }
0x3b: {  	_ = 	snop  }
0x3c: {  	p2 =	seq.s32 s10, $0x1;
	s10 =	sld [smem:$0x3FAF]  }
0x3d: {  	_ =	shalt  }
0x3e: {  	_ =	shalt  }
0x3f: {  	_ =	shalt  }
0x40: {  	_ =	shalt  }
0x41: {  	_ =	shalt  }
0x42: {  	_ =	shalt  }
0x43: {  	_ =	shalt  }
0x44: {  	_ =	shalt  }
0x45: {  	_ =	shalt  }
0x46: {  	_ =	shalt  }
0x47: {  	_ =	shalt  }
0x48: {  	_ =	shalt  }
0x49: {  	_ =	shalt  }
0x4a: {  	_ =	shalt  }
0x4b: {  	_ =	shalt  }
0x4c: {  	_ =	shalt  }
0x4d: {  	_ =	shalt  }
0x4e: {  	_ =	shalt  }
0x4f: {  	_ =	shalt  }
0x50: {  	_ =	shalt  }
0x51: {  	_ =	shalt  }
0x52: {  	_ =	shalt  }
0x53: {  	_ =	shalt  }
0x54: {  	_ =	shalt  }
0x55: {  	_ =	shalt  }
0x56: {  	_ =	shalt  }
0x57: {  	_ =	shalt  }
0x58: {  	_ =	shalt  }
0x59: {  	_ =	shalt  }
0x5a: {  	_ =	shalt  }
0x5b: {  	_ =	shalt  }
0x5c: {  	_ =	shalt  }
0x5d: {  	_ =	shalt  }
0x5e: {  	_ =	shalt  }
0x5f: {  	_ =	shalt  }
0x60: {  	_ =	shalt  }
0x61: {  	_ =	shalt  }
0x62: {  	_ =	shalt  }
0x63: {  	_ =	shalt  }
0x64: {  	_ =	shalt  }
0x65: {  	_ =	shalt  }
0x66: {  	_ =	shalt  }
0x67: {  	_ =	shalt  }
0x68: {  	_ =	shalt  }
0x69: {  	_ =	shalt  }
0x6a: {  	_ =	shalt  }
0x6b: {  	_ =	shalt  }
0x6c: {  	_ =	shalt  }
0x6d: {  	_ =	shalt  }
0x6e: {  	_ =	shalt  }
0x6f: {  	_ =	shalt  }
0x70: {  	_ =	shalt  }
0x71: {  	_ =	shalt  }
0x72: {  	_ =	shalt  }
0x73: {  	_ =	shalt  }
0x74: {  	_ =	shalt  }
0x75: {  	_ =	shalt  }
0x76: {  	_ =	shalt  }
0x77: {  	_ =	shalt  }
0x78: {  	_ =	shalt  }
0x79: {  	_ =	shalt  }
0x7a: {  	_ =	shalt  }
0x7b: {  	_ =	shalt  }
0x7c: {  	_ =	shalt  }
0x7d: {  	_ =	shalt  }
0x7e: {  	_ =	shalt  }
0x7f: {  	_ =	shalt  }
0x80: {  	_ =	shalt  }
0x81: {  	_ =	shalt  }
0x82: {  	_ =	shalt  }
0x83: {  	_ =	shalt  }
0x84: {  	_ =	shalt  }
0x85: {  	_ =	shalt  }
0x86: {  	_ =	shalt  }
0x87: {  	_ =	shalt  }
.Lfunc_end0:
.L_simem_size_0:
called_computation.2_lowered:
.L_overlay_start_0:
0x88: {  	s2 =	sld [smem:$0x3FD9]  }
0x89: {  	s3 =	sld [smem:$0x3FFE];
	_ =	sdelay $0x1  }
0x8a: {  	s1 =	srdreg.scid  }
0x8b: {  	s0 =	sand.u32 $0x1, s1  }
0x8c: {  	s17 =	sshll.u32 s0, $0xA;
	s2 =	sadd.s32 s3, s2  }
0x8d: {  	s2 =	sadd.s32 s2, s17  }
0x8e: {  	[smem:$0x3FBB] =	sst s2  }
0x8f: {  	_ = 	snop  }
0x90: {  	s2 =	sld [smem:$0x3FD0];
	(tm) =	ssettm $0x1  }
0x91: {  	s18 =	sld [smem:$0x3FFB];
	_ =	sdelay $0x3  }
0x92: {  	_ =	strace s18  }
0x93: {  	s3 =	sld [smem:$0x3FFC];
	_ =	sdelay $0x3  }
0x94: {  	_ =	strace s3  }
0x95: {  	s3 =	sld [smem:$0x3FFD];
	_ =	sdelay $0x3  }
0x96: {  	_ =	strace s3  }
0x97: {  	_ =	strace $0x8FFFFFFF  }
0x98: {  	s19 =	sld [smem:$0x3FDB];
	_ =	sdelay $0x1  }
0x99: {  	s4 =	simm.s32 $_scs_section_size  }
0x9a: {  	s5 =	simm.s32 $_size__tile_overlayer_lowered;
	s6 =	simm.s32 $_tile_overlayer_lowered  }
0x9b: {  	s22 =	simm.s32 $0x1BFF;
	s21 =	sshll.u32 s6, $0x1;
	s3 =	sadd.s32 s4, s19  }
0x9c: {  	s7 =	simm.s32 $0x0;
	s20 =	sshll.u32 s5, $0x1;
	s5 =	sadd.s32 s21, s3  }
0x9d: {  	[timem:s7], [sflag:s22] =	dma.local [hbm:s5], s20  }
0x9e: {  	_ =	swait.ge [sflag:s22], s20  }
0x9f: {  	s4 =	ssub.s32 $0x0, s20;
	[sflag:s22] =	ssyncset.done $0x0  }
0xa0: {  	[sflag:s22] =	ssyncadd.s32 s4;
	_ =	sdelay $0x1  }
0xa1: {  	s23 =	simm.s32 $0x1B8B  }
0xa2: {  	_ =	swait.ge [sflag:s23], $0x1  }
0xa3: {  	[sflag:s23] =	ssyncset.done $0x0  }
0xa4: {  	s25 =	simm.s32 $0x1B8E;
	s24 =	sld [smem:$0x3FFE];
	[sflag:s23] =	ssyncadd.s32 $0xFFFFFFFF  }
0xa5: {  	s26 =	simm.s32 $execute0_lowered;
	[smem:$0x3FD2] =	sst s25  }
0xa6: {  	s5 =	sshll.u32 s26, $0x1;
	_ =	strace $0x8000004C;
	[dreg:$0x1] =	wrdreg $0xFFFFFFFF  }
0xa7: {  	s28 =	simm.s32 $_size_execute0_lowered;
	s3 =	sadd.s32 s3, s5;
	[dreg:$0x0] =	wrdreg $0x0  }
0xa8: {  	s5 =	sshll.u32 s28, $0x1;
	[dreg:$0x2] =	wrdreg s3  }
0xa9: {  	[dreg:$0x3] =	wrdreg s5  }
0xaa: {  	[dreg:$0x4] =	wrdreg $0xC0  }
0xab: {  	_ =	task [dreg:s7], $0x5FFFF  }
0xac: {  	[dreg:$0x1] =	wrdreg $0xFFFFFFFF  }
0xad: {  	[dreg:$0x0] =	wrdreg $0x60  }
0xae: {  	[dreg:$0x2] =	wrdreg s2  }
0xaf: {  	[dreg:$0x3] =	wrdreg s24  }
0xb0: {  	[dreg:$0x4] =	wrdreg $0x9  }
0xb1: {  	_ =	task.clear_ibuf [dreg:s7], $0x5FFFF;
	_ =	strace $0x9000004C  }
0xb2: {  	s29 =	simm.s32 $0x9;
	_ =	strace $0x8000004E  }
0xb3: {  	_ =	swait.ge [sflag:s29], $0x1  }
0xb4: {  	[sflag:s29] =	ssyncadd.s32 $0xFFFFFFFF  }
0xb5: {  	_ =	strace $0x9000004E  }
0xb6: {  	_ =	sfence  }
0xb7: {  	s30 =	sld [smem:$0x0];
	_ =	sdelay $0x2  }
0xb8: {  	s31 =	sshll.u32 s1, $0xD;
	s1 =	sshrl.u32 s1, $0x2  }
0xb9: {  	s3 =	sand.u32 $0x4000, s31;
	s1 =	sadd.s32 s1, s30  }
0xba: {  	s0 =	sor.u32 s3, s0;
	s1 =	sshll.u32 s1, $0x11  }
0xbb: {  	s0 =	sor.u32 s1, s0  }
0xbc: {  	s0 =	sadd.s32 $0x8F2B, s0  }
0xbd: {  	[sflag:s0] =	ssyncadd.remote.s32 $0x1  }
0xbe: {  	_ =	sfence.sel $0xFFFF  }
0xbf: {  	[dreg:$0x0] =	wrdreg $0xFFFFFFFF;
	(pc) =	sbr.abs _section_cstart, $3  }
0xc0: {  	[dreg:$0x1] =	wrdreg $0xFFFFFFFF  }
0xc1: {  	_ =	task.clear_ibuf [dreg:s7], $0x2FFFF;
	_ =	strace $0x9FFFFFFF  }
0xc2: {  	(tm) =	ssettm $0x7FFFFFFF  }
0xc3: {  	_ =	shalt  }
tec
execute0_lowered:
.L_overlay_start_1:
0x0: {  	(tag) =	ssettag $0x1  }
0x1: {  	s0 =	srdreg.scid;
	s2 =	rddreg [dreg:$0x0]  }
0x2: {  	s3 =	stileid.u32;
	s4 =	rddreg [dreg:$0x1];
	s25 =	simm.s32 $0x80  }
0x3: {  	s26 =	simm.s32 $0x400;
	s7 =	simm.s32 $0x500;
	s29 =	simm.s32 $0x1  }
0x4: {  	s28 =	simm.s32 $0x3;
	s31 =	simm.s32 $0x5;
	s30 =	simm.s32 $0x8500  }
0x5: {  	s8 =	simm.s32 $0xA500;
	s9 =	simm.s32 $0xAD00;
	s10 =	simm.s32 $0xB500  }
0x6: {  	s11 =	simm.s32 $0xBD00;
	s0 =	sand.u32 $0x1, s0;
	s1 =	sshll.u32 s3, $0x1  }
0x7: {  	s12 =	simm.s32 $0xC500;
	s3 =	sshrl.u32 s3, $0x2;
	s1 =	sor.u32 s0, s1  }
0x8: {  	s13 =	simm.s32 $0xCD00;
	s5 =	smul.u32 $0x2800, s3;
	s15 =	sshll.u32 s1, $0x7  }
0x9: {  	s14 =	simm.s32 $0xD500;
	s3 =	simm.s32 $0x0;
	s6 =	sand.u32 $0x380, s15  }
0xa: {  	s0 =	ssub.s32 $0x2, s0;
	s16 =	smul.u32 $0xA000, s1;
	s5 =	sor.u32 s5, s6  }
0xb: {  	[smem:$0x7FF] =	sst s3;
	s1 =	smul.u32 $0x50000, s1;
	s5 =	sshrl.u32 s5, $0x3  }
0xc: {  	_ =	strace $0x8000004D;
	[dreg:$0xd] =	wrdreg s25;
	s5 =	sadd.s32 s5, s4  }
0xd: {  	[dreg:$0xe] =	wrdreg s26;
	s4 =	sadd.s32 $0x5400, s4;
	s5 =	sadd.s32 $0x4000, s5  }
0xe: {  	s1 =	sshrl.u32 s1, $0x3;
	s6 =	sadd.s32 s4, s16;
	[dreg:$0x3] =	wrdreg s5  }
0xf: {  	s1 =	sadd.s32 s4, s1;
	[dreg:$0xf] =	wrdreg s6;
	s17 =	sadd.s32 $0x1000, s6  }
0x10: {  	s24 =	sshrl.u32 s0, $0x1;
	s4 =	sadd.s32 $0x2000, s1;
	[dreg:$0x4] =	wrdreg s17  }
0x11: {  	s0 =	ssub.s32 s0, s24;
	s18 =	sadd.s32 $0x3000, s1;
	[dreg:$0x5] =	wrdreg s4  }
0x12: {  	s25 =	simm.s32 $0x2;
	s19 =	sadd.s32 $0x4000, s1;
	[dreg:$0x6] =	wrdreg s18  }
0x13: {  	s26 =	simm.s32 $0x4;
	s20 =	sadd.s32 $0x5000, s1;
	[dreg:$0x7] =	wrdreg s19  }
0x14: {  	s24 =	simm.s32 $0x9D00;
	s21 =	sadd.s32 $0x6000, s1;
	[dreg:$0x8] =	wrdreg s20  }
0x15: {  	s15 =	simm.s32 $0xDD00;
	s22 =	sadd.s32 $0x7000, s1;
	[dreg:$0x9] =	wrdreg s21  }
0x16: {  	s16 =	simm.s32 $0xE500;
	s23 =	sadd.s32 $0x8000, s1;
	[dreg:$0xa] =	wrdreg s22  }
0x17: {  	v2 =	vlaneseq.u32;
	s1 =	sadd.s32 $0x9000, s1;
	s5 =	smax.u32 s0, $0x1;
	[dreg:$0xb] =	wrdreg s23  }
0x18: {  	vm0 =	vmmov $0xffff;
	v1 =	vshrl.u32 v2, $0x3;
	[dreg:$0xc] =	wrdreg s1;
	s1 =	simm.s32 $0x6;
	s20 =	simm.s32 $0x8D00  }
0x19: {  	v0 =	vand.u32 $0x7, v2;
	v2 =	vor.u32 $0x8, v2;
	v1 =	vmul.u32 $0x8, v1;
	s17 =	simm.s32 $0xED00;
	s18 =	simm.s32 $0xF500;
	s19 =	simm.s32 $0xFD00  }
.LBB2_1:
0x1a: {  	s0 =	rddreg [dreg:$0x3]  }
0x1b: {  	s4 =	rddreg [dreg:$0xd]  }
0x1c: {  	s6 =	rddreg [dreg:$0xe];
	s21 =	simm.s32 $0x7  }
0x1d: {  	[tilespmem:s3], [sflag:$0x7] =	stream.strided.gather [hbm4b:s0+s4], $0x500, s6, s4, $0x38;
	[tilespmem:$0x18500] =	vst v63  }
0x1e: {  	_ =	swait.ge [sflag:s21], $0x500  }
0x1f: {  	[sflag:s21] =	ssyncset.done $0x0  }
0x20: {  	[sflag:s21] =	ssyncadd.s32 $0xFFFFFB00  }
0x21: {  	v3 =	vld [tilespmem:$0x0];
	_ =	sdelay $0x4  }
0x22: {  	v4 =	vshll.u32 v3, $0x1  }
0x23: {  	v3 =	vand.u32 $0x7, v3;
	v4 =	vand.u32 $0xFFFFFFF0, v4  }
0x24: {  	v3 =	vor.u32 v3, v4  }
0x25: {  	v4 =	vperm.xlane v3, v0;
	_ =	sdelay $0x1  }
0x26: {  	v3 =	vperm.xlane v3, v2;
	v4 =	vadd.s32 v1, v4;
	_ =	sdelay $0x1  }
0x27: {  	v3 =	vadd.s32 v1, v3;
	_ =	sdelay $0x2  }
0x28: {  	[tilespmem:s7], [sflag:$0x1] =	stream.indirect_vreg.gather [hbm4b:s2+s3], $0x80, v4, vm0, $0xb8;
	[tilespmem:$0x18500] =	vst v63  }
0x29: {  	s22 =	simm.s32 $0xD00  }
0x2a: {  	[tilespmem:s22], [sflag:$0x1] =	stream.indirect_vreg.gather [hbm4b:s2+s3], $0x80, v3, vm0, $0xb8;
	[tilespmem:$0x18500] =	vst v63  }
0x2b: {  	v3 =	vld [tilespmem:$0x10];
	_ =	sdelay $0x4  }
0x2c: {  	v41 =	vshll.u32 v3, $0x1  }
0x2d: {  	v3 =	vand.u32 $0x7, v3;
	v4 =	vand.u32 $0xFFFFFFF0, v41  }
0x2e: {  	v3 =	vor.u32 v3, v4  }
0x2f: {  	v4 =	vperm.xlane v3, v0;
	_ =	sdelay $0x1  }
0x30: {  	v3 =	vperm.xlane v3, v2;
	v4 =	vadd.s32 v1, v4;
	_ =	sdelay $0x1  }
0x31: {  	v3 =	vadd.s32 v1, v3;
	_ =	sdelay $0x1  }
0x32: {  	s23 =	simm.s32 $0x1500  }
0x33: {  	[tilespmem:s23], [sflag:$0x1] =	stream.indirect_vreg.gather [hbm4b:s2+s3], $0x80, v4, vm0, $0xb8;
	[tilespmem:$0x18500] =	vst v63  }
0x34: {  	s4 =	simm.s32 $0x1D00  }
0x35: {  	[tilespmem:s4], [sflag:$0x1] =	stream.indirect_vreg.gather [hbm4b:s2+s3], $0x80, v3, vm0, $0xb8;
	[tilespmem:$0x18500] =	vst v63  }
0x36: {  	v3 =	vld [tilespmem:$0x20];
	_ =	sdelay $0x4  }
0x37: {  	v42 =	vshll.u32 v3, $0x1  }
0x38: {  	v3 =	vand.u32 $0x7, v3;
	v4 =	vand.u32 $0xFFFFFFF0, v42  }
0x39: {  	v3 =	vor.u32 v3, v4  }
0x3a: {  	v4 =	vperm.xlane v3, v0;
	_ =	sdelay $0x1  }
0x3b: {  	v3 =	vperm.xlane v3, v2;
	v4 =	vadd.s32 v1, v4;
	_ =	sdelay $0x1  }
0x3c: {  	v3 =	vadd.s32 v1, v3;
	_ =	sdelay $0x1  }
0x3d: {  	s6 =	simm.s32 $0x2500  }
0x3e: {  	[tilespmem:s6], [sflag:$0x1] =	stream.indirect_vreg.gather [hbm4b:s2+s3], $0x80, v4, vm0, $0xb8;
	[tilespmem:$0x18500] =	vst v63  }
0x3f: {  	s23 =	simm.s32 $0x2D00  }
0x40: {  	[tilespmem:s23], [sflag:$0x1] =	stream.indirect_vreg.gather [hbm4b:s2+s3], $0x80, v3, vm0, $0xb8;
	[tilespmem:$0x18500] =	vst v63  }
0x41: {  	v3 =	vld [tilespmem:$0x30];
	_ =	sdelay $0x4  }
0x42: {  	v43 =	vshll.u32 v3, $0x1  }
0x43: {  	v3 =	vand.u32 $0x7, v3;
	v4 =	vand.u32 $0xFFFFFFF0, v43  }
0x44: {  	v3 =	vor.u32 v3, v4  }
0x45: {  	v4 =	vperm.xlane v3, v0;
	_ =	sdelay $0x1  }
0x46: {  	v3 =	vperm.xlane v3, v2;
	v4 =	vadd.s32 v1, v4;
	_ =	sdelay $0x1  }
0x47: {  	v3 =	vadd.s32 v1, v3;
	_ =	sdelay $0x1  }
0x48: {  	s4 =	simm.s32 $0x3500  }
0x49: {  	[tilespmem:s4], [sflag:$0x1] =	stream.indirect_vreg.gather [hbm4b:s2+s3], $0x80, v4, vm0, $0xb8;
	[tilespmem:$0x18500] =	vst v63  }
0x4a: {  	s6 =	simm.s32 $0x3D00  }
0x4b: {  	[tilespmem:s6], [sflag:$0x1] =	stream.indirect_vreg.gather [hbm4b:s2+s3], $0x80, v3, vm0, $0xb8;
	[tilespmem:$0x18500] =	vst v63  }
0x4c: {  	v3 =	vld [tilespmem:$0x40];
	_ =	sdelay $0x4  }
0x4d: {  	v44 =	vshll.u32 v3, $0x1  }
0x4e: {  	v3 =	vand.u32 $0x7, v3;
	v4 =	vand.u32 $0xFFFFFFF0, v44  }
0x4f: {  	v3 =	vor.u32 v3, v4  }
0x50: {  	v4 =	vperm.xlane v3, v0;
	_ =	sdelay $0x1  }
0x51: {  	v3 =	vperm.xlane v3, v2;
	v4 =	vadd.s32 v1, v4;
	_ =	sdelay $0x1  }
0x52: {  	v3 =	vadd.s32 v1, v3;
	_ =	sdelay $0x1  }
0x53: {  	s4 =	simm.s32 $0x4500  }
0x54: {  	[tilespmem:s4], [sflag:$0x1] =	stream.indirect_vreg.gather [hbm4b:s2+s3], $0x80, v4, vm0, $0xb8;
	[tilespmem:$0x18500] =	vst v63  }
0x55: {  	s6 =	simm.s32 $0x4D00  }
0x56: {  	[tilespmem:s6], [sflag:$0x1] =	stream.indirect_vreg.gather [hbm4b:s2+s3], $0x80, v3, vm0, $0xb8;
	[tilespmem:$0x18500] =	vst v63  }
0x57: {  	v3 =	vld [tilespmem:$0x50];
	_ =	sdelay $0x4  }
0x58: {  	v45 =	vshll.u32 v3, $0x1  }
0x59: {  	v3 =	vand.u32 $0x7, v3;
	v4 =	vand.u32 $0xFFFFFFF0, v45  }
0x5a: {  	v3 =	vor.u32 v3, v4  }
0x5b: {  	v4 =	vperm.xlane v3, v0;
	_ =	sdelay $0x1  }
0x5c: {  	v3 =	vperm.xlane v3, v2;
	v4 =	vadd.s32 v1, v4;
	_ =	sdelay $0x1  }
0x5d: {  	v3 =	vadd.s32 v1, v3;
	_ =	sdelay $0x1  }
0x5e: {  	s4 =	simm.s32 $0x5500  }
0x5f: {  	[tilespmem:s4], [sflag:$0x1] =	stream.indirect_vreg.gather [hbm4b:s2+s3], $0x80, v4, vm0, $0xb8;
	[tilespmem:$0x18500] =	vst v63  }
0x60: {  	s6 =	simm.s32 $0x5D00  }
0x61: {  	[tilespmem:s6], [sflag:$0x1] =	stream.indirect_vreg.gather [hbm4b:s2+s3], $0x80, v3, vm0, $0xb8;
	[tilespmem:$0x18500] =	vst v63  }
0x62: {  	v3 =	vld [tilespmem:$0x60];
	_ =	sdelay $0x4  }
0x63: {  	v46 =	vshll.u32 v3, $0x1  }
0x64: {  	v3 =	vand.u32 $0x7, v3;
	v4 =	vand.u32 $0xFFFFFFF0, v46  }
0x65: {  	v3 =	vor.u32 v3, v4  }
0x66: {  	v4 =	vperm.xlane v3, v0;
	_ =	sdelay $0x1  }
0x67: {  	v3 =	vperm.xlane v3, v2;
	v4 =	vadd.s32 v1, v4;
	_ =	sdelay $0x1  }
0x68: {  	v3 =	vadd.s32 v1, v3;
	_ =	sdelay $0x1  }
0x69: {  	s4 =	simm.s32 $0x6500  }
0x6a: {  	[tilespmem:s4], [sflag:$0x1] =	stream.indirect_vreg.gather [hbm4b:s2+s3], $0x80, v4, vm0, $0xb8;
	[tilespmem:$0x18500] =	vst v63  }
0x6b: {  	s6 =	simm.s32 $0x6D00  }
0x6c: {  	[tilespmem:s6], [sflag:$0x1] =	stream.indirect_vreg.gather [hbm4b:s2+s3], $0x80, v3, vm0, $0xb8;
	[tilespmem:$0x18500] =	vst v63  }
0x6d: {  	v3 =	vld [tilespmem:$0x70];
	_ =	sdelay $0x4  }
0x6e: {  	v47 =	vshll.u32 v3, $0x1  }
0x6f: {  	v3 =	vand.u32 $0x7, v3;
	v4 =	vand.u32 $0xFFFFFFF0, v47  }
0x70: {  	v3 =	vor.u32 v3, v4  }
0x71: {  	v4 =	vperm.xlane v3, v0;
	_ =	sdelay $0x1  }
0x72: {  	v3 =	vperm.xlane v3, v2;
	v4 =	vadd.s32 v1, v4;
	_ =	sdelay $0x1  }
0x73: {  	v3 =	vadd.s32 v1, v3;
	_ =	sdelay $0x1  }
0x74: {  	s4 =	simm.s32 $0x7500  }
0x75: {  	[tilespmem:s4], [sflag:$0x1] =	stream.indirect_vreg.gather [hbm4b:s2+s3], $0x80, v4, vm0, $0xb8;
	[tilespmem:$0x18500] =	vst v63  }
0x76: {  	s6 =	simm.s32 $0x7D00  }
0x77: {  	[tilespmem:s6], [sflag:$0x1] =	stream.indirect_vreg.gather [hbm4b:s2+s3], $0x80, v3, vm0, $0xb8;
	[tilespmem:$0x18500] =	vst v63  }
0x78: {  	v3 =	vld [tilespmem:$0x80];
	_ =	sdelay $0x4  }
0x79: {  	v48 =	vshll.u32 v3, $0x1  }
0x7a: {  	v3 =	vand.u32 $0x7, v3;
	v4 =	vand.u32 $0xFFFFFFF0, v48  }
0x7b: {  	v3 =	vor.u32 v3, v4  }
0x7c: {  	v4 =	vperm.xlane v3, v0;
	_ =	sdelay $0x1  }
0x7d: {  	v3 =	vperm.xlane v3, v2;
	v4 =	vadd.s32 v1, v4;
	_ =	sdelay $0x1  }
0x7e: {  	v3 =	vadd.s32 v1, v3;
	_ =	sdelay $0x2  }
0x7f: {  	[tilespmem:s30], [sflag:$0x2] =	stream.indirect_vreg.gather [hbm4b:s2+s3], $0x80, v4, vm0, $0xb8;
	[tilespmem:$0x18500] =	vst v63  }
0x80: {  	_ = 	snop  }
0x81: {  	[tilespmem:s20], [sflag:$0x2] =	stream.indirect_vreg.gather [hbm4b:s2+s3], $0x80, v3, vm0, $0xb8;
	[tilespmem:$0x18500] =	vst v63  }
0x82: {  	v3 =	vld [tilespmem:$0x90];
	_ =	sdelay $0x4  }
0x83: {  	v49 =	vshll.u32 v3, $0x1  }
0x84: {  	v3 =	vand.u32 $0x7, v3;
	v4 =	vand.u32 $0xFFFFFFF0, v49  }
0x85: {  	v3 =	vor.u32 v3, v4  }
0x86: {  	v4 =	vperm.xlane v3, v0;
	_ =	sdelay $0x1  }
0x87: {  	v3 =	vperm.xlane v3, v2;
	v4 =	vadd.s32 v1, v4;
	_ =	sdelay $0x1  }
0x88: {  	v3 =	vadd.s32 v1, v3;
	_ =	sdelay $0x1  }
0x89: {  	s6 =	simm.s32 $0x9500  }
0x8a: {  	[tilespmem:s6], [sflag:$0x2] =	stream.indirect_vreg.gather [hbm4b:s2+s3], $0x80, v4, vm0, $0xb8;
	[tilespmem:$0x18500] =	vst v63  }
0x8b: {  	_ = 	snop  }
0x8c: {  	[tilespmem:s24], [sflag:$0x2] =	stream.indirect_vreg.gather [hbm4b:s2+s3], $0x80, v3, vm0, $0xb8;
	[tilespmem:$0x18500] =	vst v63  }
0x8d: {  	v3 =	vld [tilespmem:$0xA0];
	_ =	sdelay $0x4  }
0x8e: {  	v50 =	vshll.u32 v3, $0x1  }
0x8f: {  	v3 =	vand.u32 $0x7, v3;
	v4 =	vand.u32 $0xFFFFFFF0, v50  }
0x90: {  	v3 =	vor.u32 v3, v4  }
0x91: {  	v4 =	vperm.xlane v3, v0;
	_ =	sdelay $0x1  }
0x92: {  	v3 =	vperm.xlane v3, v2;
	v4 =	vadd.s32 v1, v4;
	_ =	sdelay $0x1  }
0x93: {  	v3 =	vadd.s32 v1, v3;
	_ =	sdelay $0x2  }
0x94: {  	[tilespmem:s8], [sflag:$0x2] =	stream.indirect_vreg.gather [hbm4b:s2+s3], $0x80, v4, vm0, $0xb8;
	[tilespmem:$0x18500] =	vst v63  }
0x95: {  	_ = 	snop  }
0x96: {  	[tilespmem:s9], [sflag:$0x2] =	stream.indirect_vreg.gather [hbm4b:s2+s3], $0x80, v3, vm0, $0xb8;
	[tilespmem:$0x18500] =	vst v63  }
0x97: {  	v3 =	vld [tilespmem:$0xB0];
	_ =	sdelay $0x4  }
0x98: {  	v51 =	vshll.u32 v3, $0x1  }
0x99: {  	v3 =	vand.u32 $0x7, v3;
	v4 =	vand.u32 $0xFFFFFFF0, v51  }
0x9a: {  	v3 =	vor.u32 v3, v4  }
0x9b: {  	v4 =	vperm.xlane v3, v0;
	_ =	sdelay $0x1  }
0x9c: {  	v3 =	vperm.xlane v3, v2;
	v4 =	vadd.s32 v1, v4;
	_ =	sdelay $0x1  }
0x9d: {  	v3 =	vadd.s32 v1, v3;
	_ =	sdelay $0x2  }
0x9e: {  	[tilespmem:s10], [sflag:$0x2] =	stream.indirect_vreg.gather [hbm4b:s2+s3], $0x80, v4, vm0, $0xb8;
	[tilespmem:$0x18500] =	vst v63  }
0x9f: {  	_ = 	snop  }
0xa0: {  	[tilespmem:s11], [sflag:$0x2] =	stream.indirect_vreg.gather [hbm4b:s2+s3], $0x80, v3, vm0, $0xb8;
	[tilespmem:$0x18500] =	vst v63  }
0xa1: {  	v3 =	vld [tilespmem:$0xC0];
	_ =	sdelay $0x4  }
0xa2: {  	v52 =	vshll.u32 v3, $0x1  }
0xa3: {  	v3 =	vand.u32 $0x7, v3;
	v4 =	vand.u32 $0xFFFFFFF0, v52  }
0xa4: {  	v3 =	vor.u32 v3, v4  }
0xa5: {  	v4 =	vperm.xlane v3, v0;
	_ =	sdelay $0x1  }
0xa6: {  	v3 =	vperm.xlane v3, v2;
	v4 =	vadd.s32 v1, v4;
	_ =	sdelay $0x1  }
0xa7: {  	v3 =	vadd.s32 v1, v3;
	_ =	sdelay $0x2  }
0xa8: {  	[tilespmem:s12], [sflag:$0x2] =	stream.indirect_vreg.gather [hbm4b:s2+s3], $0x80, v4, vm0, $0xb8;
	[tilespmem:$0x18500] =	vst v63  }
0xa9: {  	_ = 	snop  }
0xaa: {  	[tilespmem:s13], [sflag:$0x2] =	stream.indirect_vreg.gather [hbm4b:s2+s3], $0x80, v3, vm0, $0xb8;
	[tilespmem:$0x18500] =	vst v63  }
0xab: {  	v3 =	vld [tilespmem:$0xD0];
	_ =	sdelay $0x4  }
0xac: {  	v53 =	vshll.u32 v3, $0x1  }
0xad: {  	v3 =	vand.u32 $0x7, v3;
	v4 =	vand.u32 $0xFFFFFFF0, v53  }
0xae: {  	v3 =	vor.u32 v3, v4  }
0xaf: {  	v4 =	vperm.xlane v3, v0;
	_ =	sdelay $0x1  }
0xb0: {  	v3 =	vperm.xlane v3, v2;
	v4 =	vadd.s32 v1, v4;
	_ =	sdelay $0x1  }
0xb1: {  	v3 =	vadd.s32 v1, v3;
	_ =	sdelay $0x2  }
0xb2: {  	[tilespmem:s14], [sflag:$0x2] =	stream.indirect_vreg.gather [hbm4b:s2+s3], $0x80, v4, vm0, $0xb8;
	[tilespmem:$0x18500] =	vst v63  }
0xb3: {  	_ = 	snop  }
0xb4: {  	[tilespmem:s15], [sflag:$0x2] =	stream.indirect_vreg.gather [hbm4b:s2+s3], $0x80, v3, vm0, $0xb8;
	[tilespmem:$0x18500] =	vst v63  }
0xb5: {  	v3 =	vld [tilespmem:$0xE0];
	_ =	sdelay $0x4  }
0xb6: {  	v54 =	vshll.u32 v3, $0x1  }
0xb7: {  	v3 =	vand.u32 $0x7, v3;
	v4 =	vand.u32 $0xFFFFFFF0, v54  }
0xb8: {  	v3 =	vor.u32 v3, v4  }
0xb9: {  	v4 =	vperm.xlane v3, v0;
	_ =	sdelay $0x1  }
0xba: {  	v3 =	vperm.xlane v3, v2;
	v4 =	vadd.s32 v1, v4;
	_ =	sdelay $0x1  }
0xbb: {  	v3 =	vadd.s32 v1, v3;
	_ =	sdelay $0x2  }
0xbc: {  	[tilespmem:s16], [sflag:$0x2] =	stream.indirect_vreg.gather [hbm4b:s2+s3], $0x80, v4, vm0, $0xb8;
	[tilespmem:$0x18500] =	vst v63  }
0xbd: {  	_ = 	snop  }
0xbe: {  	[tilespmem:s17], [sflag:$0x2] =	stream.indirect_vreg.gather [hbm4b:s2+s3], $0x80, v3, vm0, $0xb8;
	[tilespmem:$0x18500] =	vst v63  }
0xbf: {  	v3 =	vld [tilespmem:$0xF0];
	_ =	sdelay $0x4  }
0xc0: {  	v55 =	vshll.u32 v3, $0x1  }
0xc1: {  	v3 =	vand.u32 $0x7, v3;
	v4 =	vand.u32 $0xFFFFFFF0, v55  }
0xc2: {  	v3 =	vor.u32 v3, v4  }
0xc3: {  	v4 =	vperm.xlane v3, v0;
	_ =	sdelay $0x1  }
0xc4: {  	v3 =	vperm.xlane v3, v2;
	v4 =	vadd.s32 v1, v4;
	_ =	sdelay $0x1  }
0xc5: {  	v3 =	vadd.s32 v1, v3;
	_ =	sdelay $0x2  }
0xc6: {  	[tilespmem:s18], [sflag:$0x2] =	stream.indirect_vreg.gather [hbm4b:s2+s3], $0x80, v4, vm0, $0xb8;
	[tilespmem:$0x18500] =	vst v63  }
0xc7: {  	_ = 	snop  }
0xc8: {  	[tilespmem:s19], [sflag:$0x2] =	stream.indirect_vreg.gather [hbm4b:s2+s3], $0x80, v3, vm0, $0xb8;
	[tilespmem:$0x18500] =	vst v63  }
0xc9: {  	_ =	swait.ge [sflag:s29], $0x8000  }
0xca: {  	[sflag:s29] =	ssyncset.done $0x0  }
0xcb: {  	s4 =	rddreg [dreg:$0xf];
	[sflag:s29] =	ssyncadd.s32 $0xFFFF8000  }
0xcc: {  	[hbm4b:s4+s3] =	stream.linear.scatter [tilespmem:s7], [sflag:$0x4], $0x8000, $0x38;
	[tilespmem:$0x18500] =	vst v63  }
0xcd: {  	v3 =	vld [tilespmem:$0x100];
	_ =	sdelay $0x4  }
0xce: {  	v56 =	vshll.u32 v3, $0x1  }
0xcf: {  	v3 =	vand.u32 $0x7, v3;
	v4 =	vand.u32 $0xFFFFFFF0, v56  }
0xd0: {  	v3 =	vor.u32 v3, v4  }
0xd1: {  	v4 =	vperm.xlane v3, v0;
	_ =	sdelay $0x1  }
0xd2: {  	v3 =	vperm.xlane v3, v2;
	v4 =	vadd.s32 v1, v4;
	_ =	sdelay $0x1  }
0xd3: {  	v3 =	vadd.s32 v1, v3;
	_ =	sdelay $0x1  }
0xd4: {  	s4 =	simm.s32 $0x10500  }
0xd5: {  	[tilespmem:s4], [sflag:$0x3] =	stream.indirect_vreg.gather [hbm4b:s2+s3], $0x80, v4, vm0, $0xb8;
	[tilespmem:$0x18500] =	vst v63  }
0xd6: {  	s0 =	simm.s32 $0x10D00  }
0xd7: {  	[tilespmem:s0], [sflag:$0x3] =	stream.indirect_vreg.gather [hbm4b:s2+s3], $0x80, v3, vm0, $0xb8;
	[tilespmem:$0x18500] =	vst v63  }
0xd8: {  	v3 =	vld [tilespmem:$0x110];
	_ =	sdelay $0x4  }
0xd9: {  	v57 =	vshll.u32 v3, $0x1  }
0xda: {  	v3 =	vand.u32 $0x7, v3;
	v4 =	vand.u32 $0xFFFFFFF0, v57  }
0xdb: {  	v3 =	vor.u32 v3, v4  }
0xdc: {  	v4 =	vperm.xlane v3, v0;
	_ =	sdelay $0x1  }
0xdd: {  	v3 =	vperm.xlane v3, v2;
	v4 =	vadd.s32 v1, v4;
	_ =	sdelay $0x1  }
0xde: {  	v3 =	vadd.s32 v1, v3;
	_ =	sdelay $0x1  }
0xdf: {  	s0 =	simm.s32 $0x11500  }
0xe0: {  	[tilespmem:s0], [sflag:$0x3] =	stream.indirect_vreg.gather [hbm4b:s2+s3], $0x80, v4, vm0, $0xb8;
	[tilespmem:$0x18500] =	vst v63  }
0xe1: {  	s0 =	simm.s32 $0x11D00  }
0xe2: {  	[tilespmem:s0], [sflag:$0x3] =	stream.indirect_vreg.gather [hbm4b:s2+s3], $0x80, v3, vm0, $0xb8;
	[tilespmem:$0x18500] =	vst v63  }
0xe3: {  	v3 =	vld [tilespmem:$0x120];
	_ =	sdelay $0x4  }
0xe4: {  	v58 =	vshll.u32 v3, $0x1  }
0xe5: {  	v3 =	vand.u32 $0x7, v3;
	v4 =	vand.u32 $0xFFFFFFF0, v58  }
0xe6: {  	v3 =	vor.u32 v3, v4  }
0xe7: {  	v4 =	vperm.xlane v3, v0;
	_ =	sdelay $0x1  }
0xe8: {  	v3 =	vperm.xlane v3, v2;
	v4 =	vadd.s32 v1, v4;
	_ =	sdelay $0x1  }
0xe9: {  	v3 =	vadd.s32 v1, v3;
	_ =	sdelay $0x1  }
0xea: {  	s0 =	simm.s32 $0x12500  }
0xeb: {  	[tilespmem:s0], [sflag:$0x3] =	stream.indirect_vreg.gather [hbm4b:s2+s3], $0x80, v4, vm0, $0xb8;
	[tilespmem:$0x18500] =	vst v63  }
0xec: {  	s0 =	simm.s32 $0x12D00  }
0xed: {  	[tilespmem:s0], [sflag:$0x3] =	stream.indirect_vreg.gather [hbm4b:s2+s3], $0x80, v3, vm0, $0xb8;
	[tilespmem:$0x18500] =	vst v63  }
0xee: {  	v3 =	vld [tilespmem:$0x130];
	_ =	sdelay $0x4  }
0xef: {  	v59 =	vshll.u32 v3, $0x1  }
0xf0: {  	v3 =	vand.u32 $0x7, v3;
	v4 =	vand.u32 $0xFFFFFFF0, v59  }
0xf1: {  	v3 =	vor.u32 v3, v4  }
0xf2: {  	v4 =	vperm.xlane v3, v0;
	_ =	sdelay $0x1  }
0xf3: {  	v3 =	vperm.xlane v3, v2;
	v4 =	vadd.s32 v1, v4;
	_ =	sdelay $0x1  }
0xf4: {  	v3 =	vadd.s32 v1, v3;
	_ =	sdelay $0x1  }
0xf5: {  	s0 =	simm.s32 $0x13500  }
0xf6: {  	[tilespmem:s0], [sflag:$0x3] =	stream.indirect_vreg.gather [hbm4b:s2+s3], $0x80, v4, vm0, $0xb8;
	[tilespmem:$0x18500] =	vst v63  }
0xf7: {  	s0 =	simm.s32 $0x13D00  }
0xf8: {  	[tilespmem:s0], [sflag:$0x3] =	stream.indirect_vreg.gather [hbm4b:s2+s3], $0x80, v3, vm0, $0xb8;
	[tilespmem:$0x18500] =	vst v63  }
0xf9: {  	v3 =	vld [tilespmem:$0x140];
	_ =	sdelay $0x4  }
0xfa: {  	v60 =	vshll.u32 v3, $0x1  }
0xfb: {  	v3 =	vand.u32 $0x7, v3;
	v4 =	vand.u32 $0xFFFFFFF0, v60  }
0xfc: {  	v3 =	vor.u32 v3, v4  }
0xfd: {  	v4 =	vperm.xlane v3, v0;
	_ =	sdelay $0x1  }
0xfe: {  	v3 =	vperm.xlane v3, v2;
	v4 =	vadd.s32 v1, v4;
	_ =	sdelay $0x1  }
0xff: {  	v3 =	vadd.s32 v1, v3;
	_ =	sdelay $0x1  }
0x100: {  	s0 =	simm.s32 $0x14500  }
0x101: {  	[tilespmem:s0], [sflag:$0x3] =	stream.indirect_vreg.gather [hbm4b:s2+s3], $0x80, v4, vm0, $0xb8;
	[tilespmem:$0x18500] =	vst v63  }
0x102: {  	s0 =	simm.s32 $0x14D00  }
0x103: {  	[tilespmem:s0], [sflag:$0x3] =	stream.indirect_vreg.gather [hbm4b:s2+s3], $0x80, v3, vm0, $0xb8;
	[tilespmem:$0x18500] =	vst v63  }
0x104: {  	v3 =	vld [tilespmem:$0x150];
	_ =	sdelay $0x4  }
0x105: {  	v61 =	vshll.u32 v3, $0x1  }
0x106: {  	v3 =	vand.u32 $0x7, v3;
	v4 =	vand.u32 $0xFFFFFFF0, v61  }
0x107: {  	v3 =	vor.u32 v3, v4  }
0x108: {  	v4 =	vperm.xlane v3, v0;
	_ =	sdelay $0x1  }
0x109: {  	v3 =	vperm.xlane v3, v2;
	v4 =	vadd.s32 v1, v4;
	_ =	sdelay $0x1  }
0x10a: {  	v3 =	vadd.s32 v1, v3;
	_ =	sdelay $0x1  }
0x10b: {  	s0 =	simm.s32 $0x15500  }
0x10c: {  	[tilespmem:s0], [sflag:$0x3] =	stream.indirect_vreg.gather [hbm4b:s2+s3], $0x80, v4, vm0, $0xb8;
	[tilespmem:$0x18500] =	vst v63  }
0x10d: {  	s0 =	simm.s32 $0x15D00  }
0x10e: {  	[tilespmem:s0], [sflag:$0x3] =	stream.indirect_vreg.gather [hbm4b:s2+s3], $0x80, v3, vm0, $0xb8;
	[tilespmem:$0x18500] =	vst v63  }
0x10f: {  	v3 =	vld [tilespmem:$0x160];
	_ =	sdelay $0x4  }
0x110: {  	v62 =	vshll.u32 v3, $0x1  }
0x111: {  	v3 =	vand.u32 $0x7, v3;
	v4 =	vand.u32 $0xFFFFFFF0, v62  }
0x112: {  	v3 =	vor.u32 v3, v4  }
0x113: {  	v4 =	vperm.xlane v3, v0;
	_ =	sdelay $0x1  }
0x114: {  	v3 =	vperm.xlane v3, v2;
	v4 =	vadd.s32 v1, v4;
	_ =	sdelay $0x1  }
0x115: {  	v3 =	vadd.s32 v1, v3;
	_ =	sdelay $0x1  }
0x116: {  	s0 =	simm.s32 $0x16500  }
0x117: {  	[tilespmem:s0], [sflag:$0x3] =	stream.indirect_vreg.gather [hbm4b:s2+s3], $0x80, v4, vm0, $0xb8;
	[tilespmem:$0x18500] =	vst v63  }
0x118: {  	s0 =	simm.s32 $0x16D00  }
0x119: {  	[tilespmem:s0], [sflag:$0x3] =	stream.indirect_vreg.gather [hbm4b:s2+s3], $0x80, v3, vm0, $0xb8;
	[tilespmem:$0x18500] =	vst v63  }
0x11a: {  	v3 =	vld [tilespmem:$0x170];
	_ =	sdelay $0x4  }
0x11b: {  	v63 =	vshll.u32 v3, $0x1  }
0x11c: {  	v3 =	vand.u32 $0x7, v3;
	v4 =	vand.u32 $0xFFFFFFF0, v63  }
0x11d: {  	v3 =	vor.u32 v3, v4  }
0x11e: {  	v4 =	vperm.xlane v3, v0;
	_ =	sdelay $0x1  }
0x11f: {  	v3 =	vperm.xlane v3, v2;
	v4 =	vadd.s32 v1, v4;
	_ =	sdelay $0x1  }
0x120: {  	v3 =	vadd.s32 v1, v3;
	_ =	sdelay $0x1  }
0x121: {  	s0 =	simm.s32 $0x17500  }
0x122: {  	[tilespmem:s0], [sflag:$0x3] =	stream.indirect_vreg.gather [hbm4b:s2+s3], $0x80, v4, vm0, $0xb8;
	[tilespmem:$0x18500] =	vst v63  }
0x123: {  	s0 =	simm.s32 $0x17D00  }
0x124: {  	[tilespmem:s0], [sflag:$0x3] =	stream.indirect_vreg.gather [hbm4b:s2+s3], $0x80, v3, vm0, $0xb8;
	[tilespmem:$0x18500] =	vst v63  }
0x125: {  	_ =	swait.ge [sflag:s25], $0x8000  }
0x126: {  	[sflag:s25] =	ssyncset.done $0x0  }
0x127: {  	s0 =	rddreg [dreg:$0x4];
	[sflag:s25] =	ssyncadd.s32 $0xFFFF8000  }
0x128: {  	[hbm4b:s0+s3] =	stream.linear.scatter [tilespmem:s30], [sflag:$0x5], $0x8000, $0x38;
	[tilespmem:$0x18500] =	vst v63  }
0x129: {  	_ =	swait.ge [sflag:s26], $0x8000  }
0x12a: {  	[sflag:s26] =	ssyncset.done $0x0  }
0x12b: {  	[sflag:s26] =	ssyncadd.s32 $0xFFFF8000  }
0x12c: {  	v3 =	vld [tilespmem:$0x180];
	_ =	sdelay $0x4  }
0x12d: {  	v8 =	vshll.u32 v3, $0x1  }
0x12e: {  	v3 =	vand.u32 $0x7, v3;
	v4 =	vand.u32 $0xFFFFFFF0, v8  }
0x12f: {  	v3 =	vor.u32 v3, v4  }
0x130: {  	v4 =	vperm.xlane v3, v0;
	_ =	sdelay $0x1  }
0x131: {  	v3 =	vperm.xlane v3, v2;
	v4 =	vadd.s32 v1, v4;
	_ =	sdelay $0x1  }
0x132: {  	v3 =	vadd.s32 v1, v3;
	_ =	sdelay $0x2  }
0x133: {  	[tilespmem:s7], [sflag:$0x1] =	stream.indirect_vreg.gather [hbm4b:s2+s3], $0x80, v4, vm0, $0xb8;
	[tilespmem:$0x18500] =	vst v63  }
0x134: {  	s21 =	simm.s32 $0xD00  }
0x135: {  	[tilespmem:s21], [sflag:$0x1] =	stream.indirect_vreg.gather [hbm4b:s2+s3], $0x80, v3, vm0, $0xb8;
	[tilespmem:$0x18500] =	vst v63  }
0x136: {  	v3 =	vld [tilespmem:$0x190];
	_ =	sdelay $0x4  }
0x137: {  	v9 =	vshll.u32 v3, $0x1  }
0x138: {  	v3 =	vand.u32 $0x7, v3;
	v4 =	vand.u32 $0xFFFFFFF0, v9  }
0x139: {  	v3 =	vor.u32 v3, v4  }
0x13a: {  	v4 =	vperm.xlane v3, v0;
	_ =	sdelay $0x1  }
0x13b: {  	v3 =	vperm.xlane v3, v2;
	v4 =	vadd.s32 v1, v4;
	_ =	sdelay $0x1  }
0x13c: {  	v3 =	vadd.s32 v1, v3;
	_ =	sdelay $0x1  }
0x13d: {  	s21 =	simm.s32 $0x1500  }
0x13e: {  	[tilespmem:s21], [sflag:$0x1] =	stream.indirect_vreg.gather [hbm4b:s2+s3], $0x80, v4, vm0, $0xb8;
	[tilespmem:$0x18500] =	vst v63  }
0x13f: {  	s22 =	simm.s32 $0x1D00  }
0x140: {  	[tilespmem:s22], [sflag:$0x1] =	stream.indirect_vreg.gather [hbm4b:s2+s3], $0x80, v3, vm0, $0xb8;
	[tilespmem:$0x18500] =	vst v63  }
0x141: {  	v3 =	vld [tilespmem:$0x1A0];
	_ =	sdelay $0x4  }
0x142: {  	v10 =	vshll.u32 v3, $0x1  }
0x143: {  	v3 =	vand.u32 $0x7, v3;
	v4 =	vand.u32 $0xFFFFFFF0, v10  }
0x144: {  	v3 =	vor.u32 v3, v4  }
0x145: {  	v4 =	vperm.xlane v3, v0;
	_ =	sdelay $0x1  }
0x146: {  	v3 =	vperm.xlane v3, v2;
	v4 =	vadd.s32 v1, v4;
	_ =	sdelay $0x1  }
0x147: {  	v3 =	vadd.s32 v1, v3;
	_ =	sdelay $0x1  }
0x148: {  	s22 =	simm.s32 $0x2500  }
0x149: {  	[tilespmem:s22], [sflag:$0x1] =	stream.indirect_vreg.gather [hbm4b:s2+s3], $0x80, v4, vm0, $0xb8;
	[tilespmem:$0x18500] =	vst v63  }
0x14a: {  	s23 =	simm.s32 $0x2D00  }
0x14b: {  	[tilespmem:s23], [sflag:$0x1] =	stream.indirect_vreg.gather [hbm4b:s2+s3], $0x80, v3, vm0, $0xb8;
	[tilespmem:$0x18500] =	vst v63  }
0x14c: {  	v3 =	vld [tilespmem:$0x1B0];
	_ =	sdelay $0x4  }
0x14d: {  	v11 =	vshll.u32 v3, $0x1  }
0x14e: {  	v3 =	vand.u32 $0x7, v3;
	v4 =	vand.u32 $0xFFFFFFF0, v11  }
0x14f: {  	v3 =	vor.u32 v3, v4  }
0x150: {  	v4 =	vperm.xlane v3, v0;
	_ =	sdelay $0x1  }
0x151: {  	v3 =	vperm.xlane v3, v2;
	v4 =	vadd.s32 v1, v4;
	_ =	sdelay $0x1  }
0x152: {  	v3 =	vadd.s32 v1, v3;
	_ =	sdelay $0x1  }
0x153: {  	s21 =	simm.s32 $0x3500  }
0x154: {  	[tilespmem:s21], [sflag:$0x1] =	stream.indirect_vreg.gather [hbm4b:s2+s3], $0x80, v4, vm0, $0xb8;
	[tilespmem:$0x18500] =	vst v63  }
0x155: {  	s22 =	simm.s32 $0x3D00  }
0x156: {  	[tilespmem:s22], [sflag:$0x1] =	stream.indirect_vreg.gather [hbm4b:s2+s3], $0x80, v3, vm0, $0xb8;
	[tilespmem:$0x18500] =	vst v63  }
0x157: {  	v3 =	vld [tilespmem:$0x1C0];
	_ =	sdelay $0x4  }
0x158: {  	v12 =	vshll.u32 v3, $0x1  }
0x159: {  	v3 =	vand.u32 $0x7, v3;
	v4 =	vand.u32 $0xFFFFFFF0, v12  }
0x15a: {  	v3 =	vor.u32 v3, v4  }
0x15b: {  	v4 =	vperm.xlane v3, v0;
	_ =	sdelay $0x1  }
0x15c: {  	v3 =	vperm.xlane v3, v2;
	v4 =	vadd.s32 v1, v4;
	_ =	sdelay $0x1  }
0x15d: {  	v3 =	vadd.s32 v1, v3;
	_ =	sdelay $0x1  }
0x15e: {  	s23 =	simm.s32 $0x4500  }
0x15f: {  	[tilespmem:s23], [sflag:$0x1] =	stream.indirect_vreg.gather [hbm4b:s2+s3], $0x80, v4, vm0, $0xb8;
	[tilespmem:$0x18500] =	vst v63  }
0x160: {  	s21 =	simm.s32 $0x4D00  }
0x161: {  	[tilespmem:s21], [sflag:$0x1] =	stream.indirect_vreg.gather [hbm4b:s2+s3], $0x80, v3, vm0, $0xb8;
	[tilespmem:$0x18500] =	vst v63  }
0x162: {  	v3 =	vld [tilespmem:$0x1D0];
	_ =	sdelay $0x4  }
0x163: {  	v13 =	vshll.u32 v3, $0x1  }
0x164: {  	v3 =	vand.u32 $0x7, v3;
	v4 =	vand.u32 $0xFFFFFFF0, v13  }
0x165: {  	v3 =	vor.u32 v3, v4  }
0x166: {  	v4 =	vperm.xlane v3, v0;
	_ =	sdelay $0x1  }
0x167: {  	v3 =	vperm.xlane v3, v2;
	v4 =	vadd.s32 v1, v4;
	_ =	sdelay $0x1  }
0x168: {  	v3 =	vadd.s32 v1, v3;
	_ =	sdelay $0x1  }
0x169: {  	s22 =	simm.s32 $0x5500  }
0x16a: {  	[tilespmem:s22], [sflag:$0x1] =	stream.indirect_vreg.gather [hbm4b:s2+s3], $0x80, v4, vm0, $0xb8;
	[tilespmem:$0x18500] =	vst v63  }
0x16b: {  	s23 =	simm.s32 $0x5D00  }
0x16c: {  	[tilespmem:s23], [sflag:$0x1] =	stream.indirect_vreg.gather [hbm4b:s2+s3], $0x80, v3, vm0, $0xb8;
	[tilespmem:$0x18500] =	vst v63  }
0x16d: {  	v3 =	vld [tilespmem:$0x1E0];
	_ =	sdelay $0x4  }
0x16e: {  	v14 =	vshll.u32 v3, $0x1  }
0x16f: {  	v3 =	vand.u32 $0x7, v3;
	v4 =	vand.u32 $0xFFFFFFF0, v14  }
0x170: {  	v3 =	vor.u32 v3, v4  }
0x171: {  	v4 =	vperm.xlane v3, v0;
	_ =	sdelay $0x1  }
0x172: {  	v3 =	vperm.xlane v3, v2;
	v4 =	vadd.s32 v1, v4;
	_ =	sdelay $0x1  }
0x173: {  	v3 =	vadd.s32 v1, v3;
	_ =	sdelay $0x1  }
0x174: {  	s21 =	simm.s32 $0x6500  }
0x175: {  	[tilespmem:s21], [sflag:$0x1] =	stream.indirect_vreg.gather [hbm4b:s2+s3], $0x80, v4, vm0, $0xb8;
	[tilespmem:$0x18500] =	vst v63  }
0x176: {  	s22 =	simm.s32 $0x6D00  }
0x177: {  	[tilespmem:s22], [sflag:$0x1] =	stream.indirect_vreg.gather [hbm4b:s2+s3], $0x80, v3, vm0, $0xb8;
	[tilespmem:$0x18500] =	vst v63  }
0x178: {  	v3 =	vld [tilespmem:$0x1F0];
	_ =	sdelay $0x4  }
0x179: {  	v15 =	vshll.u32 v3, $0x1  }
0x17a: {  	v3 =	vand.u32 $0x7, v3;
	v4 =	vand.u32 $0xFFFFFFF0, v15  }
0x17b: {  	v3 =	vor.u32 v3, v4  }
0x17c: {  	v4 =	vperm.xlane v3, v0;
	_ =	sdelay $0x1  }
0x17d: {  	v3 =	vperm.xlane v3, v2;
	v4 =	vadd.s32 v1, v4;
	_ =	sdelay $0x1  }
0x17e: {  	v3 =	vadd.s32 v1, v3;
	_ =	sdelay $0x1  }
0x17f: {  	s23 =	simm.s32 $0x7500  }
0x180: {  	[tilespmem:s23], [sflag:$0x1] =	stream.indirect_vreg.gather [hbm4b:s2+s3], $0x80, v4, vm0, $0xb8;
	[tilespmem:$0x18500] =	vst v63  }
0x181: {  	s21 =	simm.s32 $0x7D00  }
0x182: {  	[tilespmem:s21], [sflag:$0x1] =	stream.indirect_vreg.gather [hbm4b:s2+s3], $0x80, v3, vm0, $0xb8;
	[tilespmem:$0x18500] =	vst v63  }
0x183: {  	_ =	swait.ge [sflag:s28], $0x8000  }
0x184: {  	[sflag:s28] =	ssyncset.done $0x0  }
0x185: {  	s22 =	rddreg [dreg:$0x5];
	[sflag:s28] =	ssyncadd.s32 $0xFFFF8000  }
0x186: {  	[hbm4b:s22+s3] =	stream.linear.scatter [tilespmem:s4], [sflag:$0x6], $0x8000, $0x38;
	[tilespmem:$0x18500] =	vst v63  }
0x187: {  	_ =	swait.ge [sflag:s31], $0x8000  }
0x188: {  	[sflag:s31] =	ssyncset.done $0x0  }
0x189: {  	[sflag:s31] =	ssyncadd.s32 $0xFFFF8000  }
0x18a: {  	v3 =	vld [tilespmem:$0x200];
	_ =	sdelay $0x4  }
0x18b: {  	v16 =	vshll.u32 v3, $0x1  }
0x18c: {  	v3 =	vand.u32 $0x7, v3;
	v4 =	vand.u32 $0xFFFFFFF0, v16  }
0x18d: {  	v3 =	vor.u32 v3, v4  }
0x18e: {  	v4 =	vperm.xlane v3, v0;
	_ =	sdelay $0x1  }
0x18f: {  	v3 =	vperm.xlane v3, v2;
	v4 =	vadd.s32 v1, v4;
	_ =	sdelay $0x1  }
0x190: {  	v3 =	vadd.s32 v1, v3;
	_ =	sdelay $0x2  }
0x191: {  	[tilespmem:s30], [sflag:$0x2] =	stream.indirect_vreg.gather [hbm4b:s2+s3], $0x80, v4, vm0, $0xb8;
	[tilespmem:$0x18500] =	vst v63  }
0x192: {  	_ = 	snop  }
0x193: {  	[tilespmem:s20], [sflag:$0x2] =	stream.indirect_vreg.gather [hbm4b:s2+s3], $0x80, v3, vm0, $0xb8;
	[tilespmem:$0x18500] =	vst v63  }
0x194: {  	v3 =	vld [tilespmem:$0x210];
	_ =	sdelay $0x4  }
0x195: {  	v17 =	vshll.u32 v3, $0x1  }
0x196: {  	v3 =	vand.u32 $0x7, v3;
	v4 =	vand.u32 $0xFFFFFFF0, v17  }
0x197: {  	v3 =	vor.u32 v3, v4  }
0x198: {  	v4 =	vperm.xlane v3, v0;
	_ =	sdelay $0x1  }
0x199: {  	v3 =	vperm.xlane v3, v2;
	v4 =	vadd.s32 v1, v4;
	_ =	sdelay $0x1  }
0x19a: {  	v3 =	vadd.s32 v1, v3;
	_ =	sdelay $0x2  }
0x19b: {  	[tilespmem:s6], [sflag:$0x2] =	stream.indirect_vreg.gather [hbm4b:s2+s3], $0x80, v4, vm0, $0xb8;
	[tilespmem:$0x18500] =	vst v63  }
0x19c: {  	_ = 	snop  }
0x19d: {  	[tilespmem:s24], [sflag:$0x2] =	stream.indirect_vreg.gather [hbm4b:s2+s3], $0x80, v3, vm0, $0xb8;
	[tilespmem:$0x18500] =	vst v63  }
0x19e: {  	v3 =	vld [tilespmem:$0x220];
	_ =	sdelay $0x4  }
0x19f: {  	v18 =	vshll.u32 v3, $0x1  }
0x1a0: {  	v3 =	vand.u32 $0x7, v3;
	v4 =	vand.u32 $0xFFFFFFF0, v18  }
0x1a1: {  	v3 =	vor.u32 v3, v4  }
0x1a2: {  	v4 =	vperm.xlane v3, v0;
	_ =	sdelay $0x1  }
0x1a3: {  	v3 =	vperm.xlane v3, v2;
	v4 =	vadd.s32 v1, v4;
	_ =	sdelay $0x1  }
0x1a4: {  	v3 =	vadd.s32 v1, v3;
	_ =	sdelay $0x2  }
0x1a5: {  	[tilespmem:s8], [sflag:$0x2] =	stream.indirect_vreg.gather [hbm4b:s2+s3], $0x80, v4, vm0, $0xb8;
	[tilespmem:$0x18500] =	vst v63  }
0x1a6: {  	_ = 	snop  }
0x1a7: {  	[tilespmem:s9], [sflag:$0x2] =	stream.indirect_vreg.gather [hbm4b:s2+s3], $0x80, v3, vm0, $0xb8;
	[tilespmem:$0x18500] =	vst v63  }
0x1a8: {  	v3 =	vld [tilespmem:$0x230];
	_ =	sdelay $0x4  }
0x1a9: {  	v19 =	vshll.u32 v3, $0x1  }
0x1aa: {  	v3 =	vand.u32 $0x7, v3;
	v4 =	vand.u32 $0xFFFFFFF0, v19  }
0x1ab: {  	v3 =	vor.u32 v3, v4  }
0x1ac: {  	v4 =	vperm.xlane v3, v0;
	_ =	sdelay $0x1  }
0x1ad: {  	v3 =	vperm.xlane v3, v2;
	v4 =	vadd.s32 v1, v4;
	_ =	sdelay $0x1  }
0x1ae: {  	v3 =	vadd.s32 v1, v3;
	_ =	sdelay $0x2  }
0x1af: {  	[tilespmem:s10], [sflag:$0x2] =	stream.indirect_vreg.gather [hbm4b:s2+s3], $0x80, v4, vm0, $0xb8;
	[tilespmem:$0x18500] =	vst v63  }
0x1b0: {  	_ = 	snop  }
0x1b1: {  	[tilespmem:s11], [sflag:$0x2] =	stream.indirect_vreg.gather [hbm4b:s2+s3], $0x80, v3, vm0, $0xb8;
	[tilespmem:$0x18500] =	vst v63  }
0x1b2: {  	v3 =	vld [tilespmem:$0x240];
	_ =	sdelay $0x4  }
0x1b3: {  	v20 =	vshll.u32 v3, $0x1  }
0x1b4: {  	v3 =	vand.u32 $0x7, v3;
	v4 =	vand.u32 $0xFFFFFFF0, v20  }
0x1b5: {  	v3 =	vor.u32 v3, v4  }
0x1b6: {  	v4 =	vperm.xlane v3, v0;
	_ =	sdelay $0x1  }
0x1b7: {  	v3 =	vperm.xlane v3, v2;
	v4 =	vadd.s32 v1, v4;
	_ =	sdelay $0x1  }
0x1b8: {  	v3 =	vadd.s32 v1, v3;
	_ =	sdelay $0x2  }
0x1b9: {  	[tilespmem:s12], [sflag:$0x2] =	stream.indirect_vreg.gather [hbm4b:s2+s3], $0x80, v4, vm0, $0xb8;
	[tilespmem:$0x18500] =	vst v63  }
0x1ba: {  	_ = 	snop  }
0x1bb: {  	[tilespmem:s13], [sflag:$0x2] =	stream.indirect_vreg.gather [hbm4b:s2+s3], $0x80, v3, vm0, $0xb8;
	[tilespmem:$0x18500] =	vst v63  }
0x1bc: {  	v3 =	vld [tilespmem:$0x250];
	_ =	sdelay $0x4  }
0x1bd: {  	v21 =	vshll.u32 v3, $0x1  }
0x1be: {  	v3 =	vand.u32 $0x7, v3;
	v4 =	vand.u32 $0xFFFFFFF0, v21  }
0x1bf: {  	v3 =	vor.u32 v3, v4  }
0x1c0: {  	v4 =	vperm.xlane v3, v0;
	_ =	sdelay $0x1  }
0x1c1: {  	v3 =	vperm.xlane v3, v2;
	v4 =	vadd.s32 v1, v4;
	_ =	sdelay $0x1  }
0x1c2: {  	v3 =	vadd.s32 v1, v3;
	_ =	sdelay $0x2  }
0x1c3: {  	[tilespmem:s14], [sflag:$0x2] =	stream.indirect_vreg.gather [hbm4b:s2+s3], $0x80, v4, vm0, $0xb8;
	[tilespmem:$0x18500] =	vst v63  }
0x1c4: {  	_ = 	snop  }
0x1c5: {  	[tilespmem:s15], [sflag:$0x2] =	stream.indirect_vreg.gather [hbm4b:s2+s3], $0x80, v3, vm0, $0xb8;
	[tilespmem:$0x18500] =	vst v63  }
0x1c6: {  	v3 =	vld [tilespmem:$0x260];
	_ =	sdelay $0x4  }
0x1c7: {  	v22 =	vshll.u32 v3, $0x1  }
0x1c8: {  	v3 =	vand.u32 $0x7, v3;
	v4 =	vand.u32 $0xFFFFFFF0, v22  }
0x1c9: {  	v3 =	vor.u32 v3, v4  }
0x1ca: {  	v4 =	vperm.xlane v3, v0;
	_ =	sdelay $0x1  }
0x1cb: {  	v3 =	vperm.xlane v3, v2;
	v4 =	vadd.s32 v1, v4;
	_ =	sdelay $0x1  }
0x1cc: {  	v3 =	vadd.s32 v1, v3;
	_ =	sdelay $0x2  }
0x1cd: {  	[tilespmem:s16], [sflag:$0x2] =	stream.indirect_vreg.gather [hbm4b:s2+s3], $0x80, v4, vm0, $0xb8;
	[tilespmem:$0x18500] =	vst v63  }
0x1ce: {  	_ = 	snop  }
0x1cf: {  	[tilespmem:s17], [sflag:$0x2] =	stream.indirect_vreg.gather [hbm4b:s2+s3], $0x80, v3, vm0, $0xb8;
	[tilespmem:$0x18500] =	vst v63  }
0x1d0: {  	v3 =	vld [tilespmem:$0x270];
	_ =	sdelay $0x4  }
0x1d1: {  	v23 =	vshll.u32 v3, $0x1  }
0x1d2: {  	v3 =	vand.u32 $0x7, v3;
	v4 =	vand.u32 $0xFFFFFFF0, v23  }
0x1d3: {  	v3 =	vor.u32 v3, v4  }
0x1d4: {  	v4 =	vperm.xlane v3, v0;
	_ =	sdelay $0x1  }
0x1d5: {  	v3 =	vperm.xlane v3, v2;
	v4 =	vadd.s32 v1, v4;
	_ =	sdelay $0x1  }
0x1d6: {  	v3 =	vadd.s32 v1, v3;
	_ =	sdelay $0x2  }
0x1d7: {  	[tilespmem:s18], [sflag:$0x2] =	stream.indirect_vreg.gather [hbm4b:s2+s3], $0x80, v4, vm0, $0xb8;
	[tilespmem:$0x18500] =	vst v63  }
0x1d8: {  	_ = 	snop  }
0x1d9: {  	[tilespmem:s19], [sflag:$0x2] =	stream.indirect_vreg.gather [hbm4b:s2+s3], $0x80, v3, vm0, $0xb8;
	[tilespmem:$0x18500] =	vst v63  }
0x1da: {  	_ =	swait.ge [sflag:s29], $0x8000  }
0x1db: {  	[sflag:s29] =	ssyncset.done $0x0  }
0x1dc: {  	s23 =	rddreg [dreg:$0x6];
	[sflag:s29] =	ssyncadd.s32 $0xFFFF8000  }
0x1dd: {  	[hbm4b:s23+s3] =	stream.linear.scatter [tilespmem:s7], [sflag:$0x4], $0x8000, $0x38;
	[tilespmem:$0x18500] =	vst v63  }
0x1de: {  	_ =	swait.ge [sflag:s1], $0x8000  }
0x1df: {  	[sflag:s1] =	ssyncset.done $0x0  }
0x1e0: {  	[sflag:s1] =	ssyncadd.s32 $0xFFFF8000  }
0x1e1: {  	v3 =	vld [tilespmem:$0x280];
	_ =	sdelay $0x4  }
0x1e2: {  	v24 =	vshll.u32 v3, $0x1  }
0x1e3: {  	v3 =	vand.u32 $0x7, v3;
	v4 =	vand.u32 $0xFFFFFFF0, v24  }
0x1e4: {  	v3 =	vor.u32 v3, v4  }
0x1e5: {  	v4 =	vperm.xlane v3, v0;
	_ =	sdelay $0x1  }
0x1e6: {  	v3 =	vperm.xlane v3, v2;
	v4 =	vadd.s32 v1, v4;
	_ =	sdelay $0x1  }
0x1e7: {  	v3 =	vadd.s32 v1, v3;
	_ =	sdelay $0x2  }
0x1e8: {  	[tilespmem:s4], [sflag:$0x3] =	stream.indirect_vreg.gather [hbm4b:s2+s3], $0x80, v4, vm0, $0xb8;
	[tilespmem:$0x18500] =	vst v63  }
0x1e9: {  	s21 =	simm.s32 $0x10D00  }
0x1ea: {  	[tilespmem:s21], [sflag:$0x3] =	stream.indirect_vreg.gather [hbm4b:s2+s3], $0x80, v3, vm0, $0xb8;
	[tilespmem:$0x18500] =	vst v63  }
0x1eb: {  	v3 =	vld [tilespmem:$0x290];
	_ =	sdelay $0x4  }
0x1ec: {  	v25 =	vshll.u32 v3, $0x1  }
0x1ed: {  	v3 =	vand.u32 $0x7, v3;
	v4 =	vand.u32 $0xFFFFFFF0, v25  }
0x1ee: {  	v3 =	vor.u32 v3, v4  }
0x1ef: {  	v4 =	vperm.xlane v3, v0;
	_ =	sdelay $0x1  }
0x1f0: {  	v3 =	vperm.xlane v3, v2;
	v4 =	vadd.s32 v1, v4;
	_ =	sdelay $0x1  }
0x1f1: {  	v3 =	vadd.s32 v1, v3;
	_ =	sdelay $0x1  }
0x1f2: {  	s22 =	simm.s32 $0x11500  }
0x1f3: {  	[tilespmem:s22], [sflag:$0x3] =	stream.indirect_vreg.gather [hbm4b:s2+s3], $0x80, v4, vm0, $0xb8;
	[tilespmem:$0x18500] =	vst v63  }
0x1f4: {  	s23 =	simm.s32 $0x11D00  }
0x1f5: {  	[tilespmem:s23], [sflag:$0x3] =	stream.indirect_vreg.gather [hbm4b:s2+s3], $0x80, v3, vm0, $0xb8;
	[tilespmem:$0x18500] =	vst v63  }
0x1f6: {  	v3 =	vld [tilespmem:$0x2A0];
	_ =	sdelay $0x4  }
0x1f7: {  	v26 =	vshll.u32 v3, $0x1  }
0x1f8: {  	v3 =	vand.u32 $0x7, v3;
	v4 =	vand.u32 $0xFFFFFFF0, v26  }
0x1f9: {  	v3 =	vor.u32 v3, v4  }
0x1fa: {  	v4 =	vperm.xlane v3, v0;
	_ =	sdelay $0x1  }
0x1fb: {  	v3 =	vperm.xlane v3, v2;
	v4 =	vadd.s32 v1, v4;
	_ =	sdelay $0x1  }
0x1fc: {  	v3 =	vadd.s32 v1, v3;
	_ =	sdelay $0x1  }
0x1fd: {  	s22 =	simm.s32 $0x12500  }
0x1fe: {  	[tilespmem:s22], [sflag:$0x3] =	stream.indirect_vreg.gather [hbm4b:s2+s3], $0x80, v4, vm0, $0xb8;
	[tilespmem:$0x18500] =	vst v63  }
0x1ff: {  	s23 =	simm.s32 $0x12D00  }
0x200: {  	[tilespmem:s23], [sflag:$0x3] =	stream.indirect_vreg.gather [hbm4b:s2+s3], $0x80, v3, vm0, $0xb8;
	[tilespmem:$0x18500] =	vst v63  }
0x201: {  	v3 =	vld [tilespmem:$0x2B0];
	_ =	sdelay $0x4  }
0x202: {  	v27 =	vshll.u32 v3, $0x1  }
0x203: {  	v3 =	vand.u32 $0x7, v3;
	v4 =	vand.u32 $0xFFFFFFF0, v27  }
0x204: {  	v3 =	vor.u32 v3, v4  }
0x205: {  	v4 =	vperm.xlane v3, v0;
	_ =	sdelay $0x1  }
0x206: {  	v3 =	vperm.xlane v3, v2;
	v4 =	vadd.s32 v1, v4;
	_ =	sdelay $0x1  }
0x207: {  	v3 =	vadd.s32 v1, v3;
	_ =	sdelay $0x1  }
0x208: {  	s23 =	simm.s32 $0x13500  }
0x209: {  	[tilespmem:s23], [sflag:$0x3] =	stream.indirect_vreg.gather [hbm4b:s2+s3], $0x80, v4, vm0, $0xb8;
	[tilespmem:$0x18500] =	vst v63  }
0x20a: {  	s0 =	simm.s32 $0x13D00  }
0x20b: {  	[tilespmem:s0], [sflag:$0x3] =	stream.indirect_vreg.gather [hbm4b:s2+s3], $0x80, v3, vm0, $0xb8;
	[tilespmem:$0x18500] =	vst v63  }
0x20c: {  	v3 =	vld [tilespmem:$0x2C0];
	_ =	sdelay $0x4  }
0x20d: {  	v28 =	vshll.u32 v3, $0x1  }
0x20e: {  	v3 =	vand.u32 $0x7, v3;
	v4 =	vand.u32 $0xFFFFFFF0, v28  }
0x20f: {  	v3 =	vor.u32 v3, v4  }
0x210: {  	v4 =	vperm.xlane v3, v0;
	_ =	sdelay $0x1  }
0x211: {  	v3 =	vperm.xlane v3, v2;
	v4 =	vadd.s32 v1, v4;
	_ =	sdelay $0x1  }
0x212: {  	v3 =	vadd.s32 v1, v3;
	_ =	sdelay $0x1  }
0x213: {  	s0 =	simm.s32 $0x14500  }
0x214: {  	[tilespmem:s0], [sflag:$0x3] =	stream.indirect_vreg.gather [hbm4b:s2+s3], $0x80, v4, vm0, $0xb8;
	[tilespmem:$0x18500] =	vst v63  }
0x215: {  	s0 =	simm.s32 $0x14D00  }
0x216: {  	[tilespmem:s0], [sflag:$0x3] =	stream.indirect_vreg.gather [hbm4b:s2+s3], $0x80, v3, vm0, $0xb8;
	[tilespmem:$0x18500] =	vst v63  }
0x217: {  	v3 =	vld [tilespmem:$0x2D0];
	_ =	sdelay $0x4  }
0x218: {  	v29 =	vshll.u32 v3, $0x1  }
0x219: {  	v3 =	vand.u32 $0x7, v3;
	v4 =	vand.u32 $0xFFFFFFF0, v29  }
0x21a: {  	v3 =	vor.u32 v3, v4  }
0x21b: {  	v4 =	vperm.xlane v3, v0;
	_ =	sdelay $0x1  }
0x21c: {  	v3 =	vperm.xlane v3, v2;
	v4 =	vadd.s32 v1, v4;
	_ =	sdelay $0x1  }
0x21d: {  	v3 =	vadd.s32 v1, v3;
	_ =	sdelay $0x1  }
0x21e: {  	s0 =	simm.s32 $0x15500  }
0x21f: {  	[tilespmem:s0], [sflag:$0x3] =	stream.indirect_vreg.gather [hbm4b:s2+s3], $0x80, v4, vm0, $0xb8;
	[tilespmem:$0x18500] =	vst v63  }
0x220: {  	s0 =	simm.s32 $0x15D00  }
0x221: {  	[tilespmem:s0], [sflag:$0x3] =	stream.indirect_vreg.gather [hbm4b:s2+s3], $0x80, v3, vm0, $0xb8;
	[tilespmem:$0x18500] =	vst v63  }
0x222: {  	v3 =	vld [tilespmem:$0x2E0];
	_ =	sdelay $0x4  }
0x223: {  	v30 =	vshll.u32 v3, $0x1  }
0x224: {  	v3 =	vand.u32 $0x7, v3;
	v4 =	vand.u32 $0xFFFFFFF0, v30  }
0x225: {  	v3 =	vor.u32 v3, v4  }
0x226: {  	v4 =	vperm.xlane v3, v0;
	_ =	sdelay $0x1  }
0x227: {  	v3 =	vperm.xlane v3, v2;
	v4 =	vadd.s32 v1, v4;
	_ =	sdelay $0x1  }
0x228: {  	v3 =	vadd.s32 v1, v3;
	_ =	sdelay $0x1  }
0x229: {  	s0 =	simm.s32 $0x16500  }
0x22a: {  	[tilespmem:s0], [sflag:$0x3] =	stream.indirect_vreg.gather [hbm4b:s2+s3], $0x80, v4, vm0, $0xb8;
	[tilespmem:$0x18500] =	vst v63  }
0x22b: {  	s0 =	simm.s32 $0x16D00  }
0x22c: {  	[tilespmem:s0], [sflag:$0x3] =	stream.indirect_vreg.gather [hbm4b:s2+s3], $0x80, v3, vm0, $0xb8;
	[tilespmem:$0x18500] =	vst v63  }
0x22d: {  	v3 =	vld [tilespmem:$0x2F0];
	_ =	sdelay $0x4  }
0x22e: {  	v31 =	vshll.u32 v3, $0x1  }
0x22f: {  	v3 =	vand.u32 $0x7, v3;
	v4 =	vand.u32 $0xFFFFFFF0, v31  }
0x230: {  	v3 =	vor.u32 v3, v4  }
0x231: {  	v4 =	vperm.xlane v3, v0;
	_ =	sdelay $0x1  }
0x232: {  	v3 =	vperm.xlane v3, v2;
	v4 =	vadd.s32 v1, v4;
	_ =	sdelay $0x1  }
0x233: {  	v3 =	vadd.s32 v1, v3;
	_ =	sdelay $0x1  }
0x234: {  	s0 =	simm.s32 $0x17500  }
0x235: {  	[tilespmem:s0], [sflag:$0x3] =	stream.indirect_vreg.gather [hbm4b:s2+s3], $0x80, v4, vm0, $0xb8;
	[tilespmem:$0x18500] =	vst v63  }
0x236: {  	s0 =	simm.s32 $0x17D00  }
0x237: {  	[tilespmem:s0], [sflag:$0x3] =	stream.indirect_vreg.gather [hbm4b:s2+s3], $0x80, v3, vm0, $0xb8;
	[tilespmem:$0x18500] =	vst v63  }
0x238: {  	_ =	swait.ge [sflag:s25], $0x8000  }
0x239: {  	[sflag:s25] =	ssyncset.done $0x0  }
0x23a: {  	s0 =	rddreg [dreg:$0x7];
	[sflag:s25] =	ssyncadd.s32 $0xFFFF8000  }
0x23b: {  	[hbm4b:s0+s3] =	stream.linear.scatter [tilespmem:s30], [sflag:$0x5], $0x8000, $0x38;
	[tilespmem:$0x18500] =	vst v63  }
0x23c: {  	_ =	swait.ge [sflag:s26], $0x8000  }
0x23d: {  	[sflag:s26] =	ssyncset.done $0x0  }
0x23e: {  	[sflag:s26] =	ssyncadd.s32 $0xFFFF8000  }
0x23f: {  	v3 =	vld [tilespmem:$0x300];
	_ =	sdelay $0x4  }
0x240: {  	v32 =	vshll.u32 v3, $0x1  }
0x241: {  	v3 =	vand.u32 $0x7, v3;
	v4 =	vand.u32 $0xFFFFFFF0, v32  }
0x242: {  	v3 =	vor.u32 v3, v4  }
0x243: {  	v4 =	vperm.xlane v3, v0;
	_ =	sdelay $0x1  }
0x244: {  	v3 =	vperm.xlane v3, v2;
	v4 =	vadd.s32 v1, v4;
	_ =	sdelay $0x1  }
0x245: {  	v3 =	vadd.s32 v1, v3;
	_ =	sdelay $0x2  }
0x246: {  	[tilespmem:s7], [sflag:$0x1] =	stream.indirect_vreg.gather [hbm4b:s2+s3], $0x80, v4, vm0, $0xb8;
	[tilespmem:$0x18500] =	vst v63  }
0x247: {  	s0 =	simm.s32 $0xD00  }
0x248: {  	[tilespmem:s0], [sflag:$0x1] =	stream.indirect_vreg.gather [hbm4b:s2+s3], $0x80, v3, vm0, $0xb8;
	[tilespmem:$0x18500] =	vst v63  }
0x249: {  	v3 =	vld [tilespmem:$0x310];
	_ =	sdelay $0x4  }
0x24a: {  	v33 =	vshll.u32 v3, $0x1  }
0x24b: {  	v3 =	vand.u32 $0x7, v3;
	v4 =	vand.u32 $0xFFFFFFF0, v33  }
0x24c: {  	v3 =	vor.u32 v3, v4  }
0x24d: {  	v4 =	vperm.xlane v3, v0;
	_ =	sdelay $0x1  }
0x24e: {  	v3 =	vperm.xlane v3, v2;
	v4 =	vadd.s32 v1, v4;
	_ =	sdelay $0x1  }
0x24f: {  	v3 =	vadd.s32 v1, v3;
	_ =	sdelay $0x1  }
0x250: {  	s0 =	simm.s32 $0x1500  }
0x251: {  	[tilespmem:s0], [sflag:$0x1] =	stream.indirect_vreg.gather [hbm4b:s2+s3], $0x80, v4, vm0, $0xb8;
	[tilespmem:$0x18500] =	vst v63  }
0x252: {  	s0 =	simm.s32 $0x1D00  }
0x253: {  	[tilespmem:s0], [sflag:$0x1] =	stream.indirect_vreg.gather [hbm4b:s2+s3], $0x80, v3, vm0, $0xb8;
	[tilespmem:$0x18500] =	vst v63  }
0x254: {  	v3 =	vld [tilespmem:$0x320];
	_ =	sdelay $0x4  }
0x255: {  	v34 =	vshll.u32 v3, $0x1  }
0x256: {  	v3 =	vand.u32 $0x7, v3;
	v4 =	vand.u32 $0xFFFFFFF0, v34  }
0x257: {  	v3 =	vor.u32 v3, v4  }
0x258: {  	v4 =	vperm.xlane v3, v0;
	_ =	sdelay $0x1  }
0x259: {  	v3 =	vperm.xlane v3, v2;
	v4 =	vadd.s32 v1, v4;
	_ =	sdelay $0x1  }
0x25a: {  	v3 =	vadd.s32 v1, v3;
	_ =	sdelay $0x1  }
0x25b: {  	s0 =	simm.s32 $0x2500  }
0x25c: {  	[tilespmem:s0], [sflag:$0x1] =	stream.indirect_vreg.gather [hbm4b:s2+s3], $0x80, v4, vm0, $0xb8;
	[tilespmem:$0x18500] =	vst v63  }
0x25d: {  	s0 =	simm.s32 $0x2D00  }
0x25e: {  	[tilespmem:s0], [sflag:$0x1] =	stream.indirect_vreg.gather [hbm4b:s2+s3], $0x80, v3, vm0, $0xb8;
	[tilespmem:$0x18500] =	vst v63  }
0x25f: {  	v3 =	vld [tilespmem:$0x330];
	_ =	sdelay $0x4  }
0x260: {  	v35 =	vshll.u32 v3, $0x1  }
0x261: {  	v3 =	vand.u32 $0x7, v3;
	v4 =	vand.u32 $0xFFFFFFF0, v35  }
0x262: {  	v3 =	vor.u32 v3, v4  }
0x263: {  	v4 =	vperm.xlane v3, v0;
	_ =	sdelay $0x1  }
0x264: {  	v3 =	vperm.xlane v3, v2;
	v4 =	vadd.s32 v1, v4;
	_ =	sdelay $0x1  }
0x265: {  	v3 =	vadd.s32 v1, v3;
	_ =	sdelay $0x1  }
0x266: {  	s0 =	simm.s32 $0x3500  }
0x267: {  	[tilespmem:s0], [sflag:$0x1] =	stream.indirect_vreg.gather [hbm4b:s2+s3], $0x80, v4, vm0, $0xb8;
	[tilespmem:$0x18500] =	vst v63  }
0x268: {  	s0 =	simm.s32 $0x3D00  }
0x269: {  	[tilespmem:s0], [sflag:$0x1] =	stream.indirect_vreg.gather [hbm4b:s2+s3], $0x80, v3, vm0, $0xb8;
	[tilespmem:$0x18500] =	vst v63  }
0x26a: {  	v3 =	vld [tilespmem:$0x340];
	_ =	sdelay $0x4  }
0x26b: {  	v36 =	vshll.u32 v3, $0x1  }
0x26c: {  	v3 =	vand.u32 $0x7, v3;
	v4 =	vand.u32 $0xFFFFFFF0, v36  }
0x26d: {  	v3 =	vor.u32 v3, v4  }
0x26e: {  	v4 =	vperm.xlane v3, v0;
	_ =	sdelay $0x1  }
0x26f: {  	v3 =	vperm.xlane v3, v2;
	v4 =	vadd.s32 v1, v4;
	_ =	sdelay $0x1  }
0x270: {  	v3 =	vadd.s32 v1, v3;
	_ =	sdelay $0x1  }
0x271: {  	s0 =	simm.s32 $0x4500  }
0x272: {  	[tilespmem:s0], [sflag:$0x1] =	stream.indirect_vreg.gather [hbm4b:s2+s3], $0x80, v4, vm0, $0xb8;
	[tilespmem:$0x18500] =	vst v63  }
0x273: {  	s0 =	simm.s32 $0x4D00  }
0x274: {  	[tilespmem:s0], [sflag:$0x1] =	stream.indirect_vreg.gather [hbm4b:s2+s3], $0x80, v3, vm0, $0xb8;
	[tilespmem:$0x18500] =	vst v63  }
0x275: {  	v3 =	vld [tilespmem:$0x350];
	_ =	sdelay $0x4  }
0x276: {  	v37 =	vshll.u32 v3, $0x1  }
0x277: {  	v3 =	vand.u32 $0x7, v3;
	v4 =	vand.u32 $0xFFFFFFF0, v37  }
0x278: {  	v3 =	vor.u32 v3, v4  }
0x279: {  	v4 =	vperm.xlane v3, v0;
	_ =	sdelay $0x1  }
0x27a: {  	v3 =	vperm.xlane v3, v2;
	v4 =	vadd.s32 v1, v4;
	_ =	sdelay $0x1  }
0x27b: {  	v3 =	vadd.s32 v1, v3;
	_ =	sdelay $0x1  }
0x27c: {  	s0 =	simm.s32 $0x5500  }
0x27d: {  	[tilespmem:s0], [sflag:$0x1] =	stream.indirect_vreg.gather [hbm4b:s2+s3], $0x80, v4, vm0, $0xb8;
	[tilespmem:$0x18500] =	vst v63  }
0x27e: {  	s0 =	simm.s32 $0x5D00  }
0x27f: {  	[tilespmem:s0], [sflag:$0x1] =	stream.indirect_vreg.gather [hbm4b:s2+s3], $0x80, v3, vm0, $0xb8;
	[tilespmem:$0x18500] =	vst v63  }
0x280: {  	v3 =	vld [tilespmem:$0x360];
	_ =	sdelay $0x4  }
0x281: {  	v38 =	vshll.u32 v3, $0x1  }
0x282: {  	v3 =	vand.u32 $0x7, v3;
	v4 =	vand.u32 $0xFFFFFFF0, v38  }
0x283: {  	v3 =	vor.u32 v3, v4  }
0x284: {  	v4 =	vperm.xlane v3, v0;
	_ =	sdelay $0x1  }
0x285: {  	v3 =	vperm.xlane v3, v2;
	v4 =	vadd.s32 v1, v4;
	_ =	sdelay $0x1  }
0x286: {  	v3 =	vadd.s32 v1, v3;
	_ =	sdelay $0x1  }
0x287: {  	s0 =	simm.s32 $0x6500  }
0x288: {  	[tilespmem:s0], [sflag:$0x1] =	stream.indirect_vreg.gather [hbm4b:s2+s3], $0x80, v4, vm0, $0xb8;
	[tilespmem:$0x18500] =	vst v63  }
0x289: {  	s0 =	simm.s32 $0x6D00  }
0x28a: {  	[tilespmem:s0], [sflag:$0x1] =	stream.indirect_vreg.gather [hbm4b:s2+s3], $0x80, v3, vm0, $0xb8;
	[tilespmem:$0x18500] =	vst v63  }
0x28b: {  	v3 =	vld [tilespmem:$0x370];
	_ =	sdelay $0x4  }
0x28c: {  	v39 =	vshll.u32 v3, $0x1  }
0x28d: {  	v3 =	vand.u32 $0x7, v3;
	v4 =	vand.u32 $0xFFFFFFF0, v39  }
0x28e: {  	v3 =	vor.u32 v3, v4  }
0x28f: {  	v4 =	vperm.xlane v3, v0;
	_ =	sdelay $0x1  }
0x290: {  	v3 =	vperm.xlane v3, v2;
	v4 =	vadd.s32 v1, v4;
	_ =	sdelay $0x1  }
0x291: {  	v3 =	vadd.s32 v1, v3;
	_ =	sdelay $0x1  }
0x292: {  	s0 =	simm.s32 $0x7500  }
0x293: {  	[tilespmem:s0], [sflag:$0x1] =	stream.indirect_vreg.gather [hbm4b:s2+s3], $0x80, v4, vm0, $0xb8;
	[tilespmem:$0x18500] =	vst v63  }
0x294: {  	s0 =	simm.s32 $0x7D00  }
0x295: {  	[tilespmem:s0], [sflag:$0x1] =	stream.indirect_vreg.gather [hbm4b:s2+s3], $0x80, v3, vm0, $0xb8;
	[tilespmem:$0x18500] =	vst v63  }
0x296: {  	_ =	swait.ge [sflag:s28], $0x8000  }
0x297: {  	[sflag:s28] =	ssyncset.done $0x0  }
0x298: {  	s0 =	rddreg [dreg:$0x8];
	[sflag:s28] =	ssyncadd.s32 $0xFFFF8000  }
0x299: {  	[hbm4b:s0+s3] =	stream.linear.scatter [tilespmem:s4], [sflag:$0x6], $0x8000, $0x38;
	[tilespmem:$0x18500] =	vst v63  }
0x29a: {  	_ =	swait.ge [sflag:s31], $0x8000  }
0x29b: {  	[sflag:s31] =	ssyncset.done $0x0  }
0x29c: {  	[sflag:s31] =	ssyncadd.s32 $0xFFFF8000  }
0x29d: {  	v3 =	vld [tilespmem:$0x380];
	_ =	sdelay $0x4  }
0x29e: {  	v40 =	vshll.u32 v3, $0x1  }
0x29f: {  	v3 =	vand.u32 $0x7, v3;
	v4 =	vand.u32 $0xFFFFFFF0, v40  }
0x2a0: {  	v3 =	vor.u32 v3, v4  }
0x2a1: {  	v4 =	vperm.xlane v3, v0;
	_ =	sdelay $0x1  }
0x2a2: {  	v3 =	vperm.xlane v3, v2;
	v4 =	vadd.s32 v1, v4;
	_ =	sdelay $0x1  }
0x2a3: {  	v3 =	vadd.s32 v1, v3;
	_ =	sdelay $0x2  }
0x2a4: {  	[tilespmem:s30], [sflag:$0x2] =	stream.indirect_vreg.gather [hbm4b:s2+s3], $0x80, v4, vm0, $0xb8;
	[tilespmem:$0x18500] =	vst v63  }
0x2a5: {  	_ = 	snop  }
0x2a6: {  	[tilespmem:s20], [sflag:$0x2] =	stream.indirect_vreg.gather [hbm4b:s2+s3], $0x80, v3, vm0, $0xb8;
	[tilespmem:$0x18500] =	vst v63  }
0x2a7: {  	v3 =	vld [tilespmem:$0x390];
	_ =	sdelay $0x4  }
0x2a8: {  	v41 =	vshll.u32 v3, $0x1  }
0x2a9: {  	v3 =	vand.u32 $0x7, v3;
	v4 =	vand.u32 $0xFFFFFFF0, v41  }
0x2aa: {  	v3 =	vor.u32 v3, v4  }
0x2ab: {  	v4 =	vperm.xlane v3, v0;
	_ =	sdelay $0x1  }
0x2ac: {  	v3 =	vperm.xlane v3, v2;
	v4 =	vadd.s32 v1, v4;
	_ =	sdelay $0x1  }
0x2ad: {  	v3 =	vadd.s32 v1, v3;
	_ =	sdelay $0x2  }
0x2ae: {  	[tilespmem:s6], [sflag:$0x2] =	stream.indirect_vreg.gather [hbm4b:s2+s3], $0x80, v4, vm0, $0xb8;
	[tilespmem:$0x18500] =	vst v63  }
0x2af: {  	_ = 	snop  }
0x2b0: {  	[tilespmem:s24], [sflag:$0x2] =	stream.indirect_vreg.gather [hbm4b:s2+s3], $0x80, v3, vm0, $0xb8;
	[tilespmem:$0x18500] =	vst v63  }
0x2b1: {  	v3 =	vld [tilespmem:$0x3A0];
	_ =	sdelay $0x4  }
0x2b2: {  	v42 =	vshll.u32 v3, $0x1  }
0x2b3: {  	v3 =	vand.u32 $0x7, v3;
	v4 =	vand.u32 $0xFFFFFFF0, v42  }
0x2b4: {  	v3 =	vor.u32 v3, v4  }
0x2b5: {  	v4 =	vperm.xlane v3, v0;
	_ =	sdelay $0x1  }
0x2b6: {  	v3 =	vperm.xlane v3, v2;
	v4 =	vadd.s32 v1, v4;
	_ =	sdelay $0x1  }
0x2b7: {  	v3 =	vadd.s32 v1, v3;
	_ =	sdelay $0x2  }
0x2b8: {  	[tilespmem:s8], [sflag:$0x2] =	stream.indirect_vreg.gather [hbm4b:s2+s3], $0x80, v4, vm0, $0xb8;
	[tilespmem:$0x18500] =	vst v63  }
0x2b9: {  	_ = 	snop  }
0x2ba: {  	[tilespmem:s9], [sflag:$0x2] =	stream.indirect_vreg.gather [hbm4b:s2+s3], $0x80, v3, vm0, $0xb8;
	[tilespmem:$0x18500] =	vst v63  }
0x2bb: {  	v3 =	vld [tilespmem:$0x3B0];
	_ =	sdelay $0x4  }
0x2bc: {  	v43 =	vshll.u32 v3, $0x1  }
0x2bd: {  	v3 =	vand.u32 $0x7, v3;
	v4 =	vand.u32 $0xFFFFFFF0, v43  }
0x2be: {  	v3 =	vor.u32 v3, v4  }
0x2bf: {  	v4 =	vperm.xlane v3, v0;
	_ =	sdelay $0x1  }
0x2c0: {  	v3 =	vperm.xlane v3, v2;
	v4 =	vadd.s32 v1, v4;
	_ =	sdelay $0x1  }
0x2c1: {  	v3 =	vadd.s32 v1, v3;
	_ =	sdelay $0x2  }
0x2c2: {  	[tilespmem:s10], [sflag:$0x2] =	stream.indirect_vreg.gather [hbm4b:s2+s3], $0x80, v4, vm0, $0xb8;
	[tilespmem:$0x18500] =	vst v63  }
0x2c3: {  	_ = 	snop  }
0x2c4: {  	[tilespmem:s11], [sflag:$0x2] =	stream.indirect_vreg.gather [hbm4b:s2+s3], $0x80, v3, vm0, $0xb8;
	[tilespmem:$0x18500] =	vst v63  }
0x2c5: {  	v3 =	vld [tilespmem:$0x3C0];
	_ =	sdelay $0x4  }
0x2c6: {  	v44 =	vshll.u32 v3, $0x1  }
0x2c7: {  	v3 =	vand.u32 $0x7, v3;
	v4 =	vand.u32 $0xFFFFFFF0, v44  }
0x2c8: {  	v3 =	vor.u32 v3, v4  }
0x2c9: {  	v4 =	vperm.xlane v3, v0;
	_ =	sdelay $0x1  }
0x2ca: {  	v3 =	vperm.xlane v3, v2;
	v4 =	vadd.s32 v1, v4;
	_ =	sdelay $0x1  }
0x2cb: {  	v3 =	vadd.s32 v1, v3;
	_ =	sdelay $0x2  }
0x2cc: {  	[tilespmem:s12], [sflag:$0x2] =	stream.indirect_vreg.gather [hbm4b:s2+s3], $0x80, v4, vm0, $0xb8;
	[tilespmem:$0x18500] =	vst v63  }
0x2cd: {  	_ = 	snop  }
0x2ce: {  	[tilespmem:s13], [sflag:$0x2] =	stream.indirect_vreg.gather [hbm4b:s2+s3], $0x80, v3, vm0, $0xb8;
	[tilespmem:$0x18500] =	vst v63  }
0x2cf: {  	v3 =	vld [tilespmem:$0x3D0];
	_ =	sdelay $0x4  }
0x2d0: {  	v45 =	vshll.u32 v3, $0x1  }
0x2d1: {  	v3 =	vand.u32 $0x7, v3;
	v4 =	vand.u32 $0xFFFFFFF0, v45  }
0x2d2: {  	v3 =	vor.u32 v3, v4  }
0x2d3: {  	v4 =	vperm.xlane v3, v0;
	_ =	sdelay $0x1  }
0x2d4: {  	v3 =	vperm.xlane v3, v2;
	v4 =	vadd.s32 v1, v4;
	_ =	sdelay $0x1  }
0x2d5: {  	v3 =	vadd.s32 v1, v3;
	_ =	sdelay $0x2  }
0x2d6: {  	[tilespmem:s14], [sflag:$0x2] =	stream.indirect_vreg.gather [hbm4b:s2+s3], $0x80, v4, vm0, $0xb8;
	[tilespmem:$0x18500] =	vst v63  }
0x2d7: {  	_ = 	snop  }
0x2d8: {  	[tilespmem:s15], [sflag:$0x2] =	stream.indirect_vreg.gather [hbm4b:s2+s3], $0x80, v3, vm0, $0xb8;
	[tilespmem:$0x18500] =	vst v63  }
0x2d9: {  	v3 =	vld [tilespmem:$0x3E0];
	_ =	sdelay $0x4  }
0x2da: {  	v46 =	vshll.u32 v3, $0x1  }
0x2db: {  	v3 =	vand.u32 $0x7, v3;
	v4 =	vand.u32 $0xFFFFFFF0, v46  }
0x2dc: {  	v3 =	vor.u32 v3, v4  }
0x2dd: {  	v4 =	vperm.xlane v3, v0;
	_ =	sdelay $0x1  }
0x2de: {  	v3 =	vperm.xlane v3, v2;
	v4 =	vadd.s32 v1, v4;
	_ =	sdelay $0x1  }
0x2df: {  	v3 =	vadd.s32 v1, v3;
	_ =	sdelay $0x2  }
0x2e0: {  	[tilespmem:s16], [sflag:$0x2] =	stream.indirect_vreg.gather [hbm4b:s2+s3], $0x80, v4, vm0, $0xb8;
	[tilespmem:$0x18500] =	vst v63  }
0x2e1: {  	_ = 	snop  }
0x2e2: {  	[tilespmem:s17], [sflag:$0x2] =	stream.indirect_vreg.gather [hbm4b:s2+s3], $0x80, v3, vm0, $0xb8;
	[tilespmem:$0x18500] =	vst v63  }
0x2e3: {  	v3 =	vld [tilespmem:$0x3F0];
	_ =	sdelay $0x4  }
0x2e4: {  	v47 =	vshll.u32 v3, $0x1  }
0x2e5: {  	v3 =	vand.u32 $0x7, v3;
	v4 =	vand.u32 $0xFFFFFFF0, v47  }
0x2e6: {  	v3 =	vor.u32 v3, v4  }
0x2e7: {  	v4 =	vperm.xlane v3, v0;
	_ =	sdelay $0x1  }
0x2e8: {  	v3 =	vperm.xlane v3, v2;
	v4 =	vadd.s32 v1, v4;
	_ =	sdelay $0x1  }
0x2e9: {  	v3 =	vadd.s32 v1, v3;
	_ =	sdelay $0x2  }
0x2ea: {  	[tilespmem:s18], [sflag:$0x2] =	stream.indirect_vreg.gather [hbm4b:s2+s3], $0x80, v4, vm0, $0xb8;
	[tilespmem:$0x18500] =	vst v63  }
0x2eb: {  	_ = 	snop  }
0x2ec: {  	[tilespmem:s19], [sflag:$0x2] =	stream.indirect_vreg.gather [hbm4b:s2+s3], $0x80, v3, vm0, $0xb8;
	[tilespmem:$0x18500] =	vst v63  }
0x2ed: {  	_ =	swait.ge [sflag:s29], $0x8000  }
0x2ee: {  	[sflag:s29] =	ssyncset.done $0x0  }
0x2ef: {  	s6 =	rddreg [dreg:$0x9];
	[sflag:s29] =	ssyncadd.s32 $0xFFFF8000  }
0x2f0: {  	[hbm4b:s6+s3] =	stream.linear.scatter [tilespmem:s7], [sflag:$0x4], $0x8000, $0x38;
	[tilespmem:$0x18500] =	vst v63  }
0x2f1: {  	_ =	swait.ge [sflag:s1], $0x8000  }
0x2f2: {  	[sflag:s1] =	ssyncset.done $0x0  }
0x2f3: {  	[sflag:s1] =	ssyncadd.s32 $0xFFFF8000  }
0x2f4: {  	v3 =	vld [tilespmem:$0x400];
	_ =	sdelay $0x4  }
0x2f5: {  	v48 =	vshll.u32 v3, $0x1  }
0x2f6: {  	v3 =	vand.u32 $0x7, v3;
	v4 =	vand.u32 $0xFFFFFFF0, v48  }
0x2f7: {  	v3 =	vor.u32 v3, v4  }
0x2f8: {  	v4 =	vperm.xlane v3, v0;
	_ =	sdelay $0x1  }
0x2f9: {  	v3 =	vperm.xlane v3, v2;
	v4 =	vadd.s32 v1, v4;
	_ =	sdelay $0x1  }
0x2fa: {  	v3 =	vadd.s32 v1, v3;
	_ =	sdelay $0x2  }
0x2fb: {  	[tilespmem:s4], [sflag:$0x3] =	stream.indirect_vreg.gather [hbm4b:s2+s3], $0x80, v4, vm0, $0xb8;
	[tilespmem:$0x18500] =	vst v63  }
0x2fc: {  	s6 =	simm.s32 $0x10D00  }
0x2fd: {  	[tilespmem:s6], [sflag:$0x3] =	stream.indirect_vreg.gather [hbm4b:s2+s3], $0x80, v3, vm0, $0xb8;
	[tilespmem:$0x18500] =	vst v63  }
0x2fe: {  	v3 =	vld [tilespmem:$0x410];
	_ =	sdelay $0x4  }
0x2ff: {  	v49 =	vshll.u32 v3, $0x1  }
0x300: {  	v3 =	vand.u32 $0x7, v3;
	v4 =	vand.u32 $0xFFFFFFF0, v49  }
0x301: {  	v3 =	vor.u32 v3, v4  }
0x302: {  	v4 =	vperm.xlane v3, v0;
	_ =	sdelay $0x1  }
0x303: {  	v3 =	vperm.xlane v3, v2;
	v4 =	vadd.s32 v1, v4;
	_ =	sdelay $0x1  }
0x304: {  	v3 =	vadd.s32 v1, v3;
	_ =	sdelay $0x1  }
0x305: {  	s21 =	simm.s32 $0x11500  }
0x306: {  	[tilespmem:s21], [sflag:$0x3] =	stream.indirect_vreg.gather [hbm4b:s2+s3], $0x80, v4, vm0, $0xb8;
	[tilespmem:$0x18500] =	vst v63  }
0x307: {  	s21 =	simm.s32 $0x11D00  }
0x308: {  	[tilespmem:s21], [sflag:$0x3] =	stream.indirect_vreg.gather [hbm4b:s2+s3], $0x80, v3, vm0, $0xb8;
	[tilespmem:$0x18500] =	vst v63  }
0x309: {  	v3 =	vld [tilespmem:$0x420];
	_ =	sdelay $0x4  }
0x30a: {  	v50 =	vshll.u32 v3, $0x1  }
0x30b: {  	v3 =	vand.u32 $0x7, v3;
	v4 =	vand.u32 $0xFFFFFFF0, v50  }
0x30c: {  	v3 =	vor.u32 v3, v4  }
0x30d: {  	v4 =	vperm.xlane v3, v0;
	_ =	sdelay $0x1  }
0x30e: {  	v3 =	vperm.xlane v3, v2;
	v4 =	vadd.s32 v1, v4;
	_ =	sdelay $0x1  }
0x30f: {  	v3 =	vadd.s32 v1, v3;
	_ =	sdelay $0x1  }
0x310: {  	s22 =	simm.s32 $0x12500  }
0x311: {  	[tilespmem:s22], [sflag:$0x3] =	stream.indirect_vreg.gather [hbm4b:s2+s3], $0x80, v4, vm0, $0xb8;
	[tilespmem:$0x18500] =	vst v63  }
0x312: {  	s6 =	simm.s32 $0x12D00  }
0x313: {  	[tilespmem:s6], [sflag:$0x3] =	stream.indirect_vreg.gather [hbm4b:s2+s3], $0x80, v3, vm0, $0xb8;
	[tilespmem:$0x18500] =	vst v63  }
0x314: {  	v3 =	vld [tilespmem:$0x430];
	_ =	sdelay $0x4  }
0x315: {  	v51 =	vshll.u32 v3, $0x1  }
0x316: {  	v3 =	vand.u32 $0x7, v3;
	v4 =	vand.u32 $0xFFFFFFF0, v51  }
0x317: {  	v3 =	vor.u32 v3, v4  }
0x318: {  	v4 =	vperm.xlane v3, v0;
	_ =	sdelay $0x1  }
0x319: {  	v3 =	vperm.xlane v3, v2;
	v4 =	vadd.s32 v1, v4;
	_ =	sdelay $0x1  }
0x31a: {  	v3 =	vadd.s32 v1, v3;
	_ =	sdelay $0x1  }
0x31b: {  	s23 =	simm.s32 $0x13500  }
0x31c: {  	[tilespmem:s23], [sflag:$0x3] =	stream.indirect_vreg.gather [hbm4b:s2+s3], $0x80, v4, vm0, $0xb8;
	[tilespmem:$0x18500] =	vst v63  }
0x31d: {  	s21 =	simm.s32 $0x13D00  }
0x31e: {  	[tilespmem:s21], [sflag:$0x3] =	stream.indirect_vreg.gather [hbm4b:s2+s3], $0x80, v3, vm0, $0xb8;
	[tilespmem:$0x18500] =	vst v63  }
0x31f: {  	v3 =	vld [tilespmem:$0x440];
	_ =	sdelay $0x4  }
0x320: {  	v52 =	vshll.u32 v3, $0x1  }
0x321: {  	v3 =	vand.u32 $0x7, v3;
	v4 =	vand.u32 $0xFFFFFFF0, v52  }
0x322: {  	v3 =	vor.u32 v3, v4  }
0x323: {  	v4 =	vperm.xlane v3, v0;
	_ =	sdelay $0x1  }
0x324: {  	v3 =	vperm.xlane v3, v2;
	v4 =	vadd.s32 v1, v4;
	_ =	sdelay $0x1  }
0x325: {  	v3 =	vadd.s32 v1, v3;
	_ =	sdelay $0x1  }
0x326: {  	s22 =	simm.s32 $0x14500  }
0x327: {  	[tilespmem:s22], [sflag:$0x3] =	stream.indirect_vreg.gather [hbm4b:s2+s3], $0x80, v4, vm0, $0xb8;
	[tilespmem:$0x18500] =	vst v63  }
0x328: {  	s23 =	simm.s32 $0x14D00  }
0x329: {  	[tilespmem:s23], [sflag:$0x3] =	stream.indirect_vreg.gather [hbm4b:s2+s3], $0x80, v3, vm0, $0xb8;
	[tilespmem:$0x18500] =	vst v63  }
0x32a: {  	v3 =	vld [tilespmem:$0x450];
	_ =	sdelay $0x4  }
0x32b: {  	v53 =	vshll.u32 v3, $0x1  }
0x32c: {  	v3 =	vand.u32 $0x7, v3;
	v4 =	vand.u32 $0xFFFFFFF0, v53  }
0x32d: {  	v3 =	vor.u32 v3, v4  }
0x32e: {  	v4 =	vperm.xlane v3, v0;
	_ =	sdelay $0x1  }
0x32f: {  	v3 =	vperm.xlane v3, v2;
	v4 =	vadd.s32 v1, v4;
	_ =	sdelay $0x1  }
0x330: {  	v3 =	vadd.s32 v1, v3;
	_ =	sdelay $0x1  }
0x331: {  	s6 =	simm.s32 $0x15500  }
0x332: {  	[tilespmem:s6], [sflag:$0x3] =	stream.indirect_vreg.gather [hbm4b:s2+s3], $0x80, v4, vm0, $0xb8;
	[tilespmem:$0x18500] =	vst v63  }
0x333: {  	s21 =	simm.s32 $0x15D00  }
0x334: {  	[tilespmem:s21], [sflag:$0x3] =	stream.indirect_vreg.gather [hbm4b:s2+s3], $0x80, v3, vm0, $0xb8;
	[tilespmem:$0x18500] =	vst v63  }
0x335: {  	v3 =	vld [tilespmem:$0x460];
	_ =	sdelay $0x4  }
0x336: {  	v54 =	vshll.u32 v3, $0x1  }
0x337: {  	v3 =	vand.u32 $0x7, v3;
	v4 =	vand.u32 $0xFFFFFFF0, v54  }
0x338: {  	v3 =	vor.u32 v3, v4  }
0x339: {  	v4 =	vperm.xlane v3, v0;
	_ =	sdelay $0x1  }
0x33a: {  	v3 =	vperm.xlane v3, v2;
	v4 =	vadd.s32 v1, v4;
	_ =	sdelay $0x1  }
0x33b: {  	v3 =	vadd.s32 v1, v3;
	_ =	sdelay $0x1  }
0x33c: {  	s22 =	simm.s32 $0x16500  }
0x33d: {  	[tilespmem:s22], [sflag:$0x3] =	stream.indirect_vreg.gather [hbm4b:s2+s3], $0x80, v4, vm0, $0xb8;
	[tilespmem:$0x18500] =	vst v63  }
0x33e: {  	s23 =	simm.s32 $0x16D00  }
0x33f: {  	[tilespmem:s23], [sflag:$0x3] =	stream.indirect_vreg.gather [hbm4b:s2+s3], $0x80, v3, vm0, $0xb8;
	[tilespmem:$0x18500] =	vst v63  }
0x340: {  	v3 =	vld [tilespmem:$0x470];
	_ =	sdelay $0x4  }
0x341: {  	v55 =	vshll.u32 v3, $0x1  }
0x342: {  	v3 =	vand.u32 $0x7, v3;
	v4 =	vand.u32 $0xFFFFFFF0, v55  }
0x343: {  	v3 =	vor.u32 v3, v4  }
0x344: {  	v4 =	vperm.xlane v3, v0;
	_ =	sdelay $0x1  }
0x345: {  	v3 =	vperm.xlane v3, v2;
	v4 =	vadd.s32 v1, v4;
	_ =	sdelay $0x1  }
0x346: {  	v3 =	vadd.s32 v1, v3;
	_ =	sdelay $0x1  }
0x347: {  	s6 =	simm.s32 $0x17500  }
0x348: {  	[tilespmem:s6], [sflag:$0x3] =	stream.indirect_vreg.gather [hbm4b:s2+s3], $0x80, v4, vm0, $0xb8;
	[tilespmem:$0x18500] =	vst v63  }
0x349: {  	s21 =	simm.s32 $0x17D00  }
0x34a: {  	[tilespmem:s21], [sflag:$0x3] =	stream.indirect_vreg.gather [hbm4b:s2+s3], $0x80, v3, vm0, $0xb8;
	[tilespmem:$0x18500] =	vst v63  }
0x34b: {  	_ =	swait.ge [sflag:s25], $0x8000  }
0x34c: {  	[sflag:s25] =	ssyncset.done $0x0  }
0x34d: {  	s22 =	rddreg [dreg:$0xa];
	[sflag:s25] =	ssyncadd.s32 $0xFFFF8000  }
0x34e: {  	[hbm4b:s22+s3] =	stream.linear.scatter [tilespmem:s30], [sflag:$0x5], $0x8000, $0x38;
	[tilespmem:$0x18500] =	vst v63  }
0x34f: {  	_ =	swait.ge [sflag:s26], $0x8000  }
0x350: {  	[sflag:s26] =	ssyncset.done $0x0  }
0x351: {  	[sflag:s26] =	ssyncadd.s32 $0xFFFF8000  }
0x352: {  	v3 =	vld [tilespmem:$0x480];
	_ =	sdelay $0x4  }
0x353: {  	v56 =	vshll.u32 v3, $0x1  }
0x354: {  	v3 =	vand.u32 $0x7, v3;
	v4 =	vand.u32 $0xFFFFFFF0, v56  }
0x355: {  	v3 =	vor.u32 v3, v4  }
0x356: {  	v4 =	vperm.xlane v3, v0;
	_ =	sdelay $0x1  }
0x357: {  	v3 =	vperm.xlane v3, v2;
	v4 =	vadd.s32 v1, v4;
	_ =	sdelay $0x1  }
0x358: {  	v3 =	vadd.s32 v1, v3;
	_ =	sdelay $0x2  }
0x359: {  	[tilespmem:s7], [sflag:$0x1] =	stream.indirect_vreg.gather [hbm4b:s2+s3], $0x80, v4, vm0, $0xb8;
	[tilespmem:$0x18500] =	vst v63  }
0x35a: {  	s23 =	simm.s32 $0xD00  }
0x35b: {  	[tilespmem:s23], [sflag:$0x1] =	stream.indirect_vreg.gather [hbm4b:s2+s3], $0x80, v3, vm0, $0xb8;
	[tilespmem:$0x18500] =	vst v63  }
0x35c: {  	v3 =	vld [tilespmem:$0x490];
	_ =	sdelay $0x4  }
0x35d: {  	v57 =	vshll.u32 v3, $0x1  }
0x35e: {  	v3 =	vand.u32 $0x7, v3;
	v4 =	vand.u32 $0xFFFFFFF0, v57  }
0x35f: {  	v3 =	vor.u32 v3, v4  }
0x360: {  	v4 =	vperm.xlane v3, v0;
	_ =	sdelay $0x1  }
0x361: {  	v3 =	vperm.xlane v3, v2;
	v4 =	vadd.s32 v1, v4;
	_ =	sdelay $0x1  }
0x362: {  	v3 =	vadd.s32 v1, v3;
	_ =	sdelay $0x1  }
0x363: {  	s6 =	simm.s32 $0x1500  }
0x364: {  	[tilespmem:s6], [sflag:$0x1] =	stream.indirect_vreg.gather [hbm4b:s2+s3], $0x80, v4, vm0, $0xb8;
	[tilespmem:$0x18500] =	vst v63  }
0x365: {  	s21 =	simm.s32 $0x1D00  }
0x366: {  	[tilespmem:s21], [sflag:$0x1] =	stream.indirect_vreg.gather [hbm4b:s2+s3], $0x80, v3, vm0, $0xb8;
	[tilespmem:$0x18500] =	vst v63  }
0x367: {  	v3 =	vld [tilespmem:$0x4A0];
	_ =	sdelay $0x4  }
0x368: {  	v58 =	vshll.u32 v3, $0x1  }
0x369: {  	v3 =	vand.u32 $0x7, v3;
	v4 =	vand.u32 $0xFFFFFFF0, v58  }
0x36a: {  	v3 =	vor.u32 v3, v4  }
0x36b: {  	v4 =	vperm.xlane v3, v0;
	_ =	sdelay $0x1  }
0x36c: {  	v3 =	vperm.xlane v3, v2;
	v4 =	vadd.s32 v1, v4;
	_ =	sdelay $0x1  }
0x36d: {  	v3 =	vadd.s32 v1, v3;
	_ =	sdelay $0x1  }
0x36e: {  	s22 =	simm.s32 $0x2500  }
0x36f: {  	[tilespmem:s22], [sflag:$0x1] =	stream.indirect_vreg.gather [hbm4b:s2+s3], $0x80, v4, vm0, $0xb8;
	[tilespmem:$0x18500] =	vst v63  }
0x370: {  	s23 =	simm.s32 $0x2D00  }
0x371: {  	[tilespmem:s23], [sflag:$0x1] =	stream.indirect_vreg.gather [hbm4b:s2+s3], $0x80, v3, vm0, $0xb8;
	[tilespmem:$0x18500] =	vst v63  }
0x372: {  	v3 =	vld [tilespmem:$0x4B0];
	_ =	sdelay $0x4  }
0x373: {  	v59 =	vshll.u32 v3, $0x1  }
0x374: {  	v3 =	vand.u32 $0x7, v3;
	v4 =	vand.u32 $0xFFFFFFF0, v59  }
0x375: {  	v3 =	vor.u32 v3, v4  }
0x376: {  	v4 =	vperm.xlane v3, v0;
	_ =	sdelay $0x1  }
0x377: {  	v3 =	vperm.xlane v3, v2;
	v4 =	vadd.s32 v1, v4;
	_ =	sdelay $0x1  }
0x378: {  	v3 =	vadd.s32 v1, v3;
	_ =	sdelay $0x1  }
0x379: {  	s6 =	simm.s32 $0x3500  }
0x37a: {  	[tilespmem:s6], [sflag:$0x1] =	stream.indirect_vreg.gather [hbm4b:s2+s3], $0x80, v4, vm0, $0xb8;
	[tilespmem:$0x18500] =	vst v63  }
0x37b: {  	s21 =	simm.s32 $0x3D00  }
0x37c: {  	[tilespmem:s21], [sflag:$0x1] =	stream.indirect_vreg.gather [hbm4b:s2+s3], $0x80, v3, vm0, $0xb8;
	[tilespmem:$0x18500] =	vst v63  }
0x37d: {  	v3 =	vld [tilespmem:$0x4C0];
	_ =	sdelay $0x4  }
0x37e: {  	v60 =	vshll.u32 v3, $0x1  }
0x37f: {  	v3 =	vand.u32 $0x7, v3;
	v4 =	vand.u32 $0xFFFFFFF0, v60  }
0x380: {  	v3 =	vor.u32 v3, v4  }
0x381: {  	v4 =	vperm.xlane v3, v0;
	_ =	sdelay $0x1  }
0x382: {  	v3 =	vperm.xlane v3, v2;
	v4 =	vadd.s32 v1, v4;
	_ =	sdelay $0x1  }
0x383: {  	v3 =	vadd.s32 v1, v3;
	_ =	sdelay $0x1  }
0x384: {  	s22 =	simm.s32 $0x4500  }
0x385: {  	[tilespmem:s22], [sflag:$0x1] =	stream.indirect_vreg.gather [hbm4b:s2+s3], $0x80, v4, vm0, $0xb8;
	[tilespmem:$0x18500] =	vst v63  }
0x386: {  	s23 =	simm.s32 $0x4D00  }
0x387: {  	[tilespmem:s23], [sflag:$0x1] =	stream.indirect_vreg.gather [hbm4b:s2+s3], $0x80, v3, vm0, $0xb8;
	[tilespmem:$0x18500] =	vst v63  }
0x388: {  	v3 =	vld [tilespmem:$0x4D0];
	_ =	sdelay $0x4  }
0x389: {  	v61 =	vshll.u32 v3, $0x1  }
0x38a: {  	v3 =	vand.u32 $0x7, v3;
	v4 =	vand.u32 $0xFFFFFFF0, v61  }
0x38b: {  	v3 =	vor.u32 v3, v4  }
0x38c: {  	v4 =	vperm.xlane v3, v0;
	_ =	sdelay $0x1  }
0x38d: {  	v3 =	vperm.xlane v3, v2;
	v4 =	vadd.s32 v1, v4;
	_ =	sdelay $0x1  }
0x38e: {  	v3 =	vadd.s32 v1, v3;
	_ =	sdelay $0x1  }
0x38f: {  	s6 =	simm.s32 $0x5500  }
0x390: {  	[tilespmem:s6], [sflag:$0x1] =	stream.indirect_vreg.gather [hbm4b:s2+s3], $0x80, v4, vm0, $0xb8;
	[tilespmem:$0x18500] =	vst v63  }
0x391: {  	s21 =	simm.s32 $0x5D00  }
0x392: {  	[tilespmem:s21], [sflag:$0x1] =	stream.indirect_vreg.gather [hbm4b:s2+s3], $0x80, v3, vm0, $0xb8;
	[tilespmem:$0x18500] =	vst v63  }
0x393: {  	v3 =	vld [tilespmem:$0x4E0];
	_ =	sdelay $0x4  }
0x394: {  	v62 =	vshll.u32 v3, $0x1  }
0x395: {  	v3 =	vand.u32 $0x7, v3;
	v4 =	vand.u32 $0xFFFFFFF0, v62  }
0x396: {  	v3 =	vor.u32 v3, v4  }
0x397: {  	v4 =	vperm.xlane v3, v0;
	_ =	sdelay $0x1  }
0x398: {  	v3 =	vperm.xlane v3, v2;
	v4 =	vadd.s32 v1, v4;
	_ =	sdelay $0x1  }
0x399: {  	v3 =	vadd.s32 v1, v3;
	_ =	sdelay $0x1  }
0x39a: {  	s22 =	simm.s32 $0x6500  }
0x39b: {  	[tilespmem:s22], [sflag:$0x1] =	stream.indirect_vreg.gather [hbm4b:s2+s3], $0x80, v4, vm0, $0xb8;
	[tilespmem:$0x18500] =	vst v63  }
0x39c: {  	s23 =	simm.s32 $0x6D00  }
0x39d: {  	[tilespmem:s23], [sflag:$0x1] =	stream.indirect_vreg.gather [hbm4b:s2+s3], $0x80, v3, vm0, $0xb8;
	[tilespmem:$0x18500] =	vst v63  }
0x39e: {  	v3 =	vld [tilespmem:$0x4F0];
	_ =	sdelay $0x4  }
0x39f: {  	v63 =	vshll.u32 v3, $0x1  }
0x3a0: {  	v3 =	vand.u32 $0x7, v3;
	v4 =	vand.u32 $0xFFFFFFF0, v63  }
0x3a1: {  	v3 =	vor.u32 v3, v4  }
0x3a2: {  	v4 =	vperm.xlane v3, v0;
	_ =	sdelay $0x1  }
0x3a3: {  	v3 =	vperm.xlane v3, v2;
	v4 =	vadd.s32 v1, v4;
	_ =	sdelay $0x1  }
0x3a4: {  	v3 =	vadd.s32 v1, v3;
	_ =	sdelay $0x1  }
0x3a5: {  	s6 =	simm.s32 $0x7500  }
0x3a6: {  	[tilespmem:s6], [sflag:$0x1] =	stream.indirect_vreg.gather [hbm4b:s2+s3], $0x80, v4, vm0, $0xb8;
	[tilespmem:$0x18500] =	vst v63  }
0x3a7: {  	s21 =	simm.s32 $0x7D00  }
0x3a8: {  	[tilespmem:s21], [sflag:$0x1] =	stream.indirect_vreg.gather [hbm4b:s2+s3], $0x80, v3, vm0, $0xb8;
	[tilespmem:$0x18500] =	vst v63  }
0x3a9: {  	_ =	swait.ge [sflag:s28], $0x8000  }
0x3aa: {  	[sflag:s28] =	ssyncset.done $0x0  }
0x3ab: {  	s22 =	rddreg [dreg:$0xb];
	[sflag:s28] =	ssyncadd.s32 $0xFFFF8000  }
0x3ac: {  	[hbm4b:s22+s3] =	stream.linear.scatter [tilespmem:s4], [sflag:$0x6], $0x8000, $0x38;
	[tilespmem:$0x18500] =	vst v63  }
0x3ad: {  	_ =	swait.ge [sflag:s29], $0x8000  }
0x3ae: {  	[sflag:s29] =	ssyncset.done $0x0  }
0x3af: {  	s23 =	rddreg [dreg:$0xc];
	[sflag:s29] =	ssyncadd.s32 $0xFFFF8000  }
0x3b0: {  	[hbm4b:s23+s3] =	stream.linear.scatter [tilespmem:s7], [sflag:$0x4], $0x8000, $0x38;
	[tilespmem:$0x18500] =	vst v63  }
0x3b1: {  	_ =	swait.ge [sflag:s26], $0x8000  }
0x3b2: {  	[sflag:s26] =	ssyncset.done $0x0  }
0x3b3: {  	[sflag:s26] =	ssyncadd.s32 $0xFFFF8000  }
0x3b4: {  	p0 =	sne.s32 s5, $0x1;
	_ =	swait.ge [sflag:s31], $0x8000  }
.Ltmp0:
0x3b5: {  	[sflag:s31] =	ssyncset.done $0x0;
	(pc) =	sbr.rel @p0 .LBB2_1-.Ltmp0, $4  }
0x3b6: {  	[sflag:s31] =	ssyncadd.s32 $0xFFFF8000  }
0x3b7: {  	_ =	swait.ge [sflag:s1], $0x8000  }
0x3b8: {  	[sflag:s1] =	ssyncset.done $0x0  }
0x3b9: {  	s5 =	sadd.s32 $0xFFFFFFFF, s5;
	[sflag:s1] =	ssyncadd.s32 $0xFFFF8000  }
0x3ba: {  	_ =	sfence.sel $0x180000  }
0x3bb: {  	[bflag:$0x0] =	sbarrier.arrive $0xFFFF  }
0x3bc: {  	_ =	strace $0x9000004D  }
0x3bd: {  	s0 =	stileid.u32;
	[bflag:$0x2] =	sbarrier.arrive $0xFFFF  }
0x3be: {  	p0 =	sne.s32 s0, $0x0;
	s0 =	rddreg [dreg:$0x2]  }
0x3bf: {  	s0 =	sadd.s32 @!p0 $0x100000, s0  }
0x3c0: {  	[sflag:s0] =	ssyncadd.tile.s32 @!p0 $0x1;
	_ =	shalt  }
.Lfunc_end2:
_tile_overlayer_lowered:
.L_overlay_start_2:
0x3c1: {  	(tag) =	ssettag $0x2  }
0x3c2: {  	s0 =	rddreg [dreg:$0x0];
	s2 =	stileid.u32  }
0x3c3: {  	s1 =	rddreg [dreg:$0x1];
	p0 =	sne.s32 s2, $0x0  }
0x3c4: {  	s3 =	rddreg [dreg:$0x2];
	[bflag:$0x3] =	sbarrier.arrive $0xFFFF;
	s2 =	simm.s32 @!p0 $0x1C07  }
0x3c5: {  	[timem:s3], [sflag:s2] =	dma.local @!p0 [hbm:s0], s1  }
0x3c6: {  	s0 =	simm.s32 @!p0 $0x7  }
0x3c7: {  	_ =	swait.ge @!p0 [sflag:s0], s1  }
0x3c8: {  	s1 =	ssub.s32 @!p0 $0x0, s1;
	[sflag:s0] =	ssyncset.done @!p0 $0x0  }
0x3c9: {  	[sflag:s0] =	ssyncadd.s32 @!p0 s1  }
0x3ca: {  	[bflag:$0x3] =	sbarrier.arrive $0xFFFF  }
0x3cb: {  	_ =	shalt  }

</sc_bundles>
